<compile_context>
chip_gen: v7x
topology: tpu7x:2x2x1
jax: 0.10.2.dev20260603
libtpu: 0.0.44.dev20260713+nightly
codegen_flags: <defaults>
</compile_context>

<pallas_src>
import functools

import jax
import jax.numpy as jnp
from jax import lax
from jax.experimental import pallas as pl
from jax.experimental.pallas import tpu as pltpu
from jax.experimental.pallas import tpu_sc as plsc

D = 64
SEQ = 200
F32 = jnp.float32



def _proj_body(e0, e1, e2, wd, pe, w, b, o0, o1, o2, opw):
    dn = (((1,), (0,)), ((), ()))
    for i, (e, o) in enumerate(((e0, o0), (e1, o1), (e2, o2))):
        o[:] = lax.dot_general(e[:].astype(jnp.bfloat16),
                               wd[i].astype(jnp.bfloat16), dn,
                               preferred_element_type=F32)

    @pl.when(pl.program_id(0) == 0)
    def _():
        opw[:] = lax.dot_general(pe[:], w[:, 192:256],
                                 (((1,), (1,)), ((), ())),
                                 preferred_element_type=F32) + b[:]


def _project(embP0, embP1, embP2, WD, pe200, W, b2d):
    n2 = embP0.shape[0]
    blk = 1000
    grid = n2 // blk
    tbl = pl.BlockSpec((blk, 2 * D), lambda i: (i, 0))
    full = lambda shape: pl.BlockSpec(shape, lambda i: (0, 0))
    return pl.pallas_call(
        _proj_body,
        grid=(grid,),
        in_specs=[tbl, tbl, tbl,
                  pl.BlockSpec((3, 2 * D, 2 * D), lambda i: (0, 0, 0)),
                  full((SEQ, D)), full((D, 4 * D)), full((1, D))],
        out_specs=[tbl, tbl, tbl, full((SEQ, D))],
        out_shape=[jax.ShapeDtypeStruct((n2, 2 * D), F32)] * 3
        + [jax.ShapeDtypeStruct((SEQ, D), F32)],
    )(embP0, embP1, embP2, WD, pe200, W, b2d)



def _xpose_body(x, o):
    for t in range(4):
        o[0, t] = lax.transpose(x[:, 0, t, :], (1, 0))


def _xpose(flat, Bb):
    nlp = flat.shape[0] // Bb
    x = flat.reshape(Bb, nlp // 4, 4, 2 * D)
    return pl.pallas_call(
        _xpose_body,
        grid=(nlp // 4,),
        in_specs=[pl.BlockSpec((Bb, 1, 4, 2 * D), lambda j: (0, j, 0, 0))],
        out_specs=pl.BlockSpec((1, 4, 2 * D, Bb), lambda j: (j, 0, 0, 0)),
        out_shape=jax.ShapeDtypeStruct((nlp // 4, 4, 2 * D, Bb), F32),
    )(x)



def _make_sc_gather(n_rows):
    info = plsc.get_sparse_core_info()
    nc, ns = info.num_cores, info.num_subcores
    nw = nc * ns
    seqs_per_w = n_rows // (nw * SEQ)

    mesh = plsc.VectorSubcoreMesh(core_axis_name="c", subcore_axis_name="s")

    nseq = seqs_per_w

    @functools.partial(
        pl.kernel,
        mesh=mesh,
        compiler_params=pltpu.CompilerParams(use_tc_tiling_on_sc=False),
        out_type=jax.ShapeDtypeStruct((n_rows // 2, 2 * D), F32),
        scratch_types=[
            pltpu.VMEM((SEQ * 32,), jnp.int32),
            pltpu.VMEM((SEQ * 32,), jnp.int32),
            pltpu.VMEM((SEQ * 32,), jnp.int32),
            pltpu.VMEM((SEQ, D), F32),
            pltpu.VMEM((SEQ, D), F32),
            pltpu.VMEM((SEQ, D), F32),
            pltpu.VMEM((SEQ, D), F32),
            pltpu.VMEM((SEQ, D), F32),
            pltpu.VMEM((SEQ, D), F32),
            pltpu.VMEM((SEQ, D), F32),
            pltpu.VMEM((SEQ // 2, 2 * D), F32),
            pltpu.SemaphoreType.DMA,
            pltpu.SemaphoreType.DMA,
            pltpu.SemaphoreType.DMA,
            pltpu.SemaphoreType.DMA,
        ],
    )
    def sc_gather(eh0, eh1, eh2, p0, p1, p2, pew_hbm, out_ref,
                  idx0, idx1, idx2, a0, a1, a2, c0, c1, c2, pe_v, out_v,
                  idx_sem, gsemA, gsemB, out_sem):
        wid = lax.axis_index("s") * nc + lax.axis_index("c")
        pltpu.sync_copy(pew_hbm, pe_v)
        slots = ((a0, a1, a2, gsemA), (c0, c1, c2, gsemB))
        tables = (p0, p1, p2)
        idxs = (idx0, idx1, idx2)
        sidebase = wid * nseq * SEQ

        def gather_descs(slot, c):
            bufs, gsem = slots[slot][:3], slots[slot][3]
            descs = []
            for t in range(3):
                for lo, ln in ((0, 104), (104, 96)):
                    descs.append(pltpu.make_async_copy(
                        tables[t].at[idxs[t].at[pl.ds(c * SEQ + lo, ln)]],
                        bufs[t].at[pl.ds(lo, ln)], gsem))
            return descs

        def out_desc(c, out_ref):
            return pltpu.make_async_copy(
                out_v,
                out_ref.at[pl.ds((sidebase + c * SEQ) // 2, SEQ // 2)],
                out_sem)

        def compute(slot):
            b0, b1, b2 = slots[slot][:3]

            def row_body(j, _):
                for par in range(2):
                    r = 2 * j + par
                    for k in range(D // 16):
                        s = pl.ds(k * 16, 16)
                        so = pl.ds(par * D + k * 16, 16)
                        out_v[j, so] = (b0[r, s] + b1[r, s] + b2[r, s]
                                        + pe_v[r, s])
                return 0
            lax.fori_loop(0, SEQ // 2, row_body, 0)

        def steady_chunk(c, slot, out_ref):
            other = 1 - slot
            for dsc in gather_descs(other, c + 1):
                dsc.start()
            for dsc in gather_descs(slot, c):
                dsc.wait()
            out_desc(0, out_ref).wait()
            compute(slot)
            out_desc(c, out_ref).start()

        dsc_i = [pltpu.make_async_copy(
            eh.at[pl.ds(sidebase, nseq * SEQ)], ix, idx_sem)
            for eh, ix in ((eh0, idx0), (eh1, idx1), (eh2, idx2))]
        for dsc in dsc_i:
            dsc.start()
        for dsc in dsc_i:
            dsc.wait()
        for dsc in gather_descs(0, 0):
            dsc.start()

        for dsc in gather_descs(1, 1):
            dsc.start()
        for dsc in gather_descs(0, 0):
            dsc.wait()
        compute(0)
        out_desc(0, out_ref).start()

        def pair_body(i, _):
            steady_chunk(2 * i + 1, 1, out_ref)
            steady_chunk(2 * i + 2, 0, out_ref)
            return 0
        lax.fori_loop(0, (nseq - 2) // 2, pair_body, 0)

        for dsc in gather_descs(1, nseq - 1):
            dsc.wait()
        out_desc(0, out_ref).wait()
        compute(1)
        out_desc(nseq - 1, out_ref).start()
        out_desc(0, out_ref).wait()

    return sc_gather


def kernel(extras, emb0, emb1, emb2, pe, W, b):
    Bb, L = extras.shape[1], extras.shape[2]
    n_rows = Bb * L
    extras_flat = extras.reshape(6, n_rows).astype(jnp.int32)
    n = emb0.shape[0]
    WiT = W.reshape(D, 4, D).transpose(1, 2, 0)
    z = jnp.zeros((D, D), F32)
    WD = jnp.stack([jnp.block([[WiT[i], z], [z, WiT[i]]]) for i in range(3)])
    p0p, p1p, p2p, pew = _project(emb0.reshape(n // 2, 2 * D),
                                  emb1.reshape(n // 2, 2 * D),
                                  emb2.reshape(n // 2, 2 * D),
                                  WD, pe[:SEQ], W, b.reshape(1, D))
    p0 = p0p.reshape(n, D)
    p1 = p1p.reshape(n, D)
    p2 = p2p.reshape(n, D)
    sc = _make_sc_gather(n_rows)
    out_in = sc(extras_flat[0], extras_flat[2], extras_flat[4],
                p0, p1, p2, pew)
    out_tg = sc(extras_flat[1], extras_flat[3], extras_flat[5],
                p0, p1, p2, pew)
    xin = _xpose(out_in, Bb)
    xtg = _xpose(out_tg, Bb)
    return (xin.reshape(L, D, Bb).transpose(2, 0, 1),
            xtg.reshape(L, D, Bb).transpose(2, 0, 1))

# --- scband reference (transcript-rebuilt; emitter-appended) ---
"""Pipeline reference for scband-temporal-embedding-3839700763037 (READ-ONLY COPY).

The authoritative reference and input builder live on the scoring server;
editing this copy changes nothing except your own understanding.
"""

import jax, jax.numpy as jnp
import numpy as np

NUM_EMB = [100000, 100000, 100000]
D_MODEL = 64
MAX_LEN = 256
B = 1024
L = 200


def _build_pe(max_len, d_model):
    pe = np.zeros((max_len, d_model), dtype=np.float32)
    pos = np.arange(max_len, dtype=np.float64)[:, None]
    i = np.arange(0, d_model, 2, dtype=np.float64)[None, :]
    denom = np.power(10000.0, i / d_model)
    pe[:, 0::2] = np.sin(pos / denom)
    pe[:, 1::2] = np.cos(pos / denom)
    return jnp.asarray(pe)


def setup_inputs(seed: int = 0) -> dict:
    key = jax.random.key(seed)
    ks = jax.random.split(key, 6)
    extras = jax.random.randint(ks[0], (6, B, L), 0, NUM_EMB[0], dtype=jnp.int64 if jax.config.jax_enable_x64 else jnp.int32)
    emb0 = jax.random.normal(ks[1], (NUM_EMB[0], D_MODEL), dtype=jnp.float32) * 0.02
    emb1 = jax.random.normal(ks[2], (NUM_EMB[1], D_MODEL), dtype=jnp.float32) * 0.02
    emb2 = jax.random.normal(ks[3], (NUM_EMB[2], D_MODEL), dtype=jnp.float32) * 0.02
    pe = _build_pe(MAX_LEN, D_MODEL)
    in_features = (len(NUM_EMB) + 1) * D_MODEL
    W = jax.random.normal(ks[4], (D_MODEL, in_features), dtype=jnp.float32) * (1.0 / np.sqrt(in_features))
    b = jnp.zeros((D_MODEL,), dtype=jnp.float32)
    return {"extras": extras, "emb0": emb0, "emb1": emb1, "emb2": emb2, "pe": pe, "W": W, "b": b}


def reference(extras, emb0, emb1, emb2, pe, W, b):
    embs = [emb0, emb1, emb2]
    inputs_extras = extras[0::2]
    targets_extras = extras[1::2]
    Bb, P = inputs_extras[0].shape
    _, Q = targets_extras[0].shape
    d_model = pe.shape[1]
    inputs_pe = jnp.broadcast_to(pe[:P, :], (Bb, P, d_model))
    targets_pe = jnp.broadcast_to(pe[:Q, :], (Bb, Q, d_model))
    in_cat = jnp.concatenate([jnp.take(embs[i], inputs_extras[i], axis=0) for i in range(len(embs))] + [inputs_pe], axis=-1)
    tg_cat = jnp.concatenate([jnp.take(embs[i], targets_extras[i], axis=0) for i in range(len(embs))] + [targets_pe], axis=-1)
    out_in = in_cat @ W.T + b
    out_tg = tg_cat @ W.T + b
    return (out_in, out_tg)

if __name__ == "__main__":
    import jax
    _d = setup_inputs()
    print(jax.jit(kernel)(*tuple(_d.values())))

</pallas_src>

<mosaic_0001>
#map = affine_map<(d0, d1) -> (0)>
#map1 = affine_map<(d0, d1) -> (0, 0)>
module attributes {stable_mosaic.version = 14 : i64} {
  func.func @sc_gather(%arg0: i32, %arg1: i32, %arg2: memref<204800xi32, #tpu.memory_space<hbm>>, %arg3: memref<204800xi32, #tpu.memory_space<hbm>>, %arg4: memref<204800xi32, #tpu.memory_space<hbm>>, %arg5: memref<100000x64xf32, #tpu.memory_space<hbm>>, %arg6: memref<100000x64xf32, #tpu.memory_space<hbm>>, %arg7: memref<100000x64xf32, #tpu.memory_space<hbm>>, %arg8: memref<200x64xf32, #tpu.memory_space<hbm>>, %arg9: memref<102400x128xf32, #tpu.memory_space<hbm>>, %arg10: memref<6400xi32, #tpu.memory_space<vmem>>, %arg11: memref<6400xi32, #tpu.memory_space<vmem>>, %arg12: memref<6400xi32, #tpu.memory_space<vmem>>, %arg13: memref<200x64xf32, #tpu.memory_space<vmem>>, %arg14: memref<200x64xf32, #tpu.memory_space<vmem>>, %arg15: memref<200x64xf32, #tpu.memory_space<vmem>>, %arg16: memref<200x64xf32, #tpu.memory_space<vmem>>, %arg17: memref<200x64xf32, #tpu.memory_space<vmem>>, %arg18: memref<200x64xf32, #tpu.memory_space<vmem>>, %arg19: memref<200x64xf32, #tpu.memory_space<vmem>>, %arg20: memref<100x128xf32, #tpu.memory_space<vmem>>, %arg21: memref<!tpu.dma_semaphore, #tpu.memory_space<semaphore_mem>>, %arg22: memref<!tpu.dma_semaphore, #tpu.memory_space<semaphore_mem>>, %arg23: memref<!tpu.dma_semaphore, #tpu.memory_space<semaphore_mem>>, %arg24: memref<!tpu.dma_semaphore, #tpu.memory_space<semaphore_mem>>) attributes {dimension_semantics = [#tpu.dimension_semantics<core_parallel>, #tpu.dimension_semantics<subcore_parallel>], iteration_bounds = array<i64: 2, 16>, scalar_prefetch = 0 : i64, scratch_operands = 15 : i64, tpu.core_type = #tpu.core_type<sc_vector_subcore>, window_params = [{transform_indices = #map}, {transform_indices = #map}, {transform_indices = #map}, {transform_indices = #map1}, {transform_indices = #map1}, {transform_indices = #map1}, {transform_indices = #map1}, {transform_indices = #map1}]} {
    %mul3A = arith.constant 2 : i32
    %mul3A_0 = arith.muli %arg1, %mul3A : i32
    %add3A = arith.addi %mul3A_0, %arg0 : i32
    "tpu.region"() ({
      %run_scoped3A = tpu.sem_alloc : memref<!tpu.dma_semaphore, #tpu.memory_space<semaphore_mem>>
      tpu.enqueue_dma source(%arg8 : memref<200x64xf32, #tpu.memory_space<hbm>>) target(%arg19 : memref<200x64xf32, #tpu.memory_space<vmem>>) target_semaphore(%run_scoped3A : memref<!tpu.dma_semaphore, #tpu.memory_space<semaphore_mem>>)
      tpu.wait_dma2 semaphore(%run_scoped3A : memref<!tpu.dma_semaphore, #tpu.memory_space<semaphore_mem>>) src(%arg8 : memref<200x64xf32, #tpu.memory_space<hbm>>) dst(%arg19 : memref<200x64xf32, #tpu.memory_space<vmem>>)
      tpu.yield
    }) : () -> ()
    %mul3A_1 = arith.constant 32 : i32
    %mul3A_2 = arith.muli %add3A, %mul3A_1 : i32
    %mul3A_3 = arith.constant 200 : i32
    %mul3A_4 = arith.muli %mul3A_2, %mul3A_3 : i32
    %dma_start3A = tpu.memref_slice %arg2[%mul3A_4] : memref<204800xi32, #tpu.memory_space<hbm>> -> memref<6400xi32, #tpu.memory_space<hbm>>
    %dma_start3A_5 = tpu.memref_slice %arg2[%mul3A_4] : memref<204800xi32, #tpu.memory_space<hbm>> -> memref<6400xi32, #tpu.memory_space<hbm>>
    tpu.enqueue_dma source(%dma_start3A_5 : memref<6400xi32, #tpu.memory_space<hbm>>) target(%arg10 : memref<6400xi32, #tpu.memory_space<vmem>>) target_semaphore(%arg21 : memref<!tpu.dma_semaphore, #tpu.memory_space<semaphore_mem>>)
    %dma_start3A_6 = tpu.memref_slice %arg3[%mul3A_4] : memref<204800xi32, #tpu.memory_space<hbm>> -> memref<6400xi32, #tpu.memory_space<hbm>>
    %dma_start3A_7 = tpu.memref_slice %arg3[%mul3A_4] : memref<204800xi32, #tpu.memory_space<hbm>> -> memref<6400xi32, #tpu.memory_space<hbm>>
    tpu.enqueue_dma source(%dma_start3A_7 : memref<6400xi32, #tpu.memory_space<hbm>>) target(%arg11 : memref<6400xi32, #tpu.memory_space<vmem>>) target_semaphore(%arg21 : memref<!tpu.dma_semaphore, #tpu.memory_space<semaphore_mem>>)
    %dma_start3A_8 = tpu.memref_slice %arg4[%mul3A_4] : memref<204800xi32, #tpu.memory_space<hbm>> -> memref<6400xi32, #tpu.memory_space<hbm>>
    %dma_start3A_9 = tpu.memref_slice %arg4[%mul3A_4] : memref<204800xi32, #tpu.memory_space<hbm>> -> memref<6400xi32, #tpu.memory_space<hbm>>
    tpu.enqueue_dma source(%dma_start3A_9 : memref<6400xi32, #tpu.memory_space<hbm>>) target(%arg12 : memref<6400xi32, #tpu.memory_space<vmem>>) target_semaphore(%arg21 : memref<!tpu.dma_semaphore, #tpu.memory_space<semaphore_mem>>)
    %dma_wait3A = tpu.memref_slice %arg2[%mul3A_4] : memref<204800xi32, #tpu.memory_space<hbm>> -> memref<6400xi32, #tpu.memory_space<hbm>>
    %dma_wait3A_10 = tpu.memref_slice %arg2[%mul3A_4] : memref<204800xi32, #tpu.memory_space<hbm>> -> memref<6400xi32, #tpu.memory_space<hbm>>
    tpu.wait_dma2 semaphore(%arg21 : memref<!tpu.dma_semaphore, #tpu.memory_space<semaphore_mem>>) src(%dma_wait3A_10 : memref<6400xi32, #tpu.memory_space<hbm>>) dst(%arg10 : memref<6400xi32, #tpu.memory_space<vmem>>)
    %dma_wait3A_11 = tpu.memref_slice %arg3[%mul3A_4] : memref<204800xi32, #tpu.memory_space<hbm>> -> memref<6400xi32, #tpu.memory_space<hbm>>
    %dma_wait3A_12 = tpu.memref_slice %arg3[%mul3A_4] : memref<204800xi32, #tpu.memory_space<hbm>> -> memref<6400xi32, #tpu.memory_space<hbm>>
    tpu.wait_dma2 semaphore(%arg21 : memref<!tpu.dma_semaphore, #tpu.memory_space<semaphore_mem>>) src(%dma_wait3A_12 : memref<6400xi32, #tpu.memory_space<hbm>>) dst(%arg11 : memref<6400xi32, #tpu.memory_space<vmem>>)
    %dma_wait3A_13 = tpu.memref_slice %arg4[%mul3A_4] : memref<204800xi32, #tpu.memory_space<hbm>> -> memref<6400xi32, #tpu.memory_space<hbm>>
    %dma_wait3A_14 = tpu.memref_slice %arg4[%mul3A_4] : memref<204800xi32, #tpu.memory_space<hbm>> -> memref<6400xi32, #tpu.memory_space<hbm>>
    tpu.wait_dma2 semaphore(%arg21 : memref<!tpu.dma_semaphore, #tpu.memory_space<semaphore_mem>>) src(%dma_wait3A_14 : memref<6400xi32, #tpu.memory_space<hbm>>) dst(%arg12 : memref<6400xi32, #tpu.memory_space<vmem>>)
    %dma_start3A_15 = arith.constant 0 : i32
    %dma_start3A_16 = arith.constant 0 : i32
    %dma_start3A_17 = tpu.memref_slice %arg13[%dma_start3A_15, %dma_start3A_16] : memref<200x64xf32, #tpu.memory_space<vmem>> -> memref<104x64xf32, #tpu.memory_space<vmem>>
    %dma_start3A_18 = arith.constant 0 : i32
    %dma_start3A_19 = tpu.memref_slice %arg10[%dma_start3A_18] : memref<6400xi32, #tpu.memory_space<vmem>> -> memref<104xi32, #tpu.memory_space<vmem>>
    %dma_start3A_20 = arith.constant 0 : i32
    %dma_start3A_21 = arith.constant 0 : i32
    %dma_start3A_22 = tpu.memref_slice %arg5[%dma_start3A_20, %dma_start3A_21] : memref<100000x64xf32, #tpu.memory_space<hbm>> -> memref<100000x64xf32, #tpu.memory_space<hbm>>
    tpu.enqueue_indirect_dma source(%dma_start3A_22 : memref<100000x64xf32, #tpu.memory_space<hbm>>) target(%dma_start3A_17 : memref<104x64xf32, #tpu.memory_space<vmem>>) offsets(%dma_start3A_19 : memref<104xi32, #tpu.memory_space<vmem>>) semaphore(%arg22 : memref<!tpu.dma_semaphore, #tpu.memory_space<semaphore_mem>>)
    %dma_start3A_23 = arith.constant 104 : i32
    %dma_start3A_24 = arith.constant 0 : i32
    %dma_start3A_25 = tpu.memref_slice %arg13[%dma_start3A_23, %dma_start3A_24] : memref<200x64xf32, #tpu.memory_space<vmem>> -> memref<96x64xf32, #tpu.memory_space<vmem>>
    %dma_start3A_26 = arith.constant 104 : i32
    %dma_start3A_27 = tpu.memref_slice %arg10[%dma_start3A_26] : memref<6400xi32, #tpu.memory_space<vmem>> -> memref<96xi32, #tpu.memory_space<vmem>>
    %dma_start3A_28 = arith.constant 0 : i32
    %dma_start3A_29 = arith.constant 0 : i32
    %dma_start3A_30 = tpu.memref_slice %arg5[%dma_start3A_28, %dma_start3A_29] : memref<100000x64xf32, #tpu.memory_space<hbm>> -> memref<100000x64xf32, #tpu.memory_space<hbm>>
    tpu.enqueue_indirect_dma source(%dma_start3A_30 : memref<100000x64xf32, #tpu.memory_space<hbm>>) target(%dma_start3A_25 : memref<96x64xf32, #tpu.memory_space<vmem>>) offsets(%dma_start3A_27 : memref<96xi32, #tpu.memory_space<vmem>>) semaphore(%arg22 : memref<!tpu.dma_semaphore, #tpu.memory_space<semaphore_mem>>)
    %dma_start3A_31 = arith.constant 0 : i32
    %dma_start3A_32 = arith.constant 0 : i32
    %dma_start3A_33 = tpu.memref_slice %arg14[%dma_start3A_31, %dma_start3A_32] : memref<200x64xf32, #tpu.memory_space<vmem>> -> memref<104x64xf32, #tpu.memory_space<vmem>>
    %dma_start3A_34 = arith.constant 0 : i32
    %dma_start3A_35 = tpu.memref_slice %arg11[%dma_start3A_34] : memref<6400xi32, #tpu.memory_space<vmem>> -> memref<104xi32, #tpu.memory_space<vmem>>
    %dma_start3A_36 = arith.constant 0 : i32
    %dma_start3A_37 = arith.constant 0 : i32
    %dma_start3A_38 = tpu.memref_slice %arg6[%dma_start3A_36, %dma_start3A_37] : memref<100000x64xf32, #tpu.memory_space<hbm>> -> memref<100000x64xf32, #tpu.memory_space<hbm>>
    tpu.enqueue_indirect_dma source(%dma_start3A_38 : memref<100000x64xf32, #tpu.memory_space<hbm>>) target(%dma_start3A_33 : memref<104x64xf32, #tpu.memory_space<vmem>>) offsets(%dma_start3A_35 : memref<104xi32, #tpu.memory_space<vmem>>) semaphore(%arg22 : memref<!tpu.dma_semaphore, #tpu.memory_space<semaphore_mem>>)
    %dma_start3A_39 = arith.constant 104 : i32
    %dma_start3A_40 = arith.constant 0 : i32
    %dma_start3A_41 = tpu.memref_slice %arg14[%dma_start3A_39, %dma_start3A_40] : memref<200x64xf32, #tpu.memory_space<vmem>> -> memref<96x64xf32, #tpu.memory_space<vmem>>
    %dma_start3A_42 = arith.constant 104 : i32
    %dma_start3A_43 = tpu.memref_slice %arg11[%dma_start3A_42] : memref<6400xi32, #tpu.memory_space<vmem>> -> memref<96xi32, #tpu.memory_space<vmem>>
    %dma_start3A_44 = arith.constant 0 : i32
    %dma_start3A_45 = arith.constant 0 : i32
    %dma_start3A_46 = tpu.memref_slice %arg6[%dma_start3A_44, %dma_start3A_45] : memref<100000x64xf32, #tpu.memory_space<hbm>> -> memref<100000x64xf32, #tpu.memory_space<hbm>>
    tpu.enqueue_indirect_dma source(%dma_start3A_46 : memref<100000x64xf32, #tpu.memory_space<hbm>>) target(%dma_start3A_41 : memref<96x64xf32, #tpu.memory_space<vmem>>) offsets(%dma_start3A_43 : memref<96xi32, #tpu.memory_space<vmem>>) semaphore(%arg22 : memref<!tpu.dma_semaphore, #tpu.memory_space<semaphore_mem>>)
    %dma_start3A_47 = arith.constant 0 : i32
    %dma_start3A_48 = arith.constant 0 : i32
    %dma_start3A_49 = tpu.memref_slice %arg15[%dma_start3A_47, %dma_start3A_48] : memref<200x64xf32, #tpu.memory_space<vmem>> -> memref<104x64xf32, #tpu.memory_space<vmem>>
    %dma_start3A_50 = arith.constant 0 : i32
    %dma_start3A_51 = tpu.memref_slice %arg12[%dma_start3A_50] : memref<6400xi32, #tpu.memory_space<vmem>> -> memref<104xi32, #tpu.memory_space<vmem>>
    %dma_start3A_52 = arith.constant 0 : i32
    %dma_start3A_53 = arith.constant 0 : i32
    %dma_start3A_54 = tpu.memref_slice %arg7[%dma_start3A_52, %dma_start3A_53] : memref<100000x64xf32, #tpu.memory_space<hbm>> -> memref<100000x64xf32, #tpu.memory_space<hbm>>
    tpu.enqueue_indirect_dma source(%dma_start3A_54 : memref<100000x64xf32, #tpu.memory_space<hbm>>) target(%dma_start3A_49 : memref<104x64xf32, #tpu.memory_space<vmem>>) offsets(%dma_start3A_51 : memref<104xi32, #tpu.memory_space<vmem>>) semaphore(%arg22 : memref<!tpu.dma_semaphore, #tpu.memory_space<semaphore_mem>>)
    %dma_start3A_55 = arith.constant 104 : i32
    %dma_start3A_56 = arith.constant 0 : i32
    %dma_start3A_57 = tpu.memref_slice %arg15[%dma_start3A_55, %dma_start3A_56] : memref<200x64xf32, #tpu.memory_space<vmem>> -> memref<96x64xf32, #tpu.memory_space<vmem>>
    %dma_start3A_58 = arith.constant 104 : i32
    %dma_start3A_59 = tpu.memref_slice %arg12[%dma_start3A_58] : memref<6400xi32, #tpu.memory_space<vmem>> -> memref<96xi32, #tpu.memory_space<vmem>>
    %dma_start3A_60 = arith.constant 0 : i32
    %dma_start3A_61 = arith.constant 0 : i32
    %dma_start3A_62 = tpu.memref_slice %arg7[%dma_start3A_60, %dma_start3A_61] : memref<100000x64xf32, #tpu.memory_space<hbm>> -> memref<100000x64xf32, #tpu.memory_space<hbm>>
    tpu.enqueue_indirect_dma source(%dma_start3A_62 : memref<100000x64xf32, #tpu.memory_space<hbm>>) target(%dma_start3A_57 : memref<96x64xf32, #tpu.memory_space<vmem>>) offsets(%dma_start3A_59 : memref<96xi32, #tpu.memory_space<vmem>>) semaphore(%arg22 : memref<!tpu.dma_semaphore, #tpu.memory_space<semaphore_mem>>)
    %dma_start3A_63 = arith.constant 0 : i32
    %dma_start3A_64 = arith.constant 0 : i32
    %dma_start3A_65 = tpu.memref_slice %arg16[%dma_start3A_63, %dma_start3A_64] : memref<200x64xf32, #tpu.memory_space<vmem>> -> memref<104x64xf32, #tpu.memory_space<vmem>>
    %dma_start3A_66 = arith.constant 200 : i32
    %dma_start3A_67 = tpu.memref_slice %arg10[%dma_start3A_66] : memref<6400xi32, #tpu.memory_space<vmem>> -> memref<104xi32, #tpu.memory_space<vmem>>
    %dma_start3A_68 = arith.constant 0 : i32
    %dma_start3A_69 = arith.constant 0 : i32
    %dma_start3A_70 = tpu.memref_slice %arg5[%dma_start3A_68, %dma_start3A_69] : memref<100000x64xf32, #tpu.memory_space<hbm>> -> memref<100000x64xf32, #tpu.memory_space<hbm>>
    tpu.enqueue_indirect_dma source(%dma_start3A_70 : memref<100000x64xf32, #tpu.memory_space<hbm>>) target(%dma_start3A_65 : memref<104x64xf32, #tpu.memory_space<vmem>>) offsets(%dma_start3A_67 : memref<104xi32, #tpu.memory_space<vmem>>) semaphore(%arg23 : memref<!tpu.dma_semaphore, #tpu.memory_space<semaphore_mem>>)
    %dma_start3A_71 = arith.constant 104 : i32
    %dma_start3A_72 = arith.constant 0 : i32
    %dma_start3A_73 = tpu.memref_slice %arg16[%dma_start3A_71, %dma_start3A_72] : memref<200x64xf32, #tpu.memory_space<vmem>> -> memref<96x64xf32, #tpu.memory_space<vmem>>
    %dma_start3A_74 = arith.constant 304 : i32
    %dma_start3A_75 = tpu.memref_slice %arg10[%dma_start3A_74] : memref<6400xi32, #tpu.memory_space<vmem>> -> memref<96xi32, #tpu.memory_space<vmem>>
    %dma_start3A_76 = arith.constant 0 : i32
    %dma_start3A_77 = arith.constant 0 : i32
    %dma_start3A_78 = tpu.memref_slice %arg5[%dma_start3A_76, %dma_start3A_77] : memref<100000x64xf32, #tpu.memory_space<hbm>> -> memref<100000x64xf32, #tpu.memory_space<hbm>>
    tpu.enqueue_indirect_dma source(%dma_start3A_78 : memref<100000x64xf32, #tpu.memory_space<hbm>>) target(%dma_start3A_73 : memref<96x64xf32, #tpu.memory_space<vmem>>) offsets(%dma_start3A_75 : memref<96xi32, #tpu.memory_space<vmem>>) semaphore(%arg23 : memref<!tpu.dma_semaphore, #tpu.memory_space<semaphore_mem>>)
    %dma_start3A_79 = arith.constant 0 : i32
    %dma_start3A_80 = arith.constant 0 : i32
    %dma_start3A_81 = tpu.memref_slice %arg17[%dma_start3A_79, %dma_start3A_80] : memref<200x64xf32, #tpu.memory_space<vmem>> -> memref<104x64xf32, #tpu.memory_space<vmem>>
    %dma_start3A_82 = arith.constant 200 : i32
    %dma_start3A_83 = tpu.memref_slice %arg11[%dma_start3A_82] : memref<6400xi32, #tpu.memory_space<vmem>> -> memref<104xi32, #tpu.memory_space<vmem>>
    %dma_start3A_84 = arith.constant 0 : i32
    %dma_start3A_85 = arith.constant 0 : i32
    %dma_start3A_86 = tpu.memref_slice %arg6[%dma_start3A_84, %dma_start3A_85] : memref<100000x64xf32, #tpu.memory_space<hbm>> -> memref<100000x64xf32, #tpu.memory_space<hbm>>
    tpu.enqueue_indirect_dma source(%dma_start3A_86 : memref<100000x64xf32, #tpu.memory_space<hbm>>) target(%dma_start3A_81 : memref<104x64xf32, #tpu.memory_space<vmem>>) offsets(%dma_start3A_83 : memref<104xi32, #tpu.memory_space<vmem>>) semaphore(%arg23 : memref<!tpu.dma_semaphore, #tpu.memory_space<semaphore_mem>>)
    %dma_start3A_87 = arith.constant 104 : i32
    %dma_start3A_88 = arith.constant 0 : i32
    %dma_start3A_89 = tpu.memref_slice %arg17[%dma_start3A_87, %dma_start3A_88] : memref<200x64xf32, #tpu.memory_space<vmem>> -> memref<96x64xf32, #tpu.memory_space<vmem>>
    %dma_start3A_90 = arith.constant 304 : i32
    %dma_start3A_91 = tpu.memref_slice %arg11[%dma_start3A_90] : memref<6400xi32, #tpu.memory_space<vmem>> -> memref<96xi32, #tpu.memory_space<vmem>>
    %dma_start3A_92 = arith.constant 0 : i32
    %dma_start3A_93 = arith.constant 0 : i32
    %dma_start3A_94 = tpu.memref_slice %arg6[%dma_start3A_92, %dma_start3A_93] : memref<100000x64xf32, #tpu.memory_space<hbm>> -> memref<100000x64xf32, #tpu.memory_space<hbm>>
    tpu.enqueue_indirect_dma source(%dma_start3A_94 : memref<100000x64xf32, #tpu.memory_space<hbm>>) target(%dma_start3A_89 : memref<96x64xf32, #tpu.memory_space<vmem>>) offsets(%dma_start3A_91 : memref<96xi32, #tpu.memory_space<vmem>>) semaphore(%arg23 : memref<!tpu.dma_semaphore, #tpu.memory_space<semaphore_mem>>)
    %dma_start3A_95 = arith.constant 0 : i32
    %dma_start3A_96 = arith.constant 0 : i32
    %dma_start3A_97 = tpu.memref_slice %arg18[%dma_start3A_95, %dma_start3A_96] : memref<200x64xf32, #tpu.memory_space<vmem>> -> memref<104x64xf32, #tpu.memory_space<vmem>>
    %dma_start3A_98 = arith.constant 200 : i32
    %dma_start3A_99 = tpu.memref_slice %arg12[%dma_start3A_98] : memref<6400xi32, #tpu.memory_space<vmem>> -> memref<104xi32, #tpu.memory_space<vmem>>
    %dma_start3A_100 = arith.constant 0 : i32
    %dma_start3A_101 = arith.constant 0 : i32
    %dma_start3A_102 = tpu.memref_slice %arg7[%dma_start3A_100, %dma_start3A_101] : memref<100000x64xf32, #tpu.memory_space<hbm>> -> memref<100000x64xf32, #tpu.memory_space<hbm>>
    tpu.enqueue_indirect_dma source(%dma_start3A_102 : memref<100000x64xf32, #tpu.memory_space<hbm>>) target(%dma_start3A_97 : memref<104x64xf32, #tpu.memory_space<vmem>>) offsets(%dma_start3A_99 : memref<104xi32, #tpu.memory_space<vmem>>) semaphore(%arg23 : memref<!tpu.dma_semaphore, #tpu.memory_space<semaphore_mem>>)
    %dma_start3A_103 = arith.constant 104 : i32
    %dma_start3A_104 = arith.constant 0 : i32
    %dma_start3A_105 = tpu.memref_slice %arg18[%dma_start3A_103, %dma_start3A_104] : memref<200x64xf32, #tpu.memory_space<vmem>> -> memref<96x64xf32, #tpu.memory_space<vmem>>
    %dma_start3A_106 = arith.constant 304 : i32
    %dma_start3A_107 = tpu.memref_slice %arg12[%dma_start3A_106] : memref<6400xi32, #tpu.memory_space<vmem>> -> memref<96xi32, #tpu.memory_space<vmem>>
    %dma_start3A_108 = arith.constant 0 : i32
    %dma_start3A_109 = arith.constant 0 : i32
    %dma_start3A_110 = tpu.memref_slice %arg7[%dma_start3A_108, %dma_start3A_109] : memref<100000x64xf32, #tpu.memory_space<hbm>> -> memref<100000x64xf32, #tpu.memory_space<hbm>>
    tpu.enqueue_indirect_dma source(%dma_start3A_110 : memref<100000x64xf32, #tpu.memory_space<hbm>>) target(%dma_start3A_105 : memref<96x64xf32, #tpu.memory_space<vmem>>) offsets(%dma_start3A_107 : memref<96xi32, #tpu.memory_space<vmem>>) semaphore(%arg23 : memref<!tpu.dma_semaphore, #tpu.memory_space<semaphore_mem>>)
    %dma_wait3A_111 = arith.constant 0 : i32
    %dma_wait3A_112 = arith.constant 0 : i32
    %dma_wait3A_113 = tpu.memref_slice %arg13[%dma_wait3A_111, %dma_wait3A_112] : memref<200x64xf32, #tpu.memory_space<vmem>> -> memref<104x64xf32, #tpu.memory_space<vmem>>
    %dma_wait3A_114 = arith.constant 0 : i32
    %dma_wait3A_115 = tpu.memref_slice %arg10[%dma_wait3A_114] : memref<6400xi32, #tpu.memory_space<vmem>> -> memref<104xi32, #tpu.memory_space<vmem>>
    %dma_wait3A_116 = arith.constant 0 : i32
    %dma_wait3A_117 = arith.constant 0 : i32
    %dma_wait3A_118 = tpu.memref_slice %arg5[%dma_wait3A_116, %dma_wait3A_117] : memref<100000x64xf32, #tpu.memory_space<hbm>> -> memref<100000x64xf32, #tpu.memory_space<hbm>>
    tpu.wait_indirect_dma semaphore(%arg22 : memref<!tpu.dma_semaphore, #tpu.memory_space<semaphore_mem>>) src(%dma_wait3A_118 : memref<100000x64xf32, #tpu.memory_space<hbm>>) dst(%dma_wait3A_113 : memref<104x64xf32, #tpu.memory_space<vmem>>)
    %dma_wait3A_119 = arith.constant 104 : i32
    %dma_wait3A_120 = arith.constant 0 : i32
    %dma_wait3A_121 = tpu.memref_slice %arg13[%dma_wait3A_119, %dma_wait3A_120] : memref<200x64xf32, #tpu.memory_space<vmem>> -> memref<96x64xf32, #tpu.memory_space<vmem>>
    %dma_wait3A_122 = arith.constant 104 : i32
    %dma_wait3A_123 = tpu.memref_slice %arg10[%dma_wait3A_122] : memref<6400xi32, #tpu.memory_space<vmem>> -> memref<96xi32, #tpu.memory_space<vmem>>
    %dma_wait3A_124 = arith.constant 0 : i32
    %dma_wait3A_125 = arith.constant 0 : i32
    %dma_wait3A_126 = tpu.memref_slice %arg5[%dma_wait3A_124, %dma_wait3A_125] : memref<100000x64xf32, #tpu.memory_space<hbm>> -> memref<100000x64xf32, #tpu.memory_space<hbm>>
    tpu.wait_indirect_dma semaphore(%arg22 : memref<!tpu.dma_semaphore, #tpu.memory_space<semaphore_mem>>) src(%dma_wait3A_126 : memref<100000x64xf32, #tpu.memory_space<hbm>>) dst(%dma_wait3A_121 : memref<96x64xf32, #tpu.memory_space<vmem>>)
    %dma_wait3A_127 = arith.constant 0 : i32
    %dma_wait3A_128 = arith.constant 0 : i32
    %dma_wait3A_129 = tpu.memref_slice %arg14[%dma_wait3A_127, %dma_wait3A_128] : memref<200x64xf32, #tpu.memory_space<vmem>> -> memref<104x64xf32, #tpu.memory_space<vmem>>
    %dma_wait3A_130 = arith.constant 0 : i32
    %dma_wait3A_131 = tpu.memref_slice %arg11[%dma_wait3A_130] : memref<6400xi32, #tpu.memory_space<vmem>> -> memref<104xi32, #tpu.memory_space<vmem>>
    %dma_wait3A_132 = arith.constant 0 : i32
    %dma_wait3A_133 = arith.constant 0 : i32
    %dma_wait3A_134 = tpu.memref_slice %arg6[%dma_wait3A_132, %dma_wait3A_133] : memref<100000x64xf32, #tpu.memory_space<hbm>> -> memref<100000x64xf32, #tpu.memory_space<hbm>>
    tpu.wait_indirect_dma semaphore(%arg22 : memref<!tpu.dma_semaphore, #tpu.memory_space<semaphore_mem>>) src(%dma_wait3A_134 : memref<100000x64xf32, #tpu.memory_space<hbm>>) dst(%dma_wait3A_129 : memref<104x64xf32, #tpu.memory_space<vmem>>)
    %dma_wait3A_135 = arith.constant 104 : i32
    %dma_wait3A_136 = arith.constant 0 : i32
    %dma_wait3A_137 = tpu.memref_slice %arg14[%dma_wait3A_135, %dma_wait3A_136] : memref<200x64xf32, #tpu.memory_space<vmem>> -> memref<96x64xf32, #tpu.memory_space<vmem>>
    %dma_wait3A_138 = arith.constant 104 : i32
    %dma_wait3A_139 = tpu.memref_slice %arg11[%dma_wait3A_138] : memref<6400xi32, #tpu.memory_space<vmem>> -> memref<96xi32, #tpu.memory_space<vmem>>
    %dma_wait3A_140 = arith.constant 0 : i32
    %dma_wait3A_141 = arith.constant 0 : i32
    %dma_wait3A_142 = tpu.memref_slice %arg6[%dma_wait3A_140, %dma_wait3A_141] : memref<100000x64xf32, #tpu.memory_space<hbm>> -> memref<100000x64xf32, #tpu.memory_space<hbm>>
    tpu.wait_indirect_dma semaphore(%arg22 : memref<!tpu.dma_semaphore, #tpu.memory_space<semaphore_mem>>) src(%dma_wait3A_142 : memref<100000x64xf32, #tpu.memory_space<hbm>>) dst(%dma_wait3A_137 : memref<96x64xf32, #tpu.memory_space<vmem>>)
    %dma_wait3A_143 = arith.constant 0 : i32
    %dma_wait3A_144 = arith.constant 0 : i32
    %dma_wait3A_145 = tpu.memref_slice %arg15[%dma_wait3A_143, %dma_wait3A_144] : memref<200x64xf32, #tpu.memory_space<vmem>> -> memref<104x64xf32, #tpu.memory_space<vmem>>
    %dma_wait3A_146 = arith.constant 0 : i32
    %dma_wait3A_147 = tpu.memref_slice %arg12[%dma_wait3A_146] : memref<6400xi32, #tpu.memory_space<vmem>> -> memref<104xi32, #tpu.memory_space<vmem>>
    %dma_wait3A_148 = arith.constant 0 : i32
    %dma_wait3A_149 = arith.constant 0 : i32
    %dma_wait3A_150 = tpu.memref_slice %arg7[%dma_wait3A_148, %dma_wait3A_149] : memref<100000x64xf32, #tpu.memory_space<hbm>> -> memref<100000x64xf32, #tpu.memory_space<hbm>>
    tpu.wait_indirect_dma semaphore(%arg22 : memref<!tpu.dma_semaphore, #tpu.memory_space<semaphore_mem>>) src(%dma_wait3A_150 : memref<100000x64xf32, #tpu.memory_space<hbm>>) dst(%dma_wait3A_145 : memref<104x64xf32, #tpu.memory_space<vmem>>)
    %dma_wait3A_151 = arith.constant 104 : i32
    %dma_wait3A_152 = arith.constant 0 : i32
    %dma_wait3A_153 = tpu.memref_slice %arg15[%dma_wait3A_151, %dma_wait3A_152] : memref<200x64xf32, #tpu.memory_space<vmem>> -> memref<96x64xf32, #tpu.memory_space<vmem>>
    %dma_wait3A_154 = arith.constant 104 : i32
    %dma_wait3A_155 = tpu.memref_slice %arg12[%dma_wait3A_154] : memref<6400xi32, #tpu.memory_space<vmem>> -> memref<96xi32, #tpu.memory_space<vmem>>
    %dma_wait3A_156 = arith.constant 0 : i32
    %dma_wait3A_157 = arith.constant 0 : i32
    %dma_wait3A_158 = tpu.memref_slice %arg7[%dma_wait3A_156, %dma_wait3A_157] : memref<100000x64xf32, #tpu.memory_space<hbm>> -> memref<100000x64xf32, #tpu.memory_space<hbm>>
    tpu.wait_indirect_dma semaphore(%arg22 : memref<!tpu.dma_semaphore, #tpu.memory_space<semaphore_mem>>) src(%dma_wait3A_158 : memref<100000x64xf32, #tpu.memory_space<hbm>>) dst(%dma_wait3A_153 : memref<96x64xf32, #tpu.memory_space<vmem>>)
    %scan3A = arith.constant 0 : i32
    %scan3A_159 = arith.constant 0 : i32
    %scan3A_160 = arith.constant 100 : i32
    %scan3A_161 = arith.addi %scan3A_159, %scan3A_160 : i32
    %scan3A_162 = arith.constant 1 : i32
    %scan3A_163 = scf.for %scan3A_339 = %scan3A_159 to %scan3A_161 step %scan3A_162 iter_args(%scan3A_340 = %scan3A) -> (i32)  : i32 {
      %mul3A_341 = arith.constant 2 : i32
      %mul3A_342 = arith.muli %mul3A_341, %scan3A_339 : i32
      %add3A_343 = arith.constant 0 : i32
      %add3A_344 = arith.addi %mul3A_342, %add3A_343 : i32
      %get3A = arith.index_cast %add3A_344 : i32 to index
      %get3A_345 = arith.constant 0 : index
      %get3A_346 = tpu.vector_load %arg13[%get3A, %get3A_345] {strides = array<i32>} : memref<200x64xf32, #tpu.memory_space<vmem>>, vector<1x16xf32>,
      %get3A_347 = vector.shape_cast %get3A_346 : vector<1x16xf32> to vector<16xf32>
      %get3A_348 = arith.index_cast %add3A_344 : i32 to index
      %get3A_349 = arith.constant 0 : index
      %get3A_350 = tpu.vector_load %arg14[%get3A_348, %get3A_349] {strides = array<i32>} : memref<200x64xf32, #tpu.memory_space<vmem>>, vector<1x16xf32>,
      %get3A_351 = vector.shape_cast %get3A_350 : vector<1x16xf32> to vector<16xf32>
      %add3A_352 = arith.addf %get3A_347, %get3A_351 : vector<16xf32>
      %get3A_353 = arith.index_cast %add3A_344 : i32 to index
      %get3A_354 = arith.constant 0 : index
      %get3A_355 = tpu.vector_load %arg15[%get3A_353, %get3A_354] {strides = array<i32>} : memref<200x64xf32, #tpu.memory_space<vmem>>, vector<1x16xf32>,
      %get3A_356 = vector.shape_cast %get3A_355 : vector<1x16xf32> to vector<16xf32>
      %add3A_357 = arith.addf %add3A_352, %get3A_356 : vector<16xf32>
      %get3A_358 = arith.index_cast %add3A_344 : i32 to index
      %get3A_359 = arith.constant 0 : index
      %get3A_360 = tpu.vector_load %arg19[%get3A_358, %get3A_359] {strides = array<i32>} : memref<200x64xf32, #tpu.memory_space<vmem>>, vector<1x16xf32>,
      %get3A_361 = vector.shape_cast %get3A_360 : vector<1x16xf32> to vector<16xf32>
      %add3A_362 = arith.addf %add3A_357, %get3A_361 : vector<16xf32>
      %swap3A = arith.index_cast %scan3A_339 : i32 to index
      %swap3A_363 = arith.constant 0 : index
      %swap3A_364 = tpu.vector_load %arg20[%swap3A, %swap3A_363] {strides = array<i32>} : memref<100x128xf32, #tpu.memory_space<vmem>>, vector<1x16xf32>,
      %swap3A_365 = vector.shape_cast %swap3A_364 : vector<1x16xf32> to vector<16xf32>
      %swap3A_366 = vector.shape_cast %add3A_362 : vector<16xf32> to vector<1x16xf32>
      tpu.vector_store %arg20[%swap3A, %swap3A_363], %swap3A_366 {strides = array<i32>} : memref<100x128xf32, #tpu.memory_space<vmem>>, vector<1x16xf32>,
      %get3A_367 = arith.index_cast %add3A_344 : i32 to index
      %get3A_368 = arith.constant 16 : index
      %get3A_369 = tpu.vector_load %arg13[%get3A_367, %get3A_368] {strides = array<i32>} : memref<200x64xf32, #tpu.memory_space<vmem>>, vector<1x16xf32>,
      %get3A_370 = vector.shape_cast %get3A_369 : vector<1x16xf32> to vector<16xf32>
      %get3A_371 = arith.index_cast %add3A_344 : i32 to index
      %get3A_372 = arith.constant 16 : index
      %get3A_373 = tpu.vector_load %arg14[%get3A_371, %get3A_372] {strides = array<i32>} : memref<200x64xf32, #tpu.memory_space<vmem>>, vector<1x16xf32>,
      %get3A_374 = vector.shape_cast %get3A_373 : vector<1x16xf32> to vector<16xf32>
      %add3A_375 = arith.addf %get3A_370, %get3A_374 : vector<16xf32>
      %get3A_376 = arith.index_cast %add3A_344 : i32 to index
      %get3A_377 = arith.constant 16 : index
      %get3A_378 = tpu.vector_load %arg15[%get3A_376, %get3A_377] {strides = array<i32>} : memref<200x64xf32, #tpu.memory_space<vmem>>, vector<1x16xf32>,
      %get3A_379 = vector.shape_cast %get3A_378 : vector<1x16xf32> to vector<16xf32>
      %add3A_380 = arith.addf %add3A_375, %get3A_379 : vector<16xf32>
      %get3A_381 = arith.index_cast %add3A_344 : i32 to index
      %get3A_382 = arith.constant 16 : index
      %get3A_383 = tpu.vector_load %arg19[%get3A_381, %get3A_382] {strides = array<i32>} : memref<200x64xf32, #tpu.memory_space<vmem>>, vector<1x16xf32>,
      %get3A_384 = vector.shape_cast %get3A_383 : vector<1x16xf32> to vector<16xf32>
      %add3A_385 = arith.addf %add3A_380, %get3A_384 : vector<16xf32>
      %swap3A_386 = arith.index_cast %scan3A_339 : i32 to index
      %swap3A_387 = arith.constant 16 : index
      %swap3A_388 = tpu.vector_load %arg20[%swap3A_386, %swap3A_387] {strides = array<i32>} : memref<100x128xf32, #tpu.memory_space<vmem>>, vector<1x16xf32>,
      %swap3A_389 = vector.shape_cast %swap3A_388 : vector<1x16xf32> to vector<16xf32>
      %swap3A_390 = vector.shape_cast %add3A_385 : vector<16xf32> to vector<1x16xf32>
      tpu.vector_store %arg20[%swap3A_386, %swap3A_387], %swap3A_390 {strides = array<i32>} : memref<100x128xf32, #tpu.memory_space<vmem>>, vector<1x16xf32>,
      %get3A_391 = arith.index_cast %add3A_344 : i32 to index
      %get3A_392 = arith.constant 32 : index
      %get3A_393 = tpu.vector_load %arg13[%get3A_391, %get3A_392] {strides = array<i32>} : memref<200x64xf32, #tpu.memory_space<vmem>>, vector<1x16xf32>,
      %get3A_394 = vector.shape_cast %get3A_393 : vector<1x16xf32> to vector<16xf32>
      %get3A_395 = arith.index_cast %add3A_344 : i32 to index
      %get3A_396 = arith.constant 32 : index
      %get3A_397 = tpu.vector_load %arg14[%get3A_395, %get3A_396] {strides = array<i32>} : memref<200x64xf32, #tpu.memory_space<vmem>>, vector<1x16xf32>,
      %get3A_398 = vector.shape_cast %get3A_397 : vector<1x16xf32> to vector<16xf32>
      %add3A_399 = arith.addf %get3A_394, %get3A_398 : vector<16xf32>
      %get3A_400 = arith.index_cast %add3A_344 : i32 to index
      %get3A_401 = arith.constant 32 : index
      %get3A_402 = tpu.vector_load %arg15[%get3A_400, %get3A_401] {strides = array<i32>} : memref<200x64xf32, #tpu.memory_space<vmem>>, vector<1x16xf32>,
      %get3A_403 = vector.shape_cast %get3A_402 : vector<1x16xf32> to vector<16xf32>
      %add3A_404 = arith.addf %add3A_399, %get3A_403 : vector<16xf32>
      %get3A_405 = arith.index_cast %add3A_344 : i32 to index
      %get3A_406 = arith.constant 32 : index
      %get3A_407 = tpu.vector_load %arg19[%get3A_405, %get3A_406] {strides = array<i32>} : memref<200x64xf32, #tpu.memory_space<vmem>>, vector<1x16xf32>,
      %get3A_408 = vector.shape_cast %get3A_407 : vector<1x16xf32> to vector<16xf32>
      %add3A_409 = arith.addf %add3A_404, %get3A_408 : vector<16xf32>
      %swap3A_410 = arith.index_cast %scan3A_339 : i32 to index
      %swap3A_411 = arith.constant 32 : index
      %swap3A_412 = tpu.vector_load %arg20[%swap3A_410, %swap3A_411] {strides = array<i32>} : memref<100x128xf32, #tpu.memory_space<vmem>>, vector<1x16xf32>,
      %swap3A_413 = vector.shape_cast %swap3A_412 : vector<1x16xf32> to vector<16xf32>
      %swap3A_414 = vector.shape_cast %add3A_409 : vector<16xf32> to vector<1x16xf32>
      tpu.vector_store %arg20[%swap3A_410, %swap3A_411], %swap3A_414 {strides = array<i32>} : memref<100x128xf32, #tpu.memory_space<vmem>>, vector<1x16xf32>,
      %get3A_415 = arith.index_cast %add3A_344 : i32 to index
      %get3A_416 = arith.constant 48 : index
      %get3A_417 = tpu.vector_load %arg13[%get3A_415, %get3A_416] {strides = array<i32>} : memref<200x64xf32, #tpu.memory_space<vmem>>, vector<1x16xf32>,
      %get3A_418 = vector.shape_cast %get3A_417 : vector<1x16xf32> to vector<16xf32>
      %get3A_419 = arith.index_cast %add3A_344 : i32 to index
      %get3A_420 = arith.constant 48 : index
      %get3A_421 = tpu.vector_load %arg14[%get3A_419, %get3A_420] {strides = array<i32>} : memref<200x64xf32, #tpu.memory_space<vmem>>, vector<1x16xf32>,
      %get3A_422 = vector.shape_cast %get3A_421 : vector<1x16xf32> to vector<16xf32>
      %add3A_423 = arith.addf %get3A_418, %get3A_422 : vector<16xf32>
      %get3A_424 = arith.index_cast %add3A_344 : i32 to index
      %get3A_425 = arith.constant 48 : index
      %get3A_426 = tpu.vector_load %arg15[%get3A_424, %get3A_425] {strides = array<i32>} : memref<200x64xf32, #tpu.memory_space<vmem>>, vector<1x16xf32>,
      %get3A_427 = vector.shape_cast %get3A_426 : vector<1x16xf32> to vector<16xf32>
      %add3A_428 = arith.addf %add3A_423, %get3A_427 : vector<16xf32>
      %get3A_429 = arith.index_cast %add3A_344 : i32 to index
      %get3A_430 = arith.constant 48 : index
      %get3A_431 = tpu.vector_load %arg19[%get3A_429, %get3A_430] {strides = array<i32>} : memref<200x64xf32, #tpu.memory_space<vmem>>, vector<1x16xf32>,
      %get3A_432 = vector.shape_cast %get3A_431 : vector<1x16xf32> to vector<16xf32>
      %add3A_433 = arith.addf %add3A_428, %get3A_432 : vector<16xf32>
      %swap3A_434 = arith.index_cast %scan3A_339 : i32 to index
      %swap3A_435 = arith.constant 48 : index
      %swap3A_436 = tpu.vector_load %arg20[%swap3A_434, %swap3A_435] {strides = array<i32>} : memref<100x128xf32, #tpu.memory_space<vmem>>, vector<1x16xf32>,
      %swap3A_437 = vector.shape_cast %swap3A_436 : vector<1x16xf32> to vector<16xf32>
      %swap3A_438 = vector.shape_cast %add3A_433 : vector<16xf32> to vector<1x16xf32>
      tpu.vector_store %arg20[%swap3A_434, %swap3A_435], %swap3A_438 {strides = array<i32>} : memref<100x128xf32, #tpu.memory_space<vmem>>, vector<1x16xf32>,
      %mul3A_439 = arith.constant 2 : i32
      %mul3A_440 = arith.muli %mul3A_439, %scan3A_339 : i32
      %add3A_441 = arith.constant 1 : i32
      %add3A_442 = arith.addi %mul3A_440, %add3A_441 : i32
      %get3A_443 = arith.index_cast %add3A_442 : i32 to index
      %get3A_444 = arith.constant 0 : index
      %get3A_445 = tpu.vector_load %arg13[%get3A_443, %get3A_444] {strides = array<i32>} : memref<200x64xf32, #tpu.memory_space<vmem>>, vector<1x16xf32>,
      %get3A_446 = vector.shape_cast %get3A_445 : vector<1x16xf32> to vector<16xf32>
      %get3A_447 = arith.index_cast %add3A_442 : i32 to index
      %get3A_448 = arith.constant 0 : index
      %get3A_449 = tpu.vector_load %arg14[%get3A_447, %get3A_448] {strides = array<i32>} : memref<200x64xf32, #tpu.memory_space<vmem>>, vector<1x16xf32>,
      %get3A_450 = vector.shape_cast %get3A_449 : vector<1x16xf32> to vector<16xf32>
      %add3A_451 = arith.addf %get3A_446, %get3A_450 : vector<16xf32>
      %get3A_452 = arith.index_cast %add3A_442 : i32 to index
      %get3A_453 = arith.constant 0 : index
      %get3A_454 = tpu.vector_load %arg15[%get3A_452, %get3A_453] {strides = array<i32>} : memref<200x64xf32, #tpu.memory_space<vmem>>, vector<1x16xf32>,
      %get3A_455 = vector.shape_cast %get3A_454 : vector<1x16xf32> to vector<16xf32>
      %add3A_456 = arith.addf %add3A_451, %get3A_455 : vector<16xf32>
      %get3A_457 = arith.index_cast %add3A_442 : i32 to index
      %get3A_458 = arith.constant 0 : index
      %get3A_459 = tpu.vector_load %arg19[%get3A_457, %get3A_458] {strides = array<i32>} : memref<200x64xf32, #tpu.memory_space<vmem>>, vector<1x16xf32>,
      %get3A_460 = vector.shape_cast %get3A_459 : vector<1x16xf32> to vector<16xf32>
      %add3A_461 = arith.addf %add3A_456, %get3A_460 : vector<16xf32>
      %swap3A_462 = arith.index_cast %scan3A_339 : i32 to index
      %swap3A_463 = arith.constant 64 : index
      %swap3A_464 = tpu.vector_load %arg20[%swap3A_462, %swap3A_463] {strides = array<i32>} : memref<100x128xf32, #tpu.memory_space<vmem>>, vector<1x16xf32>,
      %swap3A_465 = vector.shape_cast %swap3A_464 : vector<1x16xf32> to vector<16xf32>
      %swap3A_466 = vector.shape_cast %add3A_461 : vector<16xf32> to vector<1x16xf32>
      tpu.vector_store %arg20[%swap3A_462, %swap3A_463], %swap3A_466 {strides = array<i32>} : memref<100x128xf32, #tpu.memory_space<vmem>>, vector<1x16xf32>,
      %get3A_467 = arith.index_cast %add3A_442 : i32 to index
      %get3A_468 = arith.constant 16 : index
      %get3A_469 = tpu.vector_load %arg13[%get3A_467, %get3A_468] {strides = array<i32>} : memref<200x64xf32, #tpu.memory_space<vmem>>, vector<1x16xf32>,
      %get3A_470 = vector.shape_cast %get3A_469 : vector<1x16xf32> to vector<16xf32>
      %get3A_471 = arith.index_cast %add3A_442 : i32 to index
      %get3A_472 = arith.constant 16 : index
      %get3A_473 = tpu.vector_load %arg14[%get3A_471, %get3A_472] {strides = array<i32>} : memref<200x64xf32, #tpu.memory_space<vmem>>, vector<1x16xf32>,
      %get3A_474 = vector.shape_cast %get3A_473 : vector<1x16xf32> to vector<16xf32>
      %add3A_475 = arith.addf %get3A_470, %get3A_474 : vector<16xf32>
      %get3A_476 = arith.index_cast %add3A_442 : i32 to index
      %get3A_477 = arith.constant 16 : index
      %get3A_478 = tpu.vector_load %arg15[%get3A_476, %get3A_477] {strides = array<i32>} : memref<200x64xf32, #tpu.memory_space<vmem>>, vector<1x16xf32>,
      %get3A_479 = vector.shape_cast %get3A_478 : vector<1x16xf32> to vector<16xf32>
      %add3A_480 = arith.addf %add3A_475, %get3A_479 : vector<16xf32>
      %get3A_481 = arith.index_cast %add3A_442 : i32 to index
      %get3A_482 = arith.constant 16 : index
      %get3A_483 = tpu.vector_load %arg19[%get3A_481, %get3A_482] {strides = array<i32>} : memref<200x64xf32, #tpu.memory_space<vmem>>, vector<1x16xf32>,
      %get3A_484 = vector.shape_cast %get3A_483 : vector<1x16xf32> to vector<16xf32>
      %add3A_485 = arith.addf %add3A_480, %get3A_484 : vector<16xf32>
      %swap3A_486 = arith.index_cast %scan3A_339 : i32 to index
      %swap3A_487 = arith.constant 80 : index
      %swap3A_488 = tpu.vector_load %arg20[%swap3A_486, %swap3A_487] {strides = array<i32>} : memref<100x128xf32, #tpu.memory_space<vmem>>, vector<1x16xf32>,
      %swap3A_489 = vector.shape_cast %swap3A_488 : vector<1x16xf32> to vector<16xf32>
      %swap3A_490 = vector.shape_cast %add3A_485 : vector<16xf32> to vector<1x16xf32>
      tpu.vector_store %arg20[%swap3A_486, %swap3A_487], %swap3A_490 {strides = array<i32>} : memref<100x128xf32, #tpu.memory_space<vmem>>, vector<1x16xf32>,
      %get3A_491 = arith.index_cast %add3A_442 : i32 to index
      %get3A_492 = arith.constant 32 : index
      %get3A_493 = tpu.vector_load %arg13[%get3A_491, %get3A_492] {strides = array<i32>} : memref<200x64xf32, #tpu.memory_space<vmem>>, vector<1x16xf32>,
      %get3A_494 = vector.shape_cast %get3A_493 : vector<1x16xf32> to vector<16xf32>
      %get3A_495 = arith.index_cast %add3A_442 : i32 to index
      %get3A_496 = arith.constant 32 : index
      %get3A_497 = tpu.vector_load %arg14[%get3A_495, %get3A_496] {strides = array<i32>} : memref<200x64xf32, #tpu.memory_space<vmem>>, vector<1x16xf32>,
      %get3A_498 = vector.shape_cast %get3A_497 : vector<1x16xf32> to vector<16xf32>
      %add3A_499 = arith.addf %get3A_494, %get3A_498 : vector<16xf32>
      %get3A_500 = arith.index_cast %add3A_442 : i32 to index
      %get3A_501 = arith.constant 32 : index
      %get3A_502 = tpu.vector_load %arg15[%get3A_500, %get3A_501] {strides = array<i32>} : memref<200x64xf32, #tpu.memory_space<vmem>>, vector<1x16xf32>,
      %get3A_503 = vector.shape_cast %get3A_502 : vector<1x16xf32> to vector<16xf32>
      %add3A_504 = arith.addf %add3A_499, %get3A_503 : vector<16xf32>
      %get3A_505 = arith.index_cast %add3A_442 : i32 to index
      %get3A_506 = arith.constant 32 : index
      %get3A_507 = tpu.vector_load %arg19[%get3A_505, %get3A_506] {strides = array<i32>} : memref<200x64xf32, #tpu.memory_space<vmem>>, vector<1x16xf32>,
      %get3A_508 = vector.shape_cast %get3A_507 : vector<1x16xf32> to vector<16xf32>
      %add3A_509 = arith.addf %add3A_504, %get3A_508 : vector<16xf32>
      %swap3A_510 = arith.index_cast %scan3A_339 : i32 to index
      %swap3A_511 = arith.constant 96 : index
      %swap3A_512 = tpu.vector_load %arg20[%swap3A_510, %swap3A_511] {strides = array<i32>} : memref<100x128xf32, #tpu.memory_space<vmem>>, vector<1x16xf32>,
      %swap3A_513 = vector.shape_cast %swap3A_512 : vector<1x16xf32> to vector<16xf32>
      %swap3A_514 = vector.shape_cast %add3A_509 : vector<16xf32> to vector<1x16xf32>
      tpu.vector_store %arg20[%swap3A_510, %swap3A_511], %swap3A_514 {strides = array<i32>} : memref<100x128xf32, #tpu.memory_space<vmem>>, vector<1x16xf32>,
      %get3A_515 = arith.index_cast %add3A_442 : i32 to index
      %get3A_516 = arith.constant 48 : index
      %get3A_517 = tpu.vector_load %arg13[%get3A_515, %get3A_516] {strides = array<i32>} : memref<200x64xf32, #tpu.memory_space<vmem>>, vector<1x16xf32>,
      %get3A_518 = vector.shape_cast %get3A_517 : vector<1x16xf32> to vector<16xf32>
      %get3A_519 = arith.index_cast %add3A_442 : i32 to index
      %get3A_520 = arith.constant 48 : index
      %get3A_521 = tpu.vector_load %arg14[%get3A_519, %get3A_520] {strides = array<i32>} : memref<200x64xf32, #tpu.memory_space<vmem>>, vector<1x16xf32>,
      %get3A_522 = vector.shape_cast %get3A_521 : vector<1x16xf32> to vector<16xf32>
      %add3A_523 = arith.addf %get3A_518, %get3A_522 : vector<16xf32>
      %get3A_524 = arith.index_cast %add3A_442 : i32 to index
      %get3A_525 = arith.constant 48 : index
      %get3A_526 = tpu.vector_load %arg15[%get3A_524, %get3A_525] {strides = array<i32>} : memref<200x64xf32, #tpu.memory_space<vmem>>, vector<1x16xf32>,
      %get3A_527 = vector.shape_cast %get3A_526 : vector<1x16xf32> to vector<16xf32>
      %add3A_528 = arith.addf %add3A_523, %get3A_527 : vector<16xf32>
      %get3A_529 = arith.index_cast %add3A_442 : i32 to index
      %get3A_530 = arith.constant 48 : index
      %get3A_531 = tpu.vector_load %arg19[%get3A_529, %get3A_530] {strides = array<i32>} : memref<200x64xf32, #tpu.memory_space<vmem>>, vector<1x16xf32>,
      %get3A_532 = vector.shape_cast %get3A_531 : vector<1x16xf32> to vector<16xf32>
      %add3A_533 = arith.addf %add3A_528, %get3A_532 : vector<16xf32>
      %swap3A_534 = arith.index_cast %scan3A_339 : i32 to index
      %swap3A_535 = arith.constant 112 : index
      %swap3A_536 = tpu.vector_load %arg20[%swap3A_534, %swap3A_535] {strides = array<i32>} : memref<100x128xf32, #tpu.memory_space<vmem>>, vector<1x16xf32>,
      %swap3A_537 = vector.shape_cast %swap3A_536 : vector<1x16xf32> to vector<16xf32>
      %swap3A_538 = vector.shape_cast %add3A_533 : vector<16xf32> to vector<1x16xf32>
      tpu.vector_store %arg20[%swap3A_534, %swap3A_535], %swap3A_538 {strides = array<i32>} : memref<100x128xf32, #tpu.memory_space<vmem>>, vector<1x16xf32>,
      %scan3A_539 = arith.constant 0 : i32
      scf.yield %scan3A_539 : i32
    }
    %scan3A_164 = arith.constant 100 : i32
    %add3A_165 = arith.constant 0 : i32
    %add3A_166 = arith.addi %mul3A_4, %add3A_165 : i32
    %jit3A = arith.constant 2 : i32
    %div3A = arith.divsi %add3A_166, %jit3A : i32
    %sign3A = arith.constant 0 : i32
    %sign3A_167 = arith.cmpi sgt, %add3A_166, %sign3A : i32
    %sign3A_168 = arith.extui %sign3A_167 : i1 to i32
    %sign3A_169 = arith.constant 0 : i32
    %sign3A_170 = arith.cmpi slt, %add3A_166, %sign3A_169 : i32
    %sign3A_171 = arith.extui %sign3A_170 : i1 to i32
    %sign3A_172 = arith.subi %sign3A_168, %sign3A_171 : i32
    %sign3A_173 = arith.constant 0 : i32
    %sign3A_174 = arith.cmpi sgt, %jit3A, %sign3A_173 : i32
    %sign3A_175 = arith.extui %sign3A_174 : i1 to i32
    %sign3A_176 = arith.constant 0 : i32
    %sign3A_177 = arith.cmpi slt, %jit3A, %sign3A_176 : i32
    %sign3A_178 = arith.extui %sign3A_177 : i1 to i32
    %sign3A_179 = arith.subi %sign3A_175, %sign3A_178 : i32
    %ne3A = arith.cmpi ne, %sign3A_172, %sign3A_179 : i32
    %rem3A = arith.remsi %add3A_166, %jit3A : i32
    %ne3A_180 = arith.constant 0 : i32
    %ne3A_181 = arith.cmpi ne, %rem3A, %ne3A_180 : i32
    %and3A = arith.andi %ne3A, %ne3A_181 : i1
    %sub3A = arith.constant 1 : i32
    %sub3A_182 = arith.subi %div3A, %sub3A : i32
    %select_n3A = arith.select %and3A, %sub3A_182, %div3A : i32
    %dma_start3A_183 = arith.constant 0 : i32
    %dma_start3A_184 = tpu.memref_slice %arg9[%select_n3A, %dma_start3A_183] : memref<102400x128xf32, #tpu.memory_space<hbm>> -> memref<100x128xf32, #tpu.memory_space<hbm>>
    %dma_start3A_185 = arith.constant 0 : i32
    %dma_start3A_186 = tpu.memref_slice %arg9[%select_n3A, %dma_start3A_185] : memref<102400x128xf32, #tpu.memory_space<hbm>> -> memref<100x128xf32, #tpu.memory_space<hbm>>
    tpu.enqueue_dma source(%arg20 : memref<100x128xf32, #tpu.memory_space<vmem>>) target(%dma_start3A_186 : memref<100x128xf32, #tpu.memory_space<hbm>>) target_semaphore(%arg24 : memref<!tpu.dma_semaphore, #tpu.memory_space<semaphore_mem>>)
    %scan3A_187 = arith.constant 0 : i32
    %scan3A_188 = arith.constant 0 : i32
    %scan3A_189 = arith.constant 15 : i32
    %scan3A_190 = arith.addi %scan3A_188, %scan3A_189 : i32
    %scan3A_191 = arith.constant 1 : i32
    %scan3A_192 = scf.for %scan3A_339 = %scan3A_188 to %scan3A_190 step %scan3A_191 iter_args(%scan3A_340 = %scan3A_187) -> (i32)  : i32 {
      %mul3A_341 = arith.constant 2 : i32
      %mul3A_342 = arith.muli %mul3A_341, %scan3A_339 : i32
      %add3A_343 = arith.constant 1 : i32
      %add3A_344 = arith.addi %mul3A_342, %add3A_343 : i32
      %add3A_345 = arith.constant 1 : i32
      %add3A_346 = arith.addi %add3A_344, %add3A_345 : i32
      %mul3A_347 = arith.constant 200 : i32
      %mul3A_348 = arith.muli %add3A_346, %mul3A_347 : i32
      %add3A_349 = arith.constant 0 : i32
      %add3A_350 = arith.addi %mul3A_348, %add3A_349 : i32
      %mul3A_351 = arith.constant 200 : i32
      %mul3A_352 = arith.muli %add3A_346, %mul3A_351 : i32
      %add3A_353 = arith.constant 104 : i32
      %add3A_354 = arith.addi %mul3A_352, %add3A_353 : i32
      %mul3A_355 = arith.constant 200 : i32
      %mul3A_356 = arith.muli %add3A_346, %mul3A_355 : i32
      %add3A_357 = arith.constant 0 : i32
      %add3A_358 = arith.addi %mul3A_356, %add3A_357 : i32
      %mul3A_359 = arith.constant 200 : i32
      %mul3A_360 = arith.muli %add3A_346, %mul3A_359 : i32
      %add3A_361 = arith.constant 104 : i32
      %add3A_362 = arith.addi %mul3A_360, %add3A_361 : i32
      %mul3A_363 = arith.constant 200 : i32
      %mul3A_364 = arith.muli %add3A_346, %mul3A_363 : i32
      %add3A_365 = arith.constant 0 : i32
      %add3A_366 = arith.addi %mul3A_364, %add3A_365 : i32
      %mul3A_367 = arith.constant 200 : i32
      %mul3A_368 = arith.muli %add3A_346, %mul3A_367 : i32
      %add3A_369 = arith.constant 104 : i32
      %add3A_370 = arith.addi %mul3A_368, %add3A_369 : i32
      %dma_start3A_371 = arith.constant 0 : i32
      %dma_start3A_372 = arith.constant 0 : i32
      %dma_start3A_373 = tpu.memref_slice %arg13[%dma_start3A_371, %dma_start3A_372] : memref<200x64xf32, #tpu.memory_space<vmem>> -> memref<104x64xf32, #tpu.memory_space<vmem>>
      %dma_start3A_374 = tpu.memref_slice %arg10[%add3A_350] : memref<6400xi32, #tpu.memory_space<vmem>> -> memref<104xi32, #tpu.memory_space<vmem>>
      %dma_start3A_375 = arith.constant 0 : i32
      %dma_start3A_376 = arith.constant 0 : i32
      %dma_start3A_377 = tpu.memref_slice %arg5[%dma_start3A_375, %dma_start3A_376] : memref<100000x64xf32, #tpu.memory_space<hbm>> -> memref<100000x64xf32, #tpu.memory_space<hbm>>
      tpu.enqueue_indirect_dma source(%dma_start3A_377 : memref<100000x64xf32, #tpu.memory_space<hbm>>) target(%dma_start3A_373 : memref<104x64xf32, #tpu.memory_space<vmem>>) offsets(%dma_start3A_374 : memref<104xi32, #tpu.memory_space<vmem>>) semaphore(%arg22 : memref<!tpu.dma_semaphore, #tpu.memory_space<semaphore_mem>>)
      %dma_start3A_378 = arith.constant 104 : i32
      %dma_start3A_379 = arith.constant 0 : i32
      %dma_start3A_380 = tpu.memref_slice %arg13[%dma_start3A_378, %dma_start3A_379] : memref<200x64xf32, #tpu.memory_space<vmem>> -> memref<96x64xf32, #tpu.memory_space<vmem>>
      %dma_start3A_381 = tpu.memref_slice %arg10[%add3A_354] : memref<6400xi32, #tpu.memory_space<vmem>> -> memref<96xi32, #tpu.memory_space<vmem>>
      %dma_start3A_382 = arith.constant 0 : i32
      %dma_start3A_383 = arith.constant 0 : i32
      %dma_start3A_384 = tpu.memref_slice %arg5[%dma_start3A_382, %dma_start3A_383] : memref<100000x64xf32, #tpu.memory_space<hbm>> -> memref<100000x64xf32, #tpu.memory_space<hbm>>
      tpu.enqueue_indirect_dma source(%dma_start3A_384 : memref<100000x64xf32, #tpu.memory_space<hbm>>) target(%dma_start3A_380 : memref<96x64xf32, #tpu.memory_space<vmem>>) offsets(%dma_start3A_381 : memref<96xi32, #tpu.memory_space<vmem>>) semaphore(%arg22 : memref<!tpu.dma_semaphore, #tpu.memory_space<semaphore_mem>>)
      %dma_start3A_385 = arith.constant 0 : i32
      %dma_start3A_386 = arith.constant 0 : i32
      %dma_start3A_387 = tpu.memref_slice %arg14[%dma_start3A_385, %dma_start3A_386] : memref<200x64xf32, #tpu.memory_space<vmem>> -> memref<104x64xf32, #tpu.memory_space<vmem>>
      %dma_start3A_388 = tpu.memref_slice %arg11[%add3A_358] : memref<6400xi32, #tpu.memory_space<vmem>> -> memref<104xi32, #tpu.memory_space<vmem>>
      %dma_start3A_389 = arith.constant 0 : i32
      %dma_start3A_390 = arith.constant 0 : i32
      %dma_start3A_391 = tpu.memref_slice %arg6[%dma_start3A_389, %dma_start3A_390] : memref<100000x64xf32, #tpu.memory_space<hbm>> -> memref<100000x64xf32, #tpu.memory_space<hbm>>
      tpu.enqueue_indirect_dma source(%dma_start3A_391 : memref<100000x64xf32, #tpu.memory_space<hbm>>) target(%dma_start3A_387 : memref<104x64xf32, #tpu.memory_space<vmem>>) offsets(%dma_start3A_388 : memref<104xi32, #tpu.memory_space<vmem>>) semaphore(%arg22 : memref<!tpu.dma_semaphore, #tpu.memory_space<semaphore_mem>>)
      %dma_start3A_392 = arith.constant 104 : i32
      %dma_start3A_393 = arith.constant 0 : i32
      %dma_start3A_394 = tpu.memref_slice %arg14[%dma_start3A_392, %dma_start3A_393] : memref<200x64xf32, #tpu.memory_space<vmem>> -> memref<96x64xf32, #tpu.memory_space<vmem>>
      %dma_start3A_395 = tpu.memref_slice %arg11[%add3A_362] : memref<6400xi32, #tpu.memory_space<vmem>> -> memref<96xi32, #tpu.memory_space<vmem>>
      %dma_start3A_396 = arith.constant 0 : i32
      %dma_start3A_397 = arith.constant 0 : i32
      %dma_start3A_398 = tpu.memref_slice %arg6[%dma_start3A_396, %dma_start3A_397] : memref<100000x64xf32, #tpu.memory_space<hbm>> -> memref<100000x64xf32, #tpu.memory_space<hbm>>
      tpu.enqueue_indirect_dma source(%dma_start3A_398 : memref<100000x64xf32, #tpu.memory_space<hbm>>) target(%dma_start3A_394 : memref<96x64xf32, #tpu.memory_space<vmem>>) offsets(%dma_start3A_395 : memref<96xi32, #tpu.memory_space<vmem>>) semaphore(%arg22 : memref<!tpu.dma_semaphore, #tpu.memory_space<semaphore_mem>>)
      %dma_start3A_399 = arith.constant 0 : i32
      %dma_start3A_400 = arith.constant 0 : i32
      %dma_start3A_401 = tpu.memref_slice %arg15[%dma_start3A_399, %dma_start3A_400] : memref<200x64xf32, #tpu.memory_space<vmem>> -> memref<104x64xf32, #tpu.memory_space<vmem>>
      %dma_start3A_402 = tpu.memref_slice %arg12[%add3A_366] : memref<6400xi32, #tpu.memory_space<vmem>> -> memref<104xi32, #tpu.memory_space<vmem>>
      %dma_start3A_403 = arith.constant 0 : i32
      %dma_start3A_404 = arith.constant 0 : i32
      %dma_start3A_405 = tpu.memref_slice %arg7[%dma_start3A_403, %dma_start3A_404] : memref<100000x64xf32, #tpu.memory_space<hbm>> -> memref<100000x64xf32, #tpu.memory_space<hbm>>
      tpu.enqueue_indirect_dma source(%dma_start3A_405 : memref<100000x64xf32, #tpu.memory_space<hbm>>) target(%dma_start3A_401 : memref<104x64xf32, #tpu.memory_space<vmem>>) offsets(%dma_start3A_402 : memref<104xi32, #tpu.memory_space<vmem>>) semaphore(%arg22 : memref<!tpu.dma_semaphore, #tpu.memory_space<semaphore_mem>>)
      %dma_start3A_406 = arith.constant 104 : i32
      %dma_start3A_407 = arith.constant 0 : i32
      %dma_start3A_408 = tpu.memref_slice %arg15[%dma_start3A_406, %dma_start3A_407] : memref<200x64xf32, #tpu.memory_space<vmem>> -> memref<96x64xf32, #tpu.memory_space<vmem>>
      %dma_start3A_409 = tpu.memref_slice %arg12[%add3A_370] : memref<6400xi32, #tpu.memory_space<vmem>> -> memref<96xi32, #tpu.memory_space<vmem>>
      %dma_start3A_410 = arith.constant 0 : i32
      %dma_start3A_411 = arith.constant 0 : i32
      %dma_start3A_412 = tpu.memref_slice %arg7[%dma_start3A_410, %dma_start3A_411] : memref<100000x64xf32, #tpu.memory_space<hbm>> -> memref<100000x64xf32, #tpu.memory_space<hbm>>
      tpu.enqueue_indirect_dma source(%dma_start3A_412 : memref<100000x64xf32, #tpu.memory_space<hbm>>) target(%dma_start3A_408 : memref<96x64xf32, #tpu.memory_space<vmem>>) offsets(%dma_start3A_409 : memref<96xi32, #tpu.memory_space<vmem>>) semaphore(%arg22 : memref<!tpu.dma_semaphore, #tpu.memory_space<semaphore_mem>>)
      %mul3A_413 = arith.constant 200 : i32
      %mul3A_414 = arith.muli %add3A_344, %mul3A_413 : i32
      %add3A_415 = arith.constant 0 : i32
      %add3A_416 = arith.addi %mul3A_414, %add3A_415 : i32
      %mul3A_417 = arith.constant 200 : i32
      %mul3A_418 = arith.muli %add3A_344, %mul3A_417 : i32
      %add3A_419 = arith.constant 104 : i32
      %add3A_420 = arith.addi %mul3A_418, %add3A_419 : i32
      %mul3A_421 = arith.constant 200 : i32
      %mul3A_422 = arith.muli %add3A_344, %mul3A_421 : i32
      %add3A_423 = arith.constant 0 : i32
      %add3A_424 = arith.addi %mul3A_422, %add3A_423 : i32
      %mul3A_425 = arith.constant 200 : i32
      %mul3A_426 = arith.muli %add3A_344, %mul3A_425 : i32
      %add3A_427 = arith.constant 104 : i32
      %add3A_428 = arith.addi %mul3A_426, %add3A_427 : i32
      %mul3A_429 = arith.constant 200 : i32
      %mul3A_430 = arith.muli %add3A_344, %mul3A_429 : i32
      %add3A_431 = arith.constant 0 : i32
      %add3A_432 = arith.addi %mul3A_430, %add3A_431 : i32
      %mul3A_433 = arith.constant 200 : i32
      %mul3A_434 = arith.muli %add3A_344, %mul3A_433 : i32
      %add3A_435 = arith.constant 104 : i32
      %add3A_436 = arith.addi %mul3A_434, %add3A_435 : i32
      %dma_wait3A_437 = arith.constant 0 : i32
      %dma_wait3A_438 = arith.constant 0 : i32
      %dma_wait3A_439 = tpu.memref_slice %arg16[%dma_wait3A_437, %dma_wait3A_438] : memref<200x64xf32, #tpu.memory_space<vmem>> -> memref<104x64xf32, #tpu.memory_space<vmem>>
      %dma_wait3A_440 = tpu.memref_slice %arg10[%add3A_416] : memref<6400xi32, #tpu.memory_space<vmem>> -> memref<104xi32, #tpu.memory_space<vmem>>
      %dma_wait3A_441 = arith.constant 0 : i32
      %dma_wait3A_442 = arith.constant 0 : i32
      %dma_wait3A_443 = tpu.memref_slice %arg5[%dma_wait3A_441, %dma_wait3A_442] : memref<100000x64xf32, #tpu.memory_space<hbm>> -> memref<100000x64xf32, #tpu.memory_space<hbm>>
      tpu.wait_indirect_dma semaphore(%arg23 : memref<!tpu.dma_semaphore, #tpu.memory_space<semaphore_mem>>) src(%dma_wait3A_443 : memref<100000x64xf32, #tpu.memory_space<hbm>>) dst(%dma_wait3A_439 : memref<104x64xf32, #tpu.memory_space<vmem>>)
      %dma_wait3A_444 = arith.constant 104 : i32
      %dma_wait3A_445 = arith.constant 0 : i32
      %dma_wait3A_446 = tpu.memref_slice %arg16[%dma_wait3A_444, %dma_wait3A_445] : memref<200x64xf32, #tpu.memory_space<vmem>> -> memref<96x64xf32, #tpu.memory_space<vmem>>
      %dma_wait3A_447 = tpu.memref_slice %arg10[%add3A_420] : memref<6400xi32, #tpu.memory_space<vmem>> -> memref<96xi32, #tpu.memory_space<vmem>>
      %dma_wait3A_448 = arith.constant 0 : i32
      %dma_wait3A_449 = arith.constant 0 : i32
      %dma_wait3A_450 = tpu.memref_slice %arg5[%dma_wait3A_448, %dma_wait3A_449] : memref<100000x64xf32, #tpu.memory_space<hbm>> -> memref<100000x64xf32, #tpu.memory_space<hbm>>
      tpu.wait_indirect_dma semaphore(%arg23 : memref<!tpu.dma_semaphore, #tpu.memory_space<semaphore_mem>>) src(%dma_wait3A_450 : memref<100000x64xf32, #tpu.memory_space<hbm>>) dst(%dma_wait3A_446 : memref<96x64xf32, #tpu.memory_space<vmem>>)
      %dma_wait3A_451 = arith.constant 0 : i32
      %dma_wait3A_452 = arith.constant 0 : i32
      %dma_wait3A_453 = tpu.memref_slice %arg17[%dma_wait3A_451, %dma_wait3A_452] : memref<200x64xf32, #tpu.memory_space<vmem>> -> memref<104x64xf32, #tpu.memory_space<vmem>>
      %dma_wait3A_454 = tpu.memref_slice %arg11[%add3A_424] : memref<6400xi32, #tpu.memory_space<vmem>> -> memref<104xi32, #tpu.memory_space<vmem>>
      %dma_wait3A_455 = arith.constant 0 : i32
      %dma_wait3A_456 = arith.constant 0 : i32
      %dma_wait3A_457 = tpu.memref_slice %arg6[%dma_wait3A_455, %dma_wait3A_456] : memref<100000x64xf32, #tpu.memory_space<hbm>> -> memref<100000x64xf32, #tpu.memory_space<hbm>>
      tpu.wait_indirect_dma semaphore(%arg23 : memref<!tpu.dma_semaphore, #tpu.memory_space<semaphore_mem>>) src(%dma_wait3A_457 : memref<100000x64xf32, #tpu.memory_space<hbm>>) dst(%dma_wait3A_453 : memref<104x64xf32, #tpu.memory_space<vmem>>)
      %dma_wait3A_458 = arith.constant 104 : i32
      %dma_wait3A_459 = arith.constant 0 : i32
      %dma_wait3A_460 = tpu.memref_slice %arg17[%dma_wait3A_458, %dma_wait3A_459] : memref<200x64xf32, #tpu.memory_space<vmem>> -> memref<96x64xf32, #tpu.memory_space<vmem>>
      %dma_wait3A_461 = tpu.memref_slice %arg11[%add3A_428] : memref<6400xi32, #tpu.memory_space<vmem>> -> memref<96xi32, #tpu.memory_space<vmem>>
      %dma_wait3A_462 = arith.constant 0 : i32
      %dma_wait3A_463 = arith.constant 0 : i32
      %dma_wait3A_464 = tpu.memref_slice %arg6[%dma_wait3A_462, %dma_wait3A_463] : memref<100000x64xf32, #tpu.memory_space<hbm>> -> memref<100000x64xf32, #tpu.memory_space<hbm>>
      tpu.wait_indirect_dma semaphore(%arg23 : memref<!tpu.dma_semaphore, #tpu.memory_space<semaphore_mem>>) src(%dma_wait3A_464 : memref<100000x64xf32, #tpu.memory_space<hbm>>) dst(%dma_wait3A_460 : memref<96x64xf32, #tpu.memory_space<vmem>>)
      %dma_wait3A_465 = arith.constant 0 : i32
      %dma_wait3A_466 = arith.constant 0 : i32
      %dma_wait3A_467 = tpu.memref_slice %arg18[%dma_wait3A_465, %dma_wait3A_466] : memref<200x64xf32, #tpu.memory_space<vmem>> -> memref<104x64xf32, #tpu.memory_space<vmem>>
      %dma_wait3A_468 = tpu.memref_slice %arg12[%add3A_432] : memref<6400xi32, #tpu.memory_space<vmem>> -> memref<104xi32, #tpu.memory_space<vmem>>
      %dma_wait3A_469 = arith.constant 0 : i32
      %dma_wait3A_470 = arith.constant 0 : i32
      %dma_wait3A_471 = tpu.memref_slice %arg7[%dma_wait3A_469, %dma_wait3A_470] : memref<100000x64xf32, #tpu.memory_space<hbm>> -> memref<100000x64xf32, #tpu.memory_space<hbm>>
      tpu.wait_indirect_dma semaphore(%arg23 : memref<!tpu.dma_semaphore, #tpu.memory_space<semaphore_mem>>) src(%dma_wait3A_471 : memref<100000x64xf32, #tpu.memory_space<hbm>>) dst(%dma_wait3A_467 : memref<104x64xf32, #tpu.memory_space<vmem>>)
      %dma_wait3A_472 = arith.constant 104 : i32
      %dma_wait3A_473 = arith.constant 0 : i32
      %dma_wait3A_474 = tpu.memref_slice %arg18[%dma_wait3A_472, %dma_wait3A_473] : memref<200x64xf32, #tpu.memory_space<vmem>> -> memref<96x64xf32, #tpu.memory_space<vmem>>
      %dma_wait3A_475 = tpu.memref_slice %arg12[%add3A_436] : memref<6400xi32, #tpu.memory_space<vmem>> -> memref<96xi32, #tpu.memory_space<vmem>>
      %dma_wait3A_476 = arith.constant 0 : i32
      %dma_wait3A_477 = arith.constant 0 : i32
      %dma_wait3A_478 = tpu.memref_slice %arg7[%dma_wait3A_476, %dma_wait3A_477] : memref<100000x64xf32, #tpu.memory_space<hbm>> -> memref<100000x64xf32, #tpu.memory_space<hbm>>
      tpu.wait_indirect_dma semaphore(%arg23 : memref<!tpu.dma_semaphore, #tpu.memory_space<semaphore_mem>>) src(%dma_wait3A_478 : memref<100000x64xf32, #tpu.memory_space<hbm>>) dst(%dma_wait3A_474 : memref<96x64xf32, #tpu.memory_space<vmem>>)
      %add3A_479 = arith.constant 0 : i32
      %add3A_480 = arith.addi %mul3A_4, %add3A_479 : i32
      %jit3A_481 = arith.constant 2 : i32
      %div3A_482 = arith.divsi %add3A_480, %jit3A_481 : i32
      %sign3A_483 = arith.constant 0 : i32
      %sign3A_484 = arith.cmpi sgt, %add3A_480, %sign3A_483 : i32
      %sign3A_485 = arith.extui %sign3A_484 : i1 to i32
      %sign3A_486 = arith.constant 0 : i32
      %sign3A_487 = arith.cmpi slt, %add3A_480, %sign3A_486 : i32
      %sign3A_488 = arith.extui %sign3A_487 : i1 to i32
      %sign3A_489 = arith.subi %sign3A_485, %sign3A_488 : i32
      %sign3A_490 = arith.constant 0 : i32
      %sign3A_491 = arith.cmpi sgt, %jit3A_481, %sign3A_490 : i32
      %sign3A_492 = arith.extui %sign3A_491 : i1 to i32
      %sign3A_493 = arith.constant 0 : i32
      %sign3A_494 = arith.cmpi slt, %jit3A_481, %sign3A_493 : i32
      %sign3A_495 = arith.extui %sign3A_494 : i1 to i32
      %sign3A_496 = arith.subi %sign3A_492, %sign3A_495 : i32
      %ne3A_497 = arith.cmpi ne, %sign3A_489, %sign3A_496 : i32
      %rem3A_498 = arith.remsi %add3A_480, %jit3A_481 : i32
      %ne3A_499 = arith.constant 0 : i32
      %ne3A_500 = arith.cmpi ne, %rem3A_498, %ne3A_499 : i32
      %and3A_501 = arith.andi %ne3A_497, %ne3A_500 : i1
      %sub3A_502 = arith.constant 1 : i32
      %sub3A_503 = arith.subi %div3A_482, %sub3A_502 : i32
      %select_n3A_504 = arith.select %and3A_501, %sub3A_503, %div3A_482 : i32
      %dma_wait3A_505 = arith.constant 0 : i32
      %dma_wait3A_506 = tpu.memref_slice %arg9[%select_n3A_504, %dma_wait3A_505] : memref<102400x128xf32, #tpu.memory_space<hbm>> -> memref<100x128xf32, #tpu.memory_space<hbm>>
      %dma_wait3A_507 = arith.constant 0 : i32
      %dma_wait3A_508 = tpu.memref_slice %arg9[%select_n3A_504, %dma_wait3A_507] : memref<102400x128xf32, #tpu.memory_space<hbm>> -> memref<100x128xf32, #tpu.memory_space<hbm>>
      tpu.wait_dma2 semaphore(%arg24 : memref<!tpu.dma_semaphore, #tpu.memory_space<semaphore_mem>>) src(%arg20 : memref<100x128xf32, #tpu.memory_space<vmem>>) dst(%dma_wait3A_508 : memref<100x128xf32, #tpu.memory_space<hbm>>)
      %scan3A_509 = arith.constant 0 : i32
      %scan3A_510 = arith.constant 0 : i32
      %scan3A_511 = arith.constant 100 : i32
      %scan3A_512 = arith.addi %scan3A_510, %scan3A_511 : i32
      %scan3A_513 = arith.constant 1 : i32
      %scan3A_514 = scf.for %scan3A_754 = %scan3A_510 to %scan3A_512 step %scan3A_513 iter_args(%scan3A_755 = %scan3A_509) -> (i32)  : i32 {
        %mul3A_756 = arith.constant 2 : i32
        %mul3A_757 = arith.muli %mul3A_756, %scan3A_754 : i32
        %add3A_758 = arith.constant 0 : i32
        %add3A_759 = arith.addi %mul3A_757, %add3A_758 : i32
        %get3A = arith.index_cast %add3A_759 : i32 to index
        %get3A_760 = arith.constant 0 : index
        %get3A_761 = tpu.vector_load %arg16[%get3A, %get3A_760] {strides = array<i32>} : memref<200x64xf32, #tpu.memory_space<vmem>>, vector<1x16xf32>,
        %get3A_762 = vector.shape_cast %get3A_761 : vector<1x16xf32> to vector<16xf32>
        %get3A_763 = arith.index_cast %add3A_759 : i32 to index
        %get3A_764 = arith.constant 0 : index
        %get3A_765 = tpu.vector_load %arg17[%get3A_763, %get3A_764] {strides = array<i32>} : memref<200x64xf32, #tpu.memory_space<vmem>>, vector<1x16xf32>,
        %get3A_766 = vector.shape_cast %get3A_765 : vector<1x16xf32> to vector<16xf32>
        %add3A_767 = arith.addf %get3A_762, %get3A_766 : vector<16xf32>
        %get3A_768 = arith.index_cast %add3A_759 : i32 to index
        %get3A_769 = arith.constant 0 : index
        %get3A_770 = tpu.vector_load %arg18[%get3A_768, %get3A_769] {strides = array<i32>} : memref<200x64xf32, #tpu.memory_space<vmem>>, vector<1x16xf32>,
        %get3A_771 = vector.shape_cast %get3A_770 : vector<1x16xf32> to vector<16xf32>
        %add3A_772 = arith.addf %add3A_767, %get3A_771 : vector<16xf32>
        %get3A_773 = arith.index_cast %add3A_759 : i32 to index
        %get3A_774 = arith.constant 0 : index
        %get3A_775 = tpu.vector_load %arg19[%get3A_773, %get3A_774] {strides = array<i32>} : memref<200x64xf32, #tpu.memory_space<vmem>>, vector<1x16xf32>,
        %get3A_776 = vector.shape_cast %get3A_775 : vector<1x16xf32> to vector<16xf32>
        %add3A_777 = arith.addf %add3A_772, %get3A_776 : vector<16xf32>
        %swap3A = arith.index_cast %scan3A_754 : i32 to index
        %swap3A_778 = arith.constant 0 : index
        %swap3A_779 = tpu.vector_load %arg20[%swap3A, %swap3A_778] {strides = array<i32>} : memref<100x128xf32, #tpu.memory_space<vmem>>, vector<1x16xf32>,
        %swap3A_780 = vector.shape_cast %swap3A_779 : vector<1x16xf32> to vector<16xf32>
        %swap3A_781 = vector.shape_cast %add3A_777 : vector<16xf32> to vector<1x16xf32>
        tpu.vector_store %arg20[%swap3A, %swap3A_778], %swap3A_781 {strides = array<i32>} : memref<100x128xf32, #tpu.memory_space<vmem>>, vector<1x16xf32>,
        %get3A_782 = arith.index_cast %add3A_759 : i32 to index
        %get3A_783 = arith.constant 16 : index
        %get3A_784 = tpu.vector_load %arg16[%get3A_782, %get3A_783] {strides = array<i32>} : memref<200x64xf32, #tpu.memory_space<vmem>>, vector<1x16xf32>,
        %get3A_785 = vector.shape_cast %get3A_784 : vector<1x16xf32> to vector<16xf32>
        %get3A_786 = arith.index_cast %add3A_759 : i32 to index
        %get3A_787 = arith.constant 16 : index
        %get3A_788 = tpu.vector_load %arg17[%get3A_786, %get3A_787] {strides = array<i32>} : memref<200x64xf32, #tpu.memory_space<vmem>>, vector<1x16xf32>,
        %get3A_789 = vector.shape_cast %get3A_788 : vector<1x16xf32> to vector<16xf32>
        %add3A_790 = arith.addf %get3A_785, %get3A_789 : vector<16xf32>
        %get3A_791 = arith.index_cast %add3A_759 : i32 to index
        %get3A_792 = arith.constant 16 : index
        %get3A_793 = tpu.vector_load %arg18[%get3A_791, %get3A_792] {strides = array<i32>} : memref<200x64xf32, #tpu.memory_space<vmem>>, vector<1x16xf32>,
        %get3A_794 = vector.shape_cast %get3A_793 : vector<1x16xf32> to vector<16xf32>
        %add3A_795 = arith.addf %add3A_790, %get3A_794 : vector<16xf32>
        %get3A_796 = arith.index_cast %add3A_759 : i32 to index
        %get3A_797 = arith.constant 16 : index
        %get3A_798 = tpu.vector_load %arg19[%get3A_796, %get3A_797] {strides = array<i32>} : memref<200x64xf32, #tpu.memory_space<vmem>>, vector<1x16xf32>,
        %get3A_799 = vector.shape_cast %get3A_798 : vector<1x16xf32> to vector<16xf32>
        %add3A_800 = arith.addf %add3A_795, %get3A_799 : vector<16xf32>
        %swap3A_801 = arith.index_cast %scan3A_754 : i32 to index
        %swap3A_802 = arith.constant 16 : index
        %swap3A_803 = tpu.vector_load %arg20[%swap3A_801, %swap3A_802] {strides = array<i32>} : memref<100x128xf32, #tpu.memory_space<vmem>>, vector<1x16xf32>,
        %swap3A_804 = vector.shape_cast %swap3A_803 : vector<1x16xf32> to vector<16xf32>
        %swap3A_805 = vector.shape_cast %add3A_800 : vector<16xf32> to vector<1x16xf32>
        tpu.vector_store %arg20[%swap3A_801, %swap3A_802], %swap3A_805 {strides = array<i32>} : memref<100x128xf32, #tpu.memory_space<vmem>>, vector<1x16xf32>,
        %get3A_806 = arith.index_cast %add3A_759 : i32 to index
        %get3A_807 = arith.constant 32 : index
        %get3A_808 = tpu.vector_load %arg16[%get3A_806, %get3A_807] {strides = array<i32>} : memref<200x64xf32, #tpu.memory_space<vmem>>, vector<1x16xf32>,
        %get3A_809 = vector.shape_cast %get3A_808 : vector<1x16xf32> to vector<16xf32>
        %get3A_810 = arith.index_cast %add3A_759 : i32 to index
        %get3A_811 = arith.constant 32 : index
        %get3A_812 = tpu.vector_load %arg17[%get3A_810, %get3A_811] {strides = array<i32>} : memref<200x64xf32, #tpu.memory_space<vmem>>, vector<1x16xf32>,
        %get3A_813 = vector.shape_cast %get3A_812 : vector<1x16xf32> to vector<16xf32>
        %add3A_814 = arith.addf %get3A_809, %get3A_813 : vector<16xf32>
        %get3A_815 = arith.index_cast %add3A_759 : i32 to index
        %get3A_816 = arith.constant 32 : index
        %get3A_817 = tpu.vector_load %arg18[%get3A_815, %get3A_816] {strides = array<i32>} : memref<200x64xf32, #tpu.memory_space<vmem>>, vector<1x16xf32>,
        %get3A_818 = vector.shape_cast %get3A_817 : vector<1x16xf32> to vector<16xf32>
        %add3A_819 = arith.addf %add3A_814, %get3A_818 : vector<16xf32>
        %get3A_820 = arith.index_cast %add3A_759 : i32 to index
        %get3A_821 = arith.constant 32 : index
        %get3A_822 = tpu.vector_load %arg19[%get3A_820, %get3A_821] {strides = array<i32>} : memref<200x64xf32, #tpu.memory_space<vmem>>, vector<1x16xf32>,
        %get3A_823 = vector.shape_cast %get3A_822 : vector<1x16xf32> to vector<16xf32>
        %add3A_824 = arith.addf %add3A_819, %get3A_823 : vector<16xf32>
        %swap3A_825 = arith.index_cast %scan3A_754 : i32 to index
        %swap3A_826 = arith.constant 32 : index
        %swap3A_827 = tpu.vector_load %arg20[%swap3A_825, %swap3A_826] {strides = array<i32>} : memref<100x128xf32, #tpu.memory_space<vmem>>, vector<1x16xf32>,
        %swap3A_828 = vector.shape_cast %swap3A_827 : vector<1x16xf32> to vector<16xf32>
        %swap3A_829 = vector.shape_cast %add3A_824 : vector<16xf32> to vector<1x16xf32>
        tpu.vector_store %arg20[%swap3A_825, %swap3A_826], %swap3A_829 {strides = array<i32>} : memref<100x128xf32, #tpu.memory_space<vmem>>, vector<1x16xf32>,
        %get3A_830 = arith.index_cast %add3A_759 : i32 to index
        %get3A_831 = arith.constant 48 : index
        %get3A_832 = tpu.vector_load %arg16[%get3A_830, %get3A_831] {strides = array<i32>} : memref<200x64xf32, #tpu.memory_space<vmem>>, vector<1x16xf32>,
        %get3A_833 = vector.shape_cast %get3A_832 : vector<1x16xf32> to vector<16xf32>
        %get3A_834 = arith.index_cast %add3A_759 : i32 to index
        %get3A_835 = arith.constant 48 : index
        %get3A_836 = tpu.vector_load %arg17[%get3A_834, %get3A_835] {strides = array<i32>} : memref<200x64xf32, #tpu.memory_space<vmem>>, vector<1x16xf32>,
        %get3A_837 = vector.shape_cast %get3A_836 : vector<1x16xf32> to vector<16xf32>
        %add3A_838 = arith.addf %get3A_833, %get3A_837 : vector<16xf32>
        %get3A_839 = arith.index_cast %add3A_759 : i32 to index
        %get3A_840 = arith.constant 48 : index
        %get3A_841 = tpu.vector_load %arg18[%get3A_839, %get3A_840] {strides = array<i32>} : memref<200x64xf32, #tpu.memory_space<vmem>>, vector<1x16xf32>,
        %get3A_842 = vector.shape_cast %get3A_841 : vector<1x16xf32> to vector<16xf32>
        %add3A_843 = arith.addf %add3A_838, %get3A_842 : vector<16xf32>
        %get3A_844 = arith.index_cast %add3A_759 : i32 to index
        %get3A_845 = arith.constant 48 : index
        %get3A_846 = tpu.vector_load %arg19[%get3A_844, %get3A_845] {strides = array<i32>} : memref<200x64xf32, #tpu.memory_space<vmem>>, vector<1x16xf32>,
        %get3A_847 = vector.shape_cast %get3A_846 : vector<1x16xf32> to vector<16xf32>
        %add3A_848 = arith.addf %add3A_843, %get3A_847 : vector<16xf32>
        %swap3A_849 = arith.index_cast %scan3A_754 : i32 to index
        %swap3A_850 = arith.constant 48 : index
        %swap3A_851 = tpu.vector_load %arg20[%swap3A_849, %swap3A_850] {strides = array<i32>} : memref<100x128xf32, #tpu.memory_space<vmem>>, vector<1x16xf32>,
        %swap3A_852 = vector.shape_cast %swap3A_851 : vector<1x16xf32> to vector<16xf32>
        %swap3A_853 = vector.shape_cast %add3A_848 : vector<16xf32> to vector<1x16xf32>
        tpu.vector_store %arg20[%swap3A_849, %swap3A_850], %swap3A_853 {strides = array<i32>} : memref<100x128xf32, #tpu.memory_space<vmem>>, vector<1x16xf32>,
        %mul3A_854 = arith.constant 2 : i32
        %mul3A_855 = arith.muli %mul3A_854, %scan3A_754 : i32
        %add3A_856 = arith.constant 1 : i32
        %add3A_857 = arith.addi %mul3A_855, %add3A_856 : i32
        %get3A_858 = arith.index_cast %add3A_857 : i32 to index
        %get3A_859 = arith.constant 0 : index
        %get3A_860 = tpu.vector_load %arg16[%get3A_858, %get3A_859] {strides = array<i32>} : memref<200x64xf32, #tpu.memory_space<vmem>>, vector<1x16xf32>,
        %get3A_861 = vector.shape_cast %get3A_860 : vector<1x16xf32> to vector<16xf32>
        %get3A_862 = arith.index_cast %add3A_857 : i32 to index
        %get3A_863 = arith.constant 0 : index
        %get3A_864 = tpu.vector_load %arg17[%get3A_862, %get3A_863] {strides = array<i32>} : memref<200x64xf32, #tpu.memory_space<vmem>>, vector<1x16xf32>,
        %get3A_865 = vector.shape_cast %get3A_864 : vector<1x16xf32> to vector<16xf32>
        %add3A_866 = arith.addf %get3A_861, %get3A_865 : vector<16xf32>
        %get3A_867 = arith.index_cast %add3A_857 : i32 to index
        %get3A_868 = arith.constant 0 : index
        %get3A_869 = tpu.vector_load %arg18[%get3A_867, %get3A_868] {strides = array<i32>} : memref<200x64xf32, #tpu.memory_space<vmem>>, vector<1x16xf32>,
        %get3A_870 = vector.shape_cast %get3A_869 : vector<1x16xf32> to vector<16xf32>
        %add3A_871 = arith.addf %add3A_866, %get3A_870 : vector<16xf32>
        %get3A_872 = arith.index_cast %add3A_857 : i32 to index
        %get3A_873 = arith.constant 0 : index
        %get3A_874 = tpu.vector_load %arg19[%get3A_872, %get3A_873] {strides = array<i32>} : memref<200x64xf32, #tpu.memory_space<vmem>>, vector<1x16xf32>,
        %get3A_875 = vector.shape_cast %get3A_874 : vector<1x16xf32> to vector<16xf32>
        %add3A_876 = arith.addf %add3A_871, %get3A_875 : vector<16xf32>
        %swap3A_877 = arith.index_cast %scan3A_754 : i32 to index
        %swap3A_878 = arith.constant 64 : index
        %swap3A_879 = tpu.vector_load %arg20[%swap3A_877, %swap3A_878] {strides = array<i32>} : memref<100x128xf32, #tpu.memory_space<vmem>>, vector<1x16xf32>,
        %swap3A_880 = vector.shape_cast %swap3A_879 : vector<1x16xf32> to vector<16xf32>
        %swap3A_881 = vector.shape_cast %add3A_876 : vector<16xf32> to vector<1x16xf32>
        tpu.vector_store %arg20[%swap3A_877, %swap3A_878], %swap3A_881 {strides = array<i32>} : memref<100x128xf32, #tpu.memory_space<vmem>>, vector<1x16xf32>,
        %get3A_882 = arith.index_cast %add3A_857 : i32 to index
        %get3A_883 = arith.constant 16 : index
        %get3A_884 = tpu.vector_load %arg16[%get3A_882, %get3A_883] {strides = array<i32>} : memref<200x64xf32, #tpu.memory_space<vmem>>, vector<1x16xf32>,
        %get3A_885 = vector.shape_cast %get3A_884 : vector<1x16xf32> to vector<16xf32>
        %get3A_886 = arith.index_cast %add3A_857 : i32 to index
        %get3A_887 = arith.constant 16 : index
        %get3A_888 = tpu.vector_load %arg17[%get3A_886, %get3A_887] {strides = array<i32>} : memref<200x64xf32, #tpu.memory_space<vmem>>, vector<1x16xf32>,
        %get3A_889 = vector.shape_cast %get3A_888 : vector<1x16xf32> to vector<16xf32>
        %add3A_890 = arith.addf %get3A_885, %get3A_889 : vector<16xf32>
        %get3A_891 = arith.index_cast %add3A_857 : i32 to index
        %get3A_892 = arith.constant 16 : index
        %get3A_893 = tpu.vector_load %arg18[%get3A_891, %get3A_892] {strides = array<i32>} : memref<200x64xf32, #tpu.memory_space<vmem>>, vector<1x16xf32>,
        %get3A_894 = vector.shape_cast %get3A_893 : vector<1x16xf32> to vector<16xf32>
        %add3A_895 = arith.addf %add3A_890, %get3A_894 : vector<16xf32>
        %get3A_896 = arith.index_cast %add3A_857 : i32 to index
        %get3A_897 = arith.constant 16 : index
        %get3A_898 = tpu.vector_load %arg19[%get3A_896, %get3A_897] {strides = array<i32>} : memref<200x64xf32, #tpu.memory_space<vmem>>, vector<1x16xf32>,
        %get3A_899 = vector.shape_cast %get3A_898 : vector<1x16xf32> to vector<16xf32>
        %add3A_900 = arith.addf %add3A_895, %get3A_899 : vector<16xf32>
        %swap3A_901 = arith.index_cast %scan3A_754 : i32 to index
        %swap3A_902 = arith.constant 80 : index
        %swap3A_903 = tpu.vector_load %arg20[%swap3A_901, %swap3A_902] {strides = array<i32>} : memref<100x128xf32, #tpu.memory_space<vmem>>, vector<1x16xf32>,
        %swap3A_904 = vector.shape_cast %swap3A_903 : vector<1x16xf32> to vector<16xf32>
        %swap3A_905 = vector.shape_cast %add3A_900 : vector<16xf32> to vector<1x16xf32>
        tpu.vector_store %arg20[%swap3A_901, %swap3A_902], %swap3A_905 {strides = array<i32>} : memref<100x128xf32, #tpu.memory_space<vmem>>, vector<1x16xf32>,
        %get3A_906 = arith.index_cast %add3A_857 : i32 to index
        %get3A_907 = arith.constant 32 : index
        %get3A_908 = tpu.vector_load %arg16[%get3A_906, %get3A_907] {strides = array<i32>} : memref<200x64xf32, #tpu.memory_space<vmem>>, vector<1x16xf32>,
        %get3A_909 = vector.shape_cast %get3A_908 : vector<1x16xf32> to vector<16xf32>
        %get3A_910 = arith.index_cast %add3A_857 : i32 to index
        %get3A_911 = arith.constant 32 : index
        %get3A_912 = tpu.vector_load %arg17[%get3A_910, %get3A_911] {strides = array<i32>} : memref<200x64xf32, #tpu.memory_space<vmem>>, vector<1x16xf32>,
        %get3A_913 = vector.shape_cast %get3A_912 : vector<1x16xf32> to vector<16xf32>
        %add3A_914 = arith.addf %get3A_909, %get3A_913 : vector<16xf32>
        %get3A_915 = arith.index_cast %add3A_857 : i32 to index
        %get3A_916 = arith.constant 32 : index
        %get3A_917 = tpu.vector_load %arg18[%get3A_915, %get3A_916] {strides = array<i32>} : memref<200x64xf32, #tpu.memory_space<vmem>>, vector<1x16xf32>,
        %get3A_918 = vector.shape_cast %get3A_917 : vector<1x16xf32> to vector<16xf32>
        %add3A_919 = arith.addf %add3A_914, %get3A_918 : vector<16xf32>
        %get3A_920 = arith.index_cast %add3A_857 : i32 to index
        %get3A_921 = arith.constant 32 : index
        %get3A_922 = tpu.vector_load %arg19[%get3A_920, %get3A_921] {strides = array<i32>} : memref<200x64xf32, #tpu.memory_space<vmem>>, vector<1x16xf32>,
        %get3A_923 = vector.shape_cast %get3A_922 : vector<1x16xf32> to vector<16xf32>
        %add3A_924 = arith.addf %add3A_919, %get3A_923 : vector<16xf32>
        %swap3A_925 = arith.index_cast %scan3A_754 : i32 to index
        %swap3A_926 = arith.constant 96 : index
        %swap3A_927 = tpu.vector_load %arg20[%swap3A_925, %swap3A_926] {strides = array<i32>} : memref<100x128xf32, #tpu.memory_space<vmem>>, vector<1x16xf32>,
        %swap3A_928 = vector.shape_cast %swap3A_927 : vector<1x16xf32> to vector<16xf32>
        %swap3A_929 = vector.shape_cast %add3A_924 : vector<16xf32> to vector<1x16xf32>
        tpu.vector_store %arg20[%swap3A_925, %swap3A_926], %swap3A_929 {strides = array<i32>} : memref<100x128xf32, #tpu.memory_space<vmem>>, vector<1x16xf32>,
        %get3A_930 = arith.index_cast %add3A_857 : i32 to index
        %get3A_931 = arith.constant 48 : index
        %get3A_932 = tpu.vector_load %arg16[%get3A_930, %get3A_931] {strides = array<i32>} : memref<200x64xf32, #tpu.memory_space<vmem>>, vector<1x16xf32>,
        %get3A_933 = vector.shape_cast %get3A_932 : vector<1x16xf32> to vector<16xf32>
        %get3A_934 = arith.index_cast %add3A_857 : i32 to index
        %get3A_935 = arith.constant 48 : index
        %get3A_936 = tpu.vector_load %arg17[%get3A_934, %get3A_935] {strides = array<i32>} : memref<200x64xf32, #tpu.memory_space<vmem>>, vector<1x16xf32>,
        %get3A_937 = vector.shape_cast %get3A_936 : vector<1x16xf32> to vector<16xf32>
        %add3A_938 = arith.addf %get3A_933, %get3A_937 : vector<16xf32>
        %get3A_939 = arith.index_cast %add3A_857 : i32 to index
        %get3A_940 = arith.constant 48 : index
        %get3A_941 = tpu.vector_load %arg18[%get3A_939, %get3A_940] {strides = array<i32>} : memref<200x64xf32, #tpu.memory_space<vmem>>, vector<1x16xf32>,
        %get3A_942 = vector.shape_cast %get3A_941 : vector<1x16xf32> to vector<16xf32>
        %add3A_943 = arith.addf %add3A_938, %get3A_942 : vector<16xf32>
        %get3A_944 = arith.index_cast %add3A_857 : i32 to index
        %get3A_945 = arith.constant 48 : index
        %get3A_946 = tpu.vector_load %arg19[%get3A_944, %get3A_945] {strides = array<i32>} : memref<200x64xf32, #tpu.memory_space<vmem>>, vector<1x16xf32>,
        %get3A_947 = vector.shape_cast %get3A_946 : vector<1x16xf32> to vector<16xf32>
        %add3A_948 = arith.addf %add3A_943, %get3A_947 : vector<16xf32>
        %swap3A_949 = arith.index_cast %scan3A_754 : i32 to index
        %swap3A_950 = arith.constant 112 : index
        %swap3A_951 = tpu.vector_load %arg20[%swap3A_949, %swap3A_950] {strides = array<i32>} : memref<100x128xf32, #tpu.memory_space<vmem>>, vector<1x16xf32>,
        %swap3A_952 = vector.shape_cast %swap3A_951 : vector<1x16xf32> to vector<16xf32>
        %swap3A_953 = vector.shape_cast %add3A_948 : vector<16xf32> to vector<1x16xf32>
        tpu.vector_store %arg20[%swap3A_949, %swap3A_950], %swap3A_953 {strides = array<i32>} : memref<100x128xf32, #tpu.memory_space<vmem>>, vector<1x16xf32>,
        %scan3A_954 = arith.constant 0 : i32
        scf.yield %scan3A_954 : i32
      }
      %scan3A_515 = arith.constant 100 : i32
      %mul3A_516 = arith.constant 200 : i32
      %mul3A_517 = arith.muli %add3A_344, %mul3A_516 : i32
      %add3A_518 = arith.addi %mul3A_4, %mul3A_517 : i32
      %jit3A_519 = arith.constant 2 : i32
      %div3A_520 = arith.divsi %add3A_518, %jit3A_519 : i32
      %sign3A_521 = arith.constant 0 : i32
      %sign3A_522 = arith.cmpi sgt, %add3A_518, %sign3A_521 : i32
      %sign3A_523 = arith.extui %sign3A_522 : i1 to i32
      %sign3A_524 = arith.constant 0 : i32
      %sign3A_525 = arith.cmpi slt, %add3A_518, %sign3A_524 : i32
      %sign3A_526 = arith.extui %sign3A_525 : i1 to i32
      %sign3A_527 = arith.subi %sign3A_523, %sign3A_526 : i32
      %sign3A_528 = arith.constant 0 : i32
      %sign3A_529 = arith.cmpi sgt, %jit3A_519, %sign3A_528 : i32
      %sign3A_530 = arith.extui %sign3A_529 : i1 to i32
      %sign3A_531 = arith.constant 0 : i32
      %sign3A_532 = arith.cmpi slt, %jit3A_519, %sign3A_531 : i32
      %sign3A_533 = arith.extui %sign3A_532 : i1 to i32
      %sign3A_534 = arith.subi %sign3A_530, %sign3A_533 : i32
      %ne3A_535 = arith.cmpi ne, %sign3A_527, %sign3A_534 : i32
      %rem3A_536 = arith.remsi %add3A_518, %jit3A_519 : i32
      %ne3A_537 = arith.constant 0 : i32
      %ne3A_538 = arith.cmpi ne, %rem3A_536, %ne3A_537 : i32
      %and3A_539 = arith.andi %ne3A_535, %ne3A_538 : i1
      %sub3A_540 = arith.constant 1 : i32
      %sub3A_541 = arith.subi %div3A_520, %sub3A_540 : i32
      %select_n3A_542 = arith.select %and3A_539, %sub3A_541, %div3A_520 : i32
      %dma_start3A_543 = arith.constant 0 : i32
      %dma_start3A_544 = tpu.memref_slice %arg9[%select_n3A_542, %dma_start3A_543] : memref<102400x128xf32, #tpu.memory_space<hbm>> -> memref<100x128xf32, #tpu.memory_space<hbm>>
      %dma_start3A_545 = arith.constant 0 : i32
      %dma_start3A_546 = tpu.memref_slice %arg9[%select_n3A_542, %dma_start3A_545] : memref<102400x128xf32, #tpu.memory_space<hbm>> -> memref<100x128xf32, #tpu.memory_space<hbm>>
      tpu.enqueue_dma source(%arg20 : memref<100x128xf32, #tpu.memory_space<vmem>>) target(%dma_start3A_546 : memref<100x128xf32, #tpu.memory_space<hbm>>) target_semaphore(%arg24 : memref<!tpu.dma_semaphore, #tpu.memory_space<semaphore_mem>>)
      %mul3A_547 = arith.constant 2 : i32
      %mul3A_548 = arith.muli %mul3A_547, %scan3A_339 : i32
      %add3A_549 = arith.constant 2 : i32
      %add3A_550 = arith.addi %mul3A_548, %add3A_549 : i32
      %add3A_551 = arith.constant 1 : i32
      %add3A_552 = arith.addi %add3A_550, %add3A_551 : i32
      %mul3A_553 = arith.constant 200 : i32
      %mul3A_554 = arith.muli %add3A_552, %mul3A_553 : i32
      %add3A_555 = arith.constant 0 : i32
      %add3A_556 = arith.addi %mul3A_554, %add3A_555 : i32
      %mul3A_557 = arith.constant 200 : i32
      %mul3A_558 = arith.muli %add3A_552, %mul3A_557 : i32
      %add3A_559 = arith.constant 104 : i32
      %add3A_560 = arith.addi %mul3A_558, %add3A_559 : i32
      %mul3A_561 = arith.constant 200 : i32
      %mul3A_562 = arith.muli %add3A_552, %mul3A_561 : i32
      %add3A_563 = arith.constant 0 : i32
      %add3A_564 = arith.addi %mul3A_562, %add3A_563 : i32
      %mul3A_565 = arith.constant 200 : i32
      %mul3A_566 = arith.muli %add3A_552, %mul3A_565 : i32
      %add3A_567 = arith.constant 104 : i32
      %add3A_568 = arith.addi %mul3A_566, %add3A_567 : i32
      %mul3A_569 = arith.constant 200 : i32
      %mul3A_570 = arith.muli %add3A_552, %mul3A_569 : i32
      %add3A_571 = arith.constant 0 : i32
      %add3A_572 = arith.addi %mul3A_570, %add3A_571 : i32
      %mul3A_573 = arith.constant 200 : i32
      %mul3A_574 = arith.muli %add3A_552, %mul3A_573 : i32
      %add3A_575 = arith.constant 104 : i32
      %add3A_576 = arith.addi %mul3A_574, %add3A_575 : i32
      %dma_start3A_577 = arith.constant 0 : i32
      %dma_start3A_578 = arith.constant 0 : i32
      %dma_start3A_579 = tpu.memref_slice %arg16[%dma_start3A_577, %dma_start3A_578] : memref<200x64xf32, #tpu.memory_space<vmem>> -> memref<104x64xf32, #tpu.memory_space<vmem>>
      %dma_start3A_580 = tpu.memref_slice %arg10[%add3A_556] : memref<6400xi32, #tpu.memory_space<vmem>> -> memref<104xi32, #tpu.memory_space<vmem>>
      %dma_start3A_581 = arith.constant 0 : i32
      %dma_start3A_582 = arith.constant 0 : i32
      %dma_start3A_583 = tpu.memref_slice %arg5[%dma_start3A_581, %dma_start3A_582] : memref<100000x64xf32, #tpu.memory_space<hbm>> -> memref<100000x64xf32, #tpu.memory_space<hbm>>
      tpu.enqueue_indirect_dma source(%dma_start3A_583 : memref<100000x64xf32, #tpu.memory_space<hbm>>) target(%dma_start3A_579 : memref<104x64xf32, #tpu.memory_space<vmem>>) offsets(%dma_start3A_580 : memref<104xi32, #tpu.memory_space<vmem>>) semaphore(%arg23 : memref<!tpu.dma_semaphore, #tpu.memory_space<semaphore_mem>>)
      %dma_start3A_584 = arith.constant 104 : i32
      %dma_start3A_585 = arith.constant 0 : i32
      %dma_start3A_586 = tpu.memref_slice %arg16[%dma_start3A_584, %dma_start3A_585] : memref<200x64xf32, #tpu.memory_space<vmem>> -> memref<96x64xf32, #tpu.memory_space<vmem>>
      %dma_start3A_587 = tpu.memref_slice %arg10[%add3A_560] : memref<6400xi32, #tpu.memory_space<vmem>> -> memref<96xi32, #tpu.memory_space<vmem>>
      %dma_start3A_588 = arith.constant 0 : i32
      %dma_start3A_589 = arith.constant 0 : i32
      %dma_start3A_590 = tpu.memref_slice %arg5[%dma_start3A_588, %dma_start3A_589] : memref<100000x64xf32, #tpu.memory_space<hbm>> -> memref<100000x64xf32, #tpu.memory_space<hbm>>
      tpu.enqueue_indirect_dma source(%dma_start3A_590 : memref<100000x64xf32, #tpu.memory_space<hbm>>) target(%dma_start3A_586 : memref<96x64xf32, #tpu.memory_space<vmem>>) offsets(%dma_start3A_587 : memref<96xi32, #tpu.memory_space<vmem>>) semaphore(%arg23 : memref<!tpu.dma_semaphore, #tpu.memory_space<semaphore_mem>>)
      %dma_start3A_591 = arith.constant 0 : i32
      %dma_start3A_592 = arith.constant 0 : i32
      %dma_start3A_593 = tpu.memref_slice %arg17[%dma_start3A_591, %dma_start3A_592] : memref<200x64xf32, #tpu.memory_space<vmem>> -> memref<104x64xf32, #tpu.memory_space<vmem>>
      %dma_start3A_594 = tpu.memref_slice %arg11[%add3A_564] : memref<6400xi32, #tpu.memory_space<vmem>> -> memref<104xi32, #tpu.memory_space<vmem>>
      %dma_start3A_595 = arith.constant 0 : i32
      %dma_start3A_596 = arith.constant 0 : i32
      %dma_start3A_597 = tpu.memref_slice %arg6[%dma_start3A_595, %dma_start3A_596] : memref<100000x64xf32, #tpu.memory_space<hbm>> -> memref<100000x64xf32, #tpu.memory_space<hbm>>
      tpu.enqueue_indirect_dma source(%dma_start3A_597 : memref<100000x64xf32, #tpu.memory_space<hbm>>) target(%dma_start3A_593 : memref<104x64xf32, #tpu.memory_space<vmem>>) offsets(%dma_start3A_594 : memref<104xi32, #tpu.memory_space<vmem>>) semaphore(%arg23 : memref<!tpu.dma_semaphore, #tpu.memory_space<semaphore_mem>>)
      %dma_start3A_598 = arith.constant 104 : i32
      %dma_start3A_599 = arith.constant 0 : i32
      %dma_start3A_600 = tpu.memref_slice %arg17[%dma_start3A_598, %dma_start3A_599] : memref<200x64xf32, #tpu.memory_space<vmem>> -> memref<96x64xf32, #tpu.memory_space<vmem>>
      %dma_start3A_601 = tpu.memref_slice %arg11[%add3A_568] : memref<6400xi32, #tpu.memory_space<vmem>> -> memref<96xi32, #tpu.memory_space<vmem>>
      %dma_start3A_602 = arith.constant 0 : i32
      %dma_start3A_603 = arith.constant 0 : i32
      %dma_start3A_604 = tpu.memref_slice %arg6[%dma_start3A_602, %dma_start3A_603] : memref<100000x64xf32, #tpu.memory_space<hbm>> -> memref<100000x64xf32, #tpu.memory_space<hbm>>
      tpu.enqueue_indirect_dma source(%dma_start3A_604 : memref<100000x64xf32, #tpu.memory_space<hbm>>) target(%dma_start3A_600 : memref<96x64xf32, #tpu.memory_space<vmem>>) offsets(%dma_start3A_601 : memref<96xi32, #tpu.memory_space<vmem>>) semaphore(%arg23 : memref<!tpu.dma_semaphore, #tpu.memory_space<semaphore_mem>>)
      %dma_start3A_605 = arith.constant 0 : i32
      %dma_start3A_606 = arith.constant 0 : i32
      %dma_start3A_607 = tpu.memref_slice %arg18[%dma_start3A_605, %dma_start3A_606] : memref<200x64xf32, #tpu.memory_space<vmem>> -> memref<104x64xf32, #tpu.memory_space<vmem>>
      %dma_start3A_608 = tpu.memref_slice %arg12[%add3A_572] : memref<6400xi32, #tpu.memory_space<vmem>> -> memref<104xi32, #tpu.memory_space<vmem>>
      %dma_start3A_609 = arith.constant 0 : i32
      %dma_start3A_610 = arith.constant 0 : i32
      %dma_start3A_611 = tpu.memref_slice %arg7[%dma_start3A_609, %dma_start3A_610] : memref<100000x64xf32, #tpu.memory_space<hbm>> -> memref<100000x64xf32, #tpu.memory_space<hbm>>
      tpu.enqueue_indirect_dma source(%dma_start3A_611 : memref<100000x64xf32, #tpu.memory_space<hbm>>) target(%dma_start3A_607 : memref<104x64xf32, #tpu.memory_space<vmem>>) offsets(%dma_start3A_608 : memref<104xi32, #tpu.memory_space<vmem>>) semaphore(%arg23 : memref<!tpu.dma_semaphore, #tpu.memory_space<semaphore_mem>>)
      %dma_start3A_612 = arith.constant 104 : i32
      %dma_start3A_613 = arith.constant 0 : i32
      %dma_start3A_614 = tpu.memref_slice %arg18[%dma_start3A_612, %dma_start3A_613] : memref<200x64xf32, #tpu.memory_space<vmem>> -> memref<96x64xf32, #tpu.memory_space<vmem>>
      %dma_start3A_615 = tpu.memref_slice %arg12[%add3A_576] : memref<6400xi32, #tpu.memory_space<vmem>> -> memref<96xi32, #tpu.memory_space<vmem>>
      %dma_start3A_616 = arith.constant 0 : i32
      %dma_start3A_617 = arith.constant 0 : i32
      %dma_start3A_618 = tpu.memref_slice %arg7[%dma_start3A_616, %dma_start3A_617] : memref<100000x64xf32, #tpu.memory_space<hbm>> -> memref<100000x64xf32, #tpu.memory_space<hbm>>
      tpu.enqueue_indirect_dma source(%dma_start3A_618 : memref<100000x64xf32, #tpu.memory_space<hbm>>) target(%dma_start3A_614 : memref<96x64xf32, #tpu.memory_space<vmem>>) offsets(%dma_start3A_615 : memref<96xi32, #tpu.memory_space<vmem>>) semaphore(%arg23 : memref<!tpu.dma_semaphore, #tpu.memory_space<semaphore_mem>>)
      %mul3A_619 = arith.constant 200 : i32
      %mul3A_620 = arith.muli %add3A_550, %mul3A_619 : i32
      %add3A_621 = arith.constant 0 : i32
      %add3A_622 = arith.addi %mul3A_620, %add3A_621 : i32
      %mul3A_623 = arith.constant 200 : i32
      %mul3A_624 = arith.muli %add3A_550, %mul3A_623 : i32
      %add3A_625 = arith.constant 104 : i32
      %add3A_626 = arith.addi %mul3A_624, %add3A_625 : i32
      %mul3A_627 = arith.constant 200 : i32
      %mul3A_628 = arith.muli %add3A_550, %mul3A_627 : i32
      %add3A_629 = arith.constant 0 : i32
      %add3A_630 = arith.addi %mul3A_628, %add3A_629 : i32
      %mul3A_631 = arith.constant 200 : i32
      %mul3A_632 = arith.muli %add3A_550, %mul3A_631 : i32
      %add3A_633 = arith.constant 104 : i32
      %add3A_634 = arith.addi %mul3A_632, %add3A_633 : i32
      %mul3A_635 = arith.constant 200 : i32
      %mul3A_636 = arith.muli %add3A_550, %mul3A_635 : i32
      %add3A_637 = arith.constant 0 : i32
      %add3A_638 = arith.addi %mul3A_636, %add3A_637 : i32
      %mul3A_639 = arith.constant 200 : i32
      %mul3A_640 = arith.muli %add3A_550, %mul3A_639 : i32
      %add3A_641 = arith.constant 104 : i32
      %add3A_642 = arith.addi %mul3A_640, %add3A_641 : i32
      %dma_wait3A_643 = arith.constant 0 : i32
      %dma_wait3A_644 = arith.constant 0 : i32
      %dma_wait3A_645 = tpu.memref_slice %arg13[%dma_wait3A_643, %dma_wait3A_644] : memref<200x64xf32, #tpu.memory_space<vmem>> -> memref<104x64xf32, #tpu.memory_space<vmem>>
      %dma_wait3A_646 = tpu.memref_slice %arg10[%add3A_622] : memref<6400xi32, #tpu.memory_space<vmem>> -> memref<104xi32, #tpu.memory_space<vmem>>
      %dma_wait3A_647 = arith.constant 0 : i32
      %dma_wait3A_648 = arith.constant 0 : i32
      %dma_wait3A_649 = tpu.memref_slice %arg5[%dma_wait3A_647, %dma_wait3A_648] : memref<100000x64xf32, #tpu.memory_space<hbm>> -> memref<100000x64xf32, #tpu.memory_space<hbm>>
      tpu.wait_indirect_dma semaphore(%arg22 : memref<!tpu.dma_semaphore, #tpu.memory_space<semaphore_mem>>) src(%dma_wait3A_649 : memref<100000x64xf32, #tpu.memory_space<hbm>>) dst(%dma_wait3A_645 : memref<104x64xf32, #tpu.memory_space<vmem>>)
      %dma_wait3A_650 = arith.constant 104 : i32
      %dma_wait3A_651 = arith.constant 0 : i32
      %dma_wait3A_652 = tpu.memref_slice %arg13[%dma_wait3A_650, %dma_wait3A_651] : memref<200x64xf32, #tpu.memory_space<vmem>> -> memref<96x64xf32, #tpu.memory_space<vmem>>
      %dma_wait3A_653 = tpu.memref_slice %arg10[%add3A_626] : memref<6400xi32, #tpu.memory_space<vmem>> -> memref<96xi32, #tpu.memory_space<vmem>>
      %dma_wait3A_654 = arith.constant 0 : i32
      %dma_wait3A_655 = arith.constant 0 : i32
      %dma_wait3A_656 = tpu.memref_slice %arg5[%dma_wait3A_654, %dma_wait3A_655] : memref<100000x64xf32, #tpu.memory_space<hbm>> -> memref<100000x64xf32, #tpu.memory_space<hbm>>
      tpu.wait_indirect_dma semaphore(%arg22 : memref<!tpu.dma_semaphore, #tpu.memory_space<semaphore_mem>>) src(%dma_wait3A_656 : memref<100000x64xf32, #tpu.memory_space<hbm>>) dst(%dma_wait3A_652 : memref<96x64xf32, #tpu.memory_space<vmem>>)
      %dma_wait3A_657 = arith.constant 0 : i32
      %dma_wait3A_658 = arith.constant 0 : i32
      %dma_wait3A_659 = tpu.memref_slice %arg14[%dma_wait3A_657, %dma_wait3A_658] : memref<200x64xf32, #tpu.memory_space<vmem>> -> memref<104x64xf32, #tpu.memory_space<vmem>>
      %dma_wait3A_660 = tpu.memref_slice %arg11[%add3A_630] : memref<6400xi32, #tpu.memory_space<vmem>> -> memref<104xi32, #tpu.memory_space<vmem>>
      %dma_wait3A_661 = arith.constant 0 : i32
      %dma_wait3A_662 = arith.constant 0 : i32
      %dma_wait3A_663 = tpu.memref_slice %arg6[%dma_wait3A_661, %dma_wait3A_662] : memref<100000x64xf32, #tpu.memory_space<hbm>> -> memref<100000x64xf32, #tpu.memory_space<hbm>>
      tpu.wait_indirect_dma semaphore(%arg22 : memref<!tpu.dma_semaphore, #tpu.memory_space<semaphore_mem>>) src(%dma_wait3A_663 : memref<100000x64xf32, #tpu.memory_space<hbm>>) dst(%dma_wait3A_659 : memref<104x64xf32, #tpu.memory_space<vmem>>)
      %dma_wait3A_664 = arith.constant 104 : i32
      %dma_wait3A_665 = arith.constant 0 : i32
      %dma_wait3A_666 = tpu.memref_slice %arg14[%dma_wait3A_664, %dma_wait3A_665] : memref<200x64xf32, #tpu.memory_space<vmem>> -> memref<96x64xf32, #tpu.memory_space<vmem>>
      %dma_wait3A_667 = tpu.memref_slice %arg11[%add3A_634] : memref<6400xi32, #tpu.memory_space<vmem>> -> memref<96xi32, #tpu.memory_space<vmem>>
      %dma_wait3A_668 = arith.constant 0 : i32
      %dma_wait3A_669 = arith.constant 0 : i32
      %dma_wait3A_670 = tpu.memref_slice %arg6[%dma_wait3A_668, %dma_wait3A_669] : memref<100000x64xf32, #tpu.memory_space<hbm>> -> memref<100000x64xf32, #tpu.memory_space<hbm>>
      tpu.wait_indirect_dma semaphore(%arg22 : memref<!tpu.dma_semaphore, #tpu.memory_space<semaphore_mem>>) src(%dma_wait3A_670 : memref<100000x64xf32, #tpu.memory_space<hbm>>) dst(%dma_wait3A_666 : memref<96x64xf32, #tpu.memory_space<vmem>>)
      %dma_wait3A_671 = arith.constant 0 : i32
      %dma_wait3A_672 = arith.constant 0 : i32
      %dma_wait3A_673 = tpu.memref_slice %arg15[%dma_wait3A_671, %dma_wait3A_672] : memref<200x64xf32, #tpu.memory_space<vmem>> -> memref<104x64xf32, #tpu.memory_space<vmem>>
      %dma_wait3A_674 = tpu.memref_slice %arg12[%add3A_638] : memref<6400xi32, #tpu.memory_space<vmem>> -> memref<104xi32, #tpu.memory_space<vmem>>
      %dma_wait3A_675 = arith.constant 0 : i32
      %dma_wait3A_676 = arith.constant 0 : i32
      %dma_wait3A_677 = tpu.memref_slice %arg7[%dma_wait3A_675, %dma_wait3A_676] : memref<100000x64xf32, #tpu.memory_space<hbm>> -> memref<100000x64xf32, #tpu.memory_space<hbm>>
      tpu.wait_indirect_dma semaphore(%arg22 : memref<!tpu.dma_semaphore, #tpu.memory_space<semaphore_mem>>) src(%dma_wait3A_677 : memref<100000x64xf32, #tpu.memory_space<hbm>>) dst(%dma_wait3A_673 : memref<104x64xf32, #tpu.memory_space<vmem>>)
      %dma_wait3A_678 = arith.constant 104 : i32
      %dma_wait3A_679 = arith.constant 0 : i32
      %dma_wait3A_680 = tpu.memref_slice %arg15[%dma_wait3A_678, %dma_wait3A_679] : memref<200x64xf32, #tpu.memory_space<vmem>> -> memref<96x64xf32, #tpu.memory_space<vmem>>
      %dma_wait3A_681 = tpu.memref_slice %arg12[%add3A_642] : memref<6400xi32, #tpu.memory_space<vmem>> -> memref<96xi32, #tpu.memory_space<vmem>>
      %dma_wait3A_682 = arith.constant 0 : i32
      %dma_wait3A_683 = arith.constant 0 : i32
      %dma_wait3A_684 = tpu.memref_slice %arg7[%dma_wait3A_682, %dma_wait3A_683] : memref<100000x64xf32, #tpu.memory_space<hbm>> -> memref<100000x64xf32, #tpu.memory_space<hbm>>
      tpu.wait_indirect_dma semaphore(%arg22 : memref<!tpu.dma_semaphore, #tpu.memory_space<semaphore_mem>>) src(%dma_wait3A_684 : memref<100000x64xf32, #tpu.memory_space<hbm>>) dst(%dma_wait3A_680 : memref<96x64xf32, #tpu.memory_space<vmem>>)
      %add3A_685 = arith.constant 0 : i32
      %add3A_686 = arith.addi %mul3A_4, %add3A_685 : i32
      %jit3A_687 = arith.constant 2 : i32
      %div3A_688 = arith.divsi %add3A_686, %jit3A_687 : i32
      %sign3A_689 = arith.constant 0 : i32
      %sign3A_690 = arith.cmpi sgt, %add3A_686, %sign3A_689 : i32
      %sign3A_691 = arith.extui %sign3A_690 : i1 to i32
      %sign3A_692 = arith.constant 0 : i32
      %sign3A_693 = arith.cmpi slt, %add3A_686, %sign3A_692 : i32
      %sign3A_694 = arith.extui %sign3A_693 : i1 to i32
      %sign3A_695 = arith.subi %sign3A_691, %sign3A_694 : i32
      %sign3A_696 = arith.constant 0 : i32
      %sign3A_697 = arith.cmpi sgt, %jit3A_687, %sign3A_696 : i32
      %sign3A_698 = arith.extui %sign3A_697 : i1 to i32
      %sign3A_699 = arith.constant 0 : i32
      %sign3A_700 = arith.cmpi slt, %jit3A_687, %sign3A_699 : i32
      %sign3A_701 = arith.extui %sign3A_700 : i1 to i32
      %sign3A_702 = arith.subi %sign3A_698, %sign3A_701 : i32
      %ne3A_703 = arith.cmpi ne, %sign3A_695, %sign3A_702 : i32
      %rem3A_704 = arith.remsi %add3A_686, %jit3A_687 : i32
      %ne3A_705 = arith.constant 0 : i32
      %ne3A_706 = arith.cmpi ne, %rem3A_704, %ne3A_705 : i32
      %and3A_707 = arith.andi %ne3A_703, %ne3A_706 : i1
      %sub3A_708 = arith.constant 1 : i32
      %sub3A_709 = arith.subi %div3A_688, %sub3A_708 : i32
      %select_n3A_710 = arith.select %and3A_707, %sub3A_709, %div3A_688 : i32
      %dma_wait3A_711 = arith.constant 0 : i32
      %dma_wait3A_712 = tpu.memref_slice %arg9[%select_n3A_710, %dma_wait3A_711] : memref<102400x128xf32, #tpu.memory_space<hbm>> -> memref<100x128xf32, #tpu.memory_space<hbm>>
      %dma_wait3A_713 = arith.constant 0 : i32
      %dma_wait3A_714 = tpu.memref_slice %arg9[%select_n3A_710, %dma_wait3A_713] : memref<102400x128xf32, #tpu.memory_space<hbm>> -> memref<100x128xf32, #tpu.memory_space<hbm>>
      tpu.wait_dma2 semaphore(%arg24 : memref<!tpu.dma_semaphore, #tpu.memory_space<semaphore_mem>>) src(%arg20 : memref<100x128xf32, #tpu.memory_space<vmem>>) dst(%dma_wait3A_714 : memref<100x128xf32, #tpu.memory_space<hbm>>)
      %scan3A_715 = arith.constant 0 : i32
      %scan3A_716 = arith.constant 0 : i32
      %scan3A_717 = arith.constant 100 : i32
      %scan3A_718 = arith.addi %scan3A_716, %scan3A_717 : i32
      %scan3A_719 = arith.constant 1 : i32
      %scan3A_720 = scf.for %scan3A_754 = %scan3A_716 to %scan3A_718 step %scan3A_719 iter_args(%scan3A_755 = %scan3A_715) -> (i32)  : i32 {
        %mul3A_756 = arith.constant 2 : i32
        %mul3A_757 = arith.muli %mul3A_756, %scan3A_754 : i32
        %add3A_758 = arith.constant 0 : i32
        %add3A_759 = arith.addi %mul3A_757, %add3A_758 : i32
        %get3A = arith.index_cast %add3A_759 : i32 to index
        %get3A_760 = arith.constant 0 : index
        %get3A_761 = tpu.vector_load %arg13[%get3A, %get3A_760] {strides = array<i32>} : memref<200x64xf32, #tpu.memory_space<vmem>>, vector<1x16xf32>,
        %get3A_762 = vector.shape_cast %get3A_761 : vector<1x16xf32> to vector<16xf32>
        %get3A_763 = arith.index_cast %add3A_759 : i32 to index
        %get3A_764 = arith.constant 0 : index
        %get3A_765 = tpu.vector_load %arg14[%get3A_763, %get3A_764] {strides = array<i32>} : memref<200x64xf32, #tpu.memory_space<vmem>>, vector<1x16xf32>,
        %get3A_766 = vector.shape_cast %get3A_765 : vector<1x16xf32> to vector<16xf32>
        %add3A_767 = arith.addf %get3A_762, %get3A_766 : vector<16xf32>
        %get3A_768 = arith.index_cast %add3A_759 : i32 to index
        %get3A_769 = arith.constant 0 : index
        %get3A_770 = tpu.vector_load %arg15[%get3A_768, %get3A_769] {strides = array<i32>} : memref<200x64xf32, #tpu.memory_space<vmem>>, vector<1x16xf32>,
        %get3A_771 = vector.shape_cast %get3A_770 : vector<1x16xf32> to vector<16xf32>
        %add3A_772 = arith.addf %add3A_767, %get3A_771 : vector<16xf32>
        %get3A_773 = arith.index_cast %add3A_759 : i32 to index
        %get3A_774 = arith.constant 0 : index
        %get3A_775 = tpu.vector_load %arg19[%get3A_773, %get3A_774] {strides = array<i32>} : memref<200x64xf32, #tpu.memory_space<vmem>>, vector<1x16xf32>,
        %get3A_776 = vector.shape_cast %get3A_775 : vector<1x16xf32> to vector<16xf32>
        %add3A_777 = arith.addf %add3A_772, %get3A_776 : vector<16xf32>
        %swap3A = arith.index_cast %scan3A_754 : i32 to index
        %swap3A_778 = arith.constant 0 : index
        %swap3A_779 = tpu.vector_load %arg20[%swap3A, %swap3A_778] {strides = array<i32>} : memref<100x128xf32, #tpu.memory_space<vmem>>, vector<1x16xf32>,
        %swap3A_780 = vector.shape_cast %swap3A_779 : vector<1x16xf32> to vector<16xf32>
        %swap3A_781 = vector.shape_cast %add3A_777 : vector<16xf32> to vector<1x16xf32>
        tpu.vector_store %arg20[%swap3A, %swap3A_778], %swap3A_781 {strides = array<i32>} : memref<100x128xf32, #tpu.memory_space<vmem>>, vector<1x16xf32>,
        %get3A_782 = arith.index_cast %add3A_759 : i32 to index
        %get3A_783 = arith.constant 16 : index
        %get3A_784 = tpu.vector_load %arg13[%get3A_782, %get3A_783] {strides = array<i32>} : memref<200x64xf32, #tpu.memory_space<vmem>>, vector<1x16xf32>,
        %get3A_785 = vector.shape_cast %get3A_784 : vector<1x16xf32> to vector<16xf32>
        %get3A_786 = arith.index_cast %add3A_759 : i32 to index
        %get3A_787 = arith.constant 16 : index
        %get3A_788 = tpu.vector_load %arg14[%get3A_786, %get3A_787] {strides = array<i32>} : memref<200x64xf32, #tpu.memory_space<vmem>>, vector<1x16xf32>,
        %get3A_789 = vector.shape_cast %get3A_788 : vector<1x16xf32> to vector<16xf32>
        %add3A_790 = arith.addf %get3A_785, %get3A_789 : vector<16xf32>
        %get3A_791 = arith.index_cast %add3A_759 : i32 to index
        %get3A_792 = arith.constant 16 : index
        %get3A_793 = tpu.vector_load %arg15[%get3A_791, %get3A_792] {strides = array<i32>} : memref<200x64xf32, #tpu.memory_space<vmem>>, vector<1x16xf32>,
        %get3A_794 = vector.shape_cast %get3A_793 : vector<1x16xf32> to vector<16xf32>
        %add3A_795 = arith.addf %add3A_790, %get3A_794 : vector<16xf32>
        %get3A_796 = arith.index_cast %add3A_759 : i32 to index
        %get3A_797 = arith.constant 16 : index
        %get3A_798 = tpu.vector_load %arg19[%get3A_796, %get3A_797] {strides = array<i32>} : memref<200x64xf32, #tpu.memory_space<vmem>>, vector<1x16xf32>,
        %get3A_799 = vector.shape_cast %get3A_798 : vector<1x16xf32> to vector<16xf32>
        %add3A_800 = arith.addf %add3A_795, %get3A_799 : vector<16xf32>
        %swap3A_801 = arith.index_cast %scan3A_754 : i32 to index
        %swap3A_802 = arith.constant 16 : index
        %swap3A_803 = tpu.vector_load %arg20[%swap3A_801, %swap3A_802] {strides = array<i32>} : memref<100x128xf32, #tpu.memory_space<vmem>>, vector<1x16xf32>,
        %swap3A_804 = vector.shape_cast %swap3A_803 : vector<1x16xf32> to vector<16xf32>
        %swap3A_805 = vector.shape_cast %add3A_800 : vector<16xf32> to vector<1x16xf32>
        tpu.vector_store %arg20[%swap3A_801, %swap3A_802], %swap3A_805 {strides = array<i32>} : memref<100x128xf32, #tpu.memory_space<vmem>>, vector<1x16xf32>,
        %get3A_806 = arith.index_cast %add3A_759 : i32 to index
        %get3A_807 = arith.constant 32 : index
        %get3A_808 = tpu.vector_load %arg13[%get3A_806, %get3A_807] {strides = array<i32>} : memref<200x64xf32, #tpu.memory_space<vmem>>, vector<1x16xf32>,
        %get3A_809 = vector.shape_cast %get3A_808 : vector<1x16xf32> to vector<16xf32>
        %get3A_810 = arith.index_cast %add3A_759 : i32 to index
        %get3A_811 = arith.constant 32 : index
        %get3A_812 = tpu.vector_load %arg14[%get3A_810, %get3A_811] {strides = array<i32>} : memref<200x64xf32, #tpu.memory_space<vmem>>, vector<1x16xf32>,
        %get3A_813 = vector.shape_cast %get3A_812 : vector<1x16xf32> to vector<16xf32>
        %add3A_814 = arith.addf %get3A_809, %get3A_813 : vector<16xf32>
        %get3A_815 = arith.index_cast %add3A_759 : i32 to index
        %get3A_816 = arith.constant 32 : index
        %get3A_817 = tpu.vector_load %arg15[%get3A_815, %get3A_816] {strides = array<i32>} : memref<200x64xf32, #tpu.memory_space<vmem>>, vector<1x16xf32>,
        %get3A_818 = vector.shape_cast %get3A_817 : vector<1x16xf32> to vector<16xf32>
        %add3A_819 = arith.addf %add3A_814, %get3A_818 : vector<16xf32>
        %get3A_820 = arith.index_cast %add3A_759 : i32 to index
        %get3A_821 = arith.constant 32 : index
        %get3A_822 = tpu.vector_load %arg19[%get3A_820, %get3A_821] {strides = array<i32>} : memref<200x64xf32, #tpu.memory_space<vmem>>, vector<1x16xf32>,
        %get3A_823 = vector.shape_cast %get3A_822 : vector<1x16xf32> to vector<16xf32>
        %add3A_824 = arith.addf %add3A_819, %get3A_823 : vector<16xf32>
        %swap3A_825 = arith.index_cast %scan3A_754 : i32 to index
        %swap3A_826 = arith.constant 32 : index
        %swap3A_827 = tpu.vector_load %arg20[%swap3A_825, %swap3A_826] {strides = array<i32>} : memref<100x128xf32, #tpu.memory_space<vmem>>, vector<1x16xf32>,
        %swap3A_828 = vector.shape_cast %swap3A_827 : vector<1x16xf32> to vector<16xf32>
        %swap3A_829 = vector.shape_cast %add3A_824 : vector<16xf32> to vector<1x16xf32>
        tpu.vector_store %arg20[%swap3A_825, %swap3A_826], %swap3A_829 {strides = array<i32>} : memref<100x128xf32, #tpu.memory_space<vmem>>, vector<1x16xf32>,
        %get3A_830 = arith.index_cast %add3A_759 : i32 to index
        %get3A_831 = arith.constant 48 : index
        %get3A_832 = tpu.vector_load %arg13[%get3A_830, %get3A_831] {strides = array<i32>} : memref<200x64xf32, #tpu.memory_space<vmem>>, vector<1x16xf32>,
        %get3A_833 = vector.shape_cast %get3A_832 : vector<1x16xf32> to vector<16xf32>
        %get3A_834 = arith.index_cast %add3A_759 : i32 to index
        %get3A_835 = arith.constant 48 : index
        %get3A_836 = tpu.vector_load %arg14[%get3A_834, %get3A_835] {strides = array<i32>} : memref<200x64xf32, #tpu.memory_space<vmem>>, vector<1x16xf32>,
        %get3A_837 = vector.shape_cast %get3A_836 : vector<1x16xf32> to vector<16xf32>
        %add3A_838 = arith.addf %get3A_833, %get3A_837 : vector<16xf32>
        %get3A_839 = arith.index_cast %add3A_759 : i32 to index
        %get3A_840 = arith.constant 48 : index
        %get3A_841 = tpu.vector_load %arg15[%get3A_839, %get3A_840] {strides = array<i32>} : memref<200x64xf32, #tpu.memory_space<vmem>>, vector<1x16xf32>,
        %get3A_842 = vector.shape_cast %get3A_841 : vector<1x16xf32> to vector<16xf32>
        %add3A_843 = arith.addf %add3A_838, %get3A_842 : vector<16xf32>
        %get3A_844 = arith.index_cast %add3A_759 : i32 to index
        %get3A_845 = arith.constant 48 : index
        %get3A_846 = tpu.vector_load %arg19[%get3A_844, %get3A_845] {strides = array<i32>} : memref<200x64xf32, #tpu.memory_space<vmem>>, vector<1x16xf32>,
        %get3A_847 = vector.shape_cast %get3A_846 : vector<1x16xf32> to vector<16xf32>
        %add3A_848 = arith.addf %add3A_843, %get3A_847 : vector<16xf32>
        %swap3A_849 = arith.index_cast %scan3A_754 : i32 to index
        %swap3A_850 = arith.constant 48 : index
        %swap3A_851 = tpu.vector_load %arg20[%swap3A_849, %swap3A_850] {strides = array<i32>} : memref<100x128xf32, #tpu.memory_space<vmem>>, vector<1x16xf32>,
        %swap3A_852 = vector.shape_cast %swap3A_851 : vector<1x16xf32> to vector<16xf32>
        %swap3A_853 = vector.shape_cast %add3A_848 : vector<16xf32> to vector<1x16xf32>
        tpu.vector_store %arg20[%swap3A_849, %swap3A_850], %swap3A_853 {strides = array<i32>} : memref<100x128xf32, #tpu.memory_space<vmem>>, vector<1x16xf32>,
        %mul3A_854 = arith.constant 2 : i32
        %mul3A_855 = arith.muli %mul3A_854, %scan3A_754 : i32
        %add3A_856 = arith.constant 1 : i32
        %add3A_857 = arith.addi %mul3A_855, %add3A_856 : i32
        %get3A_858 = arith.index_cast %add3A_857 : i32 to index
        %get3A_859 = arith.constant 0 : index
        %get3A_860 = tpu.vector_load %arg13[%get3A_858, %get3A_859] {strides = array<i32>} : memref<200x64xf32, #tpu.memory_space<vmem>>, vector<1x16xf32>,
        %get3A_861 = vector.shape_cast %get3A_860 : vector<1x16xf32> to vector<16xf32>
        %get3A_862 = arith.index_cast %add3A_857 : i32 to index
        %get3A_863 = arith.constant 0 : index
        %get3A_864 = tpu.vector_load %arg14[%get3A_862, %get3A_863] {strides = array<i32>} : memref<200x64xf32, #tpu.memory_space<vmem>>, vector<1x16xf32>,
        %get3A_865 = vector.shape_cast %get3A_864 : vector<1x16xf32> to vector<16xf32>
        %add3A_866 = arith.addf %get3A_861, %get3A_865 : vector<16xf32>
        %get3A_867 = arith.index_cast %add3A_857 : i32 to index
        %get3A_868 = arith.constant 0 : index
        %get3A_869 = tpu.vector_load %arg15[%get3A_867, %get3A_868] {strides = array<i32>} : memref<200x64xf32, #tpu.memory_space<vmem>>, vector<1x16xf32>,
        %get3A_870 = vector.shape_cast %get3A_869 : vector<1x16xf32> to vector<16xf32>
        %add3A_871 = arith.addf %add3A_866, %get3A_870 : vector<16xf32>
        %get3A_872 = arith.index_cast %add3A_857 : i32 to index
        %get3A_873 = arith.constant 0 : index
        %get3A_874 = tpu.vector_load %arg19[%get3A_872, %get3A_873] {strides = array<i32>} : memref<200x64xf32, #tpu.memory_space<vmem>>, vector<1x16xf32>,
        %get3A_875 = vector.shape_cast %get3A_874 : vector<1x16xf32> to vector<16xf32>
        %add3A_876 = arith.addf %add3A_871, %get3A_875 : vector<16xf32>
        %swap3A_877 = arith.index_cast %scan3A_754 : i32 to index
        %swap3A_878 = arith.constant 64 : index
        %swap3A_879 = tpu.vector_load %arg20[%swap3A_877, %swap3A_878] {strides = array<i32>} : memref<100x128xf32, #tpu.memory_space<vmem>>, vector<1x16xf32>,
        %swap3A_880 = vector.shape_cast %swap3A_879 : vector<1x16xf32> to vector<16xf32>
        %swap3A_881 = vector.shape_cast %add3A_876 : vector<16xf32> to vector<1x16xf32>
        tpu.vector_store %arg20[%swap3A_877, %swap3A_878], %swap3A_881 {strides = array<i32>} : memref<100x128xf32, #tpu.memory_space<vmem>>, vector<1x16xf32>,
        %get3A_882 = arith.index_cast %add3A_857 : i32 to index
        %get3A_883 = arith.constant 16 : index
        %get3A_884 = tpu.vector_load %arg13[%get3A_882, %get3A_883] {strides = array<i32>} : memref<200x64xf32, #tpu.memory_space<vmem>>, vector<1x16xf32>,
        %get3A_885 = vector.shape_cast %get3A_884 : vector<1x16xf32> to vector<16xf32>
        %get3A_886 = arith.index_cast %add3A_857 : i32 to index
        %get3A_887 = arith.constant 16 : index
        %get3A_888 = tpu.vector_load %arg14[%get3A_886, %get3A_887] {strides = array<i32>} : memref<200x64xf32, #tpu.memory_space<vmem>>, vector<1x16xf32>,
        %get3A_889 = vector.shape_cast %get3A_888 : vector<1x16xf32> to vector<16xf32>
        %add3A_890 = arith.addf %get3A_885, %get3A_889 : vector<16xf32>
        %get3A_891 = arith.index_cast %add3A_857 : i32 to index
        %get3A_892 = arith.constant 16 : index
        %get3A_893 = tpu.vector_load %arg15[%get3A_891, %get3A_892] {strides = array<i32>} : memref<200x64xf32, #tpu.memory_space<vmem>>, vector<1x16xf32>,
        %get3A_894 = vector.shape_cast %get3A_893 : vector<1x16xf32> to vector<16xf32>
        %add3A_895 = arith.addf %add3A_890, %get3A_894 : vector<16xf32>
        %get3A_896 = arith.index_cast %add3A_857 : i32 to index
        %get3A_897 = arith.constant 16 : index
        %get3A_898 = tpu.vector_load %arg19[%get3A_896, %get3A_897] {strides = array<i32>} : memref<200x64xf32, #tpu.memory_space<vmem>>, vector<1x16xf32>,
        %get3A_899 = vector.shape_cast %get3A_898 : vector<1x16xf32> to vector<16xf32>
        %add3A_900 = arith.addf %add3A_895, %get3A_899 : vector<16xf32>
        %swap3A_901 = arith.index_cast %scan3A_754 : i32 to index
        %swap3A_902 = arith.constant 80 : index
        %swap3A_903 = tpu.vector_load %arg20[%swap3A_901, %swap3A_902] {strides = array<i32>} : memref<100x128xf32, #tpu.memory_space<vmem>>, vector<1x16xf32>,
        %swap3A_904 = vector.shape_cast %swap3A_903 : vector<1x16xf32> to vector<16xf32>
        %swap3A_905 = vector.shape_cast %add3A_900 : vector<16xf32> to vector<1x16xf32>
        tpu.vector_store %arg20[%swap3A_901, %swap3A_902], %swap3A_905 {strides = array<i32>} : memref<100x128xf32, #tpu.memory_space<vmem>>, vector<1x16xf32>,
        %get3A_906 = arith.index_cast %add3A_857 : i32 to index
        %get3A_907 = arith.constant 32 : index
        %get3A_908 = tpu.vector_load %arg13[%get3A_906, %get3A_907] {strides = array<i32>} : memref<200x64xf32, #tpu.memory_space<vmem>>, vector<1x16xf32>,
        %get3A_909 = vector.shape_cast %get3A_908 : vector<1x16xf32> to vector<16xf32>
        %get3A_910 = arith.index_cast %add3A_857 : i32 to index
        %get3A_911 = arith.constant 32 : index
        %get3A_912 = tpu.vector_load %arg14[%get3A_910, %get3A_911] {strides = array<i32>} : memref<200x64xf32, #tpu.memory_space<vmem>>, vector<1x16xf32>,
        %get3A_913 = vector.shape_cast %get3A_912 : vector<1x16xf32> to vector<16xf32>
        %add3A_914 = arith.addf %get3A_909, %get3A_913 : vector<16xf32>
        %get3A_915 = arith.index_cast %add3A_857 : i32 to index
        %get3A_916 = arith.constant 32 : index
        %get3A_917 = tpu.vector_load %arg15[%get3A_915, %get3A_916] {strides = array<i32>} : memref<200x64xf32, #tpu.memory_space<vmem>>, vector<1x16xf32>,
        %get3A_918 = vector.shape_cast %get3A_917 : vector<1x16xf32> to vector<16xf32>
        %add3A_919 = arith.addf %add3A_914, %get3A_918 : vector<16xf32>
        %get3A_920 = arith.index_cast %add3A_857 : i32 to index
        %get3A_921 = arith.constant 32 : index
        %get3A_922 = tpu.vector_load %arg19[%get3A_920, %get3A_921] {strides = array<i32>} : memref<200x64xf32, #tpu.memory_space<vmem>>, vector<1x16xf32>,
        %get3A_923 = vector.shape_cast %get3A_922 : vector<1x16xf32> to vector<16xf32>
        %add3A_924 = arith.addf %add3A_919, %get3A_923 : vector<16xf32>
        %swap3A_925 = arith.index_cast %scan3A_754 : i32 to index
        %swap3A_926 = arith.constant 96 : index
        %swap3A_927 = tpu.vector_load %arg20[%swap3A_925, %swap3A_926] {strides = array<i32>} : memref<100x128xf32, #tpu.memory_space<vmem>>, vector<1x16xf32>,
        %swap3A_928 = vector.shape_cast %swap3A_927 : vector<1x16xf32> to vector<16xf32>
        %swap3A_929 = vector.shape_cast %add3A_924 : vector<16xf32> to vector<1x16xf32>
        tpu.vector_store %arg20[%swap3A_925, %swap3A_926], %swap3A_929 {strides = array<i32>} : memref<100x128xf32, #tpu.memory_space<vmem>>, vector<1x16xf32>,
        %get3A_930 = arith.index_cast %add3A_857 : i32 to index
        %get3A_931 = arith.constant 48 : index
        %get3A_932 = tpu.vector_load %arg13[%get3A_930, %get3A_931] {strides = array<i32>} : memref<200x64xf32, #tpu.memory_space<vmem>>, vector<1x16xf32>,
        %get3A_933 = vector.shape_cast %get3A_932 : vector<1x16xf32> to vector<16xf32>
        %get3A_934 = arith.index_cast %add3A_857 : i32 to index
        %get3A_935 = arith.constant 48 : index
        %get3A_936 = tpu.vector_load %arg14[%get3A_934, %get3A_935] {strides = array<i32>} : memref<200x64xf32, #tpu.memory_space<vmem>>, vector<1x16xf32>,
        %get3A_937 = vector.shape_cast %get3A_936 : vector<1x16xf32> to vector<16xf32>
        %add3A_938 = arith.addf %get3A_933, %get3A_937 : vector<16xf32>
        %get3A_939 = arith.index_cast %add3A_857 : i32 to index
        %get3A_940 = arith.constant 48 : index
        %get3A_941 = tpu.vector_load %arg15[%get3A_939, %get3A_940] {strides = array<i32>} : memref<200x64xf32, #tpu.memory_space<vmem>>, vector<1x16xf32>,
        %get3A_942 = vector.shape_cast %get3A_941 : vector<1x16xf32> to vector<16xf32>
        %add3A_943 = arith.addf %add3A_938, %get3A_942 : vector<16xf32>
        %get3A_944 = arith.index_cast %add3A_857 : i32 to index
        %get3A_945 = arith.constant 48 : index
        %get3A_946 = tpu.vector_load %arg19[%get3A_944, %get3A_945] {strides = array<i32>} : memref<200x64xf32, #tpu.memory_space<vmem>>, vector<1x16xf32>,
        %get3A_947 = vector.shape_cast %get3A_946 : vector<1x16xf32> to vector<16xf32>
        %add3A_948 = arith.addf %add3A_943, %get3A_947 : vector<16xf32>
        %swap3A_949 = arith.index_cast %scan3A_754 : i32 to index
        %swap3A_950 = arith.constant 112 : index
        %swap3A_951 = tpu.vector_load %arg20[%swap3A_949, %swap3A_950] {strides = array<i32>} : memref<100x128xf32, #tpu.memory_space<vmem>>, vector<1x16xf32>,
        %swap3A_952 = vector.shape_cast %swap3A_951 : vector<1x16xf32> to vector<16xf32>
        %swap3A_953 = vector.shape_cast %add3A_948 : vector<16xf32> to vector<1x16xf32>
        tpu.vector_store %arg20[%swap3A_949, %swap3A_950], %swap3A_953 {strides = array<i32>} : memref<100x128xf32, #tpu.memory_space<vmem>>, vector<1x16xf32>,
        %scan3A_954 = arith.constant 0 : i32
        scf.yield %scan3A_954 : i32
      }
      %scan3A_721 = arith.constant 100 : i32
      %mul3A_722 = arith.constant 200 : i32
      %mul3A_723 = arith.muli %add3A_550, %mul3A_722 : i32
      %add3A_724 = arith.addi %mul3A_4, %mul3A_723 : i32
      %jit3A_725 = arith.constant 2 : i32
      %div3A_726 = arith.divsi %add3A_724, %jit3A_725 : i32
      %sign3A_727 = arith.constant 0 : i32
      %sign3A_728 = arith.cmpi sgt, %add3A_724, %sign3A_727 : i32
      %sign3A_729 = arith.extui %sign3A_728 : i1 to i32
      %sign3A_730 = arith.constant 0 : i32
      %sign3A_731 = arith.cmpi slt, %add3A_724, %sign3A_730 : i32
      %sign3A_732 = arith.extui %sign3A_731 : i1 to i32
      %sign3A_733 = arith.subi %sign3A_729, %sign3A_732 : i32
      %sign3A_734 = arith.constant 0 : i32
      %sign3A_735 = arith.cmpi sgt, %jit3A_725, %sign3A_734 : i32
      %sign3A_736 = arith.extui %sign3A_735 : i1 to i32
      %sign3A_737 = arith.constant 0 : i32
      %sign3A_738 = arith.cmpi slt, %jit3A_725, %sign3A_737 : i32
      %sign3A_739 = arith.extui %sign3A_738 : i1 to i32
      %sign3A_740 = arith.subi %sign3A_736, %sign3A_739 : i32
      %ne3A_741 = arith.cmpi ne, %sign3A_733, %sign3A_740 : i32
      %rem3A_742 = arith.remsi %add3A_724, %jit3A_725 : i32
      %ne3A_743 = arith.constant 0 : i32
      %ne3A_744 = arith.cmpi ne, %rem3A_742, %ne3A_743 : i32
      %and3A_745 = arith.andi %ne3A_741, %ne3A_744 : i1
      %sub3A_746 = arith.constant 1 : i32
      %sub3A_747 = arith.subi %div3A_726, %sub3A_746 : i32
      %select_n3A_748 = arith.select %and3A_745, %sub3A_747, %div3A_726 : i32
      %dma_start3A_749 = arith.constant 0 : i32
      %dma_start3A_750 = tpu.memref_slice %arg9[%select_n3A_748, %dma_start3A_749] : memref<102400x128xf32, #tpu.memory_space<hbm>> -> memref<100x128xf32, #tpu.memory_space<hbm>>
      %dma_start3A_751 = arith.constant 0 : i32
      %dma_start3A_752 = tpu.memref_slice %arg9[%select_n3A_748, %dma_start3A_751] : memref<102400x128xf32, #tpu.memory_space<hbm>> -> memref<100x128xf32, #tpu.memory_space<hbm>>
      tpu.enqueue_dma source(%arg20 : memref<100x128xf32, #tpu.memory_space<vmem>>) target(%dma_start3A_752 : memref<100x128xf32, #tpu.memory_space<hbm>>) target_semaphore(%arg24 : memref<!tpu.dma_semaphore, #tpu.memory_space<semaphore_mem>>)
      %scan3A_753 = arith.constant 0 : i32
      scf.yield %scan3A_753 : i32
    }
    %scan3A_193 = arith.constant 15 : i32
    %dma_wait3A_194 = arith.constant 0 : i32
    %dma_wait3A_195 = arith.constant 0 : i32
    %dma_wait3A_196 = tpu.memref_slice %arg16[%dma_wait3A_194, %dma_wait3A_195] : memref<200x64xf32, #tpu.memory_space<vmem>> -> memref<104x64xf32, #tpu.memory_space<vmem>>
    %dma_wait3A_197 = arith.constant 6200 : i32
    %dma_wait3A_198 = tpu.memref_slice %arg10[%dma_wait3A_197] : memref<6400xi32, #tpu.memory_space<vmem>> -> memref<104xi32, #tpu.memory_space<vmem>>
    %dma_wait3A_199 = arith.constant 0 : i32
    %dma_wait3A_200 = arith.constant 0 : i32
    %dma_wait3A_201 = tpu.memref_slice %arg5[%dma_wait3A_199, %dma_wait3A_200] : memref<100000x64xf32, #tpu.memory_space<hbm>> -> memref<100000x64xf32, #tpu.memory_space<hbm>>
    tpu.wait_indirect_dma semaphore(%arg23 : memref<!tpu.dma_semaphore, #tpu.memory_space<semaphore_mem>>) src(%dma_wait3A_201 : memref<100000x64xf32, #tpu.memory_space<hbm>>) dst(%dma_wait3A_196 : memref<104x64xf32, #tpu.memory_space<vmem>>)
    %dma_wait3A_202 = arith.constant 104 : i32
    %dma_wait3A_203 = arith.constant 0 : i32
    %dma_wait3A_204 = tpu.memref_slice %arg16[%dma_wait3A_202, %dma_wait3A_203] : memref<200x64xf32, #tpu.memory_space<vmem>> -> memref<96x64xf32, #tpu.memory_space<vmem>>
    %dma_wait3A_205 = arith.constant 6304 : i32
    %dma_wait3A_206 = tpu.memref_slice %arg10[%dma_wait3A_205] : memref<6400xi32, #tpu.memory_space<vmem>> -> memref<96xi32, #tpu.memory_space<vmem>>
    %dma_wait3A_207 = arith.constant 0 : i32
    %dma_wait3A_208 = arith.constant 0 : i32
    %dma_wait3A_209 = tpu.memref_slice %arg5[%dma_wait3A_207, %dma_wait3A_208] : memref<100000x64xf32, #tpu.memory_space<hbm>> -> memref<100000x64xf32, #tpu.memory_space<hbm>>
    tpu.wait_indirect_dma semaphore(%arg23 : memref<!tpu.dma_semaphore, #tpu.memory_space<semaphore_mem>>) src(%dma_wait3A_209 : memref<100000x64xf32, #tpu.memory_space<hbm>>) dst(%dma_wait3A_204 : memref<96x64xf32, #tpu.memory_space<vmem>>)
    %dma_wait3A_210 = arith.constant 0 : i32
    %dma_wait3A_211 = arith.constant 0 : i32
    %dma_wait3A_212 = tpu.memref_slice %arg17[%dma_wait3A_210, %dma_wait3A_211] : memref<200x64xf32, #tpu.memory_space<vmem>> -> memref<104x64xf32, #tpu.memory_space<vmem>>
    %dma_wait3A_213 = arith.constant 6200 : i32
    %dma_wait3A_214 = tpu.memref_slice %arg11[%dma_wait3A_213] : memref<6400xi32, #tpu.memory_space<vmem>> -> memref<104xi32, #tpu.memory_space<vmem>>
    %dma_wait3A_215 = arith.constant 0 : i32
    %dma_wait3A_216 = arith.constant 0 : i32
    %dma_wait3A_217 = tpu.memref_slice %arg6[%dma_wait3A_215, %dma_wait3A_216] : memref<100000x64xf32, #tpu.memory_space<hbm>> -> memref<100000x64xf32, #tpu.memory_space<hbm>>
    tpu.wait_indirect_dma semaphore(%arg23 : memref<!tpu.dma_semaphore, #tpu.memory_space<semaphore_mem>>) src(%dma_wait3A_217 : memref<100000x64xf32, #tpu.memory_space<hbm>>) dst(%dma_wait3A_212 : memref<104x64xf32, #tpu.memory_space<vmem>>)
    %dma_wait3A_218 = arith.constant 104 : i32
    %dma_wait3A_219 = arith.constant 0 : i32
    %dma_wait3A_220 = tpu.memref_slice %arg17[%dma_wait3A_218, %dma_wait3A_219] : memref<200x64xf32, #tpu.memory_space<vmem>> -> memref<96x64xf32, #tpu.memory_space<vmem>>
    %dma_wait3A_221 = arith.constant 6304 : i32
    %dma_wait3A_222 = tpu.memref_slice %arg11[%dma_wait3A_221] : memref<6400xi32, #tpu.memory_space<vmem>> -> memref<96xi32, #tpu.memory_space<vmem>>
    %dma_wait3A_223 = arith.constant 0 : i32
    %dma_wait3A_224 = arith.constant 0 : i32
    %dma_wait3A_225 = tpu.memref_slice %arg6[%dma_wait3A_223, %dma_wait3A_224] : memref<100000x64xf32, #tpu.memory_space<hbm>> -> memref<100000x64xf32, #tpu.memory_space<hbm>>
    tpu.wait_indirect_dma semaphore(%arg23 : memref<!tpu.dma_semaphore, #tpu.memory_space<semaphore_mem>>) src(%dma_wait3A_225 : memref<100000x64xf32, #tpu.memory_space<hbm>>) dst(%dma_wait3A_220 : memref<96x64xf32, #tpu.memory_space<vmem>>)
    %dma_wait3A_226 = arith.constant 0 : i32
    %dma_wait3A_227 = arith.constant 0 : i32
    %dma_wait3A_228 = tpu.memref_slice %arg18[%dma_wait3A_226, %dma_wait3A_227] : memref<200x64xf32, #tpu.memory_space<vmem>> -> memref<104x64xf32, #tpu.memory_space<vmem>>
    %dma_wait3A_229 = arith.constant 6200 : i32
    %dma_wait3A_230 = tpu.memref_slice %arg12[%dma_wait3A_229] : memref<6400xi32, #tpu.memory_space<vmem>> -> memref<104xi32, #tpu.memory_space<vmem>>
    %dma_wait3A_231 = arith.constant 0 : i32
    %dma_wait3A_232 = arith.constant 0 : i32
    %dma_wait3A_233 = tpu.memref_slice %arg7[%dma_wait3A_231, %dma_wait3A_232] : memref<100000x64xf32, #tpu.memory_space<hbm>> -> memref<100000x64xf32, #tpu.memory_space<hbm>>
    tpu.wait_indirect_dma semaphore(%arg23 : memref<!tpu.dma_semaphore, #tpu.memory_space<semaphore_mem>>) src(%dma_wait3A_233 : memref<100000x64xf32, #tpu.memory_space<hbm>>) dst(%dma_wait3A_228 : memref<104x64xf32, #tpu.memory_space<vmem>>)
    %dma_wait3A_234 = arith.constant 104 : i32
    %dma_wait3A_235 = arith.constant 0 : i32
    %dma_wait3A_236 = tpu.memref_slice %arg18[%dma_wait3A_234, %dma_wait3A_235] : memref<200x64xf32, #tpu.memory_space<vmem>> -> memref<96x64xf32, #tpu.memory_space<vmem>>
    %dma_wait3A_237 = arith.constant 6304 : i32
    %dma_wait3A_238 = tpu.memref_slice %arg12[%dma_wait3A_237] : memref<6400xi32, #tpu.memory_space<vmem>> -> memref<96xi32, #tpu.memory_space<vmem>>
    %dma_wait3A_239 = arith.constant 0 : i32
    %dma_wait3A_240 = arith.constant 0 : i32
    %dma_wait3A_241 = tpu.memref_slice %arg7[%dma_wait3A_239, %dma_wait3A_240] : memref<100000x64xf32, #tpu.memory_space<hbm>> -> memref<100000x64xf32, #tpu.memory_space<hbm>>
    tpu.wait_indirect_dma semaphore(%arg23 : memref<!tpu.dma_semaphore, #tpu.memory_space<semaphore_mem>>) src(%dma_wait3A_241 : memref<100000x64xf32, #tpu.memory_space<hbm>>) dst(%dma_wait3A_236 : memref<96x64xf32, #tpu.memory_space<vmem>>)
    %add3A_242 = arith.constant 0 : i32
    %add3A_243 = arith.addi %mul3A_4, %add3A_242 : i32
    %jit3A_244 = arith.constant 2 : i32
    %div3A_245 = arith.divsi %add3A_243, %jit3A_244 : i32
    %sign3A_246 = arith.constant 0 : i32
    %sign3A_247 = arith.cmpi sgt, %add3A_243, %sign3A_246 : i32
    %sign3A_248 = arith.extui %sign3A_247 : i1 to i32
    %sign3A_249 = arith.constant 0 : i32
    %sign3A_250 = arith.cmpi slt, %add3A_243, %sign3A_249 : i32
    %sign3A_251 = arith.extui %sign3A_250 : i1 to i32
    %sign3A_252 = arith.subi %sign3A_248, %sign3A_251 : i32
    %sign3A_253 = arith.constant 0 : i32
    %sign3A_254 = arith.cmpi sgt, %jit3A_244, %sign3A_253 : i32
    %sign3A_255 = arith.extui %sign3A_254 : i1 to i32
    %sign3A_256 = arith.constant 0 : i32
    %sign3A_257 = arith.cmpi slt, %jit3A_244, %sign3A_256 : i32
    %sign3A_258 = arith.extui %sign3A_257 : i1 to i32
    %sign3A_259 = arith.subi %sign3A_255, %sign3A_258 : i32
    %ne3A_260 = arith.cmpi ne, %sign3A_252, %sign3A_259 : i32
    %rem3A_261 = arith.remsi %add3A_243, %jit3A_244 : i32
    %ne3A_262 = arith.constant 0 : i32
    %ne3A_263 = arith.cmpi ne, %rem3A_261, %ne3A_262 : i32
    %and3A_264 = arith.andi %ne3A_260, %ne3A_263 : i1
    %sub3A_265 = arith.constant 1 : i32
    %sub3A_266 = arith.subi %div3A_245, %sub3A_265 : i32
    %select_n3A_267 = arith.select %and3A_264, %sub3A_266, %div3A_245 : i32
    %dma_wait3A_268 = arith.constant 0 : i32
    %dma_wait3A_269 = tpu.memref_slice %arg9[%select_n3A_267, %dma_wait3A_268] : memref<102400x128xf32, #tpu.memory_space<hbm>> -> memref<100x128xf32, #tpu.memory_space<hbm>>
    %dma_wait3A_270 = arith.constant 0 : i32
    %dma_wait3A_271 = tpu.memref_slice %arg9[%select_n3A_267, %dma_wait3A_270] : memref<102400x128xf32, #tpu.memory_space<hbm>> -> memref<100x128xf32, #tpu.memory_space<hbm>>
    tpu.wait_dma2 semaphore(%arg24 : memref<!tpu.dma_semaphore, #tpu.memory_space<semaphore_mem>>) src(%arg20 : memref<100x128xf32, #tpu.memory_space<vmem>>) dst(%dma_wait3A_271 : memref<100x128xf32, #tpu.memory_space<hbm>>)
    %scan3A_272 = arith.constant 0 : i32
    %scan3A_273 = arith.constant 0 : i32
    %scan3A_274 = arith.constant 100 : i32
    %scan3A_275 = arith.addi %scan3A_273, %scan3A_274 : i32
    %scan3A_276 = arith.constant 1 : i32
    %scan3A_277 = scf.for %scan3A_339 = %scan3A_273 to %scan3A_275 step %scan3A_276 iter_args(%scan3A_340 = %scan3A_272) -> (i32)  : i32 {
      %mul3A_341 = arith.constant 2 : i32
      %mul3A_342 = arith.muli %mul3A_341, %scan3A_339 : i32
      %add3A_343 = arith.constant 0 : i32
      %add3A_344 = arith.addi %mul3A_342, %add3A_343 : i32
      %get3A = arith.index_cast %add3A_344 : i32 to index
      %get3A_345 = arith.constant 0 : index
      %get3A_346 = tpu.vector_load %arg16[%get3A, %get3A_345] {strides = array<i32>} : memref<200x64xf32, #tpu.memory_space<vmem>>, vector<1x16xf32>,
      %get3A_347 = vector.shape_cast %get3A_346 : vector<1x16xf32> to vector<16xf32>
      %get3A_348 = arith.index_cast %add3A_344 : i32 to index
      %get3A_349 = arith.constant 0 : index
      %get3A_350 = tpu.vector_load %arg17[%get3A_348, %get3A_349] {strides = array<i32>} : memref<200x64xf32, #tpu.memory_space<vmem>>, vector<1x16xf32>,
      %get3A_351 = vector.shape_cast %get3A_350 : vector<1x16xf32> to vector<16xf32>
      %add3A_352 = arith.addf %get3A_347, %get3A_351 : vector<16xf32>
      %get3A_353 = arith.index_cast %add3A_344 : i32 to index
      %get3A_354 = arith.constant 0 : index
      %get3A_355 = tpu.vector_load %arg18[%get3A_353, %get3A_354] {strides = array<i32>} : memref<200x64xf32, #tpu.memory_space<vmem>>, vector<1x16xf32>,
      %get3A_356 = vector.shape_cast %get3A_355 : vector<1x16xf32> to vector<16xf32>
      %add3A_357 = arith.addf %add3A_352, %get3A_356 : vector<16xf32>
      %get3A_358 = arith.index_cast %add3A_344 : i32 to index
      %get3A_359 = arith.constant 0 : index
      %get3A_360 = tpu.vector_load %arg19[%get3A_358, %get3A_359] {strides = array<i32>} : memref<200x64xf32, #tpu.memory_space<vmem>>, vector<1x16xf32>,
      %get3A_361 = vector.shape_cast %get3A_360 : vector<1x16xf32> to vector<16xf32>
      %add3A_362 = arith.addf %add3A_357, %get3A_361 : vector<16xf32>
      %swap3A = arith.index_cast %scan3A_339 : i32 to index
      %swap3A_363 = arith.constant 0 : index
      %swap3A_364 = tpu.vector_load %arg20[%swap3A, %swap3A_363] {strides = array<i32>} : memref<100x128xf32, #tpu.memory_space<vmem>>, vector<1x16xf32>,
      %swap3A_365 = vector.shape_cast %swap3A_364 : vector<1x16xf32> to vector<16xf32>
      %swap3A_366 = vector.shape_cast %add3A_362 : vector<16xf32> to vector<1x16xf32>
      tpu.vector_store %arg20[%swap3A, %swap3A_363], %swap3A_366 {strides = array<i32>} : memref<100x128xf32, #tpu.memory_space<vmem>>, vector<1x16xf32>,
      %get3A_367 = arith.index_cast %add3A_344 : i32 to index
      %get3A_368 = arith.constant 16 : index
      %get3A_369 = tpu.vector_load %arg16[%get3A_367, %get3A_368] {strides = array<i32>} : memref<200x64xf32, #tpu.memory_space<vmem>>, vector<1x16xf32>,
      %get3A_370 = vector.shape_cast %get3A_369 : vector<1x16xf32> to vector<16xf32>
      %get3A_371 = arith.index_cast %add3A_344 : i32 to index
      %get3A_372 = arith.constant 16 : index
      %get3A_373 = tpu.vector_load %arg17[%get3A_371, %get3A_372] {strides = array<i32>} : memref<200x64xf32, #tpu.memory_space<vmem>>, vector<1x16xf32>,
      %get3A_374 = vector.shape_cast %get3A_373 : vector<1x16xf32> to vector<16xf32>
      %add3A_375 = arith.addf %get3A_370, %get3A_374 : vector<16xf32>
      %get3A_376 = arith.index_cast %add3A_344 : i32 to index
      %get3A_377 = arith.constant 16 : index
      %get3A_378 = tpu.vector_load %arg18[%get3A_376, %get3A_377] {strides = array<i32>} : memref<200x64xf32, #tpu.memory_space<vmem>>, vector<1x16xf32>,
      %get3A_379 = vector.shape_cast %get3A_378 : vector<1x16xf32> to vector<16xf32>
      %add3A_380 = arith.addf %add3A_375, %get3A_379 : vector<16xf32>
      %get3A_381 = arith.index_cast %add3A_344 : i32 to index
      %get3A_382 = arith.constant 16 : index
      %get3A_383 = tpu.vector_load %arg19[%get3A_381, %get3A_382] {strides = array<i32>} : memref<200x64xf32, #tpu.memory_space<vmem>>, vector<1x16xf32>,
      %get3A_384 = vector.shape_cast %get3A_383 : vector<1x16xf32> to vector<16xf32>
      %add3A_385 = arith.addf %add3A_380, %get3A_384 : vector<16xf32>
      %swap3A_386 = arith.index_cast %scan3A_339 : i32 to index
      %swap3A_387 = arith.constant 16 : index
      %swap3A_388 = tpu.vector_load %arg20[%swap3A_386, %swap3A_387] {strides = array<i32>} : memref<100x128xf32, #tpu.memory_space<vmem>>, vector<1x16xf32>,
      %swap3A_389 = vector.shape_cast %swap3A_388 : vector<1x16xf32> to vector<16xf32>
      %swap3A_390 = vector.shape_cast %add3A_385 : vector<16xf32> to vector<1x16xf32>
      tpu.vector_store %arg20[%swap3A_386, %swap3A_387], %swap3A_390 {strides = array<i32>} : memref<100x128xf32, #tpu.memory_space<vmem>>, vector<1x16xf32>,
      %get3A_391 = arith.index_cast %add3A_344 : i32 to index
      %get3A_392 = arith.constant 32 : index
      %get3A_393 = tpu.vector_load %arg16[%get3A_391, %get3A_392] {strides = array<i32>} : memref<200x64xf32, #tpu.memory_space<vmem>>, vector<1x16xf32>,
      %get3A_394 = vector.shape_cast %get3A_393 : vector<1x16xf32> to vector<16xf32>
      %get3A_395 = arith.index_cast %add3A_344 : i32 to index
      %get3A_396 = arith.constant 32 : index
      %get3A_397 = tpu.vector_load %arg17[%get3A_395, %get3A_396] {strides = array<i32>} : memref<200x64xf32, #tpu.memory_space<vmem>>, vector<1x16xf32>,
      %get3A_398 = vector.shape_cast %get3A_397 : vector<1x16xf32> to vector<16xf32>
      %add3A_399 = arith.addf %get3A_394, %get3A_398 : vector<16xf32>
      %get3A_400 = arith.index_cast %add3A_344 : i32 to index
      %get3A_401 = arith.constant 32 : index
      %get3A_402 = tpu.vector_load %arg18[%get3A_400, %get3A_401] {strides = array<i32>} : memref<200x64xf32, #tpu.memory_space<vmem>>, vector<1x16xf32>,
      %get3A_403 = vector.shape_cast %get3A_402 : vector<1x16xf32> to vector<16xf32>
      %add3A_404 = arith.addf %add3A_399, %get3A_403 : vector<16xf32>
      %get3A_405 = arith.index_cast %add3A_344 : i32 to index
      %get3A_406 = arith.constant 32 : index
      %get3A_407 = tpu.vector_load %arg19[%get3A_405, %get3A_406] {strides = array<i32>} : memref<200x64xf32, #tpu.memory_space<vmem>>, vector<1x16xf32>,
      %get3A_408 = vector.shape_cast %get3A_407 : vector<1x16xf32> to vector<16xf32>
      %add3A_409 = arith.addf %add3A_404, %get3A_408 : vector<16xf32>
      %swap3A_410 = arith.index_cast %scan3A_339 : i32 to index
      %swap3A_411 = arith.constant 32 : index
      %swap3A_412 = tpu.vector_load %arg20[%swap3A_410, %swap3A_411] {strides = array<i32>} : memref<100x128xf32, #tpu.memory_space<vmem>>, vector<1x16xf32>,
      %swap3A_413 = vector.shape_cast %swap3A_412 : vector<1x16xf32> to vector<16xf32>
      %swap3A_414 = vector.shape_cast %add3A_409 : vector<16xf32> to vector<1x16xf32>
      tpu.vector_store %arg20[%swap3A_410, %swap3A_411], %swap3A_414 {strides = array<i32>} : memref<100x128xf32, #tpu.memory_space<vmem>>, vector<1x16xf32>,
      %get3A_415 = arith.index_cast %add3A_344 : i32 to index
      %get3A_416 = arith.constant 48 : index
      %get3A_417 = tpu.vector_load %arg16[%get3A_415, %get3A_416] {strides = array<i32>} : memref<200x64xf32, #tpu.memory_space<vmem>>, vector<1x16xf32>,
      %get3A_418 = vector.shape_cast %get3A_417 : vector<1x16xf32> to vector<16xf32>
      %get3A_419 = arith.index_cast %add3A_344 : i32 to index
      %get3A_420 = arith.constant 48 : index
      %get3A_421 = tpu.vector_load %arg17[%get3A_419, %get3A_420] {strides = array<i32>} : memref<200x64xf32, #tpu.memory_space<vmem>>, vector<1x16xf32>,
      %get3A_422 = vector.shape_cast %get3A_421 : vector<1x16xf32> to vector<16xf32>
      %add3A_423 = arith.addf %get3A_418, %get3A_422 : vector<16xf32>
      %get3A_424 = arith.index_cast %add3A_344 : i32 to index
      %get3A_425 = arith.constant 48 : index
      %get3A_426 = tpu.vector_load %arg18[%get3A_424, %get3A_425] {strides = array<i32>} : memref<200x64xf32, #tpu.memory_space<vmem>>, vector<1x16xf32>,
      %get3A_427 = vector.shape_cast %get3A_426 : vector<1x16xf32> to vector<16xf32>
      %add3A_428 = arith.addf %add3A_423, %get3A_427 : vector<16xf32>
      %get3A_429 = arith.index_cast %add3A_344 : i32 to index
      %get3A_430 = arith.constant 48 : index
      %get3A_431 = tpu.vector_load %arg19[%get3A_429, %get3A_430] {strides = array<i32>} : memref<200x64xf32, #tpu.memory_space<vmem>>, vector<1x16xf32>,
      %get3A_432 = vector.shape_cast %get3A_431 : vector<1x16xf32> to vector<16xf32>
      %add3A_433 = arith.addf %add3A_428, %get3A_432 : vector<16xf32>
      %swap3A_434 = arith.index_cast %scan3A_339 : i32 to index
      %swap3A_435 = arith.constant 48 : index
      %swap3A_436 = tpu.vector_load %arg20[%swap3A_434, %swap3A_435] {strides = array<i32>} : memref<100x128xf32, #tpu.memory_space<vmem>>, vector<1x16xf32>,
      %swap3A_437 = vector.shape_cast %swap3A_436 : vector<1x16xf32> to vector<16xf32>
      %swap3A_438 = vector.shape_cast %add3A_433 : vector<16xf32> to vector<1x16xf32>
      tpu.vector_store %arg20[%swap3A_434, %swap3A_435], %swap3A_438 {strides = array<i32>} : memref<100x128xf32, #tpu.memory_space<vmem>>, vector<1x16xf32>,
      %mul3A_439 = arith.constant 2 : i32
      %mul3A_440 = arith.muli %mul3A_439, %scan3A_339 : i32
      %add3A_441 = arith.constant 1 : i32
      %add3A_442 = arith.addi %mul3A_440, %add3A_441 : i32
      %get3A_443 = arith.index_cast %add3A_442 : i32 to index
      %get3A_444 = arith.constant 0 : index
      %get3A_445 = tpu.vector_load %arg16[%get3A_443, %get3A_444] {strides = array<i32>} : memref<200x64xf32, #tpu.memory_space<vmem>>, vector<1x16xf32>,
      %get3A_446 = vector.shape_cast %get3A_445 : vector<1x16xf32> to vector<16xf32>
      %get3A_447 = arith.index_cast %add3A_442 : i32 to index
      %get3A_448 = arith.constant 0 : index
      %get3A_449 = tpu.vector_load %arg17[%get3A_447, %get3A_448] {strides = array<i32>} : memref<200x64xf32, #tpu.memory_space<vmem>>, vector<1x16xf32>,
      %get3A_450 = vector.shape_cast %get3A_449 : vector<1x16xf32> to vector<16xf32>
      %add3A_451 = arith.addf %get3A_446, %get3A_450 : vector<16xf32>
      %get3A_452 = arith.index_cast %add3A_442 : i32 to index
      %get3A_453 = arith.constant 0 : index
      %get3A_454 = tpu.vector_load %arg18[%get3A_452, %get3A_453] {strides = array<i32>} : memref<200x64xf32, #tpu.memory_space<vmem>>, vector<1x16xf32>,
      %get3A_455 = vector.shape_cast %get3A_454 : vector<1x16xf32> to vector<16xf32>
      %add3A_456 = arith.addf %add3A_451, %get3A_455 : vector<16xf32>
      %get3A_457 = arith.index_cast %add3A_442 : i32 to index
      %get3A_458 = arith.constant 0 : index
      %get3A_459 = tpu.vector_load %arg19[%get3A_457, %get3A_458] {strides = array<i32>} : memref<200x64xf32, #tpu.memory_space<vmem>>, vector<1x16xf32>,
      %get3A_460 = vector.shape_cast %get3A_459 : vector<1x16xf32> to vector<16xf32>
      %add3A_461 = arith.addf %add3A_456, %get3A_460 : vector<16xf32>
      %swap3A_462 = arith.index_cast %scan3A_339 : i32 to index
      %swap3A_463 = arith.constant 64 : index
      %swap3A_464 = tpu.vector_load %arg20[%swap3A_462, %swap3A_463] {strides = array<i32>} : memref<100x128xf32, #tpu.memory_space<vmem>>, vector<1x16xf32>,
      %swap3A_465 = vector.shape_cast %swap3A_464 : vector<1x16xf32> to vector<16xf32>
      %swap3A_466 = vector.shape_cast %add3A_461 : vector<16xf32> to vector<1x16xf32>
      tpu.vector_store %arg20[%swap3A_462, %swap3A_463], %swap3A_466 {strides = array<i32>} : memref<100x128xf32, #tpu.memory_space<vmem>>, vector<1x16xf32>,
      %get3A_467 = arith.index_cast %add3A_442 : i32 to index
      %get3A_468 = arith.constant 16 : index
      %get3A_469 = tpu.vector_load %arg16[%get3A_467, %get3A_468] {strides = array<i32>} : memref<200x64xf32, #tpu.memory_space<vmem>>, vector<1x16xf32>,
      %get3A_470 = vector.shape_cast %get3A_469 : vector<1x16xf32> to vector<16xf32>
      %get3A_471 = arith.index_cast %add3A_442 : i32 to index
      %get3A_472 = arith.constant 16 : index
      %get3A_473 = tpu.vector_load %arg17[%get3A_471, %get3A_472] {strides = array<i32>} : memref<200x64xf32, #tpu.memory_space<vmem>>, vector<1x16xf32>,
      %get3A_474 = vector.shape_cast %get3A_473 : vector<1x16xf32> to vector<16xf32>
      %add3A_475 = arith.addf %get3A_470, %get3A_474 : vector<16xf32>
      %get3A_476 = arith.index_cast %add3A_442 : i32 to index
      %get3A_477 = arith.constant 16 : index
      %get3A_478 = tpu.vector_load %arg18[%get3A_476, %get3A_477] {strides = array<i32>} : memref<200x64xf32, #tpu.memory_space<vmem>>, vector<1x16xf32>,
      %get3A_479 = vector.shape_cast %get3A_478 : vector<1x16xf32> to vector<16xf32>
      %add3A_480 = arith.addf %add3A_475, %get3A_479 : vector<16xf32>
      %get3A_481 = arith.index_cast %add3A_442 : i32 to index
      %get3A_482 = arith.constant 16 : index
      %get3A_483 = tpu.vector_load %arg19[%get3A_481, %get3A_482] {strides = array<i32>} : memref<200x64xf32, #tpu.memory_space<vmem>>, vector<1x16xf32>,
      %get3A_484 = vector.shape_cast %get3A_483 : vector<1x16xf32> to vector<16xf32>
      %add3A_485 = arith.addf %add3A_480, %get3A_484 : vector<16xf32>
      %swap3A_486 = arith.index_cast %scan3A_339 : i32 to index
      %swap3A_487 = arith.constant 80 : index
      %swap3A_488 = tpu.vector_load %arg20[%swap3A_486, %swap3A_487] {strides = array<i32>} : memref<100x128xf32, #tpu.memory_space<vmem>>, vector<1x16xf32>,
      %swap3A_489 = vector.shape_cast %swap3A_488 : vector<1x16xf32> to vector<16xf32>
      %swap3A_490 = vector.shape_cast %add3A_485 : vector<16xf32> to vector<1x16xf32>
      tpu.vector_store %arg20[%swap3A_486, %swap3A_487], %swap3A_490 {strides = array<i32>} : memref<100x128xf32, #tpu.memory_space<vmem>>, vector<1x16xf32>,
      %get3A_491 = arith.index_cast %add3A_442 : i32 to index
      %get3A_492 = arith.constant 32 : index
      %get3A_493 = tpu.vector_load %arg16[%get3A_491, %get3A_492] {strides = array<i32>} : memref<200x64xf32, #tpu.memory_space<vmem>>, vector<1x16xf32>,
      %get3A_494 = vector.shape_cast %get3A_493 : vector<1x16xf32> to vector<16xf32>
      %get3A_495 = arith.index_cast %add3A_442 : i32 to index
      %get3A_496 = arith.constant 32 : index
      %get3A_497 = tpu.vector_load %arg17[%get3A_495, %get3A_496] {strides = array<i32>} : memref<200x64xf32, #tpu.memory_space<vmem>>, vector<1x16xf32>,
      %get3A_498 = vector.shape_cast %get3A_497 : vector<1x16xf32> to vector<16xf32>
      %add3A_499 = arith.addf %get3A_494, %get3A_498 : vector<16xf32>
      %get3A_500 = arith.index_cast %add3A_442 : i32 to index
      %get3A_501 = arith.constant 32 : index
      %get3A_502 = tpu.vector_load %arg18[%get3A_500, %get3A_501] {strides = array<i32>} : memref<200x64xf32, #tpu.memory_space<vmem>>, vector<1x16xf32>,
      %get3A_503 = vector.shape_cast %get3A_502 : vector<1x16xf32> to vector<16xf32>
      %add3A_504 = arith.addf %add3A_499, %get3A_503 : vector<16xf32>
      %get3A_505 = arith.index_cast %add3A_442 : i32 to index
      %get3A_506 = arith.constant 32 : index
      %get3A_507 = tpu.vector_load %arg19[%get3A_505, %get3A_506] {strides = array<i32>} : memref<200x64xf32, #tpu.memory_space<vmem>>, vector<1x16xf32>,
      %get3A_508 = vector.shape_cast %get3A_507 : vector<1x16xf32> to vector<16xf32>
      %add3A_509 = arith.addf %add3A_504, %get3A_508 : vector<16xf32>
      %swap3A_510 = arith.index_cast %scan3A_339 : i32 to index
      %swap3A_511 = arith.constant 96 : index
      %swap3A_512 = tpu.vector_load %arg20[%swap3A_510, %swap3A_511] {strides = array<i32>} : memref<100x128xf32, #tpu.memory_space<vmem>>, vector<1x16xf32>,
      %swap3A_513 = vector.shape_cast %swap3A_512 : vector<1x16xf32> to vector<16xf32>
      %swap3A_514 = vector.shape_cast %add3A_509 : vector<16xf32> to vector<1x16xf32>
      tpu.vector_store %arg20[%swap3A_510, %swap3A_511], %swap3A_514 {strides = array<i32>} : memref<100x128xf32, #tpu.memory_space<vmem>>, vector<1x16xf32>,
      %get3A_515 = arith.index_cast %add3A_442 : i32 to index
      %get3A_516 = arith.constant 48 : index
      %get3A_517 = tpu.vector_load %arg16[%get3A_515, %get3A_516] {strides = array<i32>} : memref<200x64xf32, #tpu.memory_space<vmem>>, vector<1x16xf32>,
      %get3A_518 = vector.shape_cast %get3A_517 : vector<1x16xf32> to vector<16xf32>
      %get3A_519 = arith.index_cast %add3A_442 : i32 to index
      %get3A_520 = arith.constant 48 : index
      %get3A_521 = tpu.vector_load %arg17[%get3A_519, %get3A_520] {strides = array<i32>} : memref<200x64xf32, #tpu.memory_space<vmem>>, vector<1x16xf32>,
      %get3A_522 = vector.shape_cast %get3A_521 : vector<1x16xf32> to vector<16xf32>
      %add3A_523 = arith.addf %get3A_518, %get3A_522 : vector<16xf32>
      %get3A_524 = arith.index_cast %add3A_442 : i32 to index
      %get3A_525 = arith.constant 48 : index
      %get3A_526 = tpu.vector_load %arg18[%get3A_524, %get3A_525] {strides = array<i32>} : memref<200x64xf32, #tpu.memory_space<vmem>>, vector<1x16xf32>,
      %get3A_527 = vector.shape_cast %get3A_526 : vector<1x16xf32> to vector<16xf32>
      %add3A_528 = arith.addf %add3A_523, %get3A_527 : vector<16xf32>
      %get3A_529 = arith.index_cast %add3A_442 : i32 to index
      %get3A_530 = arith.constant 48 : index
      %get3A_531 = tpu.vector_load %arg19[%get3A_529, %get3A_530] {strides = array<i32>} : memref<200x64xf32, #tpu.memory_space<vmem>>, vector<1x16xf32>,
      %get3A_532 = vector.shape_cast %get3A_531 : vector<1x16xf32> to vector<16xf32>
      %add3A_533 = arith.addf %add3A_528, %get3A_532 : vector<16xf32>
      %swap3A_534 = arith.index_cast %scan3A_339 : i32 to index
      %swap3A_535 = arith.constant 112 : index
      %swap3A_536 = tpu.vector_load %arg20[%swap3A_534, %swap3A_535] {strides = array<i32>} : memref<100x128xf32, #tpu.memory_space<vmem>>, vector<1x16xf32>,
      %swap3A_537 = vector.shape_cast %swap3A_536 : vector<1x16xf32> to vector<16xf32>
      %swap3A_538 = vector.shape_cast %add3A_533 : vector<16xf32> to vector<1x16xf32>
      tpu.vector_store %arg20[%swap3A_534, %swap3A_535], %swap3A_538 {strides = array<i32>} : memref<100x128xf32, #tpu.memory_space<vmem>>, vector<1x16xf32>,
      %scan3A_539 = arith.constant 0 : i32
      scf.yield %scan3A_539 : i32
    }
    %scan3A_278 = arith.constant 100 : i32
    %add3A_279 = arith.constant 6200 : i32
    %add3A_280 = arith.addi %mul3A_4, %add3A_279 : i32
    %jit3A_281 = arith.constant 2 : i32
    %div3A_282 = arith.divsi %add3A_280, %jit3A_281 : i32
    %sign3A_283 = arith.constant 0 : i32
    %sign3A_284 = arith.cmpi sgt, %add3A_280, %sign3A_283 : i32
    %sign3A_285 = arith.extui %sign3A_284 : i1 to i32
    %sign3A_286 = arith.constant 0 : i32
    %sign3A_287 = arith.cmpi slt, %add3A_280, %sign3A_286 : i32
    %sign3A_288 = arith.extui %sign3A_287 : i1 to i32
    %sign3A_289 = arith.subi %sign3A_285, %sign3A_288 : i32
    %sign3A_290 = arith.constant 0 : i32
    %sign3A_291 = arith.cmpi sgt, %jit3A_281, %sign3A_290 : i32
    %sign3A_292 = arith.extui %sign3A_291 : i1 to i32
    %sign3A_293 = arith.constant 0 : i32
    %sign3A_294 = arith.cmpi slt, %jit3A_281, %sign3A_293 : i32
    %sign3A_295 = arith.extui %sign3A_294 : i1 to i32
    %sign3A_296 = arith.subi %sign3A_292, %sign3A_295 : i32
    %ne3A_297 = arith.cmpi ne, %sign3A_289, %sign3A_296 : i32
    %rem3A_298 = arith.remsi %add3A_280, %jit3A_281 : i32
    %ne3A_299 = arith.constant 0 : i32
    %ne3A_300 = arith.cmpi ne, %rem3A_298, %ne3A_299 : i32
    %and3A_301 = arith.andi %ne3A_297, %ne3A_300 : i1
    %sub3A_302 = arith.constant 1 : i32
    %sub3A_303 = arith.subi %div3A_282, %sub3A_302 : i32
    %select_n3A_304 = arith.select %and3A_301, %sub3A_303, %div3A_282 : i32
    %dma_start3A_305 = arith.constant 0 : i32
    %dma_start3A_306 = tpu.memref_slice %arg9[%select_n3A_304, %dma_start3A_305] : memref<102400x128xf32, #tpu.memory_space<hbm>> -> memref<100x128xf32, #tpu.memory_space<hbm>>
    %dma_start3A_307 = arith.constant 0 : i32
    %dma_start3A_308 = tpu.memref_slice %arg9[%select_n3A_304, %dma_start3A_307] : memref<102400x128xf32, #tpu.memory_space<hbm>> -> memref<100x128xf32, #tpu.memory_space<hbm>>
    tpu.enqueue_dma source(%arg20 : memref<100x128xf32, #tpu.memory_space<vmem>>) target(%dma_start3A_308 : memref<100x128xf32, #tpu.memory_space<hbm>>) target_semaphore(%arg24 : memref<!tpu.dma_semaphore, #tpu.memory_space<semaphore_mem>>)
    %add3A_309 = arith.constant 0 : i32
    %add3A_310 = arith.addi %mul3A_4, %add3A_309 : i32
    %jit3A_311 = arith.constant 2 : i32
    %div3A_312 = arith.divsi %add3A_310, %jit3A_311 : i32
    %sign3A_313 = arith.constant 0 : i32
    %sign3A_314 = arith.cmpi sgt, %add3A_310, %sign3A_313 : i32
    %sign3A_315 = arith.extui %sign3A_314 : i1 to i32
    %sign3A_316 = arith.constant 0 : i32
    %sign3A_317 = arith.cmpi slt, %add3A_310, %sign3A_316 : i32
    %sign3A_318 = arith.extui %sign3A_317 : i1 to i32
    %sign3A_319 = arith.subi %sign3A_315, %sign3A_318 : i32
    %sign3A_320 = arith.constant 0 : i32
    %sign3A_321 = arith.cmpi sgt, %jit3A_311, %sign3A_320 : i32
    %sign3A_322 = arith.extui %sign3A_321 : i1 to i32
    %sign3A_323 = arith.constant 0 : i32
    %sign3A_324 = arith.cmpi slt, %jit3A_311, %sign3A_323 : i32
    %sign3A_325 = arith.extui %sign3A_324 : i1 to i32
    %sign3A_326 = arith.subi %sign3A_322, %sign3A_325 : i32
    %ne3A_327 = arith.cmpi ne, %sign3A_319, %sign3A_326 : i32
    %rem3A_328 = arith.remsi %add3A_310, %jit3A_311 : i32
    %ne3A_329 = arith.constant 0 : i32
    %ne3A_330 = arith.cmpi ne, %rem3A_328, %ne3A_329 : i32
    %and3A_331 = arith.andi %ne3A_327, %ne3A_330 : i1
    %sub3A_332 = arith.constant 1 : i32
    %sub3A_333 = arith.subi %div3A_312, %sub3A_332 : i32
    %select_n3A_334 = arith.select %and3A_331, %sub3A_333, %div3A_312 : i32
    %dma_wait3A_335 = arith.constant 0 : i32
    %dma_wait3A_336 = tpu.memref_slice %arg9[%select_n3A_334, %dma_wait3A_335] : memref<102400x128xf32, #tpu.memory_space<hbm>> -> memref<100x128xf32, #tpu.memory_space<hbm>>
    %dma_wait3A_337 = arith.constant 0 : i32
    %dma_wait3A_338 = tpu.memref_slice %arg9[%select_n3A_334, %dma_wait3A_337] : memref<102400x128xf32, #tpu.memory_space<hbm>> -> memref<100x128xf32, #tpu.memory_space<hbm>>
    tpu.wait_dma2 semaphore(%arg24 : memref<!tpu.dma_semaphore, #tpu.memory_space<semaphore_mem>>) src(%arg20 : memref<100x128xf32, #tpu.memory_space<vmem>>) dst(%dma_wait3A_338 : memref<100x128xf32, #tpu.memory_space<hbm>>)
    return
  }
}

#map = affine_map<(d0, d1) -> (0)>
#map1 = affine_map<(d0, d1) -> (0, 0)>
module attributes {stable_mosaic.version = 14 : i64} {
  func.func @sc_gather(%arg0: i32, %arg1: i32, %arg2: memref<204800xi32, #tpu.memory_space<hbm>>, %arg3: memref<204800xi32, #tpu.memory_space<hbm>>, %arg4: memref<204800xi32, #tpu.memory_space<hbm>>, %arg5: memref<100000x64xf32, #tpu.memory_space<hbm>>, %arg6: memref<100000x64xf32, #tpu.memory_space<hbm>>, %arg7: memref<100000x64xf32, #tpu.memory_space<hbm>>, %arg8: memref<200x64xf32, #tpu.memory_space<hbm>>, %arg9: memref<102400x128xf32, #tpu.memory_space<hbm>>, %arg10: memref<6400xi32, #tpu.memory_space<vmem>>, %arg11: memref<6400xi32, #tpu.memory_space<vmem>>, %arg12: memref<6400xi32, #tpu.memory_space<vmem>>, %arg13: memref<200x64xf32, #tpu.memory_space<vmem>>, %arg14: memref<200x64xf32, #tpu.memory_space<vmem>>, %arg15: memref<200x64xf32, #tpu.memory_space<vmem>>, %arg16: memref<200x64xf32, #tpu.memory_space<vmem>>, %arg17: memref<200x64xf32, #tpu.memory_space<vmem>>, %arg18: memref<200x64xf32, #tpu.memory_space<vmem>>, %arg19: memref<200x64xf32, #tpu.memory_space<vmem>>, %arg20: memref<100x128xf32, #tpu.memory_space<vmem>>, %arg21: memref<!tpu.dma_semaphore, #tpu.memory_space<semaphore_mem>>, %arg22: memref<!tpu.dma_semaphore, #tpu.memory_space<semaphore_mem>>, %arg23: memref<!tpu.dma_semaphore, #tpu.memory_space<semaphore_mem>>, %arg24: memref<!tpu.dma_semaphore, #tpu.memory_space<semaphore_mem>>) attributes {dimension_semantics = [#tpu.dimension_semantics<core_parallel>, #tpu.dimension_semantics<subcore_parallel>], iteration_bounds = array<i64: 2, 16>, scalar_prefetch = 0 : i64, scratch_operands = 15 : i64, tpu.core_type = #tpu.core_type<sc_vector_subcore>, window_params = [{transform_indices = #map}, {transform_indices = #map}, {transform_indices = #map}, {transform_indices = #map1}, {transform_indices = #map1}, {transform_indices = #map1}, {transform_indices = #map1}, {transform_indices = #map1}]} {
    %mul3A = arith.constant 2 : i32
    %mul3A_0 = arith.muli %arg1, %mul3A : i32
    %add3A = arith.addi %mul3A_0, %arg0 : i32
    "tpu.region"() ({
      %run_scoped3A = tpu.sem_alloc : memref<!tpu.dma_semaphore, #tpu.memory_space<semaphore_mem>>
      tpu.enqueue_dma source(%arg8 : memref<200x64xf32, #tpu.memory_space<hbm>>) target(%arg19 : memref<200x64xf32, #tpu.memory_space<vmem>>) target_semaphore(%run_scoped3A : memref<!tpu.dma_semaphore, #tpu.memory_space<semaphore_mem>>)
      tpu.wait_dma2 semaphore(%run_scoped3A : memref<!tpu.dma_semaphore, #tpu.memory_space<semaphore_mem>>) src(%arg8 : memref<200x64xf32, #tpu.memory_space<hbm>>) dst(%arg19 : memref<200x64xf32, #tpu.memory_space<vmem>>)
      tpu.yield
    }) : () -> ()
    %mul3A_1 = arith.constant 32 : i32
    %mul3A_2 = arith.muli %add3A, %mul3A_1 : i32
    %mul3A_3 = arith.constant 200 : i32
    %mul3A_4 = arith.muli %mul3A_2, %mul3A_3 : i32
    %dma_start3A = tpu.memref_slice %arg2[%mul3A_4] : memref<204800xi32, #tpu.memory_space<hbm>> -> memref<6400xi32, #tpu.memory_space<hbm>>
    %dma_start3A_5 = tpu.memref_slice %arg2[%mul3A_4] : memref<204800xi32, #tpu.memory_space<hbm>> -> memref<6400xi32, #tpu.memory_space<hbm>>
    tpu.enqueue_dma source(%dma_start3A_5 : memref<6400xi32, #tpu.memory_space<hbm>>) target(%arg10 : memref<6400xi32, #tpu.memory_space<vmem>>) target_semaphore(%arg21 : memref<!tpu.dma_semaphore, #tpu.memory_space<semaphore_mem>>)
    %dma_start3A_6 = tpu.memref_slice %arg3[%mul3A_4] : memref<204800xi32, #tpu.memory_space<hbm>> -> memref<6400xi32, #tpu.memory_space<hbm>>
    %dma_start3A_7 = tpu.memref_slice %arg3[%mul3A_4] : memref<204800xi32, #tpu.memory_space<hbm>> -> memref<6400xi32, #tpu.memory_space<hbm>>
    tpu.enqueue_dma source(%dma_start3A_7 : memref<6400xi32, #tpu.memory_space<hbm>>) target(%arg11 : memref<6400xi32, #tpu.memory_space<vmem>>) target_semaphore(%arg21 : memref<!tpu.dma_semaphore, #tpu.memory_space<semaphore_mem>>)
    %dma_start3A_8 = tpu.memref_slice %arg4[%mul3A_4] : memref<204800xi32, #tpu.memory_space<hbm>> -> memref<6400xi32, #tpu.memory_space<hbm>>
    %dma_start3A_9 = tpu.memref_slice %arg4[%mul3A_4] : memref<204800xi32, #tpu.memory_space<hbm>> -> memref<6400xi32, #tpu.memory_space<hbm>>
    tpu.enqueue_dma source(%dma_start3A_9 : memref<6400xi32, #tpu.memory_space<hbm>>) target(%arg12 : memref<6400xi32, #tpu.memory_space<vmem>>) target_semaphore(%arg21 : memref<!tpu.dma_semaphore, #tpu.memory_space<semaphore_mem>>)
    %dma_wait3A = tpu.memref_slice %arg2[%mul3A_4] : memref<204800xi32, #tpu.memory_space<hbm>> -> memref<6400xi32, #tpu.memory_space<hbm>>
    %dma_wait3A_10 = tpu.memref_slice %arg2[%mul3A_4] : memref<204800xi32, #tpu.memory_space<hbm>> -> memref<6400xi32, #tpu.memory_space<hbm>>
    tpu.wait_dma2 semaphore(%arg21 : memref<!tpu.dma_semaphore, #tpu.memory_space<semaphore_mem>>) src(%dma_wait3A_10 : memref<6400xi32, #tpu.memory_space<hbm>>) dst(%arg10 : memref<6400xi32, #tpu.memory_space<vmem>>)
    %dma_wait3A_11 = tpu.memref_slice %arg3[%mul3A_4] : memref<204800xi32, #tpu.memory_space<hbm>> -> memref<6400xi32, #tpu.memory_space<hbm>>
    %dma_wait3A_12 = tpu.memref_slice %arg3[%mul3A_4] : memref<204800xi32, #tpu.memory_space<hbm>> -> memref<6400xi32, #tpu.memory_space<hbm>>
    tpu.wait_dma2 semaphore(%arg21 : memref<!tpu.dma_semaphore, #tpu.memory_space<semaphore_mem>>) src(%dma_wait3A_12 : memref<6400xi32, #tpu.memory_space<hbm>>) dst(%arg11 : memref<6400xi32, #tpu.memory_space<vmem>>)
    %dma_wait3A_13 = tpu.memref_slice %arg4[%mul3A_4] : memref<204800xi32, #tpu.memory_space<hbm>> -> memref<6400xi32, #tpu.memory_space<hbm>>
    %dma_wait3A_14 = tpu.memref_slice %arg4[%mul3A_4] : memref<204800xi32, #tpu.memory_space<hbm>> -> memref<6400xi32, #tpu.memory_space<hbm>>
    tpu.wait_dma2 semaphore(%arg21 : memref<!tpu.dma_semaphore, #tpu.memory_space<semaphore_mem>>) src(%dma_wait3A_14 : memref<6400xi32, #tpu.memory_space<hbm>>) dst(%arg12 : memref<6400xi32, #tpu.memory_space<vmem>>)
    %dma_start3A_15 = arith.constant 0 : i32
    %dma_start3A_16 = arith.constant 0 : i32
    %dma_start3A_17 = tpu.memref_slice %arg13[%dma_start3A_15, %dma_start3A_16] : memref<200x64xf32, #tpu.memory_space<vmem>> -> memref<104x64xf32, #tpu.memory_space<vmem>>
    %dma_start3A_18 = arith.constant 0 : i32
    %dma_start3A_19 = tpu.memref_slice %arg10[%dma_start3A_18] : memref<6400xi32, #tpu.memory_space<vmem>> -> memref<104xi32, #tpu.memory_space<vmem>>
    %dma_start3A_20 = arith.constant 0 : i32
    %dma_start3A_21 = arith.constant 0 : i32
    %dma_start3A_22 = tpu.memref_slice %arg5[%dma_start3A_20, %dma_start3A_21] : memref<100000x64xf32, #tpu.memory_space<hbm>> -> memref<100000x64xf32, #tpu.memory_space<hbm>>
    tpu.enqueue_indirect_dma source(%dma_start3A_22 : memref<100000x64xf32, #tpu.memory_space<hbm>>) target(%dma_start3A_17 : memref<104x64xf32, #tpu.memory_space<vmem>>) offsets(%dma_start3A_19 : memref<104xi32, #tpu.memory_space<vmem>>) semaphore(%arg22 : memref<!tpu.dma_semaphore, #tpu.memory_space<semaphore_mem>>)
    %dma_start3A_23 = arith.constant 104 : i32
    %dma_start3A_24 = arith.constant 0 : i32
    %dma_start3A_25 = tpu.memref_slice %arg13[%dma_start3A_23, %dma_start3A_24] : memref<200x64xf32, #tpu.memory_space<vmem>> -> memref<96x64xf32, #tpu.memory_space<vmem>>
    %dma_start3A_26 = arith.constant 104 : i32
    %dma_start3A_27 = tpu.memref_slice %arg10[%dma_start3A_26] : memref<6400xi32, #tpu.memory_space<vmem>> -> memref<96xi32, #tpu.memory_space<vmem>>
    %dma_start3A_28 = arith.constant 0 : i32
    %dma_start3A_29 = arith.constant 0 : i32
    %dma_start3A_30 = tpu.memref_slice %arg5[%dma_start3A_28, %dma_start3A_29] : memref<100000x64xf32, #tpu.memory_space<hbm>> -> memref<100000x64xf32, #tpu.memory_space<hbm>>
    tpu.enqueue_indirect_dma source(%dma_start3A_30 : memref<100000x64xf32, #tpu.memory_space<hbm>>) target(%dma_start3A_25 : memref<96x64xf32, #tpu.memory_space<vmem>>) offsets(%dma_start3A_27 : memref<96xi32, #tpu.memory_space<vmem>>) semaphore(%arg22 : memref<!tpu.dma_semaphore, #tpu.memory_space<semaphore_mem>>)
    %dma_start3A_31 = arith.constant 0 : i32
    %dma_start3A_32 = arith.constant 0 : i32
    %dma_start3A_33 = tpu.memref_slice %arg14[%dma_start3A_31, %dma_start3A_32] : memref<200x64xf32, #tpu.memory_space<vmem>> -> memref<104x64xf32, #tpu.memory_space<vmem>>
    %dma_start3A_34 = arith.constant 0 : i32
    %dma_start3A_35 = tpu.memref_slice %arg11[%dma_start3A_34] : memref<6400xi32, #tpu.memory_space<vmem>> -> memref<104xi32, #tpu.memory_space<vmem>>
    %dma_start3A_36 = arith.constant 0 : i32
    %dma_start3A_37 = arith.constant 0 : i32
    %dma_start3A_38 = tpu.memref_slice %arg6[%dma_start3A_36, %dma_start3A_37] : memref<100000x64xf32, #tpu.memory_space<hbm>> -> memref<100000x64xf32, #tpu.memory_space<hbm>>
    tpu.enqueue_indirect_dma source(%dma_start3A_38 : memref<100000x64xf32, #tpu.memory_space<hbm>>) target(%dma_start3A_33 : memref<104x64xf32, #tpu.memory_space<vmem>>) offsets(%dma_start3A_35 : memref<104xi32, #tpu.memory_space<vmem>>) semaphore(%arg22 : memref<!tpu.dma_semaphore, #tpu.memory_space<semaphore_mem>>)
    %dma_start3A_39 = arith.constant 104 : i32
    %dma_start3A_40 = arith.constant 0 : i32
    %dma_start3A_41 = tpu.memref_slice %arg14[%dma_start3A_39, %dma_start3A_40] : memref<200x64xf32, #tpu.memory_space<vmem>> -> memref<96x64xf32, #tpu.memory_space<vmem>>
    %dma_start3A_42 = arith.constant 104 : i32
    %dma_start3A_43 = tpu.memref_slice %arg11[%dma_start3A_42] : memref<6400xi32, #tpu.memory_space<vmem>> -> memref<96xi32, #tpu.memory_space<vmem>>
    %dma_start3A_44 = arith.constant 0 : i32
    %dma_start3A_45 = arith.constant 0 : i32
    %dma_start3A_46 = tpu.memref_slice %arg6[%dma_start3A_44, %dma_start3A_45] : memref<100000x64xf32, #tpu.memory_space<hbm>> -> memref<100000x64xf32, #tpu.memory_space<hbm>>
    tpu.enqueue_indirect_dma source(%dma_start3A_46 : memref<100000x64xf32, #tpu.memory_space<hbm>>) target(%dma_start3A_41 : memref<96x64xf32, #tpu.memory_space<vmem>>) offsets(%dma_start3A_43 : memref<96xi32, #tpu.memory_space<vmem>>) semaphore(%arg22 : memref<!tpu.dma_semaphore, #tpu.memory_space<semaphore_mem>>)
    %dma_start3A_47 = arith.constant 0 : i32
    %dma_start3A_48 = arith.constant 0 : i32
    %dma_start3A_49 = tpu.memref_slice %arg15[%dma_start3A_47, %dma_start3A_48] : memref<200x64xf32, #tpu.memory_space<vmem>> -> memref<104x64xf32, #tpu.memory_space<vmem>>
    %dma_start3A_50 = arith.constant 0 : i32
    %dma_start3A_51 = tpu.memref_slice %arg12[%dma_start3A_50] : memref<6400xi32, #tpu.memory_space<vmem>> -> memref<104xi32, #tpu.memory_space<vmem>>
    %dma_start3A_52 = arith.constant 0 : i32
    %dma_start3A_53 = arith.constant 0 : i32
    %dma_start3A_54 = tpu.memref_slice %arg7[%dma_start3A_52, %dma_start3A_53] : memref<100000x64xf32, #tpu.memory_space<hbm>> -> memref<100000x64xf32, #tpu.memory_space<hbm>>
    tpu.enqueue_indirect_dma source(%dma_start3A_54 : memref<100000x64xf32, #tpu.memory_space<hbm>>) target(%dma_start3A_49 : memref<104x64xf32, #tpu.memory_space<vmem>>) offsets(%dma_start3A_51 : memref<104xi32, #tpu.memory_space<vmem>>) semaphore(%arg22 : memref<!tpu.dma_semaphore, #tpu.memory_space<semaphore_mem>>)
    %dma_start3A_55 = arith.constant 104 : i32
    %dma_start3A_56 = arith.constant 0 : i32
    %dma_start3A_57 = tpu.memref_slice %arg15[%dma_start3A_55, %dma_start3A_56] : memref<200x64xf32, #tpu.memory_space<vmem>> -> memref<96x64xf32, #tpu.memory_space<vmem>>
    %dma_start3A_58 = arith.constant 104 : i32
    %dma_start3A_59 = tpu.memref_slice %arg12[%dma_start3A_58] : memref<6400xi32, #tpu.memory_space<vmem>> -> memref<96xi32, #tpu.memory_space<vmem>>
    %dma_start3A_60 = arith.constant 0 : i32
    %dma_start3A_61 = arith.constant 0 : i32
    %dma_start3A_62 = tpu.memref_slice %arg7[%dma_start3A_60, %dma_start3A_61] : memref<100000x64xf32, #tpu.memory_space<hbm>> -> memref<100000x64xf32, #tpu.memory_space<hbm>>
    tpu.enqueue_indirect_dma source(%dma_start3A_62 : memref<100000x64xf32, #tpu.memory_space<hbm>>) target(%dma_start3A_57 : memref<96x64xf32, #tpu.memory_space<vmem>>) offsets(%dma_start3A_59 : memref<96xi32, #tpu.memory_space<vmem>>) semaphore(%arg22 : memref<!tpu.dma_semaphore, #tpu.memory_space<semaphore_mem>>)
    %dma_start3A_63 = arith.constant 0 : i32
    %dma_start3A_64 = arith.constant 0 : i32
    %dma_start3A_65 = tpu.memref_slice %arg16[%dma_start3A_63, %dma_start3A_64] : memref<200x64xf32, #tpu.memory_space<vmem>> -> memref<104x64xf32, #tpu.memory_space<vmem>>
    %dma_start3A_66 = arith.constant 200 : i32
    %dma_start3A_67 = tpu.memref_slice %arg10[%dma_start3A_66] : memref<6400xi32, #tpu.memory_space<vmem>> -> memref<104xi32, #tpu.memory_space<vmem>>
    %dma_start3A_68 = arith.constant 0 : i32
    %dma_start3A_69 = arith.constant 0 : i32
    %dma_start3A_70 = tpu.memref_slice %arg5[%dma_start3A_68, %dma_start3A_69] : memref<100000x64xf32, #tpu.memory_space<hbm>> -> memref<100000x64xf32, #tpu.memory_space<hbm>>
    tpu.enqueue_indirect_dma source(%dma_start3A_70 : memref<100000x64xf32, #tpu.memory_space<hbm>>) target(%dma_start3A_65 : memref<104x64xf32, #tpu.memory_space<vmem>>) offsets(%dma_start3A_67 : memref<104xi32, #tpu.memory_space<vmem>>) semaphore(%arg23 : memref<!tpu.dma_semaphore, #tpu.memory_space<semaphore_mem>>)
    %dma_start3A_71 = arith.constant 104 : i32
    %dma_start3A_72 = arith.constant 0 : i32
    %dma_start3A_73 = tpu.memref_slice %arg16[%dma_start3A_71, %dma_start3A_72] : memref<200x64xf32, #tpu.memory_space<vmem>> -> memref<96x64xf32, #tpu.memory_space<vmem>>
    %dma_start3A_74 = arith.constant 304 : i32
    %dma_start3A_75 = tpu.memref_slice %arg10[%dma_start3A_74] : memref<6400xi32, #tpu.memory_space<vmem>> -> memref<96xi32, #tpu.memory_space<vmem>>
    %dma_start3A_76 = arith.constant 0 : i32
    %dma_start3A_77 = arith.constant 0 : i32
    %dma_start3A_78 = tpu.memref_slice %arg5[%dma_start3A_76, %dma_start3A_77] : memref<100000x64xf32, #tpu.memory_space<hbm>> -> memref<100000x64xf32, #tpu.memory_space<hbm>>
    tpu.enqueue_indirect_dma source(%dma_start3A_78 : memref<100000x64xf32, #tpu.memory_space<hbm>>) target(%dma_start3A_73 : memref<96x64xf32, #tpu.memory_space<vmem>>) offsets(%dma_start3A_75 : memref<96xi32, #tpu.memory_space<vmem>>) semaphore(%arg23 : memref<!tpu.dma_semaphore, #tpu.memory_space<semaphore_mem>>)
    %dma_start3A_79 = arith.constant 0 : i32
    %dma_start3A_80 = arith.constant 0 : i32
    %dma_start3A_81 = tpu.memref_slice %arg17[%dma_start3A_79, %dma_start3A_80] : memref<200x64xf32, #tpu.memory_space<vmem>> -> memref<104x64xf32, #tpu.memory_space<vmem>>
    %dma_start3A_82 = arith.constant 200 : i32
    %dma_start3A_83 = tpu.memref_slice %arg11[%dma_start3A_82] : memref<6400xi32, #tpu.memory_space<vmem>> -> memref<104xi32, #tpu.memory_space<vmem>>
    %dma_start3A_84 = arith.constant 0 : i32
    %dma_start3A_85 = arith.constant 0 : i32
    %dma_start3A_86 = tpu.memref_slice %arg6[%dma_start3A_84, %dma_start3A_85] : memref<100000x64xf32, #tpu.memory_space<hbm>> -> memref<100000x64xf32, #tpu.memory_space<hbm>>
    tpu.enqueue_indirect_dma source(%dma_start3A_86 : memref<100000x64xf32, #tpu.memory_space<hbm>>) target(%dma_start3A_81 : memref<104x64xf32, #tpu.memory_space<vmem>>) offsets(%dma_start3A_83 : memref<104xi32, #tpu.memory_space<vmem>>) semaphore(%arg23 : memref<!tpu.dma_semaphore, #tpu.memory_space<semaphore_mem>>)
    %dma_start3A_87 = arith.constant 104 : i32
    %dma_start3A_88 = arith.constant 0 : i32
    %dma_start3A_89 = tpu.memref_slice %arg17[%dma_start3A_87, %dma_start3A_88] : memref<200x64xf32, #tpu.memory_space<vmem>> -> memref<96x64xf32, #tpu.memory_space<vmem>>
    %dma_start3A_90 = arith.constant 304 : i32
    %dma_start3A_91 = tpu.memref_slice %arg11[%dma_start3A_90] : memref<6400xi32, #tpu.memory_space<vmem>> -> memref<96xi32, #tpu.memory_space<vmem>>
    %dma_start3A_92 = arith.constant 0 : i32
    %dma_start3A_93 = arith.constant 0 : i32
    %dma_start3A_94 = tpu.memref_slice %arg6[%dma_start3A_92, %dma_start3A_93] : memref<100000x64xf32, #tpu.memory_space<hbm>> -> memref<100000x64xf32, #tpu.memory_space<hbm>>
    tpu.enqueue_indirect_dma source(%dma_start3A_94 : memref<100000x64xf32, #tpu.memory_space<hbm>>) target(%dma_start3A_89 : memref<96x64xf32, #tpu.memory_space<vmem>>) offsets(%dma_start3A_91 : memref<96xi32, #tpu.memory_space<vmem>>) semaphore(%arg23 : memref<!tpu.dma_semaphore, #tpu.memory_space<semaphore_mem>>)
    %dma_start3A_95 = arith.constant 0 : i32
    %dma_start3A_96 = arith.constant 0 : i32
    %dma_start3A_97 = tpu.memref_slice %arg18[%dma_start3A_95, %dma_start3A_96] : memref<200x64xf32, #tpu.memory_space<vmem>> -> memref<104x64xf32, #tpu.memory_space<vmem>>
    %dma_start3A_98 = arith.constant 200 : i32
    %dma_start3A_99 = tpu.memref_slice %arg12[%dma_start3A_98] : memref<6400xi32, #tpu.memory_space<vmem>> -> memref<104xi32, #tpu.memory_space<vmem>>
    %dma_start3A_100 = arith.constant 0 : i32
    %dma_start3A_101 = arith.constant 0 : i32
    %dma_start3A_102 = tpu.memref_slice %arg7[%dma_start3A_100, %dma_start3A_101] : memref<100000x64xf32, #tpu.memory_space<hbm>> -> memref<100000x64xf32, #tpu.memory_space<hbm>>
    tpu.enqueue_indirect_dma source(%dma_start3A_102 : memref<100000x64xf32, #tpu.memory_space<hbm>>) target(%dma_start3A_97 : memref<104x64xf32, #tpu.memory_space<vmem>>) offsets(%dma_start3A_99 : memref<104xi32, #tpu.memory_space<vmem>>) semaphore(%arg23 : memref<!tpu.dma_semaphore, #tpu.memory_space<semaphore_mem>>)
    %dma_start3A_103 = arith.constant 104 : i32
    %dma_start3A_104 = arith.constant 0 : i32
    %dma_start3A_105 = tpu.memref_slice %arg18[%dma_start3A_103, %dma_start3A_104] : memref<200x64xf32, #tpu.memory_space<vmem>> -> memref<96x64xf32, #tpu.memory_space<vmem>>
    %dma_start3A_106 = arith.constant 304 : i32
    %dma_start3A_107 = tpu.memref_slice %arg12[%dma_start3A_106] : memref<6400xi32, #tpu.memory_space<vmem>> -> memref<96xi32, #tpu.memory_space<vmem>>
    %dma_start3A_108 = arith.constant 0 : i32
    %dma_start3A_109 = arith.constant 0 : i32
    %dma_start3A_110 = tpu.memref_slice %arg7[%dma_start3A_108, %dma_start3A_109] : memref<100000x64xf32, #tpu.memory_space<hbm>> -> memref<100000x64xf32, #tpu.memory_space<hbm>>
    tpu.enqueue_indirect_dma source(%dma_start3A_110 : memref<100000x64xf32, #tpu.memory_space<hbm>>) target(%dma_start3A_105 : memref<96x64xf32, #tpu.memory_space<vmem>>) offsets(%dma_start3A_107 : memref<96xi32, #tpu.memory_space<vmem>>) semaphore(%arg23 : memref<!tpu.dma_semaphore, #tpu.memory_space<semaphore_mem>>)
    %dma_wait3A_111 = arith.constant 0 : i32
    %dma_wait3A_112 = arith.constant 0 : i32
    %dma_wait3A_113 = tpu.memref_slice %arg13[%dma_wait3A_111, %dma_wait3A_112] : memref<200x64xf32, #tpu.memory_space<vmem>> -> memref<104x64xf32, #tpu.memory_space<vmem>>
    %dma_wait3A_114 = arith.constant 0 : i32
    %dma_wait3A_115 = tpu.memref_slice %arg10[%dma_wait3A_114] : memref<6400xi32, #tpu.memory_space<vmem>> -> memref<104xi32, #tpu.memory_space<vmem>>
    %dma_wait3A_116 = arith.constant 0 : i32
    %dma_wait3A_117 = arith.constant 0 : i32
    %dma_wait3A_118 = tpu.memref_slice %arg5[%dma_wait3A_116, %dma_wait3A_117] : memref<100000x64xf32, #tpu.memory_space<hbm>> -> memref<100000x64xf32, #tpu.memory_space<hbm>>
    tpu.wait_indirect_dma semaphore(%arg22 : memref<!tpu.dma_semaphore, #tpu.memory_space<semaphore_mem>>) src(%dma_wait3A_118 : memref<100000x64xf32, #tpu.memory_space<hbm>>) dst(%dma_wait3A_113 : memref<104x64xf32, #tpu.memory_space<vmem>>)
    %dma_wait3A_119 = arith.constant 104 : i32
    %dma_wait3A_120 = arith.constant 0 : i32
    %dma_wait3A_121 = tpu.memref_slice %arg13[%dma_wait3A_119, %dma_wait3A_120] : memref<200x64xf32, #tpu.memory_space<vmem>> -> memref<96x64xf32, #tpu.memory_space<vmem>>
    %dma_wait3A_122 = arith.constant 104 : i32
    %dma_wait3A_123 = tpu.memref_slice %arg10[%dma_wait3A_122] : memref<6400xi32, #tpu.memory_space<vmem>> -> memref<96xi32, #tpu.memory_space<vmem>>
    %dma_wait3A_124 = arith.constant 0 : i32
    %dma_wait3A_125 = arith.constant 0 : i32
    %dma_wait3A_126 = tpu.memref_slice %arg5[%dma_wait3A_124, %dma_wait3A_125] : memref<100000x64xf32, #tpu.memory_space<hbm>> -> memref<100000x64xf32, #tpu.memory_space<hbm>>
    tpu.wait_indirect_dma semaphore(%arg22 : memref<!tpu.dma_semaphore, #tpu.memory_space<semaphore_mem>>) src(%dma_wait3A_126 : memref<100000x64xf32, #tpu.memory_space<hbm>>) dst(%dma_wait3A_121 : memref<96x64xf32, #tpu.memory_space<vmem>>)
    %dma_wait3A_127 = arith.constant 0 : i32
    %dma_wait3A_128 = arith.constant 0 : i32
    %dma_wait3A_129 = tpu.memref_slice %arg14[%dma_wait3A_127, %dma_wait3A_128] : memref<200x64xf32, #tpu.memory_space<vmem>> -> memref<104x64xf32, #tpu.memory_space<vmem>>
    %dma_wait3A_130 = arith.constant 0 : i32
    %dma_wait3A_131 = tpu.memref_slice %arg11[%dma_wait3A_130] : memref<6400xi32, #tpu.memory_space<vmem>> -> memref<104xi32, #tpu.memory_space<vmem>>
    %dma_wait3A_132 = arith.constant 0 : i32
    %dma_wait3A_133 = arith.constant 0 : i32
    %dma_wait3A_134 = tpu.memref_slice %arg6[%dma_wait3A_132, %dma_wait3A_133] : memref<100000x64xf32, #tpu.memory_space<hbm>> -> memref<100000x64xf32, #tpu.memory_space<hbm>>
    tpu.wait_indirect_dma semaphore(%arg22 : memref<!tpu.dma_semaphore, #tpu.memory_space<semaphore_mem>>) src(%dma_wait3A_134 : memref<100000x64xf32, #tpu.memory_space<hbm>>) dst(%dma_wait3A_129 : memref<104x64xf32, #tpu.memory_space<vmem>>)
    %dma_wait3A_135 = arith.constant 104 : i32
    %dma_wait3A_136 = arith.constant 0 : i32
    %dma_wait3A_137 = tpu.memref_slice %arg14[%dma_wait3A_135, %dma_wait3A_136] : memref<200x64xf32, #tpu.memory_space<vmem>> -> memref<96x64xf32, #tpu.memory_space<vmem>>
    %dma_wait3A_138 = arith.constant 104 : i32
    %dma_wait3A_139 = tpu.memref_slice %arg11[%dma_wait3A_138] : memref<6400xi32, #tpu.memory_space<vmem>> -> memref<96xi32, #tpu.memory_space<vmem>>
    %dma_wait3A_140 = arith.constant 0 : i32
    %dma_wait3A_141 = arith.constant 0 : i32
    %dma_wait3A_142 = tpu.memref_slice %arg6[%dma_wait3A_140, %dma_wait3A_141] : memref<100000x64xf32, #tpu.memory_space<hbm>> -> memref<100000x64xf32, #tpu.memory_space<hbm>>
    tpu.wait_indirect_dma semaphore(%arg22 : memref<!tpu.dma_semaphore, #tpu.memory_space<semaphore_mem>>) src(%dma_wait3A_142 : memref<100000x64xf32, #tpu.memory_space<hbm>>) dst(%dma_wait3A_137 : memref<96x64xf32, #tpu.memory_space<vmem>>)
    %dma_wait3A_143 = arith.constant 0 : i32
    %dma_wait3A_144 = arith.constant 0 : i32
    %dma_wait3A_145 = tpu.memref_slice %arg15[%dma_wait3A_143, %dma_wait3A_144] : memref<200x64xf32, #tpu.memory_space<vmem>> -> memref<104x64xf32, #tpu.memory_space<vmem>>
    %dma_wait3A_146 = arith.constant 0 : i32
    %dma_wait3A_147 = tpu.memref_slice %arg12[%dma_wait3A_146] : memref<6400xi32, #tpu.memory_space<vmem>> -> memref<104xi32, #tpu.memory_space<vmem>>
    %dma_wait3A_148 = arith.constant 0 : i32
    %dma_wait3A_149 = arith.constant 0 : i32
    %dma_wait3A_150 = tpu.memref_slice %arg7[%dma_wait3A_148, %dma_wait3A_149] : memref<100000x64xf32, #tpu.memory_space<hbm>> -> memref<100000x64xf32, #tpu.memory_space<hbm>>
    tpu.wait_indirect_dma semaphore(%arg22 : memref<!tpu.dma_semaphore, #tpu.memory_space<semaphore_mem>>) src(%dma_wait3A_150 : memref<100000x64xf32, #tpu.memory_space<hbm>>) dst(%dma_wait3A_145 : memref<104x64xf32, #tpu.memory_space<vmem>>)
    %dma_wait3A_151 = arith.constant 104 : i32
    %dma_wait3A_152 = arith.constant 0 : i32
    %dma_wait3A_153 = tpu.memref_slice %arg15[%dma_wait3A_151, %dma_wait3A_152] : memref<200x64xf32, #tpu.memory_space<vmem>> -> memref<96x64xf32, #tpu.memory_space<vmem>>
    %dma_wait3A_154 = arith.constant 104 : i32
    %dma_wait3A_155 = tpu.memref_slice %arg12[%dma_wait3A_154] : memref<6400xi32, #tpu.memory_space<vmem>> -> memref<96xi32, #tpu.memory_space<vmem>>
    %dma_wait3A_156 = arith.constant 0 : i32
    %dma_wait3A_157 = arith.constant 0 : i32
    %dma_wait3A_158 = tpu.memref_slice %arg7[%dma_wait3A_156, %dma_wait3A_157] : memref<100000x64xf32, #tpu.memory_space<hbm>> -> memref<100000x64xf32, #tpu.memory_space<hbm>>
    tpu.wait_indirect_dma semaphore(%arg22 : memref<!tpu.dma_semaphore, #tpu.memory_space<semaphore_mem>>) src(%dma_wait3A_158 : memref<100000x64xf32, #tpu.memory_space<hbm>>) dst(%dma_wait3A_153 : memref<96x64xf32, #tpu.memory_space<vmem>>)
    %scan3A = arith.constant 0 : i32
    %scan3A_159 = arith.constant 0 : i32
    %scan3A_160 = arith.constant 100 : i32
    %scan3A_161 = arith.addi %scan3A_159, %scan3A_160 : i32
    %scan3A_162 = arith.constant 1 : i32
    %scan3A_163 = scf.for %scan3A_339 = %scan3A_159 to %scan3A_161 step %scan3A_162 iter_args(%scan3A_340 = %scan3A) -> (i32)  : i32 {
      %mul3A_341 = arith.constant 2 : i32
      %mul3A_342 = arith.muli %mul3A_341, %scan3A_339 : i32
      %add3A_343 = arith.constant 0 : i32
      %add3A_344 = arith.addi %mul3A_342, %add3A_343 : i32
      %get3A = arith.index_cast %add3A_344 : i32 to index
      %get3A_345 = arith.constant 0 : index
      %get3A_346 = tpu.vector_load %arg13[%get3A, %get3A_345] {strides = array<i32>} : memref<200x64xf32, #tpu.memory_space<vmem>>, vector<1x16xf32>,
      %get3A_347 = vector.shape_cast %get3A_346 : vector<1x16xf32> to vector<16xf32>
      %get3A_348 = arith.index_cast %add3A_344 : i32 to index
      %get3A_349 = arith.constant 0 : index
      %get3A_350 = tpu.vector_load %arg14[%get3A_348, %get3A_349] {strides = array<i32>} : memref<200x64xf32, #tpu.memory_space<vmem>>, vector<1x16xf32>,
      %get3A_351 = vector.shape_cast %get3A_350 : vector<1x16xf32> to vector<16xf32>
      %add3A_352 = arith.addf %get3A_347, %get3A_351 : vector<16xf32>
      %get3A_353 = arith.index_cast %add3A_344 : i32 to index
      %get3A_354 = arith.constant 0 : index
      %get3A_355 = tpu.vector_load %arg15[%get3A_353, %get3A_354] {strides = array<i32>} : memref<200x64xf32, #tpu.memory_space<vmem>>, vector<1x16xf32>,
      %get3A_356 = vector.shape_cast %get3A_355 : vector<1x16xf32> to vector<16xf32>
      %add3A_357 = arith.addf %add3A_352, %get3A_356 : vector<16xf32>
      %get3A_358 = arith.index_cast %add3A_344 : i32 to index
      %get3A_359 = arith.constant 0 : index
      %get3A_360 = tpu.vector_load %arg19[%get3A_358, %get3A_359] {strides = array<i32>} : memref<200x64xf32, #tpu.memory_space<vmem>>, vector<1x16xf32>,
      %get3A_361 = vector.shape_cast %get3A_360 : vector<1x16xf32> to vector<16xf32>
      %add3A_362 = arith.addf %add3A_357, %get3A_361 : vector<16xf32>
      %swap3A = arith.index_cast %scan3A_339 : i32 to index
      %swap3A_363 = arith.constant 0 : index
      %swap3A_364 = tpu.vector_load %arg20[%swap3A, %swap3A_363] {strides = array<i32>} : memref<100x128xf32, #tpu.memory_space<vmem>>, vector<1x16xf32>,
      %swap3A_365 = vector.shape_cast %swap3A_364 : vector<1x16xf32> to vector<16xf32>
      %swap3A_366 = vector.shape_cast %add3A_362 : vector<16xf32> to vector<1x16xf32>
      tpu.vector_store %arg20[%swap3A, %swap3A_363], %swap3A_366 {strides = array<i32>} : memref<100x128xf32, #tpu.memory_space<vmem>>, vector<1x16xf32>,
      %get3A_367 = arith.index_cast %add3A_344 : i32 to index
      %get3A_368 = arith.constant 16 : index
      %get3A_369 = tpu.vector_load %arg13[%get3A_367, %get3A_368] {strides = array<i32>} : memref<200x64xf32, #tpu.memory_space<vmem>>, vector<1x16xf32>,
      %get3A_370 = vector.shape_cast %get3A_369 : vector<1x16xf32> to vector<16xf32>
      %get3A_371 = arith.index_cast %add3A_344 : i32 to index
      %get3A_372 = arith.constant 16 : index
      %get3A_373 = tpu.vector_load %arg14[%get3A_371, %get3A_372] {strides = array<i32>} : memref<200x64xf32, #tpu.memory_space<vmem>>, vector<1x16xf32>,
      %get3A_374 = vector.shape_cast %get3A_373 : vector<1x16xf32> to vector<16xf32>
      %add3A_375 = arith.addf %get3A_370, %get3A_374 : vector<16xf32>
      %get3A_376 = arith.index_cast %add3A_344 : i32 to index
      %get3A_377 = arith.constant 16 : index
      %get3A_378 = tpu.vector_load %arg15[%get3A_376, %get3A_377] {strides = array<i32>} : memref<200x64xf32, #tpu.memory_space<vmem>>, vector<1x16xf32>,
      %get3A_379 = vector.shape_cast %get3A_378 : vector<1x16xf32> to vector<16xf32>
      %add3A_380 = arith.addf %add3A_375, %get3A_379 : vector<16xf32>
      %get3A_381 = arith.index_cast %add3A_344 : i32 to index
      %get3A_382 = arith.constant 16 : index
      %get3A_383 = tpu.vector_load %arg19[%get3A_381, %get3A_382] {strides = array<i32>} : memref<200x64xf32, #tpu.memory_space<vmem>>, vector<1x16xf32>,
      %get3A_384 = vector.shape_cast %get3A_383 : vector<1x16xf32> to vector<16xf32>
      %add3A_385 = arith.addf %add3A_380, %get3A_384 : vector<16xf32>
      %swap3A_386 = arith.index_cast %scan3A_339 : i32 to index
      %swap3A_387 = arith.constant 16 : index
      %swap3A_388 = tpu.vector_load %arg20[%swap3A_386, %swap3A_387] {strides = array<i32>} : memref<100x128xf32, #tpu.memory_space<vmem>>, vector<1x16xf32>,
      %swap3A_389 = vector.shape_cast %swap3A_388 : vector<1x16xf32> to vector<16xf32>
      %swap3A_390 = vector.shape_cast %add3A_385 : vector<16xf32> to vector<1x16xf32>
      tpu.vector_store %arg20[%swap3A_386, %swap3A_387], %swap3A_390 {strides = array<i32>} : memref<100x128xf32, #tpu.memory_space<vmem>>, vector<1x16xf32>,
      %get3A_391 = arith.index_cast %add3A_344 : i32 to index
      %get3A_392 = arith.constant 32 : index
      %get3A_393 = tpu.vector_load %arg13[%get3A_391, %get3A_392] {strides = array<i32>} : memref<200x64xf32, #tpu.memory_space<vmem>>, vector<1x16xf32>,
      %get3A_394 = vector.shape_cast %get3A_393 : vector<1x16xf32> to vector<16xf32>
      %get3A_395 = arith.index_cast %add3A_344 : i32 to index
      %get3A_396 = arith.constant 32 : index
      %get3A_397 = tpu.vector_load %arg14[%get3A_395, %get3A_396] {strides = array<i32>} : memref<200x64xf32, #tpu.memory_space<vmem>>, vector<1x16xf32>,
      %get3A_398 = vector.shape_cast %get3A_397 : vector<1x16xf32> to vector<16xf32>
      %add3A_399 = arith.addf %get3A_394, %get3A_398 : vector<16xf32>
      %get3A_400 = arith.index_cast %add3A_344 : i32 to index
      %get3A_401 = arith.constant 32 : index
      %get3A_402 = tpu.vector_load %arg15[%get3A_400, %get3A_401] {strides = array<i32>} : memref<200x64xf32, #tpu.memory_space<vmem>>, vector<1x16xf32>,
      %get3A_403 = vector.shape_cast %get3A_402 : vector<1x16xf32> to vector<16xf32>
      %add3A_404 = arith.addf %add3A_399, %get3A_403 : vector<16xf32>
      %get3A_405 = arith.index_cast %add3A_344 : i32 to index
      %get3A_406 = arith.constant 32 : index
      %get3A_407 = tpu.vector_load %arg19[%get3A_405, %get3A_406] {strides = array<i32>} : memref<200x64xf32, #tpu.memory_space<vmem>>, vector<1x16xf32>,
      %get3A_408 = vector.shape_cast %get3A_407 : vector<1x16xf32> to vector<16xf32>
      %add3A_409 = arith.addf %add3A_404, %get3A_408 : vector<16xf32>
      %swap3A_410 = arith.index_cast %scan3A_339 : i32 to index
      %swap3A_411 = arith.constant 32 : index
      %swap3A_412 = tpu.vector_load %arg20[%swap3A_410, %swap3A_411] {strides = array<i32>} : memref<100x128xf32, #tpu.memory_space<vmem>>, vector<1x16xf32>,
      %swap3A_413 = vector.shape_cast %swap3A_412 : vector<1x16xf32> to vector<16xf32>
      %swap3A_414 = vector.shape_cast %add3A_409 : vector<16xf32> to vector<1x16xf32>
      tpu.vector_store %arg20[%swap3A_410, %swap3A_411], %swap3A_414 {strides = array<i32>} : memref<100x128xf32, #tpu.memory_space<vmem>>, vector<1x16xf32>,
      %get3A_415 = arith.index_cast %add3A_344 : i32 to index
      %get3A_416 = arith.constant 48 : index
      %get3A_417 = tpu.vector_load %arg13[%get3A_415, %get3A_416] {strides = array<i32>} : memref<200x64xf32, #tpu.memory_space<vmem>>, vector<1x16xf32>,
      %get3A_418 = vector.shape_cast %get3A_417 : vector<1x16xf32> to vector<16xf32>
      %get3A_419 = arith.index_cast %add3A_344 : i32 to index
      %get3A_420 = arith.constant 48 : index
      %get3A_421 = tpu.vector_load %arg14[%get3A_419, %get3A_420] {strides = array<i32>} : memref<200x64xf32, #tpu.memory_space<vmem>>, vector<1x16xf32>,
      %get3A_422 = vector.shape_cast %get3A_421 : vector<1x16xf32> to vector<16xf32>
      %add3A_423 = arith.addf %get3A_418, %get3A_422 : vector<16xf32>
      %get3A_424 = arith.index_cast %add3A_344 : i32 to index
      %get3A_425 = arith.constant 48 : index
      %get3A_426 = tpu.vector_load %arg15[%get3A_424, %get3A_425] {strides = array<i32>} : memref<200x64xf32, #tpu.memory_space<vmem>>, vector<1x16xf32>,
      %get3A_427 = vector.shape_cast %get3A_426 : vector<1x16xf32> to vector<16xf32>
      %add3A_428 = arith.addf %add3A_423, %get3A_427 : vector<16xf32>
      %get3A_429 = arith.index_cast %add3A_344 : i32 to index
      %get3A_430 = arith.constant 48 : index
      %get3A_431 = tpu.vector_load %arg19[%get3A_429, %get3A_430] {strides = array<i32>} : memref<200x64xf32, #tpu.memory_space<vmem>>, vector<1x16xf32>,
      %get3A_432 = vector.shape_cast %get3A_431 : vector<1x16xf32> to vector<16xf32>
      %add3A_433 = arith.addf %add3A_428, %get3A_432 : vector<16xf32>
      %swap3A_434 = arith.index_cast %scan3A_339 : i32 to index
      %swap3A_435 = arith.constant 48 : index
      %swap3A_436 = tpu.vector_load %arg20[%swap3A_434, %swap3A_435] {strides = array<i32>} : memref<100x128xf32, #tpu.memory_space<vmem>>, vector<1x16xf32>,
      %swap3A_437 = vector.shape_cast %swap3A_436 : vector<1x16xf32> to vector<16xf32>
      %swap3A_438 = vector.shape_cast %add3A_433 : vector<16xf32> to vector<1x16xf32>
      tpu.vector_store %arg20[%swap3A_434, %swap3A_435], %swap3A_438 {strides = array<i32>} : memref<100x128xf32, #tpu.memory_space<vmem>>, vector<1x16xf32>,
      %mul3A_439 = arith.constant 2 : i32
      %mul3A_440 = arith.muli %mul3A_439, %scan3A_339 : i32
      %add3A_441 = arith.constant 1 : i32
      %add3A_442 = arith.addi %mul3A_440, %add3A_441 : i32
      %get3A_443 = arith.index_cast %add3A_442 : i32 to index
      %get3A_444 = arith.constant 0 : index
      %get3A_445 = tpu.vector_load %arg13[%get3A_443, %get3A_444] {strides = array<i32>} : memref<200x64xf32, #tpu.memory_space<vmem>>, vector<1x16xf32>,
      %get3A_446 = vector.shape_cast %get3A_445 : vector<1x16xf32> to vector<16xf32>
      %get3A_447 = arith.index_cast %add3A_442 : i32 to index
      %get3A_448 = arith.constant 0 : index
      %get3A_449 = tpu.vector_load %arg14[%get3A_447, %get3A_448] {strides = array<i32>} : memref<200x64xf32, #tpu.memory_space<vmem>>, vector<1x16xf32>,
      %get3A_450 = vector.shape_cast %get3A_449 : vector<1x16xf32> to vector<16xf32>
      %add3A_451 = arith.addf %get3A_446, %get3A_450 : vector<16xf32>
      %get3A_452 = arith.index_cast %add3A_442 : i32 to index
      %get3A_453 = arith.constant 0 : index
      %get3A_454 = tpu.vector_load %arg15[%get3A_452, %get3A_453] {strides = array<i32>} : memref<200x64xf32, #tpu.memory_space<vmem>>, vector<1x16xf32>,
      %get3A_455 = vector.shape_cast %get3A_454 : vector<1x16xf32> to vector<16xf32>
      %add3A_456 = arith.addf %add3A_451, %get3A_455 : vector<16xf32>
      %get3A_457 = arith.index_cast %add3A_442 : i32 to index
      %get3A_458 = arith.constant 0 : index
      %get3A_459 = tpu.vector_load %arg19[%get3A_457, %get3A_458] {strides = array<i32>} : memref<200x64xf32, #tpu.memory_space<vmem>>, vector<1x16xf32>,
      %get3A_460 = vector.shape_cast %get3A_459 : vector<1x16xf32> to vector<16xf32>
      %add3A_461 = arith.addf %add3A_456, %get3A_460 : vector<16xf32>
      %swap3A_462 = arith.index_cast %scan3A_339 : i32 to index
      %swap3A_463 = arith.constant 64 : index
      %swap3A_464 = tpu.vector_load %arg20[%swap3A_462, %swap3A_463] {strides = array<i32>} : memref<100x128xf32, #tpu.memory_space<vmem>>, vector<1x16xf32>,
      %swap3A_465 = vector.shape_cast %swap3A_464 : vector<1x16xf32> to vector<16xf32>
      %swap3A_466 = vector.shape_cast %add3A_461 : vector<16xf32> to vector<1x16xf32>
      tpu.vector_store %arg20[%swap3A_462, %swap3A_463], %swap3A_466 {strides = array<i32>} : memref<100x128xf32, #tpu.memory_space<vmem>>, vector<1x16xf32>,
      %get3A_467 = arith.index_cast %add3A_442 : i32 to index
      %get3A_468 = arith.constant 16 : index
      %get3A_469 = tpu.vector_load %arg13[%get3A_467, %get3A_468] {strides = array<i32>} : memref<200x64xf32, #tpu.memory_space<vmem>>, vector<1x16xf32>,
      %get3A_470 = vector.shape_cast %get3A_469 : vector<1x16xf32> to vector<16xf32>
      %get3A_471 = arith.index_cast %add3A_442 : i32 to index
      %get3A_472 = arith.constant 16 : index
      %get3A_473 = tpu.vector_load %arg14[%get3A_471, %get3A_472] {strides = array<i32>} : memref<200x64xf32, #tpu.memory_space<vmem>>, vector<1x16xf32>,
      %get3A_474 = vector.shape_cast %get3A_473 : vector<1x16xf32> to vector<16xf32>
      %add3A_475 = arith.addf %get3A_470, %get3A_474 : vector<16xf32>
      %get3A_476 = arith.index_cast %add3A_442 : i32 to index
      %get3A_477 = arith.constant 16 : index
      %get3A_478 = tpu.vector_load %arg15[%get3A_476, %get3A_477] {strides = array<i32>} : memref<200x64xf32, #tpu.memory_space<vmem>>, vector<1x16xf32>,
      %get3A_479 = vector.shape_cast %get3A_478 : vector<1x16xf32> to vector<16xf32>
      %add3A_480 = arith.addf %add3A_475, %get3A_479 : vector<16xf32>
      %get3A_481 = arith.index_cast %add3A_442 : i32 to index
      %get3A_482 = arith.constant 16 : index
      %get3A_483 = tpu.vector_load %arg19[%get3A_481, %get3A_482] {strides = array<i32>} : memref<200x64xf32, #tpu.memory_space<vmem>>, vector<1x16xf32>,
      %get3A_484 = vector.shape_cast %get3A_483 : vector<1x16xf32> to vector<16xf32>
      %add3A_485 = arith.addf %add3A_480, %get3A_484 : vector<16xf32>
      %swap3A_486 = arith.index_cast %scan3A_339 : i32 to index
      %swap3A_487 = arith.constant 80 : index
      %swap3A_488 = tpu.vector_load %arg20[%swap3A_486, %swap3A_487] {strides = array<i32>} : memref<100x128xf32, #tpu.memory_space<vmem>>, vector<1x16xf32>,
      %swap3A_489 = vector.shape_cast %swap3A_488 : vector<1x16xf32> to vector<16xf32>
      %swap3A_490 = vector.shape_cast %add3A_485 : vector<16xf32> to vector<1x16xf32>
      tpu.vector_store %arg20[%swap3A_486, %swap3A_487], %swap3A_490 {strides = array<i32>} : memref<100x128xf32, #tpu.memory_space<vmem>>, vector<1x16xf32>,
      %get3A_491 = arith.index_cast %add3A_442 : i32 to index
      %get3A_492 = arith.constant 32 : index
      %get3A_493 = tpu.vector_load %arg13[%get3A_491, %get3A_492] {strides = array<i32>} : memref<200x64xf32, #tpu.memory_space<vmem>>, vector<1x16xf32>,
      %get3A_494 = vector.shape_cast %get3A_493 : vector<1x16xf32> to vector<16xf32>
      %get3A_495 = arith.index_cast %add3A_442 : i32 to index
      %get3A_496 = arith.constant 32 : index
      %get3A_497 = tpu.vector_load %arg14[%get3A_495, %get3A_496] {strides = array<i32>} : memref<200x64xf32, #tpu.memory_space<vmem>>, vector<1x16xf32>,
      %get3A_498 = vector.shape_cast %get3A_497 : vector<1x16xf32> to vector<16xf32>
      %add3A_499 = arith.addf %get3A_494, %get3A_498 : vector<16xf32>
      %get3A_500 = arith.index_cast %add3A_442 : i32 to index
      %get3A_501 = arith.constant 32 : index
      %get3A_502 = tpu.vector_load %arg15[%get3A_500, %get3A_501] {strides = array<i32>} : memref<200x64xf32, #tpu.memory_space<vmem>>, vector<1x16xf32>,
      %get3A_503 = vector.shape_cast %get3A_502 : vector<1x16xf32> to vector<16xf32>
      %add3A_504 = arith.addf %add3A_499, %get3A_503 : vector<16xf32>
      %get3A_505 = arith.index_cast %add3A_442 : i32 to index
      %get3A_506 = arith.constant 32 : index
      %get3A_507 = tpu.vector_load %arg19[%get3A_505, %get3A_506] {strides = array<i32>} : memref<200x64xf32, #tpu.memory_space<vmem>>, vector<1x16xf32>,
      %get3A_508 = vector.shape_cast %get3A_507 : vector<1x16xf32> to vector<16xf32>
      %add3A_509 = arith.addf %add3A_504, %get3A_508 : vector<16xf32>
      %swap3A_510 = arith.index_cast %scan3A_339 : i32 to index
      %swap3A_511 = arith.constant 96 : index
      %swap3A_512 = tpu.vector_load %arg20[%swap3A_510, %swap3A_511] {strides = array<i32>} : memref<100x128xf32, #tpu.memory_space<vmem>>, vector<1x16xf32>,
      %swap3A_513 = vector.shape_cast %swap3A_512 : vector<1x16xf32> to vector<16xf32>
      %swap3A_514 = vector.shape_cast %add3A_509 : vector<16xf32> to vector<1x16xf32>
      tpu.vector_store %arg20[%swap3A_510, %swap3A_511], %swap3A_514 {strides = array<i32>} : memref<100x128xf32, #tpu.memory_space<vmem>>, vector<1x16xf32>,
      %get3A_515 = arith.index_cast %add3A_442 : i32 to index
      %get3A_516 = arith.constant 48 : index
      %get3A_517 = tpu.vector_load %arg13[%get3A_515, %get3A_516] {strides = array<i32>} : memref<200x64xf32, #tpu.memory_space<vmem>>, vector<1x16xf32>,
      %get3A_518 = vector.shape_cast %get3A_517 : vector<1x16xf32> to vector<16xf32>
      %get3A_519 = arith.index_cast %add3A_442 : i32 to index
      %get3A_520 = arith.constant 48 : index
      %get3A_521 = tpu.vector_load %arg14[%get3A_519, %get3A_520] {strides = array<i32>} : memref<200x64xf32, #tpu.memory_space<vmem>>, vector<1x16xf32>,
      %get3A_522 = vector.shape_cast %get3A_521 : vector<1x16xf32> to vector<16xf32>
      %add3A_523 = arith.addf %get3A_518, %get3A_522 : vector<16xf32>
      %get3A_524 = arith.index_cast %add3A_442 : i32 to index
      %get3A_525 = arith.constant 48 : index
      %get3A_526 = tpu.vector_load %arg15[%get3A_524, %get3A_525] {strides = array<i32>} : memref<200x64xf32, #tpu.memory_space<vmem>>, vector<1x16xf32>,
      %get3A_527 = vector.shape_cast %get3A_526 : vector<1x16xf32> to vector<16xf32>
      %add3A_528 = arith.addf %add3A_523, %get3A_527 : vector<16xf32>
      %get3A_529 = arith.index_cast %add3A_442 : i32 to index
      %get3A_530 = arith.constant 48 : index
      %get3A_531 = tpu.vector_load %arg19[%get3A_529, %get3A_530] {strides = array<i32>} : memref<200x64xf32, #tpu.memory_space<vmem>>, vector<1x16xf32>,
      %get3A_532 = vector.shape_cast %get3A_531 : vector<1x16xf32> to vector<16xf32>
      %add3A_533 = arith.addf %add3A_528, %get3A_532 : vector<16xf32>
      %swap3A_534 = arith.index_cast %scan3A_339 : i32 to index
      %swap3A_535 = arith.constant 112 : index
      %swap3A_536 = tpu.vector_load %arg20[%swap3A_534, %swap3A_535] {strides = array<i32>} : memref<100x128xf32, #tpu.memory_space<vmem>>, vector<1x16xf32>,
      %swap3A_537 = vector.shape_cast %swap3A_536 : vector<1x16xf32> to vector<16xf32>
      %swap3A_538 = vector.shape_cast %add3A_533 : vector<16xf32> to vector<1x16xf32>
      tpu.vector_store %arg20[%swap3A_534, %swap3A_535], %swap3A_538 {strides = array<i32>} : memref<100x128xf32, #tpu.memory_space<vmem>>, vector<1x16xf32>,
      %scan3A_539 = arith.constant 0 : i32
      scf.yield %scan3A_539 : i32
    }
    %scan3A_164 = arith.constant 100 : i32
    %add3A_165 = arith.constant 0 : i32
    %add3A_166 = arith.addi %mul3A_4, %add3A_165 : i32
    %jit3A = arith.constant 2 : i32
    %div3A = arith.divsi %add3A_166, %jit3A : i32
    %sign3A = arith.constant 0 : i32
    %sign3A_167 = arith.cmpi sgt, %add3A_166, %sign3A : i32
    %sign3A_168 = arith.extui %sign3A_167 : i1 to i32
    %sign3A_169 = arith.constant 0 : i32
    %sign3A_170 = arith.cmpi slt, %add3A_166, %sign3A_169 : i32
    %sign3A_171 = arith.extui %sign3A_170 : i1 to i32
    %sign3A_172 = arith.subi %sign3A_168, %sign3A_171 : i32
    %sign3A_173 = arith.constant 0 : i32
    %sign3A_174 = arith.cmpi sgt, %jit3A, %sign3A_173 : i32
    %sign3A_175 = arith.extui %sign3A_174 : i1 to i32
    %sign3A_176 = arith.constant 0 : i32
    %sign3A_177 = arith.cmpi slt, %jit3A, %sign3A_176 : i32
    %sign3A_178 = arith.extui %sign3A_177 : i1 to i32
    %sign3A_179 = arith.subi %sign3A_175, %sign3A_178 : i32
    %ne3A = arith.cmpi ne, %sign3A_172, %sign3A_179 : i32
    %rem3A = arith.remsi %add3A_166, %jit3A : i32
    %ne3A_180 = arith.constant 0 : i32
    %ne3A_181 = arith.cmpi ne, %rem3A, %ne3A_180 : i32
    %and3A = arith.andi %ne3A, %ne3A_181 : i1
    %sub3A = arith.constant 1 : i32
    %sub3A_182 = arith.subi %div3A, %sub3A : i32
    %select_n3A = arith.select %and3A, %sub3A_182, %div3A : i32
    %dma_start3A_183 = arith.constant 0 : i32
    %dma_start3A_184 = tpu.memref_slice %arg9[%select_n3A, %dma_start3A_183] : memref<102400x128xf32, #tpu.memory_space<hbm>> -> memref<100x128xf32, #tpu.memory_space<hbm>>
    %dma_start3A_185 = arith.constant 0 : i32
    %dma_start3A_186 = tpu.memref_slice %arg9[%select_n3A, %dma_start3A_185] : memref<102400x128xf32, #tpu.memory_space<hbm>> -> memref<100x128xf32, #tpu.memory_space<hbm>>
    tpu.enqueue_dma source(%arg20 : memref<100x128xf32, #tpu.memory_space<vmem>>) target(%dma_start3A_186 : memref<100x128xf32, #tpu.memory_space<hbm>>) target_semaphore(%arg24 : memref<!tpu.dma_semaphore, #tpu.memory_space<semaphore_mem>>)
    %scan3A_187 = arith.constant 0 : i32
    %scan3A_188 = arith.constant 0 : i32
    %scan3A_189 = arith.constant 15 : i32
    %scan3A_190 = arith.addi %scan3A_188, %scan3A_189 : i32
    %scan3A_191 = arith.constant 1 : i32
    %scan3A_192 = scf.for %scan3A_339 = %scan3A_188 to %scan3A_190 step %scan3A_191 iter_args(%scan3A_340 = %scan3A_187) -> (i32)  : i32 {
      %mul3A_341 = arith.constant 2 : i32
      %mul3A_342 = arith.muli %mul3A_341, %scan3A_339 : i32
      %add3A_343 = arith.constant 1 : i32
      %add3A_344 = arith.addi %mul3A_342, %add3A_343 : i32
      %add3A_345 = arith.constant 1 : i32
      %add3A_346 = arith.addi %add3A_344, %add3A_345 : i32
      %mul3A_347 = arith.constant 200 : i32
      %mul3A_348 = arith.muli %add3A_346, %mul3A_347 : i32
      %add3A_349 = arith.constant 0 : i32
      %add3A_350 = arith.addi %mul3A_348, %add3A_349 : i32
      %mul3A_351 = arith.constant 200 : i32
      %mul3A_352 = arith.muli %add3A_346, %mul3A_351 : i32
      %add3A_353 = arith.constant 104 : i32
      %add3A_354 = arith.addi %mul3A_352, %add3A_353 : i32
      %mul3A_355 = arith.constant 200 : i32
      %mul3A_356 = arith.muli %add3A_346, %mul3A_355 : i32
      %add3A_357 = arith.constant 0 : i32
      %add3A_358 = arith.addi %mul3A_356, %add3A_357 : i32
      %mul3A_359 = arith.constant 200 : i32
      %mul3A_360 = arith.muli %add3A_346, %mul3A_359 : i32
      %add3A_361 = arith.constant 104 : i32
      %add3A_362 = arith.addi %mul3A_360, %add3A_361 : i32
      %mul3A_363 = arith.constant 200 : i32
      %mul3A_364 = arith.muli %add3A_346, %mul3A_363 : i32
      %add3A_365 = arith.constant 0 : i32
      %add3A_366 = arith.addi %mul3A_364, %add3A_365 : i32
      %mul3A_367 = arith.constant 200 : i32
      %mul3A_368 = arith.muli %add3A_346, %mul3A_367 : i32
      %add3A_369 = arith.constant 104 : i32
      %add3A_370 = arith.addi %mul3A_368, %add3A_369 : i32
      %dma_start3A_371 = arith.constant 0 : i32
      %dma_start3A_372 = arith.constant 0 : i32
      %dma_start3A_373 = tpu.memref_slice %arg13[%dma_start3A_371, %dma_start3A_372] : memref<200x64xf32, #tpu.memory_space<vmem>> -> memref<104x64xf32, #tpu.memory_space<vmem>>
      %dma_start3A_374 = tpu.memref_slice %arg10[%add3A_350] : memref<6400xi32, #tpu.memory_space<vmem>> -> memref<104xi32, #tpu.memory_space<vmem>>
      %dma_start3A_375 = arith.constant 0 : i32
      %dma_start3A_376 = arith.constant 0 : i32
      %dma_start3A_377 = tpu.memref_slice %arg5[%dma_start3A_375, %dma_start3A_376] : memref<100000x64xf32, #tpu.memory_space<hbm>> -> memref<100000x64xf32, #tpu.memory_space<hbm>>
      tpu.enqueue_indirect_dma source(%dma_start3A_377 : memref<100000x64xf32, #tpu.memory_space<hbm>>) target(%dma_start3A_373 : memref<104x64xf32, #tpu.memory_space<vmem>>) offsets(%dma_start3A_374 : memref<104xi32, #tpu.memory_space<vmem>>) semaphore(%arg22 : memref<!tpu.dma_semaphore, #tpu.memory_space<semaphore_mem>>)
      %dma_start3A_378 = arith.constant 104 : i32
      %dma_start3A_379 = arith.constant 0 : i32
      %dma_start3A_380 = tpu.memref_slice %arg13[%dma_start3A_378, %dma_start3A_379] : memref<200x64xf32, #tpu.memory_space<vmem>> -> memref<96x64xf32, #tpu.memory_space<vmem>>
      %dma_start3A_381 = tpu.memref_slice %arg10[%add3A_354] : memref<6400xi32, #tpu.memory_space<vmem>> -> memref<96xi32, #tpu.memory_space<vmem>>
      %dma_start3A_382 = arith.constant 0 : i32
      %dma_start3A_383 = arith.constant 0 : i32
      %dma_start3A_384 = tpu.memref_slice %arg5[%dma_start3A_382, %dma_start3A_383] : memref<100000x64xf32, #tpu.memory_space<hbm>> -> memref<100000x64xf32, #tpu.memory_space<hbm>>
      tpu.enqueue_indirect_dma source(%dma_start3A_384 : memref<100000x64xf32, #tpu.memory_space<hbm>>) target(%dma_start3A_380 : memref<96x64xf32, #tpu.memory_space<vmem>>) offsets(%dma_start3A_381 : memref<96xi32, #tpu.memory_space<vmem>>) semaphore(%arg22 : memref<!tpu.dma_semaphore, #tpu.memory_space<semaphore_mem>>)
      %dma_start3A_385 = arith.constant 0 : i32
      %dma_start3A_386 = arith.constant 0 : i32
      %dma_start3A_387 = tpu.memref_slice %arg14[%dma_start3A_385, %dma_start3A_386] : memref<200x64xf32, #tpu.memory_space<vmem>> -> memref<104x64xf32, #tpu.memory_space<vmem>>
      %dma_start3A_388 = tpu.memref_slice %arg11[%add3A_358] : memref<6400xi32, #tpu.memory_space<vmem>> -> memref<104xi32, #tpu.memory_space<vmem>>
      %dma_start3A_389 = arith.constant 0 : i32
      %dma_start3A_390 = arith.constant 0 : i32
      %dma_start3A_391 = tpu.memref_slice %arg6[%dma_start3A_389, %dma_start3A_390] : memref<100000x64xf32, #tpu.memory_space<hbm>> -> memref<100000x64xf32, #tpu.memory_space<hbm>>
      tpu.enqueue_indirect_dma source(%dma_start3A_391 : memref<100000x64xf32, #tpu.memory_space<hbm>>) target(%dma_start3A_387 : memref<104x64xf32, #tpu.memory_space<vmem>>) offsets(%dma_start3A_388 : memref<104xi32, #tpu.memory_space<vmem>>) semaphore(%arg22 : memref<!tpu.dma_semaphore, #tpu.memory_space<semaphore_mem>>)
      %dma_start3A_392 = arith.constant 104 : i32
      %dma_start3A_393 = arith.constant 0 : i32
      %dma_start3A_394 = tpu.memref_slice %arg14[%dma_start3A_392, %dma_start3A_393] : memref<200x64xf32, #tpu.memory_space<vmem>> -> memref<96x64xf32, #tpu.memory_space<vmem>>
      %dma_start3A_395 = tpu.memref_slice %arg11[%add3A_362] : memref<6400xi32, #tpu.memory_space<vmem>> -> memref<96xi32, #tpu.memory_space<vmem>>
      %dma_start3A_396 = arith.constant 0 : i32
      %dma_start3A_397 = arith.constant 0 : i32
      %dma_start3A_398 = tpu.memref_slice %arg6[%dma_start3A_396, %dma_start3A_397] : memref<100000x64xf32, #tpu.memory_space<hbm>> -> memref<100000x64xf32, #tpu.memory_space<hbm>>
      tpu.enqueue_indirect_dma source(%dma_start3A_398 : memref<100000x64xf32, #tpu.memory_space<hbm>>) target(%dma_start3A_394 : memref<96x64xf32, #tpu.memory_space<vmem>>) offsets(%dma_start3A_395 : memref<96xi32, #tpu.memory_space<vmem>>) semaphore(%arg22 : memref<!tpu.dma_semaphore, #tpu.memory_space<semaphore_mem>>)
      %dma_start3A_399 = arith.constant 0 : i32
      %dma_start3A_400 = arith.constant 0 : i32
      %dma_start3A_401 = tpu.memref_slice %arg15[%dma_start3A_399, %dma_start3A_400] : memref<200x64xf32, #tpu.memory_space<vmem>> -> memref<104x64xf32, #tpu.memory_space<vmem>>
      %dma_start3A_402 = tpu.memref_slice %arg12[%add3A_366] : memref<6400xi32, #tpu.memory_space<vmem>> -> memref<104xi32, #tpu.memory_space<vmem>>
      %dma_start3A_403 = arith.constant 0 : i32
      %dma_start3A_404 = arith.constant 0 : i32
      %dma_start3A_405 = tpu.memref_slice %arg7[%dma_start3A_403, %dma_start3A_404] : memref<100000x64xf32, #tpu.memory_space<hbm>> -> memref<100000x64xf32, #tpu.memory_space<hbm>>
      tpu.enqueue_indirect_dma source(%dma_start3A_405 : memref<100000x64xf32, #tpu.memory_space<hbm>>) target(%dma_start3A_401 : memref<104x64xf32, #tpu.memory_space<vmem>>) offsets(%dma_start3A_402 : memref<104xi32, #tpu.memory_space<vmem>>) semaphore(%arg22 : memref<!tpu.dma_semaphore, #tpu.memory_space<semaphore_mem>>)
      %dma_start3A_406 = arith.constant 104 : i32
      %dma_start3A_407 = arith.constant 0 : i32
      %dma_start3A_408 = tpu.memref_slice %arg15[%dma_start3A_406, %dma_start3A_407] : memref<200x64xf32, #tpu.memory_space<vmem>> -> memref<96x64xf32, #tpu.memory_space<vmem>>
      %dma_start3A_409 = tpu.memref_slice %arg12[%add3A_370] : memref<6400xi32, #tpu.memory_space<vmem>> -> memref<96xi32, #tpu.memory_space<vmem>>
      %dma_start3A_410 = arith.constant 0 : i32
      %dma_start3A_411 = arith.constant 0 : i32
      %dma_start3A_412 = tpu.memref_slice %arg7[%dma_start3A_410, %dma_start3A_411] : memref<100000x64xf32, #tpu.memory_space<hbm>> -> memref<100000x64xf32, #tpu.memory_space<hbm>>
      tpu.enqueue_indirect_dma source(%dma_start3A_412 : memref<100000x64xf32, #tpu.memory_space<hbm>>) target(%dma_start3A_408 : memref<96x64xf32, #tpu.memory_space<vmem>>) offsets(%dma_start3A_409 : memref<96xi32, #tpu.memory_space<vmem>>) semaphore(%arg22 : memref<!tpu.dma_semaphore, #tpu.memory_space<semaphore_mem>>)
      %mul3A_413 = arith.constant 200 : i32
      %mul3A_414 = arith.muli %add3A_344, %mul3A_413 : i32
      %add3A_415 = arith.constant 0 : i32
      %add3A_416 = arith.addi %mul3A_414, %add3A_415 : i32
      %mul3A_417 = arith.constant 200 : i32
      %mul3A_418 = arith.muli %add3A_344, %mul3A_417 : i32
      %add3A_419 = arith.constant 104 : i32
      %add3A_420 = arith.addi %mul3A_418, %add3A_419 : i32
      %mul3A_421 = arith.constant 200 : i32
      %mul3A_422 = arith.muli %add3A_344, %mul3A_421 : i32
      %add3A_423 = arith.constant 0 : i32
      %add3A_424 = arith.addi %mul3A_422, %add3A_423 : i32
      %mul3A_425 = arith.constant 200 : i32
      %mul3A_426 = arith.muli %add3A_344, %mul3A_425 : i32
      %add3A_427 = arith.constant 104 : i32
      %add3A_428 = arith.addi %mul3A_426, %add3A_427 : i32
      %mul3A_429 = arith.constant 200 : i32
      %mul3A_430 = arith.muli %add3A_344, %mul3A_429 : i32
      %add3A_431 = arith.constant 0 : i32
      %add3A_432 = arith.addi %mul3A_430, %add3A_431 : i32
      %mul3A_433 = arith.constant 200 : i32
      %mul3A_434 = arith.muli %add3A_344, %mul3A_433 : i32
      %add3A_435 = arith.constant 104 : i32
      %add3A_436 = arith.addi %mul3A_434, %add3A_435 : i32
      %dma_wait3A_437 = arith.constant 0 : i32
      %dma_wait3A_438 = arith.constant 0 : i32
      %dma_wait3A_439 = tpu.memref_slice %arg16[%dma_wait3A_437, %dma_wait3A_438] : memref<200x64xf32, #tpu.memory_space<vmem>> -> memref<104x64xf32, #tpu.memory_space<vmem>>
      %dma_wait3A_440 = tpu.memref_slice %arg10[%add3A_416] : memref<6400xi32, #tpu.memory_space<vmem>> -> memref<104xi32, #tpu.memory_space<vmem>>
      %dma_wait3A_441 = arith.constant 0 : i32
      %dma_wait3A_442 = arith.constant 0 : i32
      %dma_wait3A_443 = tpu.memref_slice %arg5[%dma_wait3A_441, %dma_wait3A_442] : memref<100000x64xf32, #tpu.memory_space<hbm>> -> memref<100000x64xf32, #tpu.memory_space<hbm>>
      tpu.wait_indirect_dma semaphore(%arg23 : memref<!tpu.dma_semaphore, #tpu.memory_space<semaphore_mem>>) src(%dma_wait3A_443 : memref<100000x64xf32, #tpu.memory_space<hbm>>) dst(%dma_wait3A_439 : memref<104x64xf32, #tpu.memory_space<vmem>>)
      %dma_wait3A_444 = arith.constant 104 : i32
      %dma_wait3A_445 = arith.constant 0 : i32
      %dma_wait3A_446 = tpu.memref_slice %arg16[%dma_wait3A_444, %dma_wait3A_445] : memref<200x64xf32, #tpu.memory_space<vmem>> -> memref<96x64xf32, #tpu.memory_space<vmem>>
      %dma_wait3A_447 = tpu.memref_slice %arg10[%add3A_420] : memref<6400xi32, #tpu.memory_space<vmem>> -> memref<96xi32, #tpu.memory_space<vmem>>
      %dma_wait3A_448 = arith.constant 0 : i32
      %dma_wait3A_449 = arith.constant 0 : i32
      %dma_wait3A_450 = tpu.memref_slice %arg5[%dma_wait3A_448, %dma_wait3A_449] : memref<100000x64xf32, #tpu.memory_space<hbm>> -> memref<100000x64xf32, #tpu.memory_space<hbm>>
      tpu.wait_indirect_dma semaphore(%arg23 : memref<!tpu.dma_semaphore, #tpu.memory_space<semaphore_mem>>) src(%dma_wait3A_450 : memref<100000x64xf32, #tpu.memory_space<hbm>>) dst(%dma_wait3A_446 : memref<96x64xf32, #tpu.memory_space<vmem>>)
      %dma_wait3A_451 = arith.constant 0 : i32
      %dma_wait3A_452 = arith.constant 0 : i32
      %dma_wait3A_453 = tpu.memref_slice %arg17[%dma_wait3A_451, %dma_wait3A_452] : memref<200x64xf32, #tpu.memory_space<vmem>> -> memref<104x64xf32, #tpu.memory_space<vmem>>
      %dma_wait3A_454 = tpu.memref_slice %arg11[%add3A_424] : memref<6400xi32, #tpu.memory_space<vmem>> -> memref<104xi32, #tpu.memory_space<vmem>>
      %dma_wait3A_455 = arith.constant 0 : i32
      %dma_wait3A_456 = arith.constant 0 : i32
      %dma_wait3A_457 = tpu.memref_slice %arg6[%dma_wait3A_455, %dma_wait3A_456] : memref<100000x64xf32, #tpu.memory_space<hbm>> -> memref<100000x64xf32, #tpu.memory_space<hbm>>
      tpu.wait_indirect_dma semaphore(%arg23 : memref<!tpu.dma_semaphore, #tpu.memory_space<semaphore_mem>>) src(%dma_wait3A_457 : memref<100000x64xf32, #tpu.memory_space<hbm>>) dst(%dma_wait3A_453 : memref<104x64xf32, #tpu.memory_space<vmem>>)
      %dma_wait3A_458 = arith.constant 104 : i32
      %dma_wait3A_459 = arith.constant 0 : i32
      %dma_wait3A_460 = tpu.memref_slice %arg17[%dma_wait3A_458, %dma_wait3A_459] : memref<200x64xf32, #tpu.memory_space<vmem>> -> memref<96x64xf32, #tpu.memory_space<vmem>>
      %dma_wait3A_461 = tpu.memref_slice %arg11[%add3A_428] : memref<6400xi32, #tpu.memory_space<vmem>> -> memref<96xi32, #tpu.memory_space<vmem>>
      %dma_wait3A_462 = arith.constant 0 : i32
      %dma_wait3A_463 = arith.constant 0 : i32
      %dma_wait3A_464 = tpu.memref_slice %arg6[%dma_wait3A_462, %dma_wait3A_463] : memref<100000x64xf32, #tpu.memory_space<hbm>> -> memref<100000x64xf32, #tpu.memory_space<hbm>>
      tpu.wait_indirect_dma semaphore(%arg23 : memref<!tpu.dma_semaphore, #tpu.memory_space<semaphore_mem>>) src(%dma_wait3A_464 : memref<100000x64xf32, #tpu.memory_space<hbm>>) dst(%dma_wait3A_460 : memref<96x64xf32, #tpu.memory_space<vmem>>)
      %dma_wait3A_465 = arith.constant 0 : i32
      %dma_wait3A_466 = arith.constant 0 : i32
      %dma_wait3A_467 = tpu.memref_slice %arg18[%dma_wait3A_465, %dma_wait3A_466] : memref<200x64xf32, #tpu.memory_space<vmem>> -> memref<104x64xf32, #tpu.memory_space<vmem>>
      %dma_wait3A_468 = tpu.memref_slice %arg12[%add3A_432] : memref<6400xi32, #tpu.memory_space<vmem>> -> memref<104xi32, #tpu.memory_space<vmem>>
      %dma_wait3A_469 = arith.constant 0 : i32
      %dma_wait3A_470 = arith.constant 0 : i32
      %dma_wait3A_471 = tpu.memref_slice %arg7[%dma_wait3A_469, %dma_wait3A_470] : memref<100000x64xf32, #tpu.memory_space<hbm>> -> memref<100000x64xf32, #tpu.memory_space<hbm>>
      tpu.wait_indirect_dma semaphore(%arg23 : memref<!tpu.dma_semaphore, #tpu.memory_space<semaphore_mem>>) src(%dma_wait3A_471 : memref<100000x64xf32, #tpu.memory_space<hbm>>) dst(%dma_wait3A_467 : memref<104x64xf32, #tpu.memory_space<vmem>>)
      %dma_wait3A_472 = arith.constant 104 : i32
      %dma_wait3A_473 = arith.constant 0 : i32
      %dma_wait3A_474 = tpu.memref_slice %arg18[%dma_wait3A_472, %dma_wait3A_473] : memref<200x64xf32, #tpu.memory_space<vmem>> -> memref<96x64xf32, #tpu.memory_space<vmem>>
      %dma_wait3A_475 = tpu.memref_slice %arg12[%add3A_436] : memref<6400xi32, #tpu.memory_space<vmem>> -> memref<96xi32, #tpu.memory_space<vmem>>
      %dma_wait3A_476 = arith.constant 0 : i32
      %dma_wait3A_477 = arith.constant 0 : i32
      %dma_wait3A_478 = tpu.memref_slice %arg7[%dma_wait3A_476, %dma_wait3A_477] : memref<100000x64xf32, #tpu.memory_space<hbm>> -> memref<100000x64xf32, #tpu.memory_space<hbm>>
      tpu.wait_indirect_dma semaphore(%arg23 : memref<!tpu.dma_semaphore, #tpu.memory_space<semaphore_mem>>) src(%dma_wait3A_478 : memref<100000x64xf32, #tpu.memory_space<hbm>>) dst(%dma_wait3A_474 : memref<96x64xf32, #tpu.memory_space<vmem>>)
      %add3A_479 = arith.constant 0 : i32
      %add3A_480 = arith.addi %mul3A_4, %add3A_479 : i32
      %jit3A_481 = arith.constant 2 : i32
      %div3A_482 = arith.divsi %add3A_480, %jit3A_481 : i32
      %sign3A_483 = arith.constant 0 : i32
      %sign3A_484 = arith.cmpi sgt, %add3A_480, %sign3A_483 : i32
      %sign3A_485 = arith.extui %sign3A_484 : i1 to i32
      %sign3A_486 = arith.constant 0 : i32
      %sign3A_487 = arith.cmpi slt, %add3A_480, %sign3A_486 : i32
      %sign3A_488 = arith.extui %sign3A_487 : i1 to i32
      %sign3A_489 = arith.subi %sign3A_485, %sign3A_488 : i32
      %sign3A_490 = arith.constant 0 : i32
      %sign3A_491 = arith.cmpi sgt, %jit3A_481, %sign3A_490 : i32
      %sign3A_492 = arith.extui %sign3A_491 : i1 to i32
      %sign3A_493 = arith.constant 0 : i32
      %sign3A_494 = arith.cmpi slt, %jit3A_481, %sign3A_493 : i32
      %sign3A_495 = arith.extui %sign3A_494 : i1 to i32
      %sign3A_496 = arith.subi %sign3A_492, %sign3A_495 : i32
      %ne3A_497 = arith.cmpi ne, %sign3A_489, %sign3A_496 : i32
      %rem3A_498 = arith.remsi %add3A_480, %jit3A_481 : i32
      %ne3A_499 = arith.constant 0 : i32
      %ne3A_500 = arith.cmpi ne, %rem3A_498, %ne3A_499 : i32
      %and3A_501 = arith.andi %ne3A_497, %ne3A_500 : i1
      %sub3A_502 = arith.constant 1 : i32
      %sub3A_503 = arith.subi %div3A_482, %sub3A_502 : i32
      %select_n3A_504 = arith.select %and3A_501, %sub3A_503, %div3A_482 : i32
      %dma_wait3A_505 = arith.constant 0 : i32
      %dma_wait3A_506 = tpu.memref_slice %arg9[%select_n3A_504, %dma_wait3A_505] : memref<102400x128xf32, #tpu.memory_space<hbm>> -> memref<100x128xf32, #tpu.memory_space<hbm>>
      %dma_wait3A_507 = arith.constant 0 : i32
      %dma_wait3A_508 = tpu.memref_slice %arg9[%select_n3A_504, %dma_wait3A_507] : memref<102400x128xf32, #tpu.memory_space<hbm>> -> memref<100x128xf32, #tpu.memory_space<hbm>>
      tpu.wait_dma2 semaphore(%arg24 : memref<!tpu.dma_semaphore, #tpu.memory_space<semaphore_mem>>) src(%arg20 : memref<100x128xf32, #tpu.memory_space<vmem>>) dst(%dma_wait3A_508 : memref<100x128xf32, #tpu.memory_space<hbm>>)
      %scan3A_509 = arith.constant 0 : i32
      %scan3A_510 = arith.constant 0 : i32
      %scan3A_511 = arith.constant 100 : i32
      %scan3A_512 = arith.addi %scan3A_510, %scan3A_511 : i32
      %scan3A_513 = arith.constant 1 : i32
      %scan3A_514 = scf.for %scan3A_754 = %scan3A_510 to %scan3A_512 step %scan3A_513 iter_args(%scan3A_755 = %scan3A_509) -> (i32)  : i32 {
        %mul3A_756 = arith.constant 2 : i32
        %mul3A_757 = arith.muli %mul3A_756, %scan3A_754 : i32
        %add3A_758 = arith.constant 0 : i32
        %add3A_759 = arith.addi %mul3A_757, %add3A_758 : i32
        %get3A = arith.index_cast %add3A_759 : i32 to index
        %get3A_760 = arith.constant 0 : index
        %get3A_761 = tpu.vector_load %arg16[%get3A, %get3A_760] {strides = array<i32>} : memref<200x64xf32, #tpu.memory_space<vmem>>, vector<1x16xf32>,
        %get3A_762 = vector.shape_cast %get3A_761 : vector<1x16xf32> to vector<16xf32>
        %get3A_763 = arith.index_cast %add3A_759 : i32 to index
        %get3A_764 = arith.constant 0 : index
        %get3A_765 = tpu.vector_load %arg17[%get3A_763, %get3A_764] {strides = array<i32>} : memref<200x64xf32, #tpu.memory_space<vmem>>, vector<1x16xf32>,
        %get3A_766 = vector.shape_cast %get3A_765 : vector<1x16xf32> to vector<16xf32>
        %add3A_767 = arith.addf %get3A_762, %get3A_766 : vector<16xf32>
        %get3A_768 = arith.index_cast %add3A_759 : i32 to index
        %get3A_769 = arith.constant 0 : index
        %get3A_770 = tpu.vector_load %arg18[%get3A_768, %get3A_769] {strides = array<i32>} : memref<200x64xf32, #tpu.memory_space<vmem>>, vector<1x16xf32>,
        %get3A_771 = vector.shape_cast %get3A_770 : vector<1x16xf32> to vector<16xf32>
        %add3A_772 = arith.addf %add3A_767, %get3A_771 : vector<16xf32>
        %get3A_773 = arith.index_cast %add3A_759 : i32 to index
        %get3A_774 = arith.constant 0 : index
        %get3A_775 = tpu.vector_load %arg19[%get3A_773, %get3A_774] {strides = array<i32>} : memref<200x64xf32, #tpu.memory_space<vmem>>, vector<1x16xf32>,
        %get3A_776 = vector.shape_cast %get3A_775 : vector<1x16xf32> to vector<16xf32>
        %add3A_777 = arith.addf %add3A_772, %get3A_776 : vector<16xf32>
        %swap3A = arith.index_cast %scan3A_754 : i32 to index
        %swap3A_778 = arith.constant 0 : index
        %swap3A_779 = tpu.vector_load %arg20[%swap3A, %swap3A_778] {strides = array<i32>} : memref<100x128xf32, #tpu.memory_space<vmem>>, vector<1x16xf32>,
        %swap3A_780 = vector.shape_cast %swap3A_779 : vector<1x16xf32> to vector<16xf32>
        %swap3A_781 = vector.shape_cast %add3A_777 : vector<16xf32> to vector<1x16xf32>
        tpu.vector_store %arg20[%swap3A, %swap3A_778], %swap3A_781 {strides = array<i32>} : memref<100x128xf32, #tpu.memory_space<vmem>>, vector<1x16xf32>,
        %get3A_782 = arith.index_cast %add3A_759 : i32 to index
        %get3A_783 = arith.constant 16 : index
        %get3A_784 = tpu.vector_load %arg16[%get3A_782, %get3A_783] {strides = array<i32>} : memref<200x64xf32, #tpu.memory_space<vmem>>, vector<1x16xf32>,
        %get3A_785 = vector.shape_cast %get3A_784 : vector<1x16xf32> to vector<16xf32>
        %get3A_786 = arith.index_cast %add3A_759 : i32 to index
        %get3A_787 = arith.constant 16 : index
        %get3A_788 = tpu.vector_load %arg17[%get3A_786, %get3A_787] {strides = array<i32>} : memref<200x64xf32, #tpu.memory_space<vmem>>, vector<1x16xf32>,
        %get3A_789 = vector.shape_cast %get3A_788 : vector<1x16xf32> to vector<16xf32>
        %add3A_790 = arith.addf %get3A_785, %get3A_789 : vector<16xf32>
        %get3A_791 = arith.index_cast %add3A_759 : i32 to index
        %get3A_792 = arith.constant 16 : index
        %get3A_793 = tpu.vector_load %arg18[%get3A_791, %get3A_792] {strides = array<i32>} : memref<200x64xf32, #tpu.memory_space<vmem>>, vector<1x16xf32>,
        %get3A_794 = vector.shape_cast %get3A_793 : vector<1x16xf32> to vector<16xf32>
        %add3A_795 = arith.addf %add3A_790, %get3A_794 : vector<16xf32>
        %get3A_796 = arith.index_cast %add3A_759 : i32 to index
        %get3A_797 = arith.constant 16 : index
        %get3A_798 = tpu.vector_load %arg19[%get3A_796, %get3A_797] {strides = array<i32>} : memref<200x64xf32, #tpu.memory_space<vmem>>, vector<1x16xf32>,
        %get3A_799 = vector.shape_cast %get3A_798 : vector<1x16xf32> to vector<16xf32>
        %add3A_800 = arith.addf %add3A_795, %get3A_799 : vector<16xf32>
        %swap3A_801 = arith.index_cast %scan3A_754 : i32 to index
        %swap3A_802 = arith.constant 16 : index
        %swap3A_803 = tpu.vector_load %arg20[%swap3A_801, %swap3A_802] {strides = array<i32>} : memref<100x128xf32, #tpu.memory_space<vmem>>, vector<1x16xf32>,
        %swap3A_804 = vector.shape_cast %swap3A_803 : vector<1x16xf32> to vector<16xf32>
        %swap3A_805 = vector.shape_cast %add3A_800 : vector<16xf32> to vector<1x16xf32>
        tpu.vector_store %arg20[%swap3A_801, %swap3A_802], %swap3A_805 {strides = array<i32>} : memref<100x128xf32, #tpu.memory_space<vmem>>, vector<1x16xf32>,
        %get3A_806 = arith.index_cast %add3A_759 : i32 to index
        %get3A_807 = arith.constant 32 : index
        %get3A_808 = tpu.vector_load %arg16[%get3A_806, %get3A_807] {strides = array<i32>} : memref<200x64xf32, #tpu.memory_space<vmem>>, vector<1x16xf32>,
        %get3A_809 = vector.shape_cast %get3A_808 : vector<1x16xf32> to vector<16xf32>
        %get3A_810 = arith.index_cast %add3A_759 : i32 to index
        %get3A_811 = arith.constant 32 : index
        %get3A_812 = tpu.vector_load %arg17[%get3A_810, %get3A_811] {strides = array<i32>} : memref<200x64xf32, #tpu.memory_space<vmem>>, vector<1x16xf32>,
        %get3A_813 = vector.shape_cast %get3A_812 : vector<1x16xf32> to vector<16xf32>
        %add3A_814 = arith.addf %get3A_809, %get3A_813 : vector<16xf32>
        %get3A_815 = arith.index_cast %add3A_759 : i32 to index
        %get3A_816 = arith.constant 32 : index
        %get3A_817 = tpu.vector_load %arg18[%get3A_815, %get3A_816] {strides = array<i32>} : memref<200x64xf32, #tpu.memory_space<vmem>>, vector<1x16xf32>,
        %get3A_818 = vector.shape_cast %get3A_817 : vector<1x16xf32> to vector<16xf32>
        %add3A_819 = arith.addf %add3A_814, %get3A_818 : vector<16xf32>
        %get3A_820 = arith.index_cast %add3A_759 : i32 to index
        %get3A_821 = arith.constant 32 : index
        %get3A_822 = tpu.vector_load %arg19[%get3A_820, %get3A_821] {strides = array<i32>} : memref<200x64xf32, #tpu.memory_space<vmem>>, vector<1x16xf32>,
        %get3A_823 = vector.shape_cast %get3A_822 : vector<1x16xf32> to vector<16xf32>
        %add3A_824 = arith.addf %add3A_819, %get3A_823 : vector<16xf32>
        %swap3A_825 = arith.index_cast %scan3A_754 : i32 to index
        %swap3A_826 = arith.constant 32 : index
        %swap3A_827 = tpu.vector_load %arg20[%swap3A_825, %swap3A_826] {strides = array<i32>} : memref<100x128xf32, #tpu.memory_space<vmem>>, vector<1x16xf32>,
        %swap3A_828 = vector.shape_cast %swap3A_827 : vector<1x16xf32> to vector<16xf32>
        %swap3A_829 = vector.shape_cast %add3A_824 : vector<16xf32> to vector<1x16xf32>
        tpu.vector_store %arg20[%swap3A_825, %swap3A_826], %swap3A_829 {strides = array<i32>} : memref<100x128xf32, #tpu.memory_space<vmem>>, vector<1x16xf32>,
        %get3A_830 = arith.index_cast %add3A_759 : i32 to index
        %get3A_831 = arith.constant 48 : index
        %get3A_832 = tpu.vector_load %arg16[%get3A_830, %get3A_831] {strides = array<i32>} : memref<200x64xf32, #tpu.memory_space<vmem>>, vector<1x16xf32>,
        %get3A_833 = vector.shape_cast %get3A_832 : vector<1x16xf32> to vector<16xf32>
        %get3A_834 = arith.index_cast %add3A_759 : i32 to index
        %get3A_835 = arith.constant 48 : index
        %get3A_836 = tpu.vector_load %arg17[%get3A_834, %get3A_835] {strides = array<i32>} : memref<200x64xf32, #tpu.memory_space<vmem>>, vector<1x16xf32>,
        %get3A_837 = vector.shape_cast %get3A_836 : vector<1x16xf32> to vector<16xf32>
        %add3A_838 = arith.addf %get3A_833, %get3A_837 : vector<16xf32>
        %get3A_839 = arith.index_cast %add3A_759 : i32 to index
        %get3A_840 = arith.constant 48 : index
        %get3A_841 = tpu.vector_load %arg18[%get3A_839, %get3A_840] {strides = array<i32>} : memref<200x64xf32, #tpu.memory_space<vmem>>, vector<1x16xf32>,
        %get3A_842 = vector.shape_cast %get3A_841 : vector<1x16xf32> to vector<16xf32>
        %add3A_843 = arith.addf %add3A_838, %get3A_842 : vector<16xf32>
        %get3A_844 = arith.index_cast %add3A_759 : i32 to index
        %get3A_845 = arith.constant 48 : index
        %get3A_846 = tpu.vector_load %arg19[%get3A_844, %get3A_845] {strides = array<i32>} : memref<200x64xf32, #tpu.memory_space<vmem>>, vector<1x16xf32>,
        %get3A_847 = vector.shape_cast %get3A_846 : vector<1x16xf32> to vector<16xf32>
        %add3A_848 = arith.addf %add3A_843, %get3A_847 : vector<16xf32>
        %swap3A_849 = arith.index_cast %scan3A_754 : i32 to index
        %swap3A_850 = arith.constant 48 : index
        %swap3A_851 = tpu.vector_load %arg20[%swap3A_849, %swap3A_850] {strides = array<i32>} : memref<100x128xf32, #tpu.memory_space<vmem>>, vector<1x16xf32>,
        %swap3A_852 = vector.shape_cast %swap3A_851 : vector<1x16xf32> to vector<16xf32>
        %swap3A_853 = vector.shape_cast %add3A_848 : vector<16xf32> to vector<1x16xf32>
        tpu.vector_store %arg20[%swap3A_849, %swap3A_850], %swap3A_853 {strides = array<i32>} : memref<100x128xf32, #tpu.memory_space<vmem>>, vector<1x16xf32>,
        %mul3A_854 = arith.constant 2 : i32
        %mul3A_855 = arith.muli %mul3A_854, %scan3A_754 : i32
        %add3A_856 = arith.constant 1 : i32
        %add3A_857 = arith.addi %mul3A_855, %add3A_856 : i32
        %get3A_858 = arith.index_cast %add3A_857 : i32 to index
        %get3A_859 = arith.constant 0 : index
        %get3A_860 = tpu.vector_load %arg16[%get3A_858, %get3A_859] {strides = array<i32>} : memref<200x64xf32, #tpu.memory_space<vmem>>, vector<1x16xf32>,
        %get3A_861 = vector.shape_cast %get3A_860 : vector<1x16xf32> to vector<16xf32>
        %get3A_862 = arith.index_cast %add3A_857 : i32 to index
        %get3A_863 = arith.constant 0 : index
        %get3A_864 = tpu.vector_load %arg17[%get3A_862, %get3A_863] {strides = array<i32>} : memref<200x64xf32, #tpu.memory_space<vmem>>, vector<1x16xf32>,
        %get3A_865 = vector.shape_cast %get3A_864 : vector<1x16xf32> to vector<16xf32>
        %add3A_866 = arith.addf %get3A_861, %get3A_865 : vector<16xf32>
        %get3A_867 = arith.index_cast %add3A_857 : i32 to index
        %get3A_868 = arith.constant 0 : index
        %get3A_869 = tpu.vector_load %arg18[%get3A_867, %get3A_868] {strides = array<i32>} : memref<200x64xf32, #tpu.memory_space<vmem>>, vector<1x16xf32>,
        %get3A_870 = vector.shape_cast %get3A_869 : vector<1x16xf32> to vector<16xf32>
        %add3A_871 = arith.addf %add3A_866, %get3A_870 : vector<16xf32>
        %get3A_872 = arith.index_cast %add3A_857 : i32 to index
        %get3A_873 = arith.constant 0 : index
        %get3A_874 = tpu.vector_load %arg19[%get3A_872, %get3A_873] {strides = array<i32>} : memref<200x64xf32, #tpu.memory_space<vmem>>, vector<1x16xf32>,
        %get3A_875 = vector.shape_cast %get3A_874 : vector<1x16xf32> to vector<16xf32>
        %add3A_876 = arith.addf %add3A_871, %get3A_875 : vector<16xf32>
        %swap3A_877 = arith.index_cast %scan3A_754 : i32 to index
        %swap3A_878 = arith.constant 64 : index
        %swap3A_879 = tpu.vector_load %arg20[%swap3A_877, %swap3A_878] {strides = array<i32>} : memref<100x128xf32, #tpu.memory_space<vmem>>, vector<1x16xf32>,
        %swap3A_880 = vector.shape_cast %swap3A_879 : vector<1x16xf32> to vector<16xf32>
        %swap3A_881 = vector.shape_cast %add3A_876 : vector<16xf32> to vector<1x16xf32>
        tpu.vector_store %arg20[%swap3A_877, %swap3A_878], %swap3A_881 {strides = array<i32>} : memref<100x128xf32, #tpu.memory_space<vmem>>, vector<1x16xf32>,
        %get3A_882 = arith.index_cast %add3A_857 : i32 to index
        %get3A_883 = arith.constant 16 : index
        %get3A_884 = tpu.vector_load %arg16[%get3A_882, %get3A_883] {strides = array<i32>} : memref<200x64xf32, #tpu.memory_space<vmem>>, vector<1x16xf32>,
        %get3A_885 = vector.shape_cast %get3A_884 : vector<1x16xf32> to vector<16xf32>
        %get3A_886 = arith.index_cast %add3A_857 : i32 to index
        %get3A_887 = arith.constant 16 : index
        %get3A_888 = tpu.vector_load %arg17[%get3A_886, %get3A_887] {strides = array<i32>} : memref<200x64xf32, #tpu.memory_space<vmem>>, vector<1x16xf32>,
        %get3A_889 = vector.shape_cast %get3A_888 : vector<1x16xf32> to vector<16xf32>
        %add3A_890 = arith.addf %get3A_885, %get3A_889 : vector<16xf32>
        %get3A_891 = arith.index_cast %add3A_857 : i32 to index
        %get3A_892 = arith.constant 16 : index
        %get3A_893 = tpu.vector_load %arg18[%get3A_891, %get3A_892] {strides = array<i32>} : memref<200x64xf32, #tpu.memory_space<vmem>>, vector<1x16xf32>,
        %get3A_894 = vector.shape_cast %get3A_893 : vector<1x16xf32> to vector<16xf32>
        %add3A_895 = arith.addf %add3A_890, %get3A_894 : vector<16xf32>
        %get3A_896 = arith.index_cast %add3A_857 : i32 to index
        %get3A_897 = arith.constant 16 : index
        %get3A_898 = tpu.vector_load %arg19[%get3A_896, %get3A_897] {strides = array<i32>} : memref<200x64xf32, #tpu.memory_space<vmem>>, vector<1x16xf32>,
        %get3A_899 = vector.shape_cast %get3A_898 : vector<1x16xf32> to vector<16xf32>
        %add3A_900 = arith.addf %add3A_895, %get3A_899 : vector<16xf32>
        %swap3A_901 = arith.index_cast %scan3A_754 : i32 to index
        %swap3A_902 = arith.constant 80 : index
        %swap3A_903 = tpu.vector_load %arg20[%swap3A_901, %swap3A_902] {strides = array<i32>} : memref<100x128xf32, #tpu.memory_space<vmem>>, vector<1x16xf32>,
        %swap3A_904 = vector.shape_cast %swap3A_903 : vector<1x16xf32> to vector<16xf32>
        %swap3A_905 = vector.shape_cast %add3A_900 : vector<16xf32> to vector<1x16xf32>
        tpu.vector_store %arg20[%swap3A_901, %swap3A_902], %swap3A_905 {strides = array<i32>} : memref<100x128xf32, #tpu.memory_space<vmem>>, vector<1x16xf32>,
        %get3A_906 = arith.index_cast %add3A_857 : i32 to index
        %get3A_907 = arith.constant 32 : index
        %get3A_908 = tpu.vector_load %arg16[%get3A_906, %get3A_907] {strides = array<i32>} : memref<200x64xf32, #tpu.memory_space<vmem>>, vector<1x16xf32>,
        %get3A_909 = vector.shape_cast %get3A_908 : vector<1x16xf32> to vector<16xf32>
        %get3A_910 = arith.index_cast %add3A_857 : i32 to index
        %get3A_911 = arith.constant 32 : index
        %get3A_912 = tpu.vector_load %arg17[%get3A_910, %get3A_911] {strides = array<i32>} : memref<200x64xf32, #tpu.memory_space<vmem>>, vector<1x16xf32>,
        %get3A_913 = vector.shape_cast %get3A_912 : vector<1x16xf32> to vector<16xf32>
        %add3A_914 = arith.addf %get3A_909, %get3A_913 : vector<16xf32>
        %get3A_915 = arith.index_cast %add3A_857 : i32 to index
        %get3A_916 = arith.constant 32 : index
        %get3A_917 = tpu.vector_load %arg18[%get3A_915, %get3A_916] {strides = array<i32>} : memref<200x64xf32, #tpu.memory_space<vmem>>, vector<1x16xf32>,
        %get3A_918 = vector.shape_cast %get3A_917 : vector<1x16xf32> to vector<16xf32>
        %add3A_919 = arith.addf %add3A_914, %get3A_918 : vector<16xf32>
        %get3A_920 = arith.index_cast %add3A_857 : i32 to index
        %get3A_921 = arith.constant 32 : index
        %get3A_922 = tpu.vector_load %arg19[%get3A_920, %get3A_921] {strides = array<i32>} : memref<200x64xf32, #tpu.memory_space<vmem>>, vector<1x16xf32>,
        %get3A_923 = vector.shape_cast %get3A_922 : vector<1x16xf32> to vector<16xf32>
        %add3A_924 = arith.addf %add3A_919, %get3A_923 : vector<16xf32>
        %swap3A_925 = arith.index_cast %scan3A_754 : i32 to index
        %swap3A_926 = arith.constant 96 : index
        %swap3A_927 = tpu.vector_load %arg20[%swap3A_925, %swap3A_926] {strides = array<i32>} : memref<100x128xf32, #tpu.memory_space<vmem>>, vector<1x16xf32>,
        %swap3A_928 = vector.shape_cast %swap3A_927 : vector<1x16xf32> to vector<16xf32>
        %swap3A_929 = vector.shape_cast %add3A_924 : vector<16xf32> to vector<1x16xf32>
        tpu.vector_store %arg20[%swap3A_925, %swap3A_926], %swap3A_929 {strides = array<i32>} : memref<100x128xf32, #tpu.memory_space<vmem>>, vector<1x16xf32>,
        %get3A_930 = arith.index_cast %add3A_857 : i32 to index
        %get3A_931 = arith.constant 48 : index
        %get3A_932 = tpu.vector_load %arg16[%get3A_930, %get3A_931] {strides = array<i32>} : memref<200x64xf32, #tpu.memory_space<vmem>>, vector<1x16xf32>,
        %get3A_933 = vector.shape_cast %get3A_932 : vector<1x16xf32> to vector<16xf32>
        %get3A_934 = arith.index_cast %add3A_857 : i32 to index
        %get3A_935 = arith.constant 48 : index
        %get3A_936 = tpu.vector_load %arg17[%get3A_934, %get3A_935] {strides = array<i32>} : memref<200x64xf32, #tpu.memory_space<vmem>>, vector<1x16xf32>,
        %get3A_937 = vector.shape_cast %get3A_936 : vector<1x16xf32> to vector<16xf32>
        %add3A_938 = arith.addf %get3A_933, %get3A_937 : vector<16xf32>
        %get3A_939 = arith.index_cast %add3A_857 : i32 to index
        %get3A_940 = arith.constant 48 : index
        %get3A_941 = tpu.vector_load %arg18[%get3A_939, %get3A_940] {strides = array<i32>} : memref<200x64xf32, #tpu.memory_space<vmem>>, vector<1x16xf32>,
        %get3A_942 = vector.shape_cast %get3A_941 : vector<1x16xf32> to vector<16xf32>
        %add3A_943 = arith.addf %add3A_938, %get3A_942 : vector<16xf32>
        %get3A_944 = arith.index_cast %add3A_857 : i32 to index
        %get3A_945 = arith.constant 48 : index
        %get3A_946 = tpu.vector_load %arg19[%get3A_944, %get3A_945] {strides = array<i32>} : memref<200x64xf32, #tpu.memory_space<vmem>>, vector<1x16xf32>,
        %get3A_947 = vector.shape_cast %get3A_946 : vector<1x16xf32> to vector<16xf32>
        %add3A_948 = arith.addf %add3A_943, %get3A_947 : vector<16xf32>
        %swap3A_949 = arith.index_cast %scan3A_754 : i32 to index
        %swap3A_950 = arith.constant 112 : index
        %swap3A_951 = tpu.vector_load %arg20[%swap3A_949, %swap3A_950] {strides = array<i32>} : memref<100x128xf32, #tpu.memory_space<vmem>>, vector<1x16xf32>,
        %swap3A_952 = vector.shape_cast %swap3A_951 : vector<1x16xf32> to vector<16xf32>
        %swap3A_953 = vector.shape_cast %add3A_948 : vector<16xf32> to vector<1x16xf32>
        tpu.vector_store %arg20[%swap3A_949, %swap3A_950], %swap3A_953 {strides = array<i32>} : memref<100x128xf32, #tpu.memory_space<vmem>>, vector<1x16xf32>,
        %scan3A_954 = arith.constant 0 : i32
        scf.yield %scan3A_954 : i32
      }
      %scan3A_515 = arith.constant 100 : i32
      %mul3A_516 = arith.constant 200 : i32
      %mul3A_517 = arith.muli %add3A_344, %mul3A_516 : i32
      %add3A_518 = arith.addi %mul3A_4, %mul3A_517 : i32
      %jit3A_519 = arith.constant 2 : i32
      %div3A_520 = arith.divsi %add3A_518, %jit3A_519 : i32
      %sign3A_521 = arith.constant 0 : i32
      %sign3A_522 = arith.cmpi sgt, %add3A_518, %sign3A_521 : i32
      %sign3A_523 = arith.extui %sign3A_522 : i1 to i32
      %sign3A_524 = arith.constant 0 : i32
      %sign3A_525 = arith.cmpi slt, %add3A_518, %sign3A_524 : i32
      %sign3A_526 = arith.extui %sign3A_525 : i1 to i32
      %sign3A_527 = arith.subi %sign3A_523, %sign3A_526 : i32
      %sign3A_528 = arith.constant 0 : i32
      %sign3A_529 = arith.cmpi sgt, %jit3A_519, %sign3A_528 : i32
      %sign3A_530 = arith.extui %sign3A_529 : i1 to i32
      %sign3A_531 = arith.constant 0 : i32
      %sign3A_532 = arith.cmpi slt, %jit3A_519, %sign3A_531 : i32
      %sign3A_533 = arith.extui %sign3A_532 : i1 to i32
      %sign3A_534 = arith.subi %sign3A_530, %sign3A_533 : i32
      %ne3A_535 = arith.cmpi ne, %sign3A_527, %sign3A_534 : i32
      %rem3A_536 = arith.remsi %add3A_518, %jit3A_519 : i32
      %ne3A_537 = arith.constant 0 : i32
      %ne3A_538 = arith.cmpi ne, %rem3A_536, %ne3A_537 : i32
      %and3A_539 = arith.andi %ne3A_535, %ne3A_538 : i1
      %sub3A_540 = arith.constant 1 : i32
      %sub3A_541 = arith.subi %div3A_520, %sub3A_540 : i32
      %select_n3A_542 = arith.select %and3A_539, %sub3A_541, %div3A_520 : i32
      %dma_start3A_543 = arith.constant 0 : i32
      %dma_start3A_544 = tpu.memref_slice %arg9[%select_n3A_542, %dma_start3A_543] : memref<102400x128xf32, #tpu.memory_space<hbm>> -> memref<100x128xf32, #tpu.memory_space<hbm>>
      %dma_start3A_545 = arith.constant 0 : i32
      %dma_start3A_546 = tpu.memref_slice %arg9[%select_n3A_542, %dma_start3A_545] : memref<102400x128xf32, #tpu.memory_space<hbm>> -> memref<100x128xf32, #tpu.memory_space<hbm>>
      tpu.enqueue_dma source(%arg20 : memref<100x128xf32, #tpu.memory_space<vmem>>) target(%dma_start3A_546 : memref<100x128xf32, #tpu.memory_space<hbm>>) target_semaphore(%arg24 : memref<!tpu.dma_semaphore, #tpu.memory_space<semaphore_mem>>)
      %mul3A_547 = arith.constant 2 : i32
      %mul3A_548 = arith.muli %mul3A_547, %scan3A_339 : i32
      %add3A_549 = arith.constant 2 : i32
      %add3A_550 = arith.addi %mul3A_548, %add3A_549 : i32
      %add3A_551 = arith.constant 1 : i32
      %add3A_552 = arith.addi %add3A_550, %add3A_551 : i32
      %mul3A_553 = arith.constant 200 : i32
      %mul3A_554 = arith.muli %add3A_552, %mul3A_553 : i32
      %add3A_555 = arith.constant 0 : i32
      %add3A_556 = arith.addi %mul3A_554, %add3A_555 : i32
      %mul3A_557 = arith.constant 200 : i32
      %mul3A_558 = arith.muli %add3A_552, %mul3A_557 : i32
      %add3A_559 = arith.constant 104 : i32
      %add3A_560 = arith.addi %mul3A_558, %add3A_559 : i32
      %mul3A_561 = arith.constant 200 : i32
      %mul3A_562 = arith.muli %add3A_552, %mul3A_561 : i32
      %add3A_563 = arith.constant 0 : i32
      %add3A_564 = arith.addi %mul3A_562, %add3A_563 : i32
      %mul3A_565 = arith.constant 200 : i32
      %mul3A_566 = arith.muli %add3A_552, %mul3A_565 : i32
      %add3A_567 = arith.constant 104 : i32
      %add3A_568 = arith.addi %mul3A_566, %add3A_567 : i32
      %mul3A_569 = arith.constant 200 : i32
      %mul3A_570 = arith.muli %add3A_552, %mul3A_569 : i32
      %add3A_571 = arith.constant 0 : i32
      %add3A_572 = arith.addi %mul3A_570, %add3A_571 : i32
      %mul3A_573 = arith.constant 200 : i32
      %mul3A_574 = arith.muli %add3A_552, %mul3A_573 : i32
      %add3A_575 = arith.constant 104 : i32
      %add3A_576 = arith.addi %mul3A_574, %add3A_575 : i32
      %dma_start3A_577 = arith.constant 0 : i32
      %dma_start3A_578 = arith.constant 0 : i32
      %dma_start3A_579 = tpu.memref_slice %arg16[%dma_start3A_577, %dma_start3A_578] : memref<200x64xf32, #tpu.memory_space<vmem>> -> memref<104x64xf32, #tpu.memory_space<vmem>>
      %dma_start3A_580 = tpu.memref_slice %arg10[%add3A_556] : memref<6400xi32, #tpu.memory_space<vmem>> -> memref<104xi32, #tpu.memory_space<vmem>>
      %dma_start3A_581 = arith.constant 0 : i32
      %dma_start3A_582 = arith.constant 0 : i32
      %dma_start3A_583 = tpu.memref_slice %arg5[%dma_start3A_581, %dma_start3A_582] : memref<100000x64xf32, #tpu.memory_space<hbm>> -> memref<100000x64xf32, #tpu.memory_space<hbm>>
      tpu.enqueue_indirect_dma source(%dma_start3A_583 : memref<100000x64xf32, #tpu.memory_space<hbm>>) target(%dma_start3A_579 : memref<104x64xf32, #tpu.memory_space<vmem>>) offsets(%dma_start3A_580 : memref<104xi32, #tpu.memory_space<vmem>>) semaphore(%arg23 : memref<!tpu.dma_semaphore, #tpu.memory_space<semaphore_mem>>)
      %dma_start3A_584 = arith.constant 104 : i32
      %dma_start3A_585 = arith.constant 0 : i32
      %dma_start3A_586 = tpu.memref_slice %arg16[%dma_start3A_584, %dma_start3A_585] : memref<200x64xf32, #tpu.memory_space<vmem>> -> memref<96x64xf32, #tpu.memory_space<vmem>>
      %dma_start3A_587 = tpu.memref_slice %arg10[%add3A_560] : memref<6400xi32, #tpu.memory_space<vmem>> -> memref<96xi32, #tpu.memory_space<vmem>>
      %dma_start3A_588 = arith.constant 0 : i32
      %dma_start3A_589 = arith.constant 0 : i32
      %dma_start3A_590 = tpu.memref_slice %arg5[%dma_start3A_588, %dma_start3A_589] : memref<100000x64xf32, #tpu.memory_space<hbm>> -> memref<100000x64xf32, #tpu.memory_space<hbm>>
      tpu.enqueue_indirect_dma source(%dma_start3A_590 : memref<100000x64xf32, #tpu.memory_space<hbm>>) target(%dma_start3A_586 : memref<96x64xf32, #tpu.memory_space<vmem>>) offsets(%dma_start3A_587 : memref<96xi32, #tpu.memory_space<vmem>>) semaphore(%arg23 : memref<!tpu.dma_semaphore, #tpu.memory_space<semaphore_mem>>)
      %dma_start3A_591 = arith.constant 0 : i32
      %dma_start3A_592 = arith.constant 0 : i32
      %dma_start3A_593 = tpu.memref_slice %arg17[%dma_start3A_591, %dma_start3A_592] : memref<200x64xf32, #tpu.memory_space<vmem>> -> memref<104x64xf32, #tpu.memory_space<vmem>>
      %dma_start3A_594 = tpu.memref_slice %arg11[%add3A_564] : memref<6400xi32, #tpu.memory_space<vmem>> -> memref<104xi32, #tpu.memory_space<vmem>>
      %dma_start3A_595 = arith.constant 0 : i32
      %dma_start3A_596 = arith.constant 0 : i32
      %dma_start3A_597 = tpu.memref_slice %arg6[%dma_start3A_595, %dma_start3A_596] : memref<100000x64xf32, #tpu.memory_space<hbm>> -> memref<100000x64xf32, #tpu.memory_space<hbm>>
      tpu.enqueue_indirect_dma source(%dma_start3A_597 : memref<100000x64xf32, #tpu.memory_space<hbm>>) target(%dma_start3A_593 : memref<104x64xf32, #tpu.memory_space<vmem>>) offsets(%dma_start3A_594 : memref<104xi32, #tpu.memory_space<vmem>>) semaphore(%arg23 : memref<!tpu.dma_semaphore, #tpu.memory_space<semaphore_mem>>)
      %dma_start3A_598 = arith.constant 104 : i32
      %dma_start3A_599 = arith.constant 0 : i32
      %dma_start3A_600 = tpu.memref_slice %arg17[%dma_start3A_598, %dma_start3A_599] : memref<200x64xf32, #tpu.memory_space<vmem>> -> memref<96x64xf32, #tpu.memory_space<vmem>>
      %dma_start3A_601 = tpu.memref_slice %arg11[%add3A_568] : memref<6400xi32, #tpu.memory_space<vmem>> -> memref<96xi32, #tpu.memory_space<vmem>>
      %dma_start3A_602 = arith.constant 0 : i32
      %dma_start3A_603 = arith.constant 0 : i32
      %dma_start3A_604 = tpu.memref_slice %arg6[%dma_start3A_602, %dma_start3A_603] : memref<100000x64xf32, #tpu.memory_space<hbm>> -> memref<100000x64xf32, #tpu.memory_space<hbm>>
      tpu.enqueue_indirect_dma source(%dma_start3A_604 : memref<100000x64xf32, #tpu.memory_space<hbm>>) target(%dma_start3A_600 : memref<96x64xf32, #tpu.memory_space<vmem>>) offsets(%dma_start3A_601 : memref<96xi32, #tpu.memory_space<vmem>>) semaphore(%arg23 : memref<!tpu.dma_semaphore, #tpu.memory_space<semaphore_mem>>)
      %dma_start3A_605 = arith.constant 0 : i32
      %dma_start3A_606 = arith.constant 0 : i32
      %dma_start3A_607 = tpu.memref_slice %arg18[%dma_start3A_605, %dma_start3A_606] : memref<200x64xf32, #tpu.memory_space<vmem>> -> memref<104x64xf32, #tpu.memory_space<vmem>>
      %dma_start3A_608 = tpu.memref_slice %arg12[%add3A_572] : memref<6400xi32, #tpu.memory_space<vmem>> -> memref<104xi32, #tpu.memory_space<vmem>>
      %dma_start3A_609 = arith.constant 0 : i32
      %dma_start3A_610 = arith.constant 0 : i32
      %dma_start3A_611 = tpu.memref_slice %arg7[%dma_start3A_609, %dma_start3A_610] : memref<100000x64xf32, #tpu.memory_space<hbm>> -> memref<100000x64xf32, #tpu.memory_space<hbm>>
      tpu.enqueue_indirect_dma source(%dma_start3A_611 : memref<100000x64xf32, #tpu.memory_space<hbm>>) target(%dma_start3A_607 : memref<104x64xf32, #tpu.memory_space<vmem>>) offsets(%dma_start3A_608 : memref<104xi32, #tpu.memory_space<vmem>>) semaphore(%arg23 : memref<!tpu.dma_semaphore, #tpu.memory_space<semaphore_mem>>)
      %dma_start3A_612 = arith.constant 104 : i32
      %dma_start3A_613 = arith.constant 0 : i32
      %dma_start3A_614 = tpu.memref_slice %arg18[%dma_start3A_612, %dma_start3A_613] : memref<200x64xf32, #tpu.memory_space<vmem>> -> memref<96x64xf32, #tpu.memory_space<vmem>>
      %dma_start3A_615 = tpu.memref_slice %arg12[%add3A_576] : memref<6400xi32, #tpu.memory_space<vmem>> -> memref<96xi32, #tpu.memory_space<vmem>>
      %dma_start3A_616 = arith.constant 0 : i32
      %dma_start3A_617 = arith.constant 0 : i32
      %dma_start3A_618 = tpu.memref_slice %arg7[%dma_start3A_616, %dma_start3A_617] : memref<100000x64xf32, #tpu.memory_space<hbm>> -> memref<100000x64xf32, #tpu.memory_space<hbm>>
      tpu.enqueue_indirect_dma source(%dma_start3A_618 : memref<100000x64xf32, #tpu.memory_space<hbm>>) target(%dma_start3A_614 : memref<96x64xf32, #tpu.memory_space<vmem>>) offsets(%dma_start3A_615 : memref<96xi32, #tpu.memory_space<vmem>>) semaphore(%arg23 : memref<!tpu.dma_semaphore, #tpu.memory_space<semaphore_mem>>)
      %mul3A_619 = arith.constant 200 : i32
      %mul3A_620 = arith.muli %add3A_550, %mul3A_619 : i32
      %add3A_621 = arith.constant 0 : i32
      %add3A_622 = arith.addi %mul3A_620, %add3A_621 : i32
      %mul3A_623 = arith.constant 200 : i32
      %mul3A_624 = arith.muli %add3A_550, %mul3A_623 : i32
      %add3A_625 = arith.constant 104 : i32
      %add3A_626 = arith.addi %mul3A_624, %add3A_625 : i32
      %mul3A_627 = arith.constant 200 : i32
      %mul3A_628 = arith.muli %add3A_550, %mul3A_627 : i32
      %add3A_629 = arith.constant 0 : i32
      %add3A_630 = arith.addi %mul3A_628, %add3A_629 : i32
      %mul3A_631 = arith.constant 200 : i32
      %mul3A_632 = arith.muli %add3A_550, %mul3A_631 : i32
      %add3A_633 = arith.constant 104 : i32
      %add3A_634 = arith.addi %mul3A_632, %add3A_633 : i32
      %mul3A_635 = arith.constant 200 : i32
      %mul3A_636 = arith.muli %add3A_550, %mul3A_635 : i32
      %add3A_637 = arith.constant 0 : i32
      %add3A_638 = arith.addi %mul3A_636, %add3A_637 : i32
      %mul3A_639 = arith.constant 200 : i32
      %mul3A_640 = arith.muli %add3A_550, %mul3A_639 : i32
      %add3A_641 = arith.constant 104 : i32
      %add3A_642 = arith.addi %mul3A_640, %add3A_641 : i32
      %dma_wait3A_643 = arith.constant 0 : i32
      %dma_wait3A_644 = arith.constant 0 : i32
      %dma_wait3A_645 = tpu.memref_slice %arg13[%dma_wait3A_643, %dma_wait3A_644] : memref<200x64xf32, #tpu.memory_space<vmem>> -> memref<104x64xf32, #tpu.memory_space<vmem>>
      %dma_wait3A_646 = tpu.memref_slice %arg10[%add3A_622] : memref<6400xi32, #tpu.memory_space<vmem>> -> memref<104xi32, #tpu.memory_space<vmem>>
      %dma_wait3A_647 = arith.constant 0 : i32
      %dma_wait3A_648 = arith.constant 0 : i32
      %dma_wait3A_649 = tpu.memref_slice %arg5[%dma_wait3A_647, %dma_wait3A_648] : memref<100000x64xf32, #tpu.memory_space<hbm>> -> memref<100000x64xf32, #tpu.memory_space<hbm>>
      tpu.wait_indirect_dma semaphore(%arg22 : memref<!tpu.dma_semaphore, #tpu.memory_space<semaphore_mem>>) src(%dma_wait3A_649 : memref<100000x64xf32, #tpu.memory_space<hbm>>) dst(%dma_wait3A_645 : memref<104x64xf32, #tpu.memory_space<vmem>>)
      %dma_wait3A_650 = arith.constant 104 : i32
      %dma_wait3A_651 = arith.constant 0 : i32
      %dma_wait3A_652 = tpu.memref_slice %arg13[%dma_wait3A_650, %dma_wait3A_651] : memref<200x64xf32, #tpu.memory_space<vmem>> -> memref<96x64xf32, #tpu.memory_space<vmem>>
      %dma_wait3A_653 = tpu.memref_slice %arg10[%add3A_626] : memref<6400xi32, #tpu.memory_space<vmem>> -> memref<96xi32, #tpu.memory_space<vmem>>
      %dma_wait3A_654 = arith.constant 0 : i32
      %dma_wait3A_655 = arith.constant 0 : i32
      %dma_wait3A_656 = tpu.memref_slice %arg5[%dma_wait3A_654, %dma_wait3A_655] : memref<100000x64xf32, #tpu.memory_space<hbm>> -> memref<100000x64xf32, #tpu.memory_space<hbm>>
      tpu.wait_indirect_dma semaphore(%arg22 : memref<!tpu.dma_semaphore, #tpu.memory_space<semaphore_mem>>) src(%dma_wait3A_656 : memref<100000x64xf32, #tpu.memory_space<hbm>>) dst(%dma_wait3A_652 : memref<96x64xf32, #tpu.memory_space<vmem>>)
      %dma_wait3A_657 = arith.constant 0 : i32
      %dma_wait3A_658 = arith.constant 0 : i32
      %dma_wait3A_659 = tpu.memref_slice %arg14[%dma_wait3A_657, %dma_wait3A_658] : memref<200x64xf32, #tpu.memory_space<vmem>> -> memref<104x64xf32, #tpu.memory_space<vmem>>
      %dma_wait3A_660 = tpu.memref_slice %arg11[%add3A_630] : memref<6400xi32, #tpu.memory_space<vmem>> -> memref<104xi32, #tpu.memory_space<vmem>>
      %dma_wait3A_661 = arith.constant 0 : i32
      %dma_wait3A_662 = arith.constant 0 : i32
      %dma_wait3A_663 = tpu.memref_slice %arg6[%dma_wait3A_661, %dma_wait3A_662] : memref<100000x64xf32, #tpu.memory_space<hbm>> -> memref<100000x64xf32, #tpu.memory_space<hbm>>
      tpu.wait_indirect_dma semaphore(%arg22 : memref<!tpu.dma_semaphore, #tpu.memory_space<semaphore_mem>>) src(%dma_wait3A_663 : memref<100000x64xf32, #tpu.memory_space<hbm>>) dst(%dma_wait3A_659 : memref<104x64xf32, #tpu.memory_space<vmem>>)
      %dma_wait3A_664 = arith.constant 104 : i32
      %dma_wait3A_665 = arith.constant 0 : i32
      %dma_wait3A_666 = tpu.memref_slice %arg14[%dma_wait3A_664, %dma_wait3A_665] : memref<200x64xf32, #tpu.memory_space<vmem>> -> memref<96x64xf32, #tpu.memory_space<vmem>>
      %dma_wait3A_667 = tpu.memref_slice %arg11[%add3A_634] : memref<6400xi32, #tpu.memory_space<vmem>> -> memref<96xi32, #tpu.memory_space<vmem>>
      %dma_wait3A_668 = arith.constant 0 : i32
      %dma_wait3A_669 = arith.constant 0 : i32
      %dma_wait3A_670 = tpu.memref_slice %arg6[%dma_wait3A_668, %dma_wait3A_669] : memref<100000x64xf32, #tpu.memory_space<hbm>> -> memref<100000x64xf32, #tpu.memory_space<hbm>>
      tpu.wait_indirect_dma semaphore(%arg22 : memref<!tpu.dma_semaphore, #tpu.memory_space<semaphore_mem>>) src(%dma_wait3A_670 : memref<100000x64xf32, #tpu.memory_space<hbm>>) dst(%dma_wait3A_666 : memref<96x64xf32, #tpu.memory_space<vmem>>)
      %dma_wait3A_671 = arith.constant 0 : i32
      %dma_wait3A_672 = arith.constant 0 : i32
      %dma_wait3A_673 = tpu.memref_slice %arg15[%dma_wait3A_671, %dma_wait3A_672] : memref<200x64xf32, #tpu.memory_space<vmem>> -> memref<104x64xf32, #tpu.memory_space<vmem>>
      %dma_wait3A_674 = tpu.memref_slice %arg12[%add3A_638] : memref<6400xi32, #tpu.memory_space<vmem>> -> memref<104xi32, #tpu.memory_space<vmem>>
      %dma_wait3A_675 = arith.constant 0 : i32
      %dma_wait3A_676 = arith.constant 0 : i32
      %dma_wait3A_677 = tpu.memref_slice %arg7[%dma_wait3A_675, %dma_wait3A_676] : memref<100000x64xf32, #tpu.memory_space<hbm>> -> memref<100000x64xf32, #tpu.memory_space<hbm>>
      tpu.wait_indirect_dma semaphore(%arg22 : memref<!tpu.dma_semaphore, #tpu.memory_space<semaphore_mem>>) src(%dma_wait3A_677 : memref<100000x64xf32, #tpu.memory_space<hbm>>) dst(%dma_wait3A_673 : memref<104x64xf32, #tpu.memory_space<vmem>>)
      %dma_wait3A_678 = arith.constant 104 : i32
      %dma_wait3A_679 = arith.constant 0 : i32
      %dma_wait3A_680 = tpu.memref_slice %arg15[%dma_wait3A_678, %dma_wait3A_679] : memref<200x64xf32, #tpu.memory_space<vmem>> -> memref<96x64xf32, #tpu.memory_space<vmem>>
      %dma_wait3A_681 = tpu.memref_slice %arg12[%add3A_642] : memref<6400xi32, #tpu.memory_space<vmem>> -> memref<96xi32, #tpu.memory_space<vmem>>
      %dma_wait3A_682 = arith.constant 0 : i32
      %dma_wait3A_683 = arith.constant 0 : i32
      %dma_wait3A_684 = tpu.memref_slice %arg7[%dma_wait3A_682, %dma_wait3A_683] : memref<100000x64xf32, #tpu.memory_space<hbm>> -> memref<100000x64xf32, #tpu.memory_space<hbm>>
      tpu.wait_indirect_dma semaphore(%arg22 : memref<!tpu.dma_semaphore, #tpu.memory_space<semaphore_mem>>) src(%dma_wait3A_684 : memref<100000x64xf32, #tpu.memory_space<hbm>>) dst(%dma_wait3A_680 : memref<96x64xf32, #tpu.memory_space<vmem>>)
      %add3A_685 = arith.constant 0 : i32
      %add3A_686 = arith.addi %mul3A_4, %add3A_685 : i32
      %jit3A_687 = arith.constant 2 : i32
      %div3A_688 = arith.divsi %add3A_686, %jit3A_687 : i32
      %sign3A_689 = arith.constant 0 : i32
      %sign3A_690 = arith.cmpi sgt, %add3A_686, %sign3A_689 : i32
      %sign3A_691 = arith.extui %sign3A_690 : i1 to i32
      %sign3A_692 = arith.constant 0 : i32
      %sign3A_693 = arith.cmpi slt, %add3A_686, %sign3A_692 : i32
      %sign3A_694 = arith.extui %sign3A_693 : i1 to i32
      %sign3A_695 = arith.subi %sign3A_691, %sign3A_694 : i32
      %sign3A_696 = arith.constant 0 : i32
      %sign3A_697 = arith.cmpi sgt, %jit3A_687, %sign3A_696 : i32
      %sign3A_698 = arith.extui %sign3A_697 : i1 to i32
      %sign3A_699 = arith.constant 0 : i32
      %sign3A_700 = arith.cmpi slt, %jit3A_687, %sign3A_699 : i32
      %sign3A_701 = arith.extui %sign3A_700 : i1 to i32
      %sign3A_702 = arith.subi %sign3A_698, %sign3A_701 : i32
      %ne3A_703 = arith.cmpi ne, %sign3A_695, %sign3A_702 : i32
      %rem3A_704 = arith.remsi %add3A_686, %jit3A_687 : i32
      %ne3A_705 = arith.constant 0 : i32
      %ne3A_706 = arith.cmpi ne, %rem3A_704, %ne3A_705 : i32
      %and3A_707 = arith.andi %ne3A_703, %ne3A_706 : i1
      %sub3A_708 = arith.constant 1 : i32
      %sub3A_709 = arith.subi %div3A_688, %sub3A_708 : i32
      %select_n3A_710 = arith.select %and3A_707, %sub3A_709, %div3A_688 : i32
      %dma_wait3A_711 = arith.constant 0 : i32
      %dma_wait3A_712 = tpu.memref_slice %arg9[%select_n3A_710, %dma_wait3A_711] : memref<102400x128xf32, #tpu.memory_space<hbm>> -> memref<100x128xf32, #tpu.memory_space<hbm>>
      %dma_wait3A_713 = arith.constant 0 : i32
      %dma_wait3A_714 = tpu.memref_slice %arg9[%select_n3A_710, %dma_wait3A_713] : memref<102400x128xf32, #tpu.memory_space<hbm>> -> memref<100x128xf32, #tpu.memory_space<hbm>>
      tpu.wait_dma2 semaphore(%arg24 : memref<!tpu.dma_semaphore, #tpu.memory_space<semaphore_mem>>) src(%arg20 : memref<100x128xf32, #tpu.memory_space<vmem>>) dst(%dma_wait3A_714 : memref<100x128xf32, #tpu.memory_space<hbm>>)
      %scan3A_715 = arith.constant 0 : i32
      %scan3A_716 = arith.constant 0 : i32
      %scan3A_717 = arith.constant 100 : i32
      %scan3A_718 = arith.addi %scan3A_716, %scan3A_717 : i32
      %scan3A_719 = arith.constant 1 : i32
      %scan3A_720 = scf.for %scan3A_754 = %scan3A_716 to %scan3A_718 step %scan3A_719 iter_args(%scan3A_755 = %scan3A_715) -> (i32)  : i32 {
        %mul3A_756 = arith.constant 2 : i32
        %mul3A_757 = arith.muli %mul3A_756, %scan3A_754 : i32
        %add3A_758 = arith.constant 0 : i32
        %add3A_759 = arith.addi %mul3A_757, %add3A_758 : i32
        %get3A = arith.index_cast %add3A_759 : i32 to index
        %get3A_760 = arith.constant 0 : index
        %get3A_761 = tpu.vector_load %arg13[%get3A, %get3A_760] {strides = array<i32>} : memref<200x64xf32, #tpu.memory_space<vmem>>, vector<1x16xf32>,
        %get3A_762 = vector.shape_cast %get3A_761 : vector<1x16xf32> to vector<16xf32>
        %get3A_763 = arith.index_cast %add3A_759 : i32 to index
        %get3A_764 = arith.constant 0 : index
        %get3A_765 = tpu.vector_load %arg14[%get3A_763, %get3A_764] {strides = array<i32>} : memref<200x64xf32, #tpu.memory_space<vmem>>, vector<1x16xf32>,
        %get3A_766 = vector.shape_cast %get3A_765 : vector<1x16xf32> to vector<16xf32>
        %add3A_767 = arith.addf %get3A_762, %get3A_766 : vector<16xf32>
        %get3A_768 = arith.index_cast %add3A_759 : i32 to index
        %get3A_769 = arith.constant 0 : index
        %get3A_770 = tpu.vector_load %arg15[%get3A_768, %get3A_769] {strides = array<i32>} : memref<200x64xf32, #tpu.memory_space<vmem>>, vector<1x16xf32>,
        %get3A_771 = vector.shape_cast %get3A_770 : vector<1x16xf32> to vector<16xf32>
        %add3A_772 = arith.addf %add3A_767, %get3A_771 : vector<16xf32>
        %get3A_773 = arith.index_cast %add3A_759 : i32 to index
        %get3A_774 = arith.constant 0 : index
        %get3A_775 = tpu.vector_load %arg19[%get3A_773, %get3A_774] {strides = array<i32>} : memref<200x64xf32, #tpu.memory_space<vmem>>, vector<1x16xf32>,
        %get3A_776 = vector.shape_cast %get3A_775 : vector<1x16xf32> to vector<16xf32>
        %add3A_777 = arith.addf %add3A_772, %get3A_776 : vector<16xf32>
        %swap3A = arith.index_cast %scan3A_754 : i32 to index
        %swap3A_778 = arith.constant 0 : index
        %swap3A_779 = tpu.vector_load %arg20[%swap3A, %swap3A_778] {strides = array<i32>} : memref<100x128xf32, #tpu.memory_space<vmem>>, vector<1x16xf32>,
        %swap3A_780 = vector.shape_cast %swap3A_779 : vector<1x16xf32> to vector<16xf32>
        %swap3A_781 = vector.shape_cast %add3A_777 : vector<16xf32> to vector<1x16xf32>
        tpu.vector_store %arg20[%swap3A, %swap3A_778], %swap3A_781 {strides = array<i32>} : memref<100x128xf32, #tpu.memory_space<vmem>>, vector<1x16xf32>,
        %get3A_782 = arith.index_cast %add3A_759 : i32 to index
        %get3A_783 = arith.constant 16 : index
        %get3A_784 = tpu.vector_load %arg13[%get3A_782, %get3A_783] {strides = array<i32>} : memref<200x64xf32, #tpu.memory_space<vmem>>, vector<1x16xf32>,
        %get3A_785 = vector.shape_cast %get3A_784 : vector<1x16xf32> to vector<16xf32>
        %get3A_786 = arith.index_cast %add3A_759 : i32 to index
        %get3A_787 = arith.constant 16 : index
        %get3A_788 = tpu.vector_load %arg14[%get3A_786, %get3A_787] {strides = array<i32>} : memref<200x64xf32, #tpu.memory_space<vmem>>, vector<1x16xf32>,
        %get3A_789 = vector.shape_cast %get3A_788 : vector<1x16xf32> to vector<16xf32>
        %add3A_790 = arith.addf %get3A_785, %get3A_789 : vector<16xf32>
        %get3A_791 = arith.index_cast %add3A_759 : i32 to index
        %get3A_792 = arith.constant 16 : index
        %get3A_793 = tpu.vector_load %arg15[%get3A_791, %get3A_792] {strides = array<i32>} : memref<200x64xf32, #tpu.memory_space<vmem>>, vector<1x16xf32>,
        %get3A_794 = vector.shape_cast %get3A_793 : vector<1x16xf32> to vector<16xf32>
        %add3A_795 = arith.addf %add3A_790, %get3A_794 : vector<16xf32>
        %get3A_796 = arith.index_cast %add3A_759 : i32 to index
        %get3A_797 = arith.constant 16 : index
        %get3A_798 = tpu.vector_load %arg19[%get3A_796, %get3A_797] {strides = array<i32>} : memref<200x64xf32, #tpu.memory_space<vmem>>, vector<1x16xf32>,
        %get3A_799 = vector.shape_cast %get3A_798 : vector<1x16xf32> to vector<16xf32>
        %add3A_800 = arith.addf %add3A_795, %get3A_799 : vector<16xf32>
        %swap3A_801 = arith.index_cast %scan3A_754 : i32 to index
        %swap3A_802 = arith.constant 16 : index
        %swap3A_803 = tpu.vector_load %arg20[%swap3A_801, %swap3A_802] {strides = array<i32>} : memref<100x128xf32, #tpu.memory_space<vmem>>, vector<1x16xf32>,
        %swap3A_804 = vector.shape_cast %swap3A_803 : vector<1x16xf32> to vector<16xf32>
        %swap3A_805 = vector.shape_cast %add3A_800 : vector<16xf32> to vector<1x16xf32>
        tpu.vector_store %arg20[%swap3A_801, %swap3A_802], %swap3A_805 {strides = array<i32>} : memref<100x128xf32, #tpu.memory_space<vmem>>, vector<1x16xf32>,
        %get3A_806 = arith.index_cast %add3A_759 : i32 to index
        %get3A_807 = arith.constant 32 : index
        %get3A_808 = tpu.vector_load %arg13[%get3A_806, %get3A_807] {strides = array<i32>} : memref<200x64xf32, #tpu.memory_space<vmem>>, vector<1x16xf32>,
        %get3A_809 = vector.shape_cast %get3A_808 : vector<1x16xf32> to vector<16xf32>
        %get3A_810 = arith.index_cast %add3A_759 : i32 to index
        %get3A_811 = arith.constant 32 : index
        %get3A_812 = tpu.vector_load %arg14[%get3A_810, %get3A_811] {strides = array<i32>} : memref<200x64xf32, #tpu.memory_space<vmem>>, vector<1x16xf32>,
        %get3A_813 = vector.shape_cast %get3A_812 : vector<1x16xf32> to vector<16xf32>
        %add3A_814 = arith.addf %get3A_809, %get3A_813 : vector<16xf32>
        %get3A_815 = arith.index_cast %add3A_759 : i32 to index
        %get3A_816 = arith.constant 32 : index
        %get3A_817 = tpu.vector_load %arg15[%get3A_815, %get3A_816] {strides = array<i32>} : memref<200x64xf32, #tpu.memory_space<vmem>>, vector<1x16xf32>,
        %get3A_818 = vector.shape_cast %get3A_817 : vector<1x16xf32> to vector<16xf32>
        %add3A_819 = arith.addf %add3A_814, %get3A_818 : vector<16xf32>
        %get3A_820 = arith.index_cast %add3A_759 : i32 to index
        %get3A_821 = arith.constant 32 : index
        %get3A_822 = tpu.vector_load %arg19[%get3A_820, %get3A_821] {strides = array<i32>} : memref<200x64xf32, #tpu.memory_space<vmem>>, vector<1x16xf32>,
        %get3A_823 = vector.shape_cast %get3A_822 : vector<1x16xf32> to vector<16xf32>
        %add3A_824 = arith.addf %add3A_819, %get3A_823 : vector<16xf32>
        %swap3A_825 = arith.index_cast %scan3A_754 : i32 to index
        %swap3A_826 = arith.constant 32 : index
        %swap3A_827 = tpu.vector_load %arg20[%swap3A_825, %swap3A_826] {strides = array<i32>} : memref<100x128xf32, #tpu.memory_space<vmem>>, vector<1x16xf32>,
        %swap3A_828 = vector.shape_cast %swap3A_827 : vector<1x16xf32> to vector<16xf32>
        %swap3A_829 = vector.shape_cast %add3A_824 : vector<16xf32> to vector<1x16xf32>
        tpu.vector_store %arg20[%swap3A_825, %swap3A_826], %swap3A_829 {strides = array<i32>} : memref<100x128xf32, #tpu.memory_space<vmem>>, vector<1x16xf32>,
        %get3A_830 = arith.index_cast %add3A_759 : i32 to index
        %get3A_831 = arith.constant 48 : index
        %get3A_832 = tpu.vector_load %arg13[%get3A_830, %get3A_831] {strides = array<i32>} : memref<200x64xf32, #tpu.memory_space<vmem>>, vector<1x16xf32>,
        %get3A_833 = vector.shape_cast %get3A_832 : vector<1x16xf32> to vector<16xf32>
        %get3A_834 = arith.index_cast %add3A_759 : i32 to index
        %get3A_835 = arith.constant 48 : index
        %get3A_836 = tpu.vector_load %arg14[%get3A_834, %get3A_835] {strides = array<i32>} : memref<200x64xf32, #tpu.memory_space<vmem>>, vector<1x16xf32>,
        %get3A_837 = vector.shape_cast %get3A_836 : vector<1x16xf32> to vector<16xf32>
        %add3A_838 = arith.addf %get3A_833, %get3A_837 : vector<16xf32>
        %get3A_839 = arith.index_cast %add3A_759 : i32 to index
        %get3A_840 = arith.constant 48 : index
        %get3A_841 = tpu.vector_load %arg15[%get3A_839, %get3A_840] {strides = array<i32>} : memref<200x64xf32, #tpu.memory_space<vmem>>, vector<1x16xf32>,
        %get3A_842 = vector.shape_cast %get3A_841 : vector<1x16xf32> to vector<16xf32>
        %add3A_843 = arith.addf %add3A_838, %get3A_842 : vector<16xf32>
        %get3A_844 = arith.index_cast %add3A_759 : i32 to index
        %get3A_845 = arith.constant 48 : index
        %get3A_846 = tpu.vector_load %arg19[%get3A_844, %get3A_845] {strides = array<i32>} : memref<200x64xf32, #tpu.memory_space<vmem>>, vector<1x16xf32>,
        %get3A_847 = vector.shape_cast %get3A_846 : vector<1x16xf32> to vector<16xf32>
        %add3A_848 = arith.addf %add3A_843, %get3A_847 : vector<16xf32>
        %swap3A_849 = arith.index_cast %scan3A_754 : i32 to index
        %swap3A_850 = arith.constant 48 : index
        %swap3A_851 = tpu.vector_load %arg20[%swap3A_849, %swap3A_850] {strides = array<i32>} : memref<100x128xf32, #tpu.memory_space<vmem>>, vector<1x16xf32>,
        %swap3A_852 = vector.shape_cast %swap3A_851 : vector<1x16xf32> to vector<16xf32>
        %swap3A_853 = vector.shape_cast %add3A_848 : vector<16xf32> to vector<1x16xf32>
        tpu.vector_store %arg20[%swap3A_849, %swap3A_850], %swap3A_853 {strides = array<i32>} : memref<100x128xf32, #tpu.memory_space<vmem>>, vector<1x16xf32>,
        %mul3A_854 = arith.constant 2 : i32
        %mul3A_855 = arith.muli %mul3A_854, %scan3A_754 : i32
        %add3A_856 = arith.constant 1 : i32
        %add3A_857 = arith.addi %mul3A_855, %add3A_856 : i32
        %get3A_858 = arith.index_cast %add3A_857 : i32 to index
        %get3A_859 = arith.constant 0 : index
        %get3A_860 = tpu.vector_load %arg13[%get3A_858, %get3A_859] {strides = array<i32>} : memref<200x64xf32, #tpu.memory_space<vmem>>, vector<1x16xf32>,
        %get3A_861 = vector.shape_cast %get3A_860 : vector<1x16xf32> to vector<16xf32>
        %get3A_862 = arith.index_cast %add3A_857 : i32 to index
        %get3A_863 = arith.constant 0 : index
        %get3A_864 = tpu.vector_load %arg14[%get3A_862, %get3A_863] {strides = array<i32>} : memref<200x64xf32, #tpu.memory_space<vmem>>, vector<1x16xf32>,
        %get3A_865 = vector.shape_cast %get3A_864 : vector<1x16xf32> to vector<16xf32>
        %add3A_866 = arith.addf %get3A_861, %get3A_865 : vector<16xf32>
        %get3A_867 = arith.index_cast %add3A_857 : i32 to index
        %get3A_868 = arith.constant 0 : index
        %get3A_869 = tpu.vector_load %arg15[%get3A_867, %get3A_868] {strides = array<i32>} : memref<200x64xf32, #tpu.memory_space<vmem>>, vector<1x16xf32>,
        %get3A_870 = vector.shape_cast %get3A_869 : vector<1x16xf32> to vector<16xf32>
        %add3A_871 = arith.addf %add3A_866, %get3A_870 : vector<16xf32>
        %get3A_872 = arith.index_cast %add3A_857 : i32 to index
        %get3A_873 = arith.constant 0 : index
        %get3A_874 = tpu.vector_load %arg19[%get3A_872, %get3A_873] {strides = array<i32>} : memref<200x64xf32, #tpu.memory_space<vmem>>, vector<1x16xf32>,
        %get3A_875 = vector.shape_cast %get3A_874 : vector<1x16xf32> to vector<16xf32>
        %add3A_876 = arith.addf %add3A_871, %get3A_875 : vector<16xf32>
        %swap3A_877 = arith.index_cast %scan3A_754 : i32 to index
        %swap3A_878 = arith.constant 64 : index
        %swap3A_879 = tpu.vector_load %arg20[%swap3A_877, %swap3A_878] {strides = array<i32>} : memref<100x128xf32, #tpu.memory_space<vmem>>, vector<1x16xf32>,
        %swap3A_880 = vector.shape_cast %swap3A_879 : vector<1x16xf32> to vector<16xf32>
        %swap3A_881 = vector.shape_cast %add3A_876 : vector<16xf32> to vector<1x16xf32>
        tpu.vector_store %arg20[%swap3A_877, %swap3A_878], %swap3A_881 {strides = array<i32>} : memref<100x128xf32, #tpu.memory_space<vmem>>, vector<1x16xf32>,
        %get3A_882 = arith.index_cast %add3A_857 : i32 to index
        %get3A_883 = arith.constant 16 : index
        %get3A_884 = tpu.vector_load %arg13[%get3A_882, %get3A_883] {strides = array<i32>} : memref<200x64xf32, #tpu.memory_space<vmem>>, vector<1x16xf32>,
        %get3A_885 = vector.shape_cast %get3A_884 : vector<1x16xf32> to vector<16xf32>
        %get3A_886 = arith.index_cast %add3A_857 : i32 to index
        %get3A_887 = arith.constant 16 : index
        %get3A_888 = tpu.vector_load %arg14[%get3A_886, %get3A_887] {strides = array<i32>} : memref<200x64xf32, #tpu.memory_space<vmem>>, vector<1x16xf32>,
        %get3A_889 = vector.shape_cast %get3A_888 : vector<1x16xf32> to vector<16xf32>
        %add3A_890 = arith.addf %get3A_885, %get3A_889 : vector<16xf32>
        %get3A_891 = arith.index_cast %add3A_857 : i32 to index
        %get3A_892 = arith.constant 16 : index
        %get3A_893 = tpu.vector_load %arg15[%get3A_891, %get3A_892] {strides = array<i32>} : memref<200x64xf32, #tpu.memory_space<vmem>>, vector<1x16xf32>,
        %get3A_894 = vector.shape_cast %get3A_893 : vector<1x16xf32> to vector<16xf32>
        %add3A_895 = arith.addf %add3A_890, %get3A_894 : vector<16xf32>
        %get3A_896 = arith.index_cast %add3A_857 : i32 to index
        %get3A_897 = arith.constant 16 : index
        %get3A_898 = tpu.vector_load %arg19[%get3A_896, %get3A_897] {strides = array<i32>} : memref<200x64xf32, #tpu.memory_space<vmem>>, vector<1x16xf32>,
        %get3A_899 = vector.shape_cast %get3A_898 : vector<1x16xf32> to vector<16xf32>
        %add3A_900 = arith.addf %add3A_895, %get3A_899 : vector<16xf32>
        %swap3A_901 = arith.index_cast %scan3A_754 : i32 to index
        %swap3A_902 = arith.constant 80 : index
        %swap3A_903 = tpu.vector_load %arg20[%swap3A_901, %swap3A_902] {strides = array<i32>} : memref<100x128xf32, #tpu.memory_space<vmem>>, vector<1x16xf32>,
        %swap3A_904 = vector.shape_cast %swap3A_903 : vector<1x16xf32> to vector<16xf32>
        %swap3A_905 = vector.shape_cast %add3A_900 : vector<16xf32> to vector<1x16xf32>
        tpu.vector_store %arg20[%swap3A_901, %swap3A_902], %swap3A_905 {strides = array<i32>} : memref<100x128xf32, #tpu.memory_space<vmem>>, vector<1x16xf32>,
        %get3A_906 = arith.index_cast %add3A_857 : i32 to index
        %get3A_907 = arith.constant 32 : index
        %get3A_908 = tpu.vector_load %arg13[%get3A_906, %get3A_907] {strides = array<i32>} : memref<200x64xf32, #tpu.memory_space<vmem>>, vector<1x16xf32>,
        %get3A_909 = vector.shape_cast %get3A_908 : vector<1x16xf32> to vector<16xf32>
        %get3A_910 = arith.index_cast %add3A_857 : i32 to index
        %get3A_911 = arith.constant 32 : index
        %get3A_912 = tpu.vector_load %arg14[%get3A_910, %get3A_911] {strides = array<i32>} : memref<200x64xf32, #tpu.memory_space<vmem>>, vector<1x16xf32>,
        %get3A_913 = vector.shape_cast %get3A_912 : vector<1x16xf32> to vector<16xf32>
        %add3A_914 = arith.addf %get3A_909, %get3A_913 : vector<16xf32>
        %get3A_915 = arith.index_cast %add3A_857 : i32 to index
        %get3A_916 = arith.constant 32 : index
        %get3A_917 = tpu.vector_load %arg15[%get3A_915, %get3A_916] {strides = array<i32>} : memref<200x64xf32, #tpu.memory_space<vmem>>, vector<1x16xf32>,
        %get3A_918 = vector.shape_cast %get3A_917 : vector<1x16xf32> to vector<16xf32>
        %add3A_919 = arith.addf %add3A_914, %get3A_918 : vector<16xf32>
        %get3A_920 = arith.index_cast %add3A_857 : i32 to index
        %get3A_921 = arith.constant 32 : index
        %get3A_922 = tpu.vector_load %arg19[%get3A_920, %get3A_921] {strides = array<i32>} : memref<200x64xf32, #tpu.memory_space<vmem>>, vector<1x16xf32>,
        %get3A_923 = vector.shape_cast %get3A_922 : vector<1x16xf32> to vector<16xf32>
        %add3A_924 = arith.addf %add3A_919, %get3A_923 : vector<16xf32>
        %swap3A_925 = arith.index_cast %scan3A_754 : i32 to index
        %swap3A_926 = arith.constant 96 : index
        %swap3A_927 = tpu.vector_load %arg20[%swap3A_925, %swap3A_926] {strides = array<i32>} : memref<100x128xf32, #tpu.memory_space<vmem>>, vector<1x16xf32>,
        %swap3A_928 = vector.shape_cast %swap3A_927 : vector<1x16xf32> to vector<16xf32>
        %swap3A_929 = vector.shape_cast %add3A_924 : vector<16xf32> to vector<1x16xf32>
        tpu.vector_store %arg20[%swap3A_925, %swap3A_926], %swap3A_929 {strides = array<i32>} : memref<100x128xf32, #tpu.memory_space<vmem>>, vector<1x16xf32>,
        %get3A_930 = arith.index_cast %add3A_857 : i32 to index
        %get3A_931 = arith.constant 48 : index
        %get3A_932 = tpu.vector_load %arg13[%get3A_930, %get3A_931] {strides = array<i32>} : memref<200x64xf32, #tpu.memory_space<vmem>>, vector<1x16xf32>,
        %get3A_933 = vector.shape_cast %get3A_932 : vector<1x16xf32> to vector<16xf32>
        %get3A_934 = arith.index_cast %add3A_857 : i32 to index
        %get3A_935 = arith.constant 48 : index
        %get3A_936 = tpu.vector_load %arg14[%get3A_934, %get3A_935] {strides = array<i32>} : memref<200x64xf32, #tpu.memory_space<vmem>>, vector<1x16xf32>,
        %get3A_937 = vector.shape_cast %get3A_936 : vector<1x16xf32> to vector<16xf32>
        %add3A_938 = arith.addf %get3A_933, %get3A_937 : vector<16xf32>
        %get3A_939 = arith.index_cast %add3A_857 : i32 to index
        %get3A_940 = arith.constant 48 : index
        %get3A_941 = tpu.vector_load %arg15[%get3A_939, %get3A_940] {strides = array<i32>} : memref<200x64xf32, #tpu.memory_space<vmem>>, vector<1x16xf32>,
        %get3A_942 = vector.shape_cast %get3A_941 : vector<1x16xf32> to vector<16xf32>
        %add3A_943 = arith.addf %add3A_938, %get3A_942 : vector<16xf32>
        %get3A_944 = arith.index_cast %add3A_857 : i32 to index
        %get3A_945 = arith.constant 48 : index
        %get3A_946 = tpu.vector_load %arg19[%get3A_944, %get3A_945] {strides = array<i32>} : memref<200x64xf32, #tpu.memory_space<vmem>>, vector<1x16xf32>,
        %get3A_947 = vector.shape_cast %get3A_946 : vector<1x16xf32> to vector<16xf32>
        %add3A_948 = arith.addf %add3A_943, %get3A_947 : vector<16xf32>
        %swap3A_949 = arith.index_cast %scan3A_754 : i32 to index
        %swap3A_950 = arith.constant 112 : index
        %swap3A_951 = tpu.vector_load %arg20[%swap3A_949, %swap3A_950] {strides = array<i32>} : memref<100x128xf32, #tpu.memory_space<vmem>>, vector<1x16xf32>,
        %swap3A_952 = vector.shape_cast %swap3A_951 : vector<1x16xf32> to vector<16xf32>
        %swap3A_953 = vector.shape_cast %add3A_948 : vector<16xf32> to vector<1x16xf32>
        tpu.vector_store %arg20[%swap3A_949, %swap3A_950], %swap3A_953 {strides = array<i32>} : memref<100x128xf32, #tpu.memory_space<vmem>>, vector<1x16xf32>,
        %scan3A_954 = arith.constant 0 : i32
        scf.yield %scan3A_954 : i32
      }
      %scan3A_721 = arith.constant 100 : i32
      %mul3A_722 = arith.constant 200 : i32
      %mul3A_723 = arith.muli %add3A_550, %mul3A_722 : i32
      %add3A_724 = arith.addi %mul3A_4, %mul3A_723 : i32
      %jit3A_725 = arith.constant 2 : i32
      %div3A_726 = arith.divsi %add3A_724, %jit3A_725 : i32
      %sign3A_727 = arith.constant 0 : i32
      %sign3A_728 = arith.cmpi sgt, %add3A_724, %sign3A_727 : i32
      %sign3A_729 = arith.extui %sign3A_728 : i1 to i32
      %sign3A_730 = arith.constant 0 : i32
      %sign3A_731 = arith.cmpi slt, %add3A_724, %sign3A_730 : i32
      %sign3A_732 = arith.extui %sign3A_731 : i1 to i32
      %sign3A_733 = arith.subi %sign3A_729, %sign3A_732 : i32
      %sign3A_734 = arith.constant 0 : i32
      %sign3A_735 = arith.cmpi sgt, %jit3A_725, %sign3A_734 : i32
      %sign3A_736 = arith.extui %sign3A_735 : i1 to i32
      %sign3A_737 = arith.constant 0 : i32
      %sign3A_738 = arith.cmpi slt, %jit3A_725, %sign3A_737 : i32
      %sign3A_739 = arith.extui %sign3A_738 : i1 to i32
      %sign3A_740 = arith.subi %sign3A_736, %sign3A_739 : i32
      %ne3A_741 = arith.cmpi ne, %sign3A_733, %sign3A_740 : i32
      %rem3A_742 = arith.remsi %add3A_724, %jit3A_725 : i32
      %ne3A_743 = arith.constant 0 : i32
      %ne3A_744 = arith.cmpi ne, %rem3A_742, %ne3A_743 : i32
      %and3A_745 = arith.andi %ne3A_741, %ne3A_744 : i1
      %sub3A_746 = arith.constant 1 : i32
      %sub3A_747 = arith.subi %div3A_726, %sub3A_746 : i32
      %select_n3A_748 = arith.select %and3A_745, %sub3A_747, %div3A_726 : i32
      %dma_start3A_749 = arith.constant 0 : i32
      %dma_start3A_750 = tpu.memref_slice %arg9[%select_n3A_748, %dma_start3A_749] : memref<102400x128xf32, #tpu.memory_space<hbm>> -> memref<100x128xf32, #tpu.memory_space<hbm>>
      %dma_start3A_751 = arith.constant 0 : i32
      %dma_start3A_752 = tpu.memref_slice %arg9[%select_n3A_748, %dma_start3A_751] : memref<102400x128xf32, #tpu.memory_space<hbm>> -> memref<100x128xf32, #tpu.memory_space<hbm>>
      tpu.enqueue_dma source(%arg20 : memref<100x128xf32, #tpu.memory_space<vmem>>) target(%dma_start3A_752 : memref<100x128xf32, #tpu.memory_space<hbm>>) target_semaphore(%arg24 : memref<!tpu.dma_semaphore, #tpu.memory_space<semaphore_mem>>)
      %scan3A_753 = arith.constant 0 : i32
      scf.yield %scan3A_753 : i32
    }
    %scan3A_193 = arith.constant 15 : i32
    %dma_wait3A_194 = arith.constant 0 : i32
    %dma_wait3A_195 = arith.constant 0 : i32
    %dma_wait3A_196 = tpu.memref_slice %arg16[%dma_wait3A_194, %dma_wait3A_195] : memref<200x64xf32, #tpu.memory_space<vmem>> -> memref<104x64xf32, #tpu.memory_space<vmem>>
    %dma_wait3A_197 = arith.constant 6200 : i32
    %dma_wait3A_198 = tpu.memref_slice %arg10[%dma_wait3A_197] : memref<6400xi32, #tpu.memory_space<vmem>> -> memref<104xi32, #tpu.memory_space<vmem>>
    %dma_wait3A_199 = arith.constant 0 : i32
    %dma_wait3A_200 = arith.constant 0 : i32
    %dma_wait3A_201 = tpu.memref_slice %arg5[%dma_wait3A_199, %dma_wait3A_200] : memref<100000x64xf32, #tpu.memory_space<hbm>> -> memref<100000x64xf32, #tpu.memory_space<hbm>>
    tpu.wait_indirect_dma semaphore(%arg23 : memref<!tpu.dma_semaphore, #tpu.memory_space<semaphore_mem>>) src(%dma_wait3A_201 : memref<100000x64xf32, #tpu.memory_space<hbm>>) dst(%dma_wait3A_196 : memref<104x64xf32, #tpu.memory_space<vmem>>)
    %dma_wait3A_202 = arith.constant 104 : i32
    %dma_wait3A_203 = arith.constant 0 : i32
    %dma_wait3A_204 = tpu.memref_slice %arg16[%dma_wait3A_202, %dma_wait3A_203] : memref<200x64xf32, #tpu.memory_space<vmem>> -> memref<96x64xf32, #tpu.memory_space<vmem>>
    %dma_wait3A_205 = arith.constant 6304 : i32
    %dma_wait3A_206 = tpu.memref_slice %arg10[%dma_wait3A_205] : memref<6400xi32, #tpu.memory_space<vmem>> -> memref<96xi32, #tpu.memory_space<vmem>>
    %dma_wait3A_207 = arith.constant 0 : i32
    %dma_wait3A_208 = arith.constant 0 : i32
    %dma_wait3A_209 = tpu.memref_slice %arg5[%dma_wait3A_207, %dma_wait3A_208] : memref<100000x64xf32, #tpu.memory_space<hbm>> -> memref<100000x64xf32, #tpu.memory_space<hbm>>
    tpu.wait_indirect_dma semaphore(%arg23 : memref<!tpu.dma_semaphore, #tpu.memory_space<semaphore_mem>>) src(%dma_wait3A_209 : memref<100000x64xf32, #tpu.memory_space<hbm>>) dst(%dma_wait3A_204 : memref<96x64xf32, #tpu.memory_space<vmem>>)
    %dma_wait3A_210 = arith.constant 0 : i32
    %dma_wait3A_211 = arith.constant 0 : i32
    %dma_wait3A_212 = tpu.memref_slice %arg17[%dma_wait3A_210, %dma_wait3A_211] : memref<200x64xf32, #tpu.memory_space<vmem>> -> memref<104x64xf32, #tpu.memory_space<vmem>>
    %dma_wait3A_213 = arith.constant 6200 : i32
    %dma_wait3A_214 = tpu.memref_slice %arg11[%dma_wait3A_213] : memref<6400xi32, #tpu.memory_space<vmem>> -> memref<104xi32, #tpu.memory_space<vmem>>
    %dma_wait3A_215 = arith.constant 0 : i32
    %dma_wait3A_216 = arith.constant 0 : i32
    %dma_wait3A_217 = tpu.memref_slice %arg6[%dma_wait3A_215, %dma_wait3A_216] : memref<100000x64xf32, #tpu.memory_space<hbm>> -> memref<100000x64xf32, #tpu.memory_space<hbm>>
    tpu.wait_indirect_dma semaphore(%arg23 : memref<!tpu.dma_semaphore, #tpu.memory_space<semaphore_mem>>) src(%dma_wait3A_217 : memref<100000x64xf32, #tpu.memory_space<hbm>>) dst(%dma_wait3A_212 : memref<104x64xf32, #tpu.memory_space<vmem>>)
    %dma_wait3A_218 = arith.constant 104 : i32
    %dma_wait3A_219 = arith.constant 0 : i32
    %dma_wait3A_220 = tpu.memref_slice %arg17[%dma_wait3A_218, %dma_wait3A_219] : memref<200x64xf32, #tpu.memory_space<vmem>> -> memref<96x64xf32, #tpu.memory_space<vmem>>
    %dma_wait3A_221 = arith.constant 6304 : i32
    %dma_wait3A_222 = tpu.memref_slice %arg11[%dma_wait3A_221] : memref<6400xi32, #tpu.memory_space<vmem>> -> memref<96xi32, #tpu.memory_space<vmem>>
    %dma_wait3A_223 = arith.constant 0 : i32
    %dma_wait3A_224 = arith.constant 0 : i32
    %dma_wait3A_225 = tpu.memref_slice %arg6[%dma_wait3A_223, %dma_wait3A_224] : memref<100000x64xf32, #tpu.memory_space<hbm>> -> memref<100000x64xf32, #tpu.memory_space<hbm>>
    tpu.wait_indirect_dma semaphore(%arg23 : memref<!tpu.dma_semaphore, #tpu.memory_space<semaphore_mem>>) src(%dma_wait3A_225 : memref<100000x64xf32, #tpu.memory_space<hbm>>) dst(%dma_wait3A_220 : memref<96x64xf32, #tpu.memory_space<vmem>>)
    %dma_wait3A_226 = arith.constant 0 : i32
    %dma_wait3A_227 = arith.constant 0 : i32
    %dma_wait3A_228 = tpu.memref_slice %arg18[%dma_wait3A_226, %dma_wait3A_227] : memref<200x64xf32, #tpu.memory_space<vmem>> -> memref<104x64xf32, #tpu.memory_space<vmem>>
    %dma_wait3A_229 = arith.constant 6200 : i32
    %dma_wait3A_230 = tpu.memref_slice %arg12[%dma_wait3A_229] : memref<6400xi32, #tpu.memory_space<vmem>> -> memref<104xi32, #tpu.memory_space<vmem>>
    %dma_wait3A_231 = arith.constant 0 : i32
    %dma_wait3A_232 = arith.constant 0 : i32
    %dma_wait3A_233 = tpu.memref_slice %arg7[%dma_wait3A_231, %dma_wait3A_232] : memref<100000x64xf32, #tpu.memory_space<hbm>> -> memref<100000x64xf32, #tpu.memory_space<hbm>>
    tpu.wait_indirect_dma semaphore(%arg23 : memref<!tpu.dma_semaphore, #tpu.memory_space<semaphore_mem>>) src(%dma_wait3A_233 : memref<100000x64xf32, #tpu.memory_space<hbm>>) dst(%dma_wait3A_228 : memref<104x64xf32, #tpu.memory_space<vmem>>)
    %dma_wait3A_234 = arith.constant 104 : i32
    %dma_wait3A_235 = arith.constant 0 : i32
    %dma_wait3A_236 = tpu.memref_slice %arg18[%dma_wait3A_234, %dma_wait3A_235] : memref<200x64xf32, #tpu.memory_space<vmem>> -> memref<96x64xf32, #tpu.memory_space<vmem>>
    %dma_wait3A_237 = arith.constant 6304 : i32
    %dma_wait3A_238 = tpu.memref_slice %arg12[%dma_wait3A_237] : memref<6400xi32, #tpu.memory_space<vmem>> -> memref<96xi32, #tpu.memory_space<vmem>>
    %dma_wait3A_239 = arith.constant 0 : i32
    %dma_wait3A_240 = arith.constant 0 : i32
    %dma_wait3A_241 = tpu.memref_slice %arg7[%dma_wait3A_239, %dma_wait3A_240] : memref<100000x64xf32, #tpu.memory_space<hbm>> -> memref<100000x64xf32, #tpu.memory_space<hbm>>
    tpu.wait_indirect_dma semaphore(%arg23 : memref<!tpu.dma_semaphore, #tpu.memory_space<semaphore_mem>>) src(%dma_wait3A_241 : memref<100000x64xf32, #tpu.memory_space<hbm>>) dst(%dma_wait3A_236 : memref<96x64xf32, #tpu.memory_space<vmem>>)
    %add3A_242 = arith.constant 0 : i32
    %add3A_243 = arith.addi %mul3A_4, %add3A_242 : i32
    %jit3A_244 = arith.constant 2 : i32
    %div3A_245 = arith.divsi %add3A_243, %jit3A_244 : i32
    %sign3A_246 = arith.constant 0 : i32
    %sign3A_247 = arith.cmpi sgt, %add3A_243, %sign3A_246 : i32
    %sign3A_248 = arith.extui %sign3A_247 : i1 to i32
    %sign3A_249 = arith.constant 0 : i32
    %sign3A_250 = arith.cmpi slt, %add3A_243, %sign3A_249 : i32
    %sign3A_251 = arith.extui %sign3A_250 : i1 to i32
    %sign3A_252 = arith.subi %sign3A_248, %sign3A_251 : i32
    %sign3A_253 = arith.constant 0 : i32
    %sign3A_254 = arith.cmpi sgt, %jit3A_244, %sign3A_253 : i32
    %sign3A_255 = arith.extui %sign3A_254 : i1 to i32
    %sign3A_256 = arith.constant 0 : i32
    %sign3A_257 = arith.cmpi slt, %jit3A_244, %sign3A_256 : i32
    %sign3A_258 = arith.extui %sign3A_257 : i1 to i32
    %sign3A_259 = arith.subi %sign3A_255, %sign3A_258 : i32
    %ne3A_260 = arith.cmpi ne, %sign3A_252, %sign3A_259 : i32
    %rem3A_261 = arith.remsi %add3A_243, %jit3A_244 : i32
    %ne3A_262 = arith.constant 0 : i32
    %ne3A_263 = arith.cmpi ne, %rem3A_261, %ne3A_262 : i32
    %and3A_264 = arith.andi %ne3A_260, %ne3A_263 : i1
    %sub3A_265 = arith.constant 1 : i32
    %sub3A_266 = arith.subi %div3A_245, %sub3A_265 : i32
    %select_n3A_267 = arith.select %and3A_264, %sub3A_266, %div3A_245 : i32
    %dma_wait3A_268 = arith.constant 0 : i32
    %dma_wait3A_269 = tpu.memref_slice %arg9[%select_n3A_267, %dma_wait3A_268] : memref<102400x128xf32, #tpu.memory_space<hbm>> -> memref<100x128xf32, #tpu.memory_space<hbm>>
    %dma_wait3A_270 = arith.constant 0 : i32
    %dma_wait3A_271 = tpu.memref_slice %arg9[%select_n3A_267, %dma_wait3A_270] : memref<102400x128xf32, #tpu.memory_space<hbm>> -> memref<100x128xf32, #tpu.memory_space<hbm>>
    tpu.wait_dma2 semaphore(%arg24 : memref<!tpu.dma_semaphore, #tpu.memory_space<semaphore_mem>>) src(%arg20 : memref<100x128xf32, #tpu.memory_space<vmem>>) dst(%dma_wait3A_271 : memref<100x128xf32, #tpu.memory_space<hbm>>)
    %scan3A_272 = arith.constant 0 : i32
    %scan3A_273 = arith.constant 0 : i32
    %scan3A_274 = arith.constant 100 : i32
    %scan3A_275 = arith.addi %scan3A_273, %scan3A_274 : i32
    %scan3A_276 = arith.constant 1 : i32
    %scan3A_277 = scf.for %scan3A_339 = %scan3A_273 to %scan3A_275 step %scan3A_276 iter_args(%scan3A_340 = %scan3A_272) -> (i32)  : i32 {
      %mul3A_341 = arith.constant 2 : i32
      %mul3A_342 = arith.muli %mul3A_341, %scan3A_339 : i32
      %add3A_343 = arith.constant 0 : i32
      %add3A_344 = arith.addi %mul3A_342, %add3A_343 : i32
      %get3A = arith.index_cast %add3A_344 : i32 to index
      %get3A_345 = arith.constant 0 : index
      %get3A_346 = tpu.vector_load %arg16[%get3A, %get3A_345] {strides = array<i32>} : memref<200x64xf32, #tpu.memory_space<vmem>>, vector<1x16xf32>,
      %get3A_347 = vector.shape_cast %get3A_346 : vector<1x16xf32> to vector<16xf32>
      %get3A_348 = arith.index_cast %add3A_344 : i32 to index
      %get3A_349 = arith.constant 0 : index
      %get3A_350 = tpu.vector_load %arg17[%get3A_348, %get3A_349] {strides = array<i32>} : memref<200x64xf32, #tpu.memory_space<vmem>>, vector<1x16xf32>,
      %get3A_351 = vector.shape_cast %get3A_350 : vector<1x16xf32> to vector<16xf32>
      %add3A_352 = arith.addf %get3A_347, %get3A_351 : vector<16xf32>
      %get3A_353 = arith.index_cast %add3A_344 : i32 to index
      %get3A_354 = arith.constant 0 : index
      %get3A_355 = tpu.vector_load %arg18[%get3A_353, %get3A_354] {strides = array<i32>} : memref<200x64xf32, #tpu.memory_space<vmem>>, vector<1x16xf32>,
      %get3A_356 = vector.shape_cast %get3A_355 : vector<1x16xf32> to vector<16xf32>
      %add3A_357 = arith.addf %add3A_352, %get3A_356 : vector<16xf32>
      %get3A_358 = arith.index_cast %add3A_344 : i32 to index
      %get3A_359 = arith.constant 0 : index
      %get3A_360 = tpu.vector_load %arg19[%get3A_358, %get3A_359] {strides = array<i32>} : memref<200x64xf32, #tpu.memory_space<vmem>>, vector<1x16xf32>,
      %get3A_361 = vector.shape_cast %get3A_360 : vector<1x16xf32> to vector<16xf32>
      %add3A_362 = arith.addf %add3A_357, %get3A_361 : vector<16xf32>
      %swap3A = arith.index_cast %scan3A_339 : i32 to index
      %swap3A_363 = arith.constant 0 : index
      %swap3A_364 = tpu.vector_load %arg20[%swap3A, %swap3A_363] {strides = array<i32>} : memref<100x128xf32, #tpu.memory_space<vmem>>, vector<1x16xf32>,
      %swap3A_365 = vector.shape_cast %swap3A_364 : vector<1x16xf32> to vector<16xf32>
      %swap3A_366 = vector.shape_cast %add3A_362 : vector<16xf32> to vector<1x16xf32>
      tpu.vector_store %arg20[%swap3A, %swap3A_363], %swap3A_366 {strides = array<i32>} : memref<100x128xf32, #tpu.memory_space<vmem>>, vector<1x16xf32>,
      %get3A_367 = arith.index_cast %add3A_344 : i32 to index
      %get3A_368 = arith.constant 16 : index
      %get3A_369 = tpu.vector_load %arg16[%get3A_367, %get3A_368] {strides = array<i32>} : memref<200x64xf32, #tpu.memory_space<vmem>>, vector<1x16xf32>,
      %get3A_370 = vector.shape_cast %get3A_369 : vector<1x16xf32> to vector<16xf32>
      %get3A_371 = arith.index_cast %add3A_344 : i32 to index
      %get3A_372 = arith.constant 16 : index
      %get3A_373 = tpu.vector_load %arg17[%get3A_371, %get3A_372] {strides = array<i32>} : memref<200x64xf32, #tpu.memory_space<vmem>>, vector<1x16xf32>,
      %get3A_374 = vector.shape_cast %get3A_373 : vector<1x16xf32> to vector<16xf32>
      %add3A_375 = arith.addf %get3A_370, %get3A_374 : vector<16xf32>
      %get3A_376 = arith.index_cast %add3A_344 : i32 to index
      %get3A_377 = arith.constant 16 : index
      %get3A_378 = tpu.vector_load %arg18[%get3A_376, %get3A_377] {strides = array<i32>} : memref<200x64xf32, #tpu.memory_space<vmem>>, vector<1x16xf32>,
      %get3A_379 = vector.shape_cast %get3A_378 : vector<1x16xf32> to vector<16xf32>
      %add3A_380 = arith.addf %add3A_375, %get3A_379 : vector<16xf32>
      %get3A_381 = arith.index_cast %add3A_344 : i32 to index
      %get3A_382 = arith.constant 16 : index
      %get3A_383 = tpu.vector_load %arg19[%get3A_381, %get3A_382] {strides = array<i32>} : memref<200x64xf32, #tpu.memory_space<vmem>>, vector<1x16xf32>,
      %get3A_384 = vector.shape_cast %get3A_383 : vector<1x16xf32> to vector<16xf32>
      %add3A_385 = arith.addf %add3A_380, %get3A_384 : vector<16xf32>
      %swap3A_386 = arith.index_cast %scan3A_339 : i32 to index
      %swap3A_387 = arith.constant 16 : index
      %swap3A_388 = tpu.vector_load %arg20[%swap3A_386, %swap3A_387] {strides = array<i32>} : memref<100x128xf32, #tpu.memory_space<vmem>>, vector<1x16xf32>,
      %swap3A_389 = vector.shape_cast %swap3A_388 : vector<1x16xf32> to vector<16xf32>
      %swap3A_390 = vector.shape_cast %add3A_385 : vector<16xf32> to vector<1x16xf32>
      tpu.vector_store %arg20[%swap3A_386, %swap3A_387], %swap3A_390 {strides = array<i32>} : memref<100x128xf32, #tpu.memory_space<vmem>>, vector<1x16xf32>,
      %get3A_391 = arith.index_cast %add3A_344 : i32 to index
      %get3A_392 = arith.constant 32 : index
      %get3A_393 = tpu.vector_load %arg16[%get3A_391, %get3A_392] {strides = array<i32>} : memref<200x64xf32, #tpu.memory_space<vmem>>, vector<1x16xf32>,
      %get3A_394 = vector.shape_cast %get3A_393 : vector<1x16xf32> to vector<16xf32>
      %get3A_395 = arith.index_cast %add3A_344 : i32 to index
      %get3A_396 = arith.constant 32 : index
      %get3A_397 = tpu.vector_load %arg17[%get3A_395, %get3A_396] {strides = array<i32>} : memref<200x64xf32, #tpu.memory_space<vmem>>, vector<1x16xf32>,
      %get3A_398 = vector.shape_cast %get3A_397 : vector<1x16xf32> to vector<16xf32>
      %add3A_399 = arith.addf %get3A_394, %get3A_398 : vector<16xf32>
      %get3A_400 = arith.index_cast %add3A_344 : i32 to index
      %get3A_401 = arith.constant 32 : index
      %get3A_402 = tpu.vector_load %arg18[%get3A_400, %get3A_401] {strides = array<i32>} : memref<200x64xf32, #tpu.memory_space<vmem>>, vector<1x16xf32>,
      %get3A_403 = vector.shape_cast %get3A_402 : vector<1x16xf32> to vector<16xf32>
      %add3A_404 = arith.addf %add3A_399, %get3A_403 : vector<16xf32>
      %get3A_405 = arith.index_cast %add3A_344 : i32 to index
      %get3A_406 = arith.constant 32 : index
      %get3A_407 = tpu.vector_load %arg19[%get3A_405, %get3A_406] {strides = array<i32>} : memref<200x64xf32, #tpu.memory_space<vmem>>, vector<1x16xf32>,
      %get3A_408 = vector.shape_cast %get3A_407 : vector<1x16xf32> to vector<16xf32>
      %add3A_409 = arith.addf %add3A_404, %get3A_408 : vector<16xf32>
      %swap3A_410 = arith.index_cast %scan3A_339 : i32 to index
      %swap3A_411 = arith.constant 32 : index
      %swap3A_412 = tpu.vector_load %arg20[%swap3A_410, %swap3A_411] {strides = array<i32>} : memref<100x128xf32, #tpu.memory_space<vmem>>, vector<1x16xf32>,
      %swap3A_413 = vector.shape_cast %swap3A_412 : vector<1x16xf32> to vector<16xf32>
      %swap3A_414 = vector.shape_cast %add3A_409 : vector<16xf32> to vector<1x16xf32>
      tpu.vector_store %arg20[%swap3A_410, %swap3A_411], %swap3A_414 {strides = array<i32>} : memref<100x128xf32, #tpu.memory_space<vmem>>, vector<1x16xf32>,
      %get3A_415 = arith.index_cast %add3A_344 : i32 to index
      %get3A_416 = arith.constant 48 : index
      %get3A_417 = tpu.vector_load %arg16[%get3A_415, %get3A_416] {strides = array<i32>} : memref<200x64xf32, #tpu.memory_space<vmem>>, vector<1x16xf32>,
      %get3A_418 = vector.shape_cast %get3A_417 : vector<1x16xf32> to vector<16xf32>
      %get3A_419 = arith.index_cast %add3A_344 : i32 to index
      %get3A_420 = arith.constant 48 : index
      %get3A_421 = tpu.vector_load %arg17[%get3A_419, %get3A_420] {strides = array<i32>} : memref<200x64xf32, #tpu.memory_space<vmem>>, vector<1x16xf32>,
      %get3A_422 = vector.shape_cast %get3A_421 : vector<1x16xf32> to vector<16xf32>
      %add3A_423 = arith.addf %get3A_418, %get3A_422 : vector<16xf32>
      %get3A_424 = arith.index_cast %add3A_344 : i32 to index
      %get3A_425 = arith.constant 48 : index
      %get3A_426 = tpu.vector_load %arg18[%get3A_424, %get3A_425] {strides = array<i32>} : memref<200x64xf32, #tpu.memory_space<vmem>>, vector<1x16xf32>,
      %get3A_427 = vector.shape_cast %get3A_426 : vector<1x16xf32> to vector<16xf32>
      %add3A_428 = arith.addf %add3A_423, %get3A_427 : vector<16xf32>
      %get3A_429 = arith.index_cast %add3A_344 : i32 to index
      %get3A_430 = arith.constant 48 : index
      %get3A_431 = tpu.vector_load %arg19[%get3A_429, %get3A_430] {strides = array<i32>} : memref<200x64xf32, #tpu.memory_space<vmem>>, vector<1x16xf32>,
      %get3A_432 = vector.shape_cast %get3A_431 : vector<1x16xf32> to vector<16xf32>
      %add3A_433 = arith.addf %add3A_428, %get3A_432 : vector<16xf32>
      %swap3A_434 = arith.index_cast %scan3A_339 : i32 to index
      %swap3A_435 = arith.constant 48 : index
      %swap3A_436 = tpu.vector_load %arg20[%swap3A_434, %swap3A_435] {strides = array<i32>} : memref<100x128xf32, #tpu.memory_space<vmem>>, vector<1x16xf32>,
      %swap3A_437 = vector.shape_cast %swap3A_436 : vector<1x16xf32> to vector<16xf32>
      %swap3A_438 = vector.shape_cast %add3A_433 : vector<16xf32> to vector<1x16xf32>
      tpu.vector_store %arg20[%swap3A_434, %swap3A_435], %swap3A_438 {strides = array<i32>} : memref<100x128xf32, #tpu.memory_space<vmem>>, vector<1x16xf32>,
      %mul3A_439 = arith.constant 2 : i32
      %mul3A_440 = arith.muli %mul3A_439, %scan3A_339 : i32
      %add3A_441 = arith.constant 1 : i32
      %add3A_442 = arith.addi %mul3A_440, %add3A_441 : i32
      %get3A_443 = arith.index_cast %add3A_442 : i32 to index
      %get3A_444 = arith.constant 0 : index
      %get3A_445 = tpu.vector_load %arg16[%get3A_443, %get3A_444] {strides = array<i32>} : memref<200x64xf32, #tpu.memory_space<vmem>>, vector<1x16xf32>,
      %get3A_446 = vector.shape_cast %get3A_445 : vector<1x16xf32> to vector<16xf32>
      %get3A_447 = arith.index_cast %add3A_442 : i32 to index
      %get3A_448 = arith.constant 0 : index
      %get3A_449 = tpu.vector_load %arg17[%get3A_447, %get3A_448] {strides = array<i32>} : memref<200x64xf32, #tpu.memory_space<vmem>>, vector<1x16xf32>,
      %get3A_450 = vector.shape_cast %get3A_449 : vector<1x16xf32> to vector<16xf32>
      %add3A_451 = arith.addf %get3A_446, %get3A_450 : vector<16xf32>
      %get3A_452 = arith.index_cast %add3A_442 : i32 to index
      %get3A_453 = arith.constant 0 : index
      %get3A_454 = tpu.vector_load %arg18[%get3A_452, %get3A_453] {strides = array<i32>} : memref<200x64xf32, #tpu.memory_space<vmem>>, vector<1x16xf32>,
      %get3A_455 = vector.shape_cast %get3A_454 : vector<1x16xf32> to vector<16xf32>
      %add3A_456 = arith.addf %add3A_451, %get3A_455 : vector<16xf32>
      %get3A_457 = arith.index_cast %add3A_442 : i32 to index
      %get3A_458 = arith.constant 0 : index
      %get3A_459 = tpu.vector_load %arg19[%get3A_457, %get3A_458] {strides = array<i32>} : memref<200x64xf32, #tpu.memory_space<vmem>>, vector<1x16xf32>,
      %get3A_460 = vector.shape_cast %get3A_459 : vector<1x16xf32> to vector<16xf32>
      %add3A_461 = arith.addf %add3A_456, %get3A_460 : vector<16xf32>
      %swap3A_462 = arith.index_cast %scan3A_339 : i32 to index
      %swap3A_463 = arith.constant 64 : index
      %swap3A_464 = tpu.vector_load %arg20[%swap3A_462, %swap3A_463] {strides = array<i32>} : memref<100x128xf32, #tpu.memory_space<vmem>>, vector<1x16xf32>,
      %swap3A_465 = vector.shape_cast %swap3A_464 : vector<1x16xf32> to vector<16xf32>
      %swap3A_466 = vector.shape_cast %add3A_461 : vector<16xf32> to vector<1x16xf32>
      tpu.vector_store %arg20[%swap3A_462, %swap3A_463], %swap3A_466 {strides = array<i32>} : memref<100x128xf32, #tpu.memory_space<vmem>>, vector<1x16xf32>,
      %get3A_467 = arith.index_cast %add3A_442 : i32 to index
      %get3A_468 = arith.constant 16 : index
      %get3A_469 = tpu.vector_load %arg16[%get3A_467, %get3A_468] {strides = array<i32>} : memref<200x64xf32, #tpu.memory_space<vmem>>, vector<1x16xf32>,
      %get3A_470 = vector.shape_cast %get3A_469 : vector<1x16xf32> to vector<16xf32>
      %get3A_471 = arith.index_cast %add3A_442 : i32 to index
      %get3A_472 = arith.constant 16 : index
      %get3A_473 = tpu.vector_load %arg17[%get3A_471, %get3A_472] {strides = array<i32>} : memref<200x64xf32, #tpu.memory_space<vmem>>, vector<1x16xf32>,
      %get3A_474 = vector.shape_cast %get3A_473 : vector<1x16xf32> to vector<16xf32>
      %add3A_475 = arith.addf %get3A_470, %get3A_474 : vector<16xf32>
      %get3A_476 = arith.index_cast %add3A_442 : i32 to index
      %get3A_477 = arith.constant 16 : index
      %get3A_478 = tpu.vector_load %arg18[%get3A_476, %get3A_477] {strides = array<i32>} : memref<200x64xf32, #tpu.memory_space<vmem>>, vector<1x16xf32>,
      %get3A_479 = vector.shape_cast %get3A_478 : vector<1x16xf32> to vector<16xf32>
      %add3A_480 = arith.addf %add3A_475, %get3A_479 : vector<16xf32>
      %get3A_481 = arith.index_cast %add3A_442 : i32 to index
      %get3A_482 = arith.constant 16 : index
      %get3A_483 = tpu.vector_load %arg19[%get3A_481, %get3A_482] {strides = array<i32>} : memref<200x64xf32, #tpu.memory_space<vmem>>, vector<1x16xf32>,
      %get3A_484 = vector.shape_cast %get3A_483 : vector<1x16xf32> to vector<16xf32>
      %add3A_485 = arith.addf %add3A_480, %get3A_484 : vector<16xf32>
      %swap3A_486 = arith.index_cast %scan3A_339 : i32 to index
      %swap3A_487 = arith.constant 80 : index
      %swap3A_488 = tpu.vector_load %arg20[%swap3A_486, %swap3A_487] {strides = array<i32>} : memref<100x128xf32, #tpu.memory_space<vmem>>, vector<1x16xf32>,
      %swap3A_489 = vector.shape_cast %swap3A_488 : vector<1x16xf32> to vector<16xf32>
      %swap3A_490 = vector.shape_cast %add3A_485 : vector<16xf32> to vector<1x16xf32>
      tpu.vector_store %arg20[%swap3A_486, %swap3A_487], %swap3A_490 {strides = array<i32>} : memref<100x128xf32, #tpu.memory_space<vmem>>, vector<1x16xf32>,
      %get3A_491 = arith.index_cast %add3A_442 : i32 to index
      %get3A_492 = arith.constant 32 : index
      %get3A_493 = tpu.vector_load %arg16[%get3A_491, %get3A_492] {strides = array<i32>} : memref<200x64xf32, #tpu.memory_space<vmem>>, vector<1x16xf32>,
      %get3A_494 = vector.shape_cast %get3A_493 : vector<1x16xf32> to vector<16xf32>
      %get3A_495 = arith.index_cast %add3A_442 : i32 to index
      %get3A_496 = arith.constant 32 : index
      %get3A_497 = tpu.vector_load %arg17[%get3A_495, %get3A_496] {strides = array<i32>} : memref<200x64xf32, #tpu.memory_space<vmem>>, vector<1x16xf32>,
      %get3A_498 = vector.shape_cast %get3A_497 : vector<1x16xf32> to vector<16xf32>
      %add3A_499 = arith.addf %get3A_494, %get3A_498 : vector<16xf32>
      %get3A_500 = arith.index_cast %add3A_442 : i32 to index
      %get3A_501 = arith.constant 32 : index
      %get3A_502 = tpu.vector_load %arg18[%get3A_500, %get3A_501] {strides = array<i32>} : memref<200x64xf32, #tpu.memory_space<vmem>>, vector<1x16xf32>,
      %get3A_503 = vector.shape_cast %get3A_502 : vector<1x16xf32> to vector<16xf32>
      %add3A_504 = arith.addf %add3A_499, %get3A_503 : vector<16xf32>
      %get3A_505 = arith.index_cast %add3A_442 : i32 to index
      %get3A_506 = arith.constant 32 : index
      %get3A_507 = tpu.vector_load %arg19[%get3A_505, %get3A_506] {strides = array<i32>} : memref<200x64xf32, #tpu.memory_space<vmem>>, vector<1x16xf32>,
      %get3A_508 = vector.shape_cast %get3A_507 : vector<1x16xf32> to vector<16xf32>
      %add3A_509 = arith.addf %add3A_504, %get3A_508 : vector<16xf32>
      %swap3A_510 = arith.index_cast %scan3A_339 : i32 to index
      %swap3A_511 = arith.constant 96 : index
      %swap3A_512 = tpu.vector_load %arg20[%swap3A_510, %swap3A_511] {strides = array<i32>} : memref<100x128xf32, #tpu.memory_space<vmem>>, vector<1x16xf32>,
      %swap3A_513 = vector.shape_cast %swap3A_512 : vector<1x16xf32> to vector<16xf32>
      %swap3A_514 = vector.shape_cast %add3A_509 : vector<16xf32> to vector<1x16xf32>
      tpu.vector_store %arg20[%swap3A_510, %swap3A_511], %swap3A_514 {strides = array<i32>} : memref<100x128xf32, #tpu.memory_space<vmem>>, vector<1x16xf32>,
      %get3A_515 = arith.index_cast %add3A_442 : i32 to index
      %get3A_516 = arith.constant 48 : index
      %get3A_517 = tpu.vector_load %arg16[%get3A_515, %get3A_516] {strides = array<i32>} : memref<200x64xf32, #tpu.memory_space<vmem>>, vector<1x16xf32>,
      %get3A_518 = vector.shape_cast %get3A_517 : vector<1x16xf32> to vector<16xf32>
      %get3A_519 = arith.index_cast %add3A_442 : i32 to index
      %get3A_520 = arith.constant 48 : index
      %get3A_521 = tpu.vector_load %arg17[%get3A_519, %get3A_520] {strides = array<i32>} : memref<200x64xf32, #tpu.memory_space<vmem>>, vector<1x16xf32>,
      %get3A_522 = vector.shape_cast %get3A_521 : vector<1x16xf32> to vector<16xf32>
      %add3A_523 = arith.addf %get3A_518, %get3A_522 : vector<16xf32>
      %get3A_524 = arith.index_cast %add3A_442 : i32 to index
      %get3A_525 = arith.constant 48 : index
      %get3A_526 = tpu.vector_load %arg18[%get3A_524, %get3A_525] {strides = array<i32>} : memref<200x64xf32, #tpu.memory_space<vmem>>, vector<1x16xf32>,
      %get3A_527 = vector.shape_cast %get3A_526 : vector<1x16xf32> to vector<16xf32>
      %add3A_528 = arith.addf %add3A_523, %get3A_527 : vector<16xf32>
      %get3A_529 = arith.index_cast %add3A_442 : i32 to index
      %get3A_530 = arith.constant 48 : index
      %get3A_531 = tpu.vector_load %arg19[%get3A_529, %get3A_530] {strides = array<i32>} : memref<200x64xf32, #tpu.memory_space<vmem>>, vector<1x16xf32>,
      %get3A_532 = vector.shape_cast %get3A_531 : vector<1x16xf32> to vector<16xf32>
      %add3A_533 = arith.addf %add3A_528, %get3A_532 : vector<16xf32>
      %swap3A_534 = arith.index_cast %scan3A_339 : i32 to index
      %swap3A_535 = arith.constant 112 : index
      %swap3A_536 = tpu.vector_load %arg20[%swap3A_534, %swap3A_535] {strides = array<i32>} : memref<100x128xf32, #tpu.memory_space<vmem>>, vector<1x16xf32>,
      %swap3A_537 = vector.shape_cast %swap3A_536 : vector<1x16xf32> to vector<16xf32>
      %swap3A_538 = vector.shape_cast %add3A_533 : vector<16xf32> to vector<1x16xf32>
      tpu.vector_store %arg20[%swap3A_534, %swap3A_535], %swap3A_538 {strides = array<i32>} : memref<100x128xf32, #tpu.memory_space<vmem>>, vector<1x16xf32>,
      %scan3A_539 = arith.constant 0 : i32
      scf.yield %scan3A_539 : i32
    }
    %scan3A_278 = arith.constant 100 : i32
    %add3A_279 = arith.constant 6200 : i32
    %add3A_280 = arith.addi %mul3A_4, %add3A_279 : i32
    %jit3A_281 = arith.constant 2 : i32
    %div3A_282 = arith.divsi %add3A_280, %jit3A_281 : i32
    %sign3A_283 = arith.constant 0 : i32
    %sign3A_284 = arith.cmpi sgt, %add3A_280, %sign3A_283 : i32
    %sign3A_285 = arith.extui %sign3A_284 : i1 to i32
    %sign3A_286 = arith.constant 0 : i32
    %sign3A_287 = arith.cmpi slt, %add3A_280, %sign3A_286 : i32
    %sign3A_288 = arith.extui %sign3A_287 : i1 to i32
    %sign3A_289 = arith.subi %sign3A_285, %sign3A_288 : i32
    %sign3A_290 = arith.constant 0 : i32
    %sign3A_291 = arith.cmpi sgt, %jit3A_281, %sign3A_290 : i32
    %sign3A_292 = arith.extui %sign3A_291 : i1 to i32
    %sign3A_293 = arith.constant 0 : i32
    %sign3A_294 = arith.cmpi slt, %jit3A_281, %sign3A_293 : i32
    %sign3A_295 = arith.extui %sign3A_294 : i1 to i32
    %sign3A_296 = arith.subi %sign3A_292, %sign3A_295 : i32
    %ne3A_297 = arith.cmpi ne, %sign3A_289, %sign3A_296 : i32
    %rem3A_298 = arith.remsi %add3A_280, %jit3A_281 : i32
    %ne3A_299 = arith.constant 0 : i32
    %ne3A_300 = arith.cmpi ne, %rem3A_298, %ne3A_299 : i32
    %and3A_301 = arith.andi %ne3A_297, %ne3A_300 : i1
    %sub3A_302 = arith.constant 1 : i32
    %sub3A_303 = arith.subi %div3A_282, %sub3A_302 : i32
    %select_n3A_304 = arith.select %and3A_301, %sub3A_303, %div3A_282 : i32
    %dma_start3A_305 = arith.constant 0 : i32
    %dma_start3A_306 = tpu.memref_slice %arg9[%select_n3A_304, %dma_start3A_305] : memref<102400x128xf32, #tpu.memory_space<hbm>> -> memref<100x128xf32, #tpu.memory_space<hbm>>
    %dma_start3A_307 = arith.constant 0 : i32
    %dma_start3A_308 = tpu.memref_slice %arg9[%select_n3A_304, %dma_start3A_307] : memref<102400x128xf32, #tpu.memory_space<hbm>> -> memref<100x128xf32, #tpu.memory_space<hbm>>
    tpu.enqueue_dma source(%arg20 : memref<100x128xf32, #tpu.memory_space<vmem>>) target(%dma_start3A_308 : memref<100x128xf32, #tpu.memory_space<hbm>>) target_semaphore(%arg24 : memref<!tpu.dma_semaphore, #tpu.memory_space<semaphore_mem>>)
    %add3A_309 = arith.constant 0 : i32
    %add3A_310 = arith.addi %mul3A_4, %add3A_309 : i32
    %jit3A_311 = arith.constant 2 : i32
    %div3A_312 = arith.divsi %add3A_310, %jit3A_311 : i32
    %sign3A_313 = arith.constant 0 : i32
    %sign3A_314 = arith.cmpi sgt, %add3A_310, %sign3A_313 : i32
    %sign3A_315 = arith.extui %sign3A_314 : i1 to i32
    %sign3A_316 = arith.constant 0 : i32
    %sign3A_317 = arith.cmpi slt, %add3A_310, %sign3A_316 : i32
    %sign3A_318 = arith.extui %sign3A_317 : i1 to i32
    %sign3A_319 = arith.subi %sign3A_315, %sign3A_318 : i32
    %sign3A_320 = arith.constant 0 : i32
    %sign3A_321 = arith.cmpi sgt, %jit3A_311, %sign3A_320 : i32
    %sign3A_322 = arith.extui %sign3A_321 : i1 to i32
    %sign3A_323 = arith.constant 0 : i32
    %sign3A_324 = arith.cmpi slt, %jit3A_311, %sign3A_323 : i32
    %sign3A_325 = arith.extui %sign3A_324 : i1 to i32
    %sign3A_326 = arith.subi %sign3A_322, %sign3A_325 : i32
    %ne3A_327 = arith.cmpi ne, %sign3A_319, %sign3A_326 : i32
    %rem3A_328 = arith.remsi %add3A_310, %jit3A_311 : i32
    %ne3A_329 = arith.constant 0 : i32
    %ne3A_330 = arith.cmpi ne, %rem3A_328, %ne3A_329 : i32
    %and3A_331 = arith.andi %ne3A_327, %ne3A_330 : i1
    %sub3A_332 = arith.constant 1 : i32
    %sub3A_333 = arith.subi %div3A_312, %sub3A_332 : i32
    %select_n3A_334 = arith.select %and3A_331, %sub3A_333, %div3A_312 : i32
    %dma_wait3A_335 = arith.constant 0 : i32
    %dma_wait3A_336 = tpu.memref_slice %arg9[%select_n3A_334, %dma_wait3A_335] : memref<102400x128xf32, #tpu.memory_space<hbm>> -> memref<100x128xf32, #tpu.memory_space<hbm>>
    %dma_wait3A_337 = arith.constant 0 : i32
    %dma_wait3A_338 = tpu.memref_slice %arg9[%select_n3A_334, %dma_wait3A_337] : memref<102400x128xf32, #tpu.memory_space<hbm>> -> memref<100x128xf32, #tpu.memory_space<hbm>>
    tpu.wait_dma2 semaphore(%arg24 : memref<!tpu.dma_semaphore, #tpu.memory_space<semaphore_mem>>) src(%arg20 : memref<100x128xf32, #tpu.memory_space<vmem>>) dst(%dma_wait3A_338 : memref<100x128xf32, #tpu.memory_space<hbm>>)
    return
  }
}

module attributes {stable_mosaic.version = 14 : i64} {
  func.func @_proj_body(%arg0: i32, %arg1: memref<1000x128xf32, #tpu.memory_space<vmem>>, %arg2: memref<1000x128xf32, #tpu.memory_space<vmem>>, %arg3: memref<1000x128xf32, #tpu.memory_space<vmem>>, %arg4: memref<3x128x128xf32, #tpu.memory_space<vmem>>, %arg5: memref<200x64xf32, #tpu.memory_space<vmem>>, %arg6: memref<64x256xf32, #tpu.memory_space<vmem>>, %arg7: memref<1x64xf32, #tpu.memory_space<vmem>>, %arg8: memref<1000x128xf32, #tpu.memory_space<vmem>>, %arg9: memref<1000x128xf32, #tpu.memory_space<vmem>>, %arg10: memref<1000x128xf32, #tpu.memory_space<vmem>>, %arg11: memref<200x64xf32, #tpu.memory_space<vmem>>) attributes {dimension_semantics = [#tpu.dimension_semantics<arbitrary>], iteration_bounds = array<i64: 50>, scalar_prefetch = 0 : i64, scratch_operands = 0 : i64, tpu.core_type = #tpu.core_type<tc>, window_params = [{transform_indices = @transform_0, window_bounds = array<i64: 1000, 128>}, {transform_indices = @transform_1, window_bounds = array<i64: 1000, 128>}, {transform_indices = @transform_2, window_bounds = array<i64: 1000, 128>}, {pipeline_mode = #tpu.pipeline_mode<synchronous>, transform_indices = @transform_3, window_bounds = array<i64: 3, 128, 128>}, {pipeline_mode = #tpu.pipeline_mode<synchronous>, transform_indices = @transform_4, window_bounds = array<i64: 200, 64>}, {pipeline_mode = #tpu.pipeline_mode<synchronous>, transform_indices = @transform_5, window_bounds = array<i64: 64, 256>}, {pipeline_mode = #tpu.pipeline_mode<synchronous>, transform_indices = @transform_6, window_bounds = array<i64: 1, 64>}, {transform_indices = @transform_7, window_bounds = array<i64: 1000, 128>}, {transform_indices = @transform_8, window_bounds = array<i64: 1000, 128>}, {transform_indices = @transform_9, window_bounds = array<i64: 1000, 128>}, {pipeline_mode = #tpu.pipeline_mode<synchronous>, transform_indices = @transform_10, window_bounds = array<i64: 200, 64>}]} {
    %get3A = arith.constant 0 : index
    %get3A_0 = arith.constant 0 : index
    %get3A_1 = vector.load %arg1[%get3A, %get3A_0] : memref<1000x128xf32, #tpu.memory_space<vmem>>, vector<1000x128xf32>
    %convert_element_type3A = arith.truncf %get3A_1 : vector<1000x128xf32> to vector<1000x128xbf16>
    %get3A_2 = arith.constant 0 : index
    %get3A_3 = arith.constant 0 : index
    %get3A_4 = arith.constant 0 : index
    %get3A_5 = vector.load %arg4[%get3A_2, %get3A_3, %get3A_4] : memref<3x128x128xf32, #tpu.memory_space<vmem>>, vector<1x128x128xf32>
    %get3A_6 = vector.shape_cast %get3A_5 : vector<1x128x128xf32> to vector<128x128xf32>
    %convert_element_type3A_7 = arith.truncf %get3A_6 : vector<128x128xf32> to vector<128x128xbf16>
    %dot_general3A = arith.constant dense<0.000000e+00> : vector<1000x128xf32>
    %dot_general3A_8 = tpu.matmul %convert_element_type3A, %convert_element_type3A_7, %dot_general3A {dimension_numbers = #tpu.dot_dimension_numbers<[1], [0], [0], [1], [0, 0, 1, 1], [], []>, transpose_lhs_hint = false} : vector<1000x128xbf16>, vector<128x128xbf16>, vector<1000x128xf32> -> vector<1000x128xf32>
    %swap3A = arith.constant 0 : index
    %swap3A_9 = arith.constant 0 : index
    %swap3A_10 = vector.load %arg8[%swap3A, %swap3A_9] : memref<1000x128xf32, #tpu.memory_space<vmem>>, vector<1000x128xf32>
    tpu.vector_store %arg8[%swap3A, %swap3A_9], %dot_general3A_8 {strides = array<i32>} : memref<1000x128xf32, #tpu.memory_space<vmem>>, vector<1000x128xf32>,
    %get3A_11 = arith.constant 0 : index
    %get3A_12 = arith.constant 0 : index
    %get3A_13 = vector.load %arg2[%get3A_11, %get3A_12] : memref<1000x128xf32, #tpu.memory_space<vmem>>, vector<1000x128xf32>
    %convert_element_type3A_14 = arith.truncf %get3A_13 : vector<1000x128xf32> to vector<1000x128xbf16>
    %get3A_15 = arith.constant 1 : index
    %get3A_16 = arith.constant 0 : index
    %get3A_17 = arith.constant 0 : index
    %get3A_18 = vector.load %arg4[%get3A_15, %get3A_16, %get3A_17] : memref<3x128x128xf32, #tpu.memory_space<vmem>>, vector<1x128x128xf32>
    %get3A_19 = vector.shape_cast %get3A_18 : vector<1x128x128xf32> to vector<128x128xf32>
    %convert_element_type3A_20 = arith.truncf %get3A_19 : vector<128x128xf32> to vector<128x128xbf16>
    %dot_general3A_21 = arith.constant dense<0.000000e+00> : vector<1000x128xf32>
    %dot_general3A_22 = tpu.matmul %convert_element_type3A_14, %convert_element_type3A_20, %dot_general3A_21 {dimension_numbers = #tpu.dot_dimension_numbers<[1], [0], [0], [1], [0, 0, 1, 1], [], []>, transpose_lhs_hint = false} : vector<1000x128xbf16>, vector<128x128xbf16>, vector<1000x128xf32> -> vector<1000x128xf32>
    %swap3A_23 = arith.constant 0 : index
    %swap3A_24 = arith.constant 0 : index
    %swap3A_25 = vector.load %arg9[%swap3A_23, %swap3A_24] : memref<1000x128xf32, #tpu.memory_space<vmem>>, vector<1000x128xf32>
    tpu.vector_store %arg9[%swap3A_23, %swap3A_24], %dot_general3A_22 {strides = array<i32>} : memref<1000x128xf32, #tpu.memory_space<vmem>>, vector<1000x128xf32>,
    %get3A_26 = arith.constant 0 : index
    %get3A_27 = arith.constant 0 : index
    %get3A_28 = vector.load %arg3[%get3A_26, %get3A_27] : memref<1000x128xf32, #tpu.memory_space<vmem>>, vector<1000x128xf32>
    %convert_element_type3A_29 = arith.truncf %get3A_28 : vector<1000x128xf32> to vector<1000x128xbf16>
    %get3A_30 = arith.constant 2 : index
    %get3A_31 = arith.constant 0 : index
    %get3A_32 = arith.constant 0 : index
    %get3A_33 = vector.load %arg4[%get3A_30, %get3A_31, %get3A_32] : memref<3x128x128xf32, #tpu.memory_space<vmem>>, vector<1x128x128xf32>
    %get3A_34 = vector.shape_cast %get3A_33 : vector<1x128x128xf32> to vector<128x128xf32>
    %convert_element_type3A_35 = arith.truncf %get3A_34 : vector<128x128xf32> to vector<128x128xbf16>
    %dot_general3A_36 = arith.constant dense<0.000000e+00> : vector<1000x128xf32>
    %dot_general3A_37 = tpu.matmul %convert_element_type3A_29, %convert_element_type3A_35, %dot_general3A_36 {dimension_numbers = #tpu.dot_dimension_numbers<[1], [0], [0], [1], [0, 0, 1, 1], [], []>, transpose_lhs_hint = false} : vector<1000x128xbf16>, vector<128x128xbf16>, vector<1000x128xf32> -> vector<1000x128xf32>
    %swap3A_38 = arith.constant 0 : index
    %swap3A_39 = arith.constant 0 : index
    %swap3A_40 = vector.load %arg10[%swap3A_38, %swap3A_39] : memref<1000x128xf32, #tpu.memory_space<vmem>>, vector<1000x128xf32>
    tpu.vector_store %arg10[%swap3A_38, %swap3A_39], %dot_general3A_37 {strides = array<i32>} : memref<1000x128xf32, #tpu.memory_space<vmem>>, vector<1000x128xf32>,
    %eq3A = arith.constant 0 : i32
    %eq3A_41 = arith.cmpi eq, %arg0, %eq3A : i32
    %convert_element_type3A_42 = arith.extui %eq3A_41 : i1 to i32
    %cond3A = arith.constant 0 : i32
    %cond3A_43 = arith.cmpi ne, %convert_element_type3A_42, %cond3A : i32
    scf.if %cond3A_43 {
      %get3A_44 = arith.constant 0 : index
      %get3A_45 = arith.constant 0 : index
      %get3A_46 = vector.load %arg5[%get3A_44, %get3A_45] : memref<200x64xf32, #tpu.memory_space<vmem>>, vector<200x64xf32>
      %get3A_47 = arith.constant 0 : index
      %get3A_48 = arith.constant 192 : index
      %get3A_49 = vector.load %arg6[%get3A_47, %get3A_48] : memref<64x256xf32, #tpu.memory_space<vmem>>, vector<64x64xf32>
      %dot_general3A_50 = arith.constant dense<0.000000e+00> : vector<200x64xf32>
      %dot_general3A_51 = tpu.matmul %get3A_46, %get3A_49, %dot_general3A_50 {dimension_numbers = #tpu.dot_dimension_numbers<[1], [1], [0], [0], [0, 0, 1, 0], [], []>, transpose_lhs_hint = false} : vector<200x64xf32>, vector<64x64xf32>, vector<200x64xf32> -> vector<200x64xf32>
      %get3A_52 = arith.constant 0 : index
      %get3A_53 = arith.constant 0 : index
      %get3A_54 = vector.load %arg7[%get3A_52, %get3A_53] : memref<1x64xf32, #tpu.memory_space<vmem>>, vector<1x64xf32>
      %add3A = vector.broadcast %get3A_54 : vector<1x64xf32> to vector<200x64xf32>
      %add3A_55 = arith.addf %dot_general3A_51, %add3A : vector<200x64xf32>
      %swap3A_56 = arith.constant 0 : index
      %swap3A_57 = arith.constant 0 : index
      %swap3A_58 = vector.load %arg11[%swap3A_56, %swap3A_57] : memref<200x64xf32, #tpu.memory_space<vmem>>, vector<200x64xf32>
      tpu.vector_store %arg11[%swap3A_56, %swap3A_57], %add3A_55 {strides = array<i32>} : memref<200x64xf32, #tpu.memory_space<vmem>>, vector<200x64xf32>,
    } else {
    }
    return
  }
  func.func @transform_0(%arg0: i32) -> (i32, i32) {
    %c0_i32 = arith.constant 0 : i32
    %c0_i32_0 = arith.constant 0 : i32
    return %arg0, %c0_i32 : i32, i32
  }
  func.func @transform_1(%arg0: i32) -> (i32, i32) {
    %c0_i32 = arith.constant 0 : i32
    %c0_i32_0 = arith.constant 0 : i32
    return %arg0, %c0_i32 : i32, i32
  }
  func.func @transform_2(%arg0: i32) -> (i32, i32) {
    %c0_i32 = arith.constant 0 : i32
    %c0_i32_0 = arith.constant 0 : i32
    return %arg0, %c0_i32 : i32, i32
  }
  func.func @transform_3(%arg0: i32) -> (i32, i32, i32) {
    %c0_i32 = arith.constant 0 : i32
    %c0_i32_0 = arith.constant 0 : i32
    %c0_i32_1 = arith.constant 0 : i32
    %c0_i32_2 = arith.constant 0 : i32
    return %c0_i32, %c0_i32_0, %c0_i32_1 : i32, i32, i32
  }
  func.func @transform_4(%arg0: i32) -> (i32, i32) {
    %c0_i32 = arith.constant 0 : i32
    %c0_i32_0 = arith.constant 0 : i32
    %c0_i32_1 = arith.constant 0 : i32
    return %c0_i32, %c0_i32_0 : i32, i32
  }
  func.func @transform_5(%arg0: i32) -> (i32, i32) {
    %c0_i32 = arith.constant 0 : i32
    %c0_i32_0 = arith.constant 0 : i32
    %c0_i32_1 = arith.constant 0 : i32
    return %c0_i32, %c0_i32_0 : i32, i32
  }
  func.func @transform_6(%arg0: i32) -> (i32, i32) {
    %c0_i32 = arith.constant 0 : i32
    %c0_i32_0 = arith.constant 0 : i32
    %c0_i32_1 = arith.constant 0 : i32
    return %c0_i32, %c0_i32_0 : i32, i32
  }
  func.func @transform_7(%arg0: i32) -> (i32, i32) {
    %c0_i32 = arith.constant 0 : i32
    %c0_i32_0 = arith.constant 0 : i32
    return %arg0, %c0_i32 : i32, i32
  }
  func.func @transform_8(%arg0: i32) -> (i32, i32) {
    %c0_i32 = arith.constant 0 : i32
    %c0_i32_0 = arith.constant 0 : i32
    return %arg0, %c0_i32 : i32, i32
  }
  func.func @transform_9(%arg0: i32) -> (i32, i32) {
    %c0_i32 = arith.constant 0 : i32
    %c0_i32_0 = arith.constant 0 : i32
    return %arg0, %c0_i32 : i32, i32
  }
  func.func @transform_10(%arg0: i32) -> (i32, i32) {
    %c0_i32 = arith.constant 0 : i32
    %c0_i32_0 = arith.constant 0 : i32
    %c0_i32_1 = arith.constant 0 : i32
    return %c0_i32, %c0_i32_0 : i32, i32
  }
}

module attributes {stable_mosaic.version = 14 : i64} {
  func.func @_xpose_body(%arg0: i32, %arg1: memref<1024x1x4x128xf32, #tpu.memory_space<vmem>>, %arg2: memref<1x4x128x1024xf32, #tpu.memory_space<vmem>>) attributes {dimension_semantics = [#tpu.dimension_semantics<arbitrary>], iteration_bounds = array<i64: 25>, scalar_prefetch = 0 : i64, scratch_operands = 0 : i64, tpu.core_type = #tpu.core_type<tc>, window_params = [{transform_indices = @transform_0, window_bounds = array<i64: 1024, 1, 4, 128>}, {transform_indices = @transform_1, window_bounds = array<i64: 1, 4, 128, 1024>}]} {
    %get3A = arith.constant 0 : index
    %get3A_0 = arith.constant 0 : index
    %get3A_1 = arith.constant 0 : index
    %get3A_2 = arith.constant 0 : index
    %get3A_3 = vector.load %arg1[%get3A, %get3A_0, %get3A_1, %get3A_2] : memref<1024x1x4x128xf32, #tpu.memory_space<vmem>>, vector<1024x1x1x128xf32>
    %get3A_4 = vector.shape_cast %get3A_3 : vector<1024x1x1x128xf32> to vector<1024x128xf32>
    %transpose3A = tpu.transpose %get3A_4, [1, 0] : vector<1024x128xf32> -> vector<128x1024xf32>
    %swap3A = arith.constant 0 : index
    %swap3A_5 = arith.constant 0 : index
    %swap3A_6 = arith.constant 0 : index
    %swap3A_7 = arith.constant 0 : index
    %swap3A_8 = vector.load %arg2[%swap3A, %swap3A_5, %swap3A_6, %swap3A_7] : memref<1x4x128x1024xf32, #tpu.memory_space<vmem>>, vector<1x1x128x1024xf32>
    %swap3A_9 = vector.shape_cast %swap3A_8 : vector<1x1x128x1024xf32> to vector<128x1024xf32>
    %swap3A_10 = vector.shape_cast %transpose3A : vector<128x1024xf32> to vector<1x1x128x1024xf32>
    tpu.vector_store %arg2[%swap3A, %swap3A_5, %swap3A_6, %swap3A_7], %swap3A_10 {strides = array<i32>} : memref<1x4x128x1024xf32, #tpu.memory_space<vmem>>, vector<1x1x128x1024xf32>,
    %get3A_11 = arith.constant 0 : index
    %get3A_12 = arith.constant 0 : index
    %get3A_13 = arith.constant 1 : index
    %get3A_14 = arith.constant 0 : index
    %get3A_15 = vector.load %arg1[%get3A_11, %get3A_12, %get3A_13, %get3A_14] : memref<1024x1x4x128xf32, #tpu.memory_space<vmem>>, vector<1024x1x1x128xf32>
    %get3A_16 = vector.shape_cast %get3A_15 : vector<1024x1x1x128xf32> to vector<1024x128xf32>
    %transpose3A_17 = tpu.transpose %get3A_16, [1, 0] : vector<1024x128xf32> -> vector<128x1024xf32>
    %swap3A_18 = arith.constant 0 : index
    %swap3A_19 = arith.constant 1 : index
    %swap3A_20 = arith.constant 0 : index
    %swap3A_21 = arith.constant 0 : index
    %swap3A_22 = vector.load %arg2[%swap3A_18, %swap3A_19, %swap3A_20, %swap3A_21] : memref<1x4x128x1024xf32, #tpu.memory_space<vmem>>, vector<1x1x128x1024xf32>
    %swap3A_23 = vector.shape_cast %swap3A_22 : vector<1x1x128x1024xf32> to vector<128x1024xf32>
    %swap3A_24 = vector.shape_cast %transpose3A_17 : vector<128x1024xf32> to vector<1x1x128x1024xf32>
    tpu.vector_store %arg2[%swap3A_18, %swap3A_19, %swap3A_20, %swap3A_21], %swap3A_24 {strides = array<i32>} : memref<1x4x128x1024xf32, #tpu.memory_space<vmem>>, vector<1x1x128x1024xf32>,
    %get3A_25 = arith.constant 0 : index
    %get3A_26 = arith.constant 0 : index
    %get3A_27 = arith.constant 2 : index
    %get3A_28 = arith.constant 0 : index
    %get3A_29 = vector.load %arg1[%get3A_25, %get3A_26, %get3A_27, %get3A_28] : memref<1024x1x4x128xf32, #tpu.memory_space<vmem>>, vector<1024x1x1x128xf32>
    %get3A_30 = vector.shape_cast %get3A_29 : vector<1024x1x1x128xf32> to vector<1024x128xf32>
    %transpose3A_31 = tpu.transpose %get3A_30, [1, 0] : vector<1024x128xf32> -> vector<128x1024xf32>
    %swap3A_32 = arith.constant 0 : index
    %swap3A_33 = arith.constant 2 : index
    %swap3A_34 = arith.constant 0 : index
    %swap3A_35 = arith.constant 0 : index
    %swap3A_36 = vector.load %arg2[%swap3A_32, %swap3A_33, %swap3A_34, %swap3A_35] : memref<1x4x128x1024xf32, #tpu.memory_space<vmem>>, vector<1x1x128x1024xf32>
    %swap3A_37 = vector.shape_cast %swap3A_36 : vector<1x1x128x1024xf32> to vector<128x1024xf32>
    %swap3A_38 = vector.shape_cast %transpose3A_31 : vector<128x1024xf32> to vector<1x1x128x1024xf32>
    tpu.vector_store %arg2[%swap3A_32, %swap3A_33, %swap3A_34, %swap3A_35], %swap3A_38 {strides = array<i32>} : memref<1x4x128x1024xf32, #tpu.memory_space<vmem>>, vector<1x1x128x1024xf32>,
    %get3A_39 = arith.constant 0 : index
    %get3A_40 = arith.constant 0 : index
    %get3A_41 = arith.constant 3 : index
    %get3A_42 = arith.constant 0 : index
    %get3A_43 = vector.load %arg1[%get3A_39, %get3A_40, %get3A_41, %get3A_42] : memref<1024x1x4x128xf32, #tpu.memory_space<vmem>>, vector<1024x1x1x128xf32>
    %get3A_44 = vector.shape_cast %get3A_43 : vector<1024x1x1x128xf32> to vector<1024x128xf32>
    %transpose3A_45 = tpu.transpose %get3A_44, [1, 0] : vector<1024x128xf32> -> vector<128x1024xf32>
    %swap3A_46 = arith.constant 0 : index
    %swap3A_47 = arith.constant 3 : index
    %swap3A_48 = arith.constant 0 : index
    %swap3A_49 = arith.constant 0 : index
    %swap3A_50 = vector.load %arg2[%swap3A_46, %swap3A_47, %swap3A_48, %swap3A_49] : memref<1x4x128x1024xf32, #tpu.memory_space<vmem>>, vector<1x1x128x1024xf32>
    %swap3A_51 = vector.shape_cast %swap3A_50 : vector<1x1x128x1024xf32> to vector<128x1024xf32>
    %swap3A_52 = vector.shape_cast %transpose3A_45 : vector<128x1024xf32> to vector<1x1x128x1024xf32>
    tpu.vector_store %arg2[%swap3A_46, %swap3A_47, %swap3A_48, %swap3A_49], %swap3A_52 {strides = array<i32>} : memref<1x4x128x1024xf32, #tpu.memory_space<vmem>>, vector<1x1x128x1024xf32>,
    return
  }
  func.func @transform_0(%arg0: i32) -> (i32, i32, i32, i32) {
    %c0_i32 = arith.constant 0 : i32
    %c0_i32_0 = arith.constant 0 : i32
    %c0_i32_1 = arith.constant 0 : i32
    %c0_i32_2 = arith.constant 0 : i32
    return %c0_i32, %arg0, %c0_i32_0, %c0_i32_1 : i32, i32, i32, i32
  }
  func.func @transform_1(%arg0: i32) -> (i32, i32, i32, i32) {
    %c0_i32 = arith.constant 0 : i32
    %c0_i32_0 = arith.constant 0 : i32
    %c0_i32_1 = arith.constant 0 : i32
    %c0_i32_2 = arith.constant 0 : i32
    return %arg0, %c0_i32, %c0_i32_0, %c0_i32_1 : i32, i32, i32, i32
  }
}

</mosaic_0001>

<sc_bundles>
// kernel: kernel.10.cloned.1.call-start
scs
__scs_entry_jumppad:
0x0: {  	(pc) =	sbr.rel $0x88, $3  }
0x1: {  	(tag) =	ssettag $0x0;
	lr =	simm.s32 $0x1  }
0x2: {  	[smem:$0x3F9A] =	sst lr;
	_ =	strace $0xD0000000  }
0x3: {  	_ = 	snop  }
0x4: {  	_ = 	snop  }
0x5: {  	_ = 	snop  }
0x6: {  	_ = 	snop  }
0x7: {  	_ = 	snop  }
__scs_overlays_trampoline_lowered:
0x8: {  	[smem:$0x3FA9] =	sst s0  }
0x9: {  	[smem:$0x3FAA] =	sst s1  }
0xa: {  	[smem:$0x3FAB] =	sst s2  }
0xb: {  	[smem:$0x3FAC] =	sst s3  }
0xc: {  	[smem:$0x3FAD] =	sst s4  }
0xd: {  	[smem:$0x3FAE] =	sst s5  }
0xe: {  	[smem:$0x3FAF] =	sst s6  }
0xf: {  	[smem:$0x3FB0] =	sst s7  }
0x10: {  	[smem:$0x3FB1] =	sst s8  }
0x11: {  	[smem:$0x3FB2] =	sst s9;
	s0 =	simm.s32 @!p0 $0x0  }
0x12: {  	s1 =	sld [smem:$0x3F98];
	s0 =	simm.s32 @p0 $0x1  }
0x13: {  	[smem:$0x3FB3] =	sst s0;
	s0 =	simm.s32 @!p1 $0x0  }
0x14: {  	s2 =	sld [smem:$0x3F97];
	s0 =	simm.s32 @p1 $0x1  }
0x15: {  	[smem:$0x3FB4] =	sst s0;
	s0 =	simm.s32 @!p2 $0x0  }
0x16: {  	s3 =	sld [smem:$0x3FDB];
	s0 =	simm.s32 @p2 $0x1  }
0x17: {  	s4 =	simm.s32 $0x1BF5;
	[smem:$0x3FB6] =	sst s0  }
0x18: {  	s0 =	sld [smem:$0x3F99];
	_ =	swait.ge [sflag:s4], $0x0  }
0x19: {  	s7 =	sld [smem:$0x3F9A]  }
0x1a: {  	s8 =	sadd.s32 $0xFFFFE003, lr  }
0x1b: {  	s9 =	sadd.s32 $0xFFFFFEF7, lr;
	s5 =	simm.s32 $0xFFFFFFFF;
	p2 =	slt.u32 s8, $0xFFFFF086  }
0x1c: {  	p1 =	slt.u32 s9, $0xF7A;
	s5 =	simm.s32 @!p2 $0x0  }
0x1d: {  	s5 =	simm.s32 @p1 $0x1;
	p0 =	seq.s32 s7, s2  }
0x1e: {  	s7 =	smul.u32 @!p0 $0xF7A, s2;
	p2 =	seq.s32 @!p0 s5, $0x0  }
0x1f: {  	s9 =	smul.u32 $0xF7A, s1;
	s8 =	simm.s32 @!p0 $0x1BF5;
	p2 =	por !p2, p0  }
0x20: {  	[sflag:s8] =	ssyncset.s32 @!p0 $0xFFFFF086;
	s6 =	sadd.s32 @!p0 s3, s7;
	s7 =	simm.s32 @!p0 $0x108  }
0x21: {  	s3 =	sadd.s32 s3, s9;
	s6 =	sadd.s32 @!p0 $0x88, s6;
	s7 =	simm.s32 @p2 $0x1082  }
0x22: {  	[simem:s7], [sflag:s8] =	dma.local @!p0 [hbm:s6], $0xF7A  }
0x23: {  	s9 =	sor.u32 $0xD0000000, s2;
	s6 =	simm.s32 $0x108;
	_ =	swait.ge @!p0 [sflag:s8], $0x0  }
0x24: {  	s3 =	sadd.s32 $0x88, s3;
	s6 =	simm.s32 @!p1 $0x1082;
	[sflag:s4] =	ssyncset.s32 $0xFFFFF086  }
0x25: {  	[simem:s6], [sflag:s4] =	dma.local [hbm:s3], $0xF7A  }
0x26: {  	[smem:$0x3F9A] =	sst s1;
	(tag) =	ssettag s2;
	_ =	strace s9  }
0x27: {  	s1 =	sld [smem:$0x3FAA]  }
0x28: {  	s2 =	sld [smem:$0x3FAB]  }
0x29: {  	s4 =	sld [smem:$0x3FAD]  }
0x2a: {  	p0 =	seq.s32 s5, $0x0;
	s5 =	sld [smem:$0x3FAE]  }
0x2b: {  	s6 =	sld [smem:$0x3FAF]  }
0x2c: {  	s7 =	sld [smem:$0x3FB0]  }
0x2d: {  	s3 =	simm.s32 $0x108;
	s8 =	sld [smem:$0x3FB1]  }
0x2e: {  	s3 =	simm.s32 @!p0 $0x1082;
	s9 =	sld [smem:$0x3FB2]  }
0x2f: {  	lr =	sadd.s32 s0, s3;
	s0 =	sld [smem:$0x3FA9]  }
0x30: {  	s3 =	sld [smem:$0x3FAC]  }
0x31: {  	[smem:$0x3FB5] =	sst s10  }
0x32: {  	s10 =	sld [smem:$0x3FB3];
	_ =	sdelay $0x3  }
0x33: {  	p0 =	seq.s32 s10, $0x1;
	s10 =	sld [smem:$0x3FB5];
	_ =	sdelay $0x3  }
0x34: {  	[smem:$0x3FB5] =	sst s10  }
0x35: {  	s10 =	sld [smem:$0x3FB4];
	_ =	sdelay $0x3  }
0x36: {  	p1 =	seq.s32 s10, $0x1;
	s10 =	sld [smem:$0x3FB5];
	_ =	sdelay $0x3  }
0x37: {  	[smem:$0x3FB5] =	sst s10  }
0x38: {  	s10 =	sld [smem:$0x3FB6]  }
0x39: {  	_ = 	snop;
	(pc) =	sbr.ind lr, $3  }
0x3a: {  	_ = 	snop  }
0x3b: {  	_ = 	snop  }
0x3c: {  	p2 =	seq.s32 s10, $0x1;
	s10 =	sld [smem:$0x3FB5]  }
0x3d: {  	_ =	shalt  }
0x3e: {  	_ =	shalt  }
0x3f: {  	_ =	shalt  }
0x40: {  	_ =	shalt  }
0x41: {  	_ =	shalt  }
0x42: {  	_ =	shalt  }
0x43: {  	_ =	shalt  }
0x44: {  	_ =	shalt  }
0x45: {  	_ =	shalt  }
0x46: {  	_ =	shalt  }
0x47: {  	_ =	shalt  }
0x48: {  	_ =	shalt  }
0x49: {  	_ =	shalt  }
0x4a: {  	_ =	shalt  }
0x4b: {  	_ =	shalt  }
0x4c: {  	_ =	shalt  }
0x4d: {  	_ =	shalt  }
0x4e: {  	_ =	shalt  }
0x4f: {  	_ =	shalt  }
0x50: {  	_ =	shalt  }
0x51: {  	_ =	shalt  }
0x52: {  	_ =	shalt  }
0x53: {  	_ =	shalt  }
0x54: {  	_ =	shalt  }
0x55: {  	_ =	shalt  }
0x56: {  	_ =	shalt  }
0x57: {  	_ =	shalt  }
0x58: {  	_ =	shalt  }
0x59: {  	_ =	shalt  }
0x5a: {  	_ =	shalt  }
0x5b: {  	_ =	shalt  }
0x5c: {  	_ =	shalt  }
0x5d: {  	_ =	shalt  }
0x5e: {  	_ =	shalt  }
0x5f: {  	_ =	shalt  }
0x60: {  	_ =	shalt  }
0x61: {  	_ =	shalt  }
0x62: {  	_ =	shalt  }
0x63: {  	_ =	shalt  }
0x64: {  	_ =	shalt  }
0x65: {  	_ =	shalt  }
0x66: {  	_ =	shalt  }
0x67: {  	_ =	shalt  }
0x68: {  	_ =	shalt  }
0x69: {  	_ =	shalt  }
0x6a: {  	_ =	shalt  }
0x6b: {  	_ =	shalt  }
0x6c: {  	_ =	shalt  }
0x6d: {  	_ =	shalt  }
0x6e: {  	_ =	shalt  }
0x6f: {  	_ =	shalt  }
0x70: {  	_ =	shalt  }
0x71: {  	_ =	shalt  }
0x72: {  	_ =	shalt  }
0x73: {  	_ =	shalt  }
0x74: {  	_ =	shalt  }
0x75: {  	_ =	shalt  }
0x76: {  	_ =	shalt  }
0x77: {  	_ =	shalt  }
0x78: {  	_ =	shalt  }
0x79: {  	_ =	shalt  }
0x7a: {  	_ =	shalt  }
0x7b: {  	_ =	shalt  }
0x7c: {  	_ =	shalt  }
0x7d: {  	_ =	shalt  }
0x7e: {  	_ =	shalt  }
0x7f: {  	_ =	shalt  }
0x80: {  	_ =	shalt  }
0x81: {  	_ =	shalt  }
0x82: {  	_ =	shalt  }
0x83: {  	_ =	shalt  }
0x84: {  	_ =	shalt  }
0x85: {  	_ =	shalt  }
0x86: {  	_ =	shalt  }
0x87: {  	_ =	shalt  }
.Lfunc_end0:
.L_simem_size_0:
called_computation.1_lowered:
.L_overlay_start_0:
0x88: {  	s2 =	sld [smem:$0x3FD9]  }
0x89: {  	s3 =	sld [smem:$0x3FFE];
	_ =	sdelay $0x1  }
0x8a: {  	s1 =	srdreg.scid  }
0x8b: {  	s0 =	sand.u32 $0x1, s1  }
0x8c: {  	s14 =	sshll.u32 s0, $0xA;
	s2 =	sadd.s32 s3, s2  }
0x8d: {  	s2 =	sadd.s32 s2, s14  }
0x8e: {  	[smem:$0x3FC1] =	sst s2  }
0x8f: {  	_ = 	snop  }
0x90: {  	s2 =	sld [smem:$0x3FD0];
	_ =	sdelay $0x2  }
0x91: {  	s15 =	simm.s32 $0xB;
	s4 =	simm.s32 $0x10  }
0x92: {  	[smem:s4], [sflag:s15] =	dma.local [hbm:s2], $0x1  }
0x93: {  	_ =	swait.eq [sflag:s15], $0x1  }
0x94: {  	[sflag:s15] =	ssyncset.done $0x0  }
0x95: {  	[sflag:s15] =	ssyncadd.s32 $0xFFFFFFFF  }
0x96: {  	s16 =	sld [smem:$0x10];
	(tm) =	ssettm $0x1  }
0x97: {  	s17 =	sld [smem:$0x3FFB];
	_ =	sdelay $0x3  }
0x98: {  	_ =	strace s17  }
0x99: {  	s3 =	sld [smem:$0x3FFC];
	_ =	sdelay $0x3  }
0x9a: {  	_ =	strace s3  }
0x9b: {  	s3 =	sld [smem:$0x3FFD];
	_ =	sdelay $0x3  }
0x9c: {  	_ =	strace s3  }
0x9d: {  	_ =	strace $0x8FFFFFFF  }
0x9e: {  	s18 =	sld [smem:$0x3FDB];
	_ =	sdelay $0x1  }
0x9f: {  	s19 =	simm.s32 $_scs_section_size  }
0xa0: {  	s5 =	simm.s32 $_size__tile_overlayer_lowered;
	s6 =	simm.s32 $_tile_overlayer_lowered  }
0xa1: {  	s22 =	simm.s32 $0x1BFF;
	s21 =	sshll.u32 s6, $0x1;
	s3 =	sadd.s32 s19, s18  }
0xa2: {  	s7 =	simm.s32 $0x0;
	s20 =	sshll.u32 s5, $0x1;
	s5 =	sadd.s32 s21, s3  }
0xa3: {  	[timem:s7], [sflag:s22] =	dma.local [hbm:s5], s20  }
0xa4: {  	_ =	swait.ge [sflag:s22], s20  }
0xa5: {  	s4 =	ssub.s32 $0x0, s20;
	[sflag:s22] =	ssyncset.done $0x0  }
0xa6: {  	[sflag:s22] =	ssyncadd.s32 s4;
	_ =	sdelay $0x1  }
0xa7: {  	s23 =	simm.s32 $0x1B8B  }
0xa8: {  	_ =	swait.ge [sflag:s23], $0x1  }
0xa9: {  	[sflag:s23] =	ssyncset.done $0x0  }
0xaa: {  	s25 =	simm.s32 $0x1B8E;
	s24 =	sld [smem:$0x3FFE];
	[sflag:s23] =	ssyncadd.s32 $0xFFFFFFFF  }
0xab: {  	s26 =	simm.s32 $execute0_lowered;
	[smem:$0x3FD2] =	sst s25  }
0xac: {  	s5 =	sshll.u32 s26, $0x1;
	_ =	strace $0x80000046;
	[dreg:$0x1] =	wrdreg $0xFFFFFFFF  }
0xad: {  	s28 =	simm.s32 $_size_execute0_lowered;
	s3 =	sadd.s32 s3, s5;
	[dreg:$0x0] =	wrdreg $0x0  }
0xae: {  	s5 =	sshll.u32 s28, $0x1;
	[dreg:$0x2] =	wrdreg s3  }
0xaf: {  	[dreg:$0x3] =	wrdreg s5  }
0xb0: {  	[dreg:$0x4] =	wrdreg $0xC0  }
0xb1: {  	_ =	task [dreg:s7], $0x5FFFF  }
0xb2: {  	[dreg:$0x1] =	wrdreg $0xFFFFFFFF  }
0xb3: {  	[dreg:$0x0] =	wrdreg $0x60  }
0xb4: {  	[dreg:$0x2] =	wrdreg s24  }
0xb5: {  	[dreg:$0x3] =	wrdreg s16  }
0xb6: {  	[dreg:$0x4] =	wrdreg $0xA  }
0xb7: {  	_ =	task.clear_ibuf [dreg:s7], $0x5FFFF;
	_ =	strace $0x90000046  }
0xb8: {  	s29 =	simm.s32 $0xA;
	_ =	strace $0x80000048  }
0xb9: {  	_ =	swait.ge [sflag:s29], $0x1  }
0xba: {  	[sflag:s29] =	ssyncadd.s32 $0xFFFFFFFF  }
0xbb: {  	_ =	strace $0x90000048  }
0xbc: {  	_ =	sfence  }
0xbd: {  	s30 =	sld [smem:$0x0];
	_ =	sdelay $0x2  }
0xbe: {  	s31 =	sshll.u32 s1, $0xD;
	s1 =	sshrl.u32 s1, $0x2  }
0xbf: {  	s3 =	sand.u32 $0x4000, s31;
	s1 =	sadd.s32 s1, s30  }
0xc0: {  	s0 =	sor.u32 s3, s0;
	s1 =	sshll.u32 s1, $0x11  }
0xc1: {  	s0 =	sor.u32 s1, s0  }
0xc2: {  	s0 =	sadd.s32 $0x8F2B, s0  }
0xc3: {  	[sflag:s0] =	ssyncadd.remote.s32 $0x1  }
0xc4: {  	_ =	sfence.sel $0xFFFF  }
0xc5: {  	[dreg:$0x0] =	wrdreg $0xFFFFFFFF;
	(pc) =	sbr.abs _section_cstart, $3  }
0xc6: {  	[dreg:$0x1] =	wrdreg $0xFFFFFFFF  }
0xc7: {  	_ =	task.clear_ibuf [dreg:s7], $0x2FFFF;
	_ =	strace $0x9FFFFFFF  }
0xc8: {  	(tm) =	ssettm $0x7FFFFFFF  }
0xc9: {  	_ =	shalt  }
tec
execute0_lowered:
.L_overlay_start_1:
0x0: {  	(tag) =	ssettag $0x1  }
0x1: {  	s0 =	srdreg.scid  }
0x2: {  	s2 =	stileid.u32;
	s1 =	rddreg [dreg:$0x0]  }
0x3: {  	s21 =	simm.s32 $0x68;
	s28 =	simm.s32 $0x9700;
	s29 =	simm.s32 $0xAF00  }
0x4: {  	s31 =	simm.s32 $0xC900;
	s30 =	simm.s32 $0x12D00;
	s16 =	simm.s32 $0x14500  }
0x5: {  	s18 =	simm.s32 $0x15F00;
	s19 =	simm.s32 $0x2;
	s12 =	simm.s32 $0x0  }
0x6: {  	s0 =	sand.u32 $0x1, s0;
	s3 =	sshll.u32 s2, $0x1;
	s2 =	rddreg [dreg:$0x1]  }
0x7: {  	s6 =	sadd.s32 $0x26CC00, s1;
	s7 =	sadd.s32 $0x330200, s1;
	s8 =	sor.u32 s0, s3  }
0x8: {  	s3 =	simm.s32 $0x0;
	s0 =	ssub.s32 $0x2, s0;
	s4 =	smul.u32 $0x1900, s8  }
0x9: {  	[smem:$0x7FF] =	sst s3;
	s10 =	sshrl.u32 s0, $0x1;
	s11 =	smul.u32 $0x64000, s8  }
0xa: {  	s23 =	smul.u32 $0xC800, s8;
	_ =	strace $0x80000047;
	s0 =	ssub.s32 s0, s10  }
0xb: {  	s10 =	simm.s32 $0x4;
	s5 =	sshrl.u32 s4, $0x3;
	s24 =	sshrl.u32 s11, $0x3  }
0xc: {  	s13 =	sor.u32 $0xC8, s4;
	s0 =	smax.u32 s0, $0x1;
	s9 =	sadd.s32 s5, s1  }
0xd: {  	s5 =	sadd.s32 $0x1A9600, s1;
	s1 =	sadd.s32 $0x22A00, s1;
	[dreg:$0x9] =	wrdreg s0  }
0xe: {  	s8 =	sadd.s32 s2, s24;
	[dreg:$0x3] =	wrdreg s1;
	s22 =	sadd.s32 $0xFE00, s9  }
0xf: {  	s24 =	simm.s32 $0x6500;
	s25 =	sadd.s32 $0x9A00, s9;
	[dreg:$0x4] =	wrdreg s22  }
0x10: {  	s0 =	simm.s32 $0xE100;
	s9 =	sadd.s32 $0x3600, s9;
	[dreg:$0x5] =	wrdreg s25  }
0x11: {  	s1 =	sadd.s32 s2, s23;
	s26 =	sadd.s32 $0xC1C0, s8;
	[dreg:$0x6] =	wrdreg s9  }
0x12: {  	s23 =	simm.s32 $0x60;
	s8 =	simm.s32 $0x1A900;
	[dreg:$0x7] =	wrdreg s1  }
0x13: {  	[dreg:$0x8] =	wrdreg s26;
	s22 =	simm.s32 $0x4B00;
	s25 =	simm.s32 $0x7D00  }
0x14: {  	s26 =	simm.s32 $0xFB00;
	s1 =	simm.s32 $0x11300;
	s9 =	simm.s32 $0x3  }
.LBB2_1:
0x15: {  	[dreg:$0xa] =	wrdreg s12  }
0x16: {  	s11 =	rddreg [dreg:$0x3];
	s17 =	simm.s32 $0x17700;
	s20 =	simm.s32 $0x5  }
0x17: {  	[tilespmem:s17], [sflag:$0x5] =	stream.linear.gather [hbm4b:s11+s3], $0x3200, $0x38;
	[tilespmem:$0x1DB00] =	vst v63  }
0x18: {  	_ =	swait.ge [sflag:s20], $0x3200  }
0x19: {  	[sflag:s20] =	ssyncset.done $0x0  }
0x1a: {  	s12 =	rddreg [dreg:$0x4];
	[sflag:s20] =	ssyncadd.s32 $0xFFFFCE00  }
0x1b: {  	[tilespmem:s3], [sflag:$0x1] =	stream.linear.gather [hbm4b:s12+s3], $0x1900, $0x38;
	[tilespmem:$0x1DB00] =	vst v63  }
0x1c: {  	s15 =	simm.s32 $0x1900;
	s14 =	rddreg [dreg:$0x5]  }
0x1d: {  	[tilespmem:s15], [sflag:$0x1] =	stream.linear.gather [hbm4b:s14+s3], $0x1900, $0x38;
	[tilespmem:$0x1DB00] =	vst v63  }
0x1e: {  	s17 =	rddreg [dreg:$0x6];
	s20 =	simm.s32 $0x1;
	s14 =	simm.s32 $0x3200  }
0x1f: {  	[tilespmem:s14], [sflag:$0x1] =	stream.linear.gather [hbm4b:s17+s3], $0x1900, $0x38;
	[tilespmem:$0x1DB00] =	vst v63  }
0x20: {  	_ =	swait.ge [sflag:s20], $0x1900  }
0x21: {  	[sflag:s20] =	ssyncset.done $0x0  }
0x22: {  	[sflag:s20] =	ssyncadd.s32 $0xFFFFE700  }
0x23: {  	_ =	swait.ge [sflag:s20], $0x1900  }
0x24: {  	[sflag:s20] =	ssyncset.done $0x0  }
0x25: {  	[sflag:s20] =	ssyncadd.s32 $0xFFFFE700  }
0x26: {  	_ =	swait.ge [sflag:s20], $0x1900  }
0x27: {  	[sflag:s20] =	ssyncset.done $0x0  }
0x28: {  	[sflag:s20] =	ssyncadd.s32 $0xFFFFE700  }
0x29: {  	[tilespmem:s22], [sflag:$0x2] =	stream.indirect.gather [hbm4b:s5+s21], $0x40, s3, s21, $0xb8;
	[tilespmem:$0x1DB00] =	vst v63  }
0x2a: {  	_ = 	snop  }
0x2b: {  	[tilespmem:s24], [sflag:$0x2] =	stream.indirect.gather [hbm4b:s5+s23], $0x40, s21, s23, $0xb8;
	[tilespmem:$0x1DB00] =	vst v63  }
0x2c: {  	_ = 	snop  }
0x2d: {  	[tilespmem:s25], [sflag:$0x2] =	stream.indirect.gather [hbm4b:s6+s21], $0x40, s15, s21, $0xb8;
	[tilespmem:$0x1DB00] =	vst v63  }
0x2e: {  	s15 =	simm.s32 $0x1968  }
0x2f: {  	[tilespmem:s28], [sflag:$0x2] =	stream.indirect.gather [hbm4b:s6+s23], $0x40, s15, s23, $0xb8;
	[tilespmem:$0x1DB00] =	vst v63  }
0x30: {  	_ = 	snop  }
0x31: {  	[tilespmem:s29], [sflag:$0x2] =	stream.indirect.gather [hbm4b:s7+s21], $0x40, s14, s21, $0xb8;
	[tilespmem:$0x1DB00] =	vst v63  }
0x32: {  	s17 =	simm.s32 $0x3268  }
0x33: {  	[tilespmem:s31], [sflag:$0x2] =	stream.indirect.gather [hbm4b:s7+s23], $0x40, s17, s23, $0xb8;
	[tilespmem:$0x1DB00] =	vst v63  }
0x34: {  	s20 =	simm.s32 $0xC8  }
0x35: {  	[tilespmem:s0], [sflag:$0x3] =	stream.indirect.gather [hbm4b:s5+s21], $0x40, s20, s21, $0xb8;
	[tilespmem:$0x1DB00] =	vst v63  }
0x36: {  	s12 =	simm.s32 $0x130  }
0x37: {  	[tilespmem:s26], [sflag:$0x3] =	stream.indirect.gather [hbm4b:s5+s23], $0x40, s12, s23, $0xb8;
	[tilespmem:$0x1DB00] =	vst v63  }
0x38: {  	s14 =	simm.s32 $0x19C8  }
0x39: {  	[tilespmem:s1], [sflag:$0x3] =	stream.indirect.gather [hbm4b:s6+s21], $0x40, s14, s21, $0xb8;
	[tilespmem:$0x1DB00] =	vst v63  }
0x3a: {  	s15 =	simm.s32 $0x1A30  }
0x3b: {  	[tilespmem:s30], [sflag:$0x3] =	stream.indirect.gather [hbm4b:s6+s23], $0x40, s15, s23, $0xb8;
	[tilespmem:$0x1DB00] =	vst v63  }
0x3c: {  	s17 =	simm.s32 $0x32C8  }
0x3d: {  	[tilespmem:s16], [sflag:$0x3] =	stream.indirect.gather [hbm4b:s7+s21], $0x40, s17, s21, $0xb8;
	[tilespmem:$0x1DB00] =	vst v63  }
0x3e: {  	s20 =	simm.s32 $0x3330  }
0x3f: {  	[tilespmem:s18], [sflag:$0x3] =	stream.indirect.gather [hbm4b:s7+s23], $0x40, s20, s23, $0xb8;
	[tilespmem:$0x1DB00] =	vst v63  }
0x40: {  	_ =	swait.ge [sflag:s19], $0x1A00  }
0x41: {  	[sflag:s19] =	ssyncset.done $0x0  }
0x42: {  	[sflag:s19] =	ssyncadd.s32 $0xFFFFE600  }
0x43: {  	_ =	swait.ge [sflag:s19], $0x1800  }
0x44: {  	[sflag:s19] =	ssyncset.done $0x0  }
0x45: {  	[sflag:s19] =	ssyncadd.s32 $0xFFFFE800  }
0x46: {  	_ =	swait.ge [sflag:s19], $0x1A00  }
0x47: {  	[sflag:s19] =	ssyncset.done $0x0  }
0x48: {  	[sflag:s19] =	ssyncadd.s32 $0xFFFFE600  }
0x49: {  	_ =	swait.ge [sflag:s19], $0x1800  }
0x4a: {  	[sflag:s19] =	ssyncset.done $0x0  }
0x4b: {  	[sflag:s19] =	ssyncadd.s32 $0xFFFFE800  }
0x4c: {  	_ =	swait.ge [sflag:s19], $0x1A00  }
0x4d: {  	[sflag:s19] =	ssyncset.done $0x0  }
0x4e: {  	[sflag:s19] =	ssyncadd.s32 $0xFFFFE600  }
0x4f: {  	_ =	swait.ge [sflag:s19], $0x1800  }
0x50: {  	[sflag:s19] =	ssyncset.done $0x0  }
0x51: {  	s12 =	simm.s32 $0x0;
	[sflag:s19] =	ssyncadd.s32 $0xFFFFE800  }
0x52: {  	v0 =	vld [tilespmem:s12+$0x4B70]  }
0x53: {  	v1 =	vld [tilespmem:s12+$0x7D70]  }
0x54: {  	v2 =	vld [tilespmem:s12+$0x4B00]  }
0x55: {  	v3 =	vld [tilespmem:s12+$0xAF70]  }
0x56: {  	v4 =	vld [tilespmem:s12+$0x7D00]  }
0x57: {  	v5 =	vld [tilespmem:s12+$0x17770]  }
0x58: {  	v6 =	vld [tilespmem:s12+$0x4B10]  }
0x59: {  	v7 =	vld [tilespmem:s12+$0x4B20]  }
0x5a: {  	v8 =	vld [tilespmem:s12+$0x4B30]  }
0x5b: {  	v9 =	vld [tilespmem:s12+$0x4B40]  }
0x5c: {  	v10 =	vld [tilespmem:s12+$0x4B50]  }
0x5d: {  	v11 =	vld [tilespmem:s12+$0x7D50]  }
0x5e: {  	v12 =	vld [tilespmem:s12+$0x4B60]  }
0x5f: {  	v13 =	vld [tilespmem:s12+$0x7D60]  }
0x60: {  	v14 =	vld [tilespmem:s12+$0xAF00]  }
0x61: {  	v15 =	vld [tilespmem:s12+$0xAF10]  }
0x62: {  	v16 =	vld [tilespmem:s12+$0xAF20];
	v0 =	vadd.f32 v1, v0  }
0x63: {  	v17 =	vld [tilespmem:s12+$0xAF30]  }
0x64: {  	v18 =	vld [tilespmem:s12+$0xAF40];
	v0 =	vadd.f32 v3, v0  }
0x65: {  	v1 =	vld [tilespmem:s12+$0x7D10]  }
0x66: {  	v3 =	vld [tilespmem:s12+$0x7D20];
	v0 =	vadd.f32 v5, v0  }
0x67: {  	v5 =	vld [tilespmem:s12+$0x7D30]  }
0x68: {  	[tilespmem:s12+$0x1A970] =	vst v0;
	v0 =	vld [tilespmem:s12+$0x7D40]  }
0x69: {  	v19 =	vld [tilespmem:s12+$0xAF50]  }
0x6a: {  	v20 =	vld [tilespmem:s12+$0xAF60];
	v2 =	vadd.f32 v4, v2  }
0x6b: {  	v21 =	vld [tilespmem:s12+$0x17700];
	v1 =	vadd.f32 v1, v6;
	v3 =	vadd.f32 v3, v7  }
0x6c: {  	v22 =	vld [tilespmem:s12+$0x17710];
	v5 =	vadd.f32 v5, v8;
	v8 =	vadd.f32 v14, v2  }
0x6d: {  	v23 =	vld [tilespmem:s12+$0x17720];
	v62 =	vadd.f32 v16, v3;
	v0 =	vadd.f32 v0, v9  }
0x6e: {  	v7 =	vld [tilespmem:s12+$0x17730];
	v9 =	vadd.f32 v11, v10;
	v10 =	vadd.f32 v13, v12  }
0x6f: {  	v4 =	vld [tilespmem:s12+$0x17740];
	v11 =	vadd.f32 v15, v1;
	v6 =	vadd.f32 v17, v5  }
0x70: {  	v5 =	vld [tilespmem:s12+$0x17750];
	v63 =	vadd.f32 v21, v8;
	v2 =	vadd.f32 v18, v0  }
0x71: {  	s14 =	simm.s32 $0x80;
	v8 =	vld [tilespmem:s12+$0x17760];
	v3 =	vadd.f32 v19, v9;
	v9 =	vadd.f32 v22, v11  }
0x72: {  	s15 =	simm.s32 $0x400;
	v1 =	vld [tilespmem:s14+$0x4B70];
	v0 =	vadd.f32 v20, v10;
	[tilespmem:s12+$0x1A900] =	vst v63;
	v10 =	vadd.f32 v23, v62  }
.LBB2_2:
0x73: {  	p0 =	sne.s32 s15, $0xC600;
	v11 =	vld [tilespmem:s14+$0x7D70];
	[tilespmem:s12+$0x1A910] =	vst v9;
	v6 =	vadd.f32 v7, v6  }
0x74: {  	v7 =	vld [tilespmem:s14+$0x4B00];
	[tilespmem:s12+$0x1A920] =	vst v10;
	v2 =	vadd.f32 v4, v2  }
0x75: {  	v4 =	vld [tilespmem:s14+$0xAF70];
	[tilespmem:s12+$0x1A930] =	vst v6;
	v3 =	vadd.f32 v5, v3  }
0x76: {  	v5 =	vld [tilespmem:s14+$0x7D00];
	[tilespmem:s12+$0x1A940] =	vst v2;
	v0 =	vadd.f32 v8, v0  }
0x77: {  	v2 =	vld [tilespmem:s14+$0x17770];
	[tilespmem:s12+$0x1A950] =	vst v3  }
0x78: {  	v3 =	vld [tilespmem:s14+$0x4B10];
	v1 =	vadd.f32 v11, v1;
	[tilespmem:s12+$0x1A960] =	vst v0;
	s12 =	smov.u32 s14  }
0x79: {  	v0 =	vld [tilespmem:s12+$0x7D10]  }
0x7a: {  	v6 =	vld [tilespmem:s12+$0x4B20];
	v1 =	vadd.f32 v4, v1  }
0x7b: {  	v4 =	vadd.f32 v5, v7;
	v5 =	vld [tilespmem:s12+$0x7D20]  }
0x7c: {  	v7 =	vld [tilespmem:s12+$0x4B30];
	v1 =	vadd.f32 v2, v1  }
0x7d: {  	v2 =	vld [tilespmem:s12+$0x7D30]  }
0x7e: {  	v0 =	vadd.f32 v0, v3;
	v3 =	vld [tilespmem:s12+$0x4B40];
	[tilespmem:s12+$0x1A970] =	vst v1  }
0x7f: {  	v1 =	vld [tilespmem:s12+$0x7D40]  }
0x80: {  	v5 =	vadd.f32 v5, v6;
	v6 =	vld [tilespmem:s12+$0x4B50]  }
0x81: {  	v8 =	vld [tilespmem:s12+$0x7D50]  }
0x82: {  	v2 =	vadd.f32 v2, v7;
	v7 =	vld [tilespmem:s12+$0x4B60]  }
0x83: {  	v9 =	vld [tilespmem:s12+$0x7D60]  }
0x84: {  	v10 =	vld [tilespmem:s12+$0xAF00];
	v1 =	vadd.f32 v1, v3  }
0x85: {  	v3 =	vld [tilespmem:s12+$0xAF10]  }
0x86: {  	v11 =	vld [tilespmem:s12+$0xAF20];
	v8 =	vadd.f32 v8, v6  }
0x87: {  	v6 =	vld [tilespmem:s12+$0xAF30]  }
0x88: {  	v12 =	vld [tilespmem:s12+$0xAF40];
	v9 =	vadd.f32 v9, v7  }
0x89: {  	v10 =	vadd.f32 v10, v4;
	v4 =	vld [tilespmem:s12+$0xAF50]  }
0x8a: {  	v13 =	vadd.f32 v3, v0;
	v0 =	vld [tilespmem:s12+$0xAF60]  }
0x8b: {  	v14 =	vld [tilespmem:s12+$0x17700];
	v11 =	vadd.f32 v11, v5  }
0x8c: {  	v15 =	vld [tilespmem:s12+$0x17710];
	v6 =	vadd.f32 v6, v2  }
0x8d: {  	v16 =	vld [tilespmem:s12+$0x17720];
	v2 =	vadd.f32 v12, v1  }
.Ltmp0:
0x8e: {  	v7 =	vld [tilespmem:s12+$0x17730];
	v3 =	vadd.f32 v4, v8;
	(pc) =	sbr.rel @p0 .LBB2_2-.Ltmp0, $4  }
0x8f: {  	v4 =	vld [tilespmem:s12+$0x17740];
	v0 =	vadd.f32 v0, v9  }
0x90: {  	v10 =	vadd.f32 v14, v10;
	v5 =	vld [tilespmem:s12+$0x17750]  }
0x91: {  	s14 =	sshra.s32 s15, $0x2;
	v9 =	vadd.f32 v15, v13;
	v8 =	vld [tilespmem:s12+$0x17760]  }
0x92: {  	s15 =	sadd.s32 $0x200, s15;
	v1 =	vld [tilespmem:s14+$0x4B70];
	[tilespmem:s12+$0x1A900] =	vst v10;
	v10 =	vadd.f32 v16, v11  }
0x93: {  	v11 =	vld [tilespmem:s14+$0x7D70];
	[tilespmem:s12+$0x1A910] =	vst v9;
	v6 =	vadd.f32 v7, v6  }
0x94: {  	v9 =	vld [tilespmem:s14+$0x4B00];
	[tilespmem:s12+$0x1A920] =	vst v10;
	v2 =	vadd.f32 v4, v2  }
0x95: {  	v39 =	vld [tilespmem:s14+$0xAF70];
	[tilespmem:s12+$0x1A930] =	vst v6;
	v3 =	vadd.f32 v5, v3  }
0x96: {  	v40 =	vld [tilespmem:s14+$0x7D00];
	[tilespmem:s12+$0x1A940] =	vst v2;
	v0 =	vadd.f32 v8, v0  }
0x97: {  	v2 =	vld [tilespmem:s14+$0x17770];
	[tilespmem:s12+$0x1A950] =	vst v3  }
0x98: {  	v3 =	vld [tilespmem:s14+$0x4B10];
	[tilespmem:s12+$0x1A960] =	vst v0  }
0x99: {  	v42 =	vld [tilespmem:s14+$0x7D10]  }
0x9a: {  	v43 =	vld [tilespmem:s14+$0x4B20]  }
0x9b: {  	v6 =	vld [tilespmem:s14+$0x7D20]  }
0x9c: {  	v44 =	vld [tilespmem:s14+$0x4B30]  }
0x9d: {  	v45 =	vld [tilespmem:s14+$0x7D30]  }
0x9e: {  	v46 =	vld [tilespmem:s14+$0x4B40]  }
0x9f: {  	v47 =	vld [tilespmem:s14+$0x7D40]  }
0xa0: {  	v10 =	vld [tilespmem:s14+$0x4B50]  }
0xa1: {  	v48 =	vld [tilespmem:s14+$0x7D50]  }
0xa2: {  	v12 =	vld [tilespmem:s14+$0x4B60]  }
0xa3: {  	v13 =	vld [tilespmem:s14+$0x7D60]  }
0xa4: {  	v14 =	vld [tilespmem:s14+$0xAF00]  }
0xa5: {  	v15 =	vld [tilespmem:s14+$0xAF10]  }
0xa6: {  	v16 =	vld [tilespmem:s14+$0xAF20]  }
0xa7: {  	v41 =	vadd.f32 v11, v1;
	v17 =	vld [tilespmem:s14+$0xAF30]  }
0xa8: {  	v18 =	vld [tilespmem:s14+$0xAF40]  }
0xa9: {  	v19 =	vld [tilespmem:s14+$0xAF50];
	v0 =	vadd.f32 v39, v41  }
0xaa: {  	v20 =	vld [tilespmem:s14+$0xAF60]  }
0xab: {  	v49 =	vld [tilespmem:s14+$0x17700];
	v4 =	vadd.f32 v40, v9;
	v0 =	vadd.f32 v2, v0  }
0xac: {  	v51 =	vld [tilespmem:s14+$0x17710];
	v1 =	vadd.f32 v42, v3;
	v50 =	vadd.f32 v6, v43  }
0xad: {  	v52 =	vld [tilespmem:s14+$0x17720];
	[tilespmem:s14+$0x1A970] =	vst v0;
	v2 =	vadd.f32 v45, v44;
	v0 =	vadd.f32 v47, v46  }
0xae: {  	v54 =	vld [tilespmem:s14+$0x17730];
	v53 =	vadd.f32 v48, v10;
	v4 =	vadd.f32 v14, v4  }
0xaf: {  	v56 =	vld [tilespmem:s14+$0x17740];
	v55 =	vadd.f32 v13, v12;
	v1 =	vadd.f32 v15, v1  }
0xb0: {  	v57 =	vld [tilespmem:s14+$0x17750];
	v3 =	vadd.f32 v16, v50;
	v4 =	vadd.f32 v49, v4  }
0xb1: {  	v58 =	vld [tilespmem:s14+$0x17760];
	v2 =	vadd.f32 v17, v2;
	v1 =	vadd.f32 v51, v1  }
0xb2: {  	v0 =	vadd.f32 v18, v0;
	[tilespmem:s14+$0x1A900] =	vst v4;
	v3 =	vadd.f32 v52, v3  }
0xb3: {  	v59 =	vadd.f32 v19, v53;
	v60 =	vadd.f32 v54, v2;
	[tilespmem:s14+$0x1A910] =	vst v1  }
0xb4: {  	v61 =	vadd.f32 v20, v55;
	v0 =	vadd.f32 v56, v0;
	[tilespmem:s14+$0x1A920] =	vst v3  }
0xb5: {  	v62 =	vadd.f32 v57, v59;
	[tilespmem:s14+$0x1A930] =	vst v60  }
0xb6: {  	v63 =	vadd.f32 v58, v61;
	[tilespmem:s14+$0x1A940] =	vst v0  }
0xb7: {  	[tilespmem:s14+$0x1A950] =	vst v62  }
0xb8: {  	s11 =	rddreg [dreg:$0x7];
	s12 =	simm.s32 $0x0;
	[tilespmem:s14+$0x1A960] =	vst v63  }
0xb9: {  	[hbm4b:s11+s12] =	stream.linear.scatter [tilespmem:s8], [sflag:$0x4], $0x3200, $0x38;
	[tilespmem:$0x1DB00] =	vst v63  }
.LBB2_4:
0xba: {  	s15 =	smul.u32 $0x190, s12;
	_ =	sdelay $0x1  }
0xbb: {  	s14 =	sadd.s32 $0x190, s15  }
0xbc: {  	[tilespmem:s22], [sflag:$0x2] =	stream.indirect.gather [hbm4b:s5+s21], $0x40, s14, s21, $0xb8;
	[tilespmem:$0x1DB00] =	vst v63  }
0xbd: {  	s11 =	sadd.s32 $0x1F8, s15  }
0xbe: {  	[tilespmem:s24], [sflag:$0x2] =	stream.indirect.gather [hbm4b:s5+s23], $0x40, s11, s23, $0xb8;
	[tilespmem:$0x1DB00] =	vst v63  }
0xbf: {  	s17 =	sadd.s32 $0x1A90, s15  }
0xc0: {  	[tilespmem:s25], [sflag:$0x2] =	stream.indirect.gather [hbm4b:s6+s21], $0x40, s17, s21, $0xb8;
	[tilespmem:$0x1DB00] =	vst v63  }
0xc1: {  	s20 =	sadd.s32 $0x1AF8, s15  }
0xc2: {  	[tilespmem:s28], [sflag:$0x2] =	stream.indirect.gather [hbm4b:s6+s23], $0x40, s20, s23, $0xb8;
	[tilespmem:$0x1DB00] =	vst v63  }
0xc3: {  	s17 =	sadd.s32 $0x3390, s15  }
0xc4: {  	[tilespmem:s29], [sflag:$0x2] =	stream.indirect.gather [hbm4b:s7+s21], $0x40, s17, s21, $0xb8;
	[tilespmem:$0x1DB00] =	vst v63  }
0xc5: {  	s20 =	sadd.s32 $0x33F8, s15  }
0xc6: {  	[tilespmem:s31], [sflag:$0x2] =	stream.indirect.gather [hbm4b:s7+s23], $0x40, s20, s23, $0xb8;
	[tilespmem:$0x1DB00] =	vst v63  }
0xc7: {  	_ =	swait.ge [sflag:s9], $0x1A00  }
0xc8: {  	[sflag:s9] =	ssyncset.done $0x0  }
0xc9: {  	[sflag:s9] =	ssyncadd.s32 $0xFFFFE600  }
0xca: {  	_ =	swait.ge [sflag:s9], $0x1800  }
0xcb: {  	[sflag:s9] =	ssyncset.done $0x0  }
0xcc: {  	[sflag:s9] =	ssyncadd.s32 $0xFFFFE800  }
0xcd: {  	_ =	swait.ge [sflag:s9], $0x1A00  }
0xce: {  	[sflag:s9] =	ssyncset.done $0x0  }
0xcf: {  	[sflag:s9] =	ssyncadd.s32 $0xFFFFE600  }
0xd0: {  	_ =	swait.ge [sflag:s9], $0x1800  }
0xd1: {  	[sflag:s9] =	ssyncset.done $0x0  }
0xd2: {  	[sflag:s9] =	ssyncadd.s32 $0xFFFFE800  }
0xd3: {  	_ =	swait.ge [sflag:s9], $0x1A00  }
0xd4: {  	[sflag:s9] =	ssyncset.done $0x0  }
0xd5: {  	[sflag:s9] =	ssyncadd.s32 $0xFFFFE600  }
0xd6: {  	_ =	swait.ge [sflag:s9], $0x1800  }
0xd7: {  	[sflag:s9] =	ssyncset.done $0x0  }
0xd8: {  	[sflag:s9] =	ssyncadd.s32 $0xFFFFE800  }
0xd9: {  	_ =	swait.ge [sflag:s10], $0x3200  }
0xda: {  	[sflag:s10] =	ssyncset.done $0x0  }
0xdb: {  	s17 =	simm.s32 $0x0;
	[sflag:s10] =	ssyncadd.s32 $0xFFFFCE00  }
0xdc: {  	v0 =	vld [tilespmem:s17+$0xE170]  }
0xdd: {  	v1 =	vld [tilespmem:s17+$0x11370]  }
0xde: {  	v2 =	vld [tilespmem:s17+$0xE100]  }
0xdf: {  	v3 =	vld [tilespmem:s17+$0x14570]  }
0xe0: {  	v4 =	vld [tilespmem:s17+$0x11300]  }
0xe1: {  	v5 =	vld [tilespmem:s17+$0x17770]  }
0xe2: {  	v6 =	vld [tilespmem:s17+$0xE110]  }
0xe3: {  	v7 =	vld [tilespmem:s17+$0xE120]  }
0xe4: {  	v8 =	vld [tilespmem:s17+$0xE130]  }
0xe5: {  	v9 =	vld [tilespmem:s17+$0xE140]  }
0xe6: {  	v10 =	vld [tilespmem:s17+$0xE150]  }
0xe7: {  	v11 =	vld [tilespmem:s17+$0x11350]  }
0xe8: {  	v12 =	vld [tilespmem:s17+$0xE160]  }
0xe9: {  	v13 =	vld [tilespmem:s17+$0x11360]  }
0xea: {  	v14 =	vld [tilespmem:s17+$0x14500]  }
0xeb: {  	v15 =	vld [tilespmem:s17+$0x14510]  }
0xec: {  	v16 =	vld [tilespmem:s17+$0x14520];
	v0 =	vadd.f32 v1, v0  }
0xed: {  	v17 =	vld [tilespmem:s17+$0x14530]  }
0xee: {  	v18 =	vld [tilespmem:s17+$0x14540];
	v0 =	vadd.f32 v3, v0  }
0xef: {  	v1 =	vld [tilespmem:s17+$0x11310]  }
0xf0: {  	v3 =	vld [tilespmem:s17+$0x11320];
	v0 =	vadd.f32 v5, v0  }
0xf1: {  	v5 =	vld [tilespmem:s17+$0x11330]  }
0xf2: {  	[tilespmem:s17+$0x1A970] =	vst v0;
	v0 =	vld [tilespmem:s17+$0x11340]  }
0xf3: {  	v19 =	vld [tilespmem:s17+$0x14550]  }
0xf4: {  	v20 =	vld [tilespmem:s17+$0x14560];
	v2 =	vadd.f32 v4, v2  }
0xf5: {  	v21 =	vld [tilespmem:s17+$0x17700];
	v1 =	vadd.f32 v1, v6;
	v3 =	vadd.f32 v3, v7  }
0xf6: {  	v22 =	vld [tilespmem:s17+$0x17710];
	v5 =	vadd.f32 v5, v8;
	v8 =	vadd.f32 v14, v2  }
0xf7: {  	v23 =	vld [tilespmem:s17+$0x17720];
	v62 =	vadd.f32 v16, v3;
	v0 =	vadd.f32 v0, v9  }
0xf8: {  	v7 =	vld [tilespmem:s17+$0x17730];
	v9 =	vadd.f32 v11, v10;
	v10 =	vadd.f32 v13, v12  }
0xf9: {  	v4 =	vld [tilespmem:s17+$0x17740];
	v11 =	vadd.f32 v15, v1;
	v6 =	vadd.f32 v17, v5  }
0xfa: {  	v5 =	vld [tilespmem:s17+$0x17750];
	v63 =	vadd.f32 v21, v8;
	v2 =	vadd.f32 v18, v0  }
0xfb: {  	s20 =	simm.s32 $0x80;
	v8 =	vld [tilespmem:s17+$0x17760];
	v3 =	vadd.f32 v19, v9;
	v9 =	vadd.f32 v22, v11  }
0xfc: {  	s11 =	simm.s32 $0x400;
	v1 =	vld [tilespmem:s20+$0xE170];
	v0 =	vadd.f32 v20, v10;
	[tilespmem:s17+$0x1A900] =	vst v63;
	v10 =	vadd.f32 v23, v62  }
.LBB2_5:
0xfd: {  	p0 =	sne.s32 s11, $0xC600;
	v11 =	vld [tilespmem:s20+$0x11370];
	[tilespmem:s17+$0x1A910] =	vst v9;
	v6 =	vadd.f32 v7, v6  }
0xfe: {  	v7 =	vld [tilespmem:s20+$0xE100];
	[tilespmem:s17+$0x1A920] =	vst v10;
	v2 =	vadd.f32 v4, v2  }
0xff: {  	v4 =	vld [tilespmem:s20+$0x14570];
	[tilespmem:s17+$0x1A930] =	vst v6;
	v3 =	vadd.f32 v5, v3  }
0x100: {  	v5 =	vld [tilespmem:s20+$0x11300];
	[tilespmem:s17+$0x1A940] =	vst v2;
	v0 =	vadd.f32 v8, v0  }
0x101: {  	v2 =	vld [tilespmem:s20+$0x17770];
	[tilespmem:s17+$0x1A950] =	vst v3  }
0x102: {  	v3 =	vld [tilespmem:s20+$0xE110];
	v1 =	vadd.f32 v11, v1;
	[tilespmem:s17+$0x1A960] =	vst v0;
	s17 =	smov.u32 s20  }
0x103: {  	v0 =	vld [tilespmem:s17+$0x11310]  }
0x104: {  	v6 =	vld [tilespmem:s17+$0xE120];
	v1 =	vadd.f32 v4, v1  }
0x105: {  	v4 =	vadd.f32 v5, v7;
	v5 =	vld [tilespmem:s17+$0x11320]  }
0x106: {  	v7 =	vld [tilespmem:s17+$0xE130];
	v1 =	vadd.f32 v2, v1  }
0x107: {  	v2 =	vld [tilespmem:s17+$0x11330]  }
0x108: {  	v0 =	vadd.f32 v0, v3;
	v3 =	vld [tilespmem:s17+$0xE140];
	[tilespmem:s17+$0x1A970] =	vst v1  }
0x109: {  	v1 =	vld [tilespmem:s17+$0x11340]  }
0x10a: {  	v5 =	vadd.f32 v5, v6;
	v6 =	vld [tilespmem:s17+$0xE150]  }
0x10b: {  	v8 =	vld [tilespmem:s17+$0x11350]  }
0x10c: {  	v2 =	vadd.f32 v2, v7;
	v7 =	vld [tilespmem:s17+$0xE160]  }
0x10d: {  	v9 =	vld [tilespmem:s17+$0x11360]  }
0x10e: {  	v10 =	vld [tilespmem:s17+$0x14500];
	v1 =	vadd.f32 v1, v3  }
0x10f: {  	v3 =	vld [tilespmem:s17+$0x14510]  }
0x110: {  	v11 =	vld [tilespmem:s17+$0x14520];
	v8 =	vadd.f32 v8, v6  }
0x111: {  	v6 =	vld [tilespmem:s17+$0x14530]  }
0x112: {  	v12 =	vld [tilespmem:s17+$0x14540];
	v9 =	vadd.f32 v9, v7  }
0x113: {  	v10 =	vadd.f32 v10, v4;
	v4 =	vld [tilespmem:s17+$0x14550]  }
0x114: {  	v13 =	vadd.f32 v3, v0;
	v0 =	vld [tilespmem:s17+$0x14560]  }
0x115: {  	v14 =	vld [tilespmem:s17+$0x17700];
	v11 =	vadd.f32 v11, v5  }
0x116: {  	v15 =	vld [tilespmem:s17+$0x17710];
	v6 =	vadd.f32 v6, v2  }
0x117: {  	v16 =	vld [tilespmem:s17+$0x17720];
	v2 =	vadd.f32 v12, v1  }
.Ltmp1:
0x118: {  	v7 =	vld [tilespmem:s17+$0x17730];
	v3 =	vadd.f32 v4, v8;
	(pc) =	sbr.rel @p0 .LBB2_5-.Ltmp1, $4  }
0x119: {  	v4 =	vld [tilespmem:s17+$0x17740];
	v0 =	vadd.f32 v0, v9  }
0x11a: {  	v10 =	vadd.f32 v14, v10;
	v5 =	vld [tilespmem:s17+$0x17750]  }
0x11b: {  	s20 =	sshra.s32 s11, $0x2;
	v9 =	vadd.f32 v15, v13;
	v8 =	vld [tilespmem:s17+$0x17760]  }
0x11c: {  	s11 =	sadd.s32 $0x200, s11;
	v1 =	vld [tilespmem:s20+$0xE170];
	[tilespmem:s17+$0x1A900] =	vst v10;
	v10 =	vadd.f32 v16, v11  }
0x11d: {  	v11 =	vld [tilespmem:s20+$0x11370];
	[tilespmem:s17+$0x1A910] =	vst v9;
	v6 =	vadd.f32 v7, v6  }
0x11e: {  	v9 =	vld [tilespmem:s20+$0xE100];
	[tilespmem:s17+$0x1A920] =	vst v10;
	v2 =	vadd.f32 v4, v2  }
0x11f: {  	v7 =	vld [tilespmem:s20+$0x14570];
	[tilespmem:s17+$0x1A930] =	vst v6;
	v3 =	vadd.f32 v5, v3  }
0x120: {  	v4 =	vld [tilespmem:s20+$0x11300];
	[tilespmem:s17+$0x1A940] =	vst v2;
	v0 =	vadd.f32 v8, v0  }
0x121: {  	v2 =	vld [tilespmem:s20+$0x17770];
	[tilespmem:s17+$0x1A950] =	vst v3  }
0x122: {  	v3 =	vld [tilespmem:s20+$0xE110];
	[tilespmem:s17+$0x1A960] =	vst v0  }
0x123: {  	v0 =	vadd.f32 v11, v1;
	v1 =	vld [tilespmem:s20+$0x11310]  }
0x124: {  	v5 =	vld [tilespmem:s20+$0xE120]  }
0x125: {  	v6 =	vld [tilespmem:s20+$0x11320]  }
0x126: {  	v8 =	vld [tilespmem:s20+$0xE140]  }
0x127: {  	v10 =	vld [tilespmem:s20+$0xE150]  }
0x128: {  	v11 =	vld [tilespmem:s20+$0x11350]  }
0x129: {  	v12 =	vld [tilespmem:s20+$0xE160]  }
0x12a: {  	v13 =	vld [tilespmem:s20+$0x11360]  }
0x12b: {  	v14 =	vld [tilespmem:s20+$0x14500]  }
0x12c: {  	v15 =	vld [tilespmem:s20+$0x14510]  }
0x12d: {  	v16 =	vld [tilespmem:s20+$0x14520]  }
0x12e: {  	v17 =	vld [tilespmem:s20+$0x14530]  }
0x12f: {  	v18 =	vld [tilespmem:s20+$0x14540];
	v0 =	vadd.f32 v7, v0  }
0x130: {  	v19 =	vld [tilespmem:s20+$0x14550]  }
0x131: {  	v20 =	vld [tilespmem:s20+$0x14560];
	v0 =	vadd.f32 v2, v0  }
0x132: {  	v7 =	vld [tilespmem:s20+$0xE130]  }
0x133: {  	[tilespmem:s20+$0x1A970] =	vst v0;
	v0 =	vld [tilespmem:s20+$0x11340]  }
0x134: {  	v2 =	vld [tilespmem:s20+$0x11330]  }
0x135: {  	v4 =	vadd.f32 v4, v9;
	v9 =	vld [tilespmem:s20+$0x17700];
	v1 =	vadd.f32 v1, v3  }
0x136: {  	v3 =	vadd.f32 v6, v5;
	v5 =	vld [tilespmem:s20+$0x17710]  }
0x137: {  	v6 =	vld [tilespmem:s20+$0x17720];
	v4 =	vadd.f32 v14, v4;
	v1 =	vadd.f32 v15, v1  }
0x138: {  	v3 =	vadd.f32 v16, v3;
	v0 =	vadd.f32 v0, v8;
	v8 =	vld [tilespmem:s20+$0x17730]  }
0x139: {  	v2 =	vadd.f32 v2, v7;
	v7 =	vadd.f32 v11, v10;
	v11 =	vld [tilespmem:s20+$0x17740]  }
0x13a: {  	v4 =	vadd.f32 v9, v4;
	v9 =	vld [tilespmem:s20+$0x17750];
	v10 =	vadd.f32 v13, v12  }
0x13b: {  	v2 =	vadd.f32 v17, v2;
	v1 =	vadd.f32 v5, v1;
	v5 =	vld [tilespmem:s20+$0x17760]  }
0x13c: {  	[tilespmem:s20+$0x1A900] =	vst v4;
	v3 =	vadd.f32 v6, v3;
	v0 =	vadd.f32 v18, v0  }
0x13d: {  	v4 =	vadd.f32 v19, v7;
	[tilespmem:s20+$0x1A910] =	vst v1;
	v1 =	vadd.f32 v8, v2  }
0x13e: {  	[tilespmem:s20+$0x1A920] =	vst v3;
	v0 =	vadd.f32 v11, v0;
	v2 =	vadd.f32 v20, v10  }
0x13f: {  	s11 =	sadd.s32 s15, s13;
	[tilespmem:s20+$0x1A930] =	vst v1;
	v1 =	vadd.f32 v9, v4  }
0x140: {  	s11 =	sshll.u32 s11, $0x3;
	[tilespmem:s20+$0x1A940] =	vst v0;
	v0 =	vadd.f32 v5, v2  }
0x141: {  	s11 =	sand.u32 $0x1FFFFFC0, s11;
	[tilespmem:s20+$0x1A950] =	vst v1  }
0x142: {  	s11 =	sadd.s32 s2, s11;
	[tilespmem:s20+$0x1A960] =	vst v0;
	s20 =	simm.s32 $0x0  }
0x143: {  	[hbm4b:s11+s20] =	stream.linear.scatter [tilespmem:s8], [sflag:$0x4], $0x3200, $0x38;
	[tilespmem:$0x1DB00] =	vst v63  }
0x144: {  	s17 =	sadd.s32 $0x258, s15  }
0x145: {  	[tilespmem:s0], [sflag:$0x3] =	stream.indirect.gather [hbm4b:s5+s21], $0x40, s17, s21, $0xb8;
	[tilespmem:$0x1DB00] =	vst v63  }
0x146: {  	s20 =	sadd.s32 $0x2C0, s15  }
0x147: {  	[tilespmem:s26], [sflag:$0x3] =	stream.indirect.gather [hbm4b:s5+s23], $0x40, s20, s23, $0xb8;
	[tilespmem:$0x1DB00] =	vst v63  }
0x148: {  	s17 =	sadd.s32 $0x1B58, s15  }
0x149: {  	[tilespmem:s1], [sflag:$0x3] =	stream.indirect.gather [hbm4b:s6+s21], $0x40, s17, s21, $0xb8;
	[tilespmem:$0x1DB00] =	vst v63  }
0x14a: {  	s20 =	sadd.s32 $0x1BC0, s15  }
0x14b: {  	[tilespmem:s30], [sflag:$0x3] =	stream.indirect.gather [hbm4b:s6+s23], $0x40, s20, s23, $0xb8;
	[tilespmem:$0x1DB00] =	vst v63  }
0x14c: {  	s17 =	sadd.s32 $0x3458, s15  }
0x14d: {  	[tilespmem:s16], [sflag:$0x3] =	stream.indirect.gather [hbm4b:s7+s21], $0x40, s17, s21, $0xb8;
	[tilespmem:$0x1DB00] =	vst v63  }
0x14e: {  	s20 =	sadd.s32 $0x34C0, s15  }
0x14f: {  	[tilespmem:s18], [sflag:$0x3] =	stream.indirect.gather [hbm4b:s7+s23], $0x40, s20, s23, $0xb8;
	[tilespmem:$0x1DB00] =	vst v63  }
0x150: {  	_ =	swait.ge [sflag:s19], $0x1A00  }
0x151: {  	[sflag:s19] =	ssyncset.done $0x0  }
0x152: {  	[sflag:s19] =	ssyncadd.s32 $0xFFFFE600  }
0x153: {  	_ =	swait.ge [sflag:s19], $0x1800  }
0x154: {  	[sflag:s19] =	ssyncset.done $0x0  }
0x155: {  	[sflag:s19] =	ssyncadd.s32 $0xFFFFE800  }
0x156: {  	_ =	swait.ge [sflag:s19], $0x1A00  }
0x157: {  	[sflag:s19] =	ssyncset.done $0x0  }
0x158: {  	[sflag:s19] =	ssyncadd.s32 $0xFFFFE600  }
0x159: {  	_ =	swait.ge [sflag:s19], $0x1800  }
0x15a: {  	[sflag:s19] =	ssyncset.done $0x0  }
0x15b: {  	[sflag:s19] =	ssyncadd.s32 $0xFFFFE800  }
0x15c: {  	_ =	swait.ge [sflag:s19], $0x1A00  }
0x15d: {  	[sflag:s19] =	ssyncset.done $0x0  }
0x15e: {  	[sflag:s19] =	ssyncadd.s32 $0xFFFFE600  }
0x15f: {  	_ =	swait.ge [sflag:s19], $0x1800  }
0x160: {  	[sflag:s19] =	ssyncset.done $0x0  }
0x161: {  	[sflag:s19] =	ssyncadd.s32 $0xFFFFE800  }
0x162: {  	_ =	swait.ge [sflag:s10], $0x3200  }
0x163: {  	[sflag:s10] =	ssyncset.done $0x0  }
0x164: {  	s15 =	simm.s32 $0x0;
	[sflag:s10] =	ssyncadd.s32 $0xFFFFCE00  }
0x165: {  	v0 =	vld [tilespmem:s15+$0x4B70]  }
0x166: {  	v1 =	vld [tilespmem:s15+$0x7D70]  }
0x167: {  	v2 =	vld [tilespmem:s15+$0x4B00]  }
0x168: {  	v3 =	vld [tilespmem:s15+$0xAF70]  }
0x169: {  	v4 =	vld [tilespmem:s15+$0x7D00]  }
0x16a: {  	v5 =	vld [tilespmem:s15+$0x17770]  }
0x16b: {  	v6 =	vld [tilespmem:s15+$0x4B10]  }
0x16c: {  	v7 =	vld [tilespmem:s15+$0x4B20]  }
0x16d: {  	v8 =	vld [tilespmem:s15+$0x4B30]  }
0x16e: {  	v9 =	vld [tilespmem:s15+$0x4B40]  }
0x16f: {  	v10 =	vld [tilespmem:s15+$0x4B50]  }
0x170: {  	v11 =	vld [tilespmem:s15+$0x7D50]  }
0x171: {  	v53 =	vld [tilespmem:s15+$0x4B60]  }
0x172: {  	v54 =	vld [tilespmem:s15+$0x7D60]  }
0x173: {  	v55 =	vld [tilespmem:s15+$0xAF00]  }
0x174: {  	v56 =	vld [tilespmem:s15+$0xAF10]  }
0x175: {  	v57 =	vld [tilespmem:s15+$0xAF20];
	v0 =	vadd.f32 v1, v0  }
0x176: {  	v58 =	vld [tilespmem:s15+$0xAF30]  }
0x177: {  	v59 =	vld [tilespmem:s15+$0xAF40];
	v0 =	vadd.f32 v3, v0  }
0x178: {  	v1 =	vld [tilespmem:s15+$0x7D10]  }
0x179: {  	v3 =	vld [tilespmem:s15+$0x7D20];
	v0 =	vadd.f32 v5, v0  }
0x17a: {  	v5 =	vld [tilespmem:s15+$0x7D30]  }
0x17b: {  	[tilespmem:s15+$0x1A970] =	vst v0;
	v0 =	vld [tilespmem:s15+$0x7D40]  }
0x17c: {  	v60 =	vld [tilespmem:s15+$0xAF50]  }
0x17d: {  	v61 =	vld [tilespmem:s15+$0xAF60];
	v2 =	vadd.f32 v4, v2  }
0x17e: {  	v21 =	vld [tilespmem:s15+$0x17700];
	v1 =	vadd.f32 v1, v6;
	v3 =	vadd.f32 v3, v7  }
0x17f: {  	v22 =	vld [tilespmem:s15+$0x17710];
	v5 =	vadd.f32 v5, v8;
	v8 =	vadd.f32 v55, v2  }
0x180: {  	v23 =	vld [tilespmem:s15+$0x17720];
	v62 =	vadd.f32 v57, v3;
	v0 =	vadd.f32 v0, v9  }
0x181: {  	v7 =	vld [tilespmem:s15+$0x17730];
	v9 =	vadd.f32 v11, v10;
	v10 =	vadd.f32 v54, v53  }
0x182: {  	v4 =	vld [tilespmem:s15+$0x17740];
	v11 =	vadd.f32 v56, v1;
	v6 =	vadd.f32 v58, v5  }
0x183: {  	v5 =	vld [tilespmem:s15+$0x17750];
	v63 =	vadd.f32 v21, v8;
	v2 =	vadd.f32 v59, v0  }
0x184: {  	s17 =	simm.s32 $0x80;
	v8 =	vld [tilespmem:s15+$0x17760];
	v3 =	vadd.f32 v60, v9;
	v9 =	vadd.f32 v22, v11  }
0x185: {  	s11 =	simm.s32 $0x400;
	v1 =	vld [tilespmem:s17+$0x4B70];
	v0 =	vadd.f32 v61, v10;
	[tilespmem:s15+$0x1A900] =	vst v63;
	v10 =	vadd.f32 v23, v62  }
.LBB2_7:
0x186: {  	p0 =	sne.s32 s11, $0xC600;
	v11 =	vld [tilespmem:s17+$0x7D70];
	[tilespmem:s15+$0x1A910] =	vst v9;
	v6 =	vadd.f32 v7, v6  }
0x187: {  	v7 =	vld [tilespmem:s17+$0x4B00];
	[tilespmem:s15+$0x1A920] =	vst v10;
	v2 =	vadd.f32 v4, v2  }
0x188: {  	v4 =	vld [tilespmem:s17+$0xAF70];
	[tilespmem:s15+$0x1A930] =	vst v6;
	v3 =	vadd.f32 v5, v3  }
0x189: {  	v5 =	vld [tilespmem:s17+$0x7D00];
	[tilespmem:s15+$0x1A940] =	vst v2;
	v0 =	vadd.f32 v8, v0  }
0x18a: {  	v2 =	vld [tilespmem:s17+$0x17770];
	[tilespmem:s15+$0x1A950] =	vst v3  }
0x18b: {  	v3 =	vld [tilespmem:s17+$0x4B10];
	v1 =	vadd.f32 v11, v1;
	[tilespmem:s15+$0x1A960] =	vst v0;
	s15 =	smov.u32 s17  }
0x18c: {  	v0 =	vld [tilespmem:s15+$0x7D10]  }
0x18d: {  	v6 =	vld [tilespmem:s15+$0x4B20];
	v1 =	vadd.f32 v4, v1  }
0x18e: {  	v4 =	vadd.f32 v5, v7;
	v5 =	vld [tilespmem:s15+$0x7D20]  }
0x18f: {  	v7 =	vld [tilespmem:s15+$0x4B30];
	v1 =	vadd.f32 v2, v1  }
0x190: {  	v2 =	vld [tilespmem:s15+$0x7D30]  }
0x191: {  	v0 =	vadd.f32 v0, v3;
	v3 =	vld [tilespmem:s15+$0x4B40];
	[tilespmem:s15+$0x1A970] =	vst v1  }
0x192: {  	v1 =	vld [tilespmem:s15+$0x7D40]  }
0x193: {  	v5 =	vadd.f32 v5, v6;
	v6 =	vld [tilespmem:s15+$0x4B50]  }
0x194: {  	v8 =	vld [tilespmem:s15+$0x7D50]  }
0x195: {  	v2 =	vadd.f32 v2, v7;
	v7 =	vld [tilespmem:s15+$0x4B60]  }
0x196: {  	v9 =	vld [tilespmem:s15+$0x7D60]  }
0x197: {  	v10 =	vld [tilespmem:s15+$0xAF00];
	v1 =	vadd.f32 v1, v3  }
0x198: {  	v3 =	vld [tilespmem:s15+$0xAF10]  }
0x199: {  	v11 =	vld [tilespmem:s15+$0xAF20];
	v8 =	vadd.f32 v8, v6  }
0x19a: {  	v6 =	vld [tilespmem:s15+$0xAF30]  }
0x19b: {  	v12 =	vld [tilespmem:s15+$0xAF40];
	v9 =	vadd.f32 v9, v7  }
0x19c: {  	v10 =	vadd.f32 v10, v4;
	v4 =	vld [tilespmem:s15+$0xAF50]  }
0x19d: {  	v13 =	vadd.f32 v3, v0;
	v0 =	vld [tilespmem:s15+$0xAF60]  }
0x19e: {  	v14 =	vld [tilespmem:s15+$0x17700];
	v11 =	vadd.f32 v11, v5  }
0x19f: {  	v15 =	vld [tilespmem:s15+$0x17710];
	v6 =	vadd.f32 v6, v2  }
0x1a0: {  	v16 =	vld [tilespmem:s15+$0x17720];
	v2 =	vadd.f32 v12, v1  }
.Ltmp2:
0x1a1: {  	v7 =	vld [tilespmem:s15+$0x17730];
	v3 =	vadd.f32 v4, v8;
	(pc) =	sbr.rel @p0 .LBB2_7-.Ltmp2, $4  }
0x1a2: {  	v4 =	vld [tilespmem:s15+$0x17740];
	v0 =	vadd.f32 v0, v9  }
0x1a3: {  	v10 =	vadd.f32 v14, v10;
	v5 =	vld [tilespmem:s15+$0x17750]  }
0x1a4: {  	s17 =	sshra.s32 s11, $0x2;
	v9 =	vadd.f32 v15, v13;
	v8 =	vld [tilespmem:s15+$0x17760]  }
0x1a5: {  	s11 =	sadd.s32 $0x200, s11;
	v1 =	vld [tilespmem:s17+$0x4B70];
	[tilespmem:s15+$0x1A900] =	vst v10;
	v10 =	vadd.f32 v16, v11  }
0x1a6: {  	v11 =	vld [tilespmem:s17+$0x7D70];
	[tilespmem:s15+$0x1A910] =	vst v9;
	v6 =	vadd.f32 v7, v6  }
0x1a7: {  	v9 =	vld [tilespmem:s17+$0x4B00];
	[tilespmem:s15+$0x1A920] =	vst v10;
	v2 =	vadd.f32 v4, v2  }
0x1a8: {  	v39 =	vld [tilespmem:s17+$0xAF70];
	[tilespmem:s15+$0x1A930] =	vst v6;
	v3 =	vadd.f32 v5, v3  }
0x1a9: {  	v40 =	vld [tilespmem:s17+$0x7D00];
	[tilespmem:s15+$0x1A940] =	vst v2;
	v0 =	vadd.f32 v8, v0  }
0x1aa: {  	v2 =	vld [tilespmem:s17+$0x17770];
	[tilespmem:s15+$0x1A950] =	vst v3  }
0x1ab: {  	v3 =	vld [tilespmem:s17+$0x4B10];
	[tilespmem:s15+$0x1A960] =	vst v0  }
0x1ac: {  	v42 =	vld [tilespmem:s17+$0x7D10]  }
0x1ad: {  	v43 =	vld [tilespmem:s17+$0x4B20]  }
0x1ae: {  	v6 =	vld [tilespmem:s17+$0x7D20]  }
0x1af: {  	v44 =	vld [tilespmem:s17+$0x4B30]  }
0x1b0: {  	v45 =	vld [tilespmem:s17+$0x7D30]  }
0x1b1: {  	v46 =	vld [tilespmem:s17+$0x4B40]  }
0x1b2: {  	v47 =	vld [tilespmem:s17+$0x7D40]  }
0x1b3: {  	v10 =	vld [tilespmem:s17+$0x4B50]  }
0x1b4: {  	v48 =	vld [tilespmem:s17+$0x7D50]  }
0x1b5: {  	v12 =	vld [tilespmem:s17+$0x4B60]  }
0x1b6: {  	v13 =	vld [tilespmem:s17+$0x7D60]  }
0x1b7: {  	v14 =	vld [tilespmem:s17+$0xAF00]  }
0x1b8: {  	v15 =	vld [tilespmem:s17+$0xAF10]  }
0x1b9: {  	v16 =	vld [tilespmem:s17+$0xAF20]  }
0x1ba: {  	v41 =	vadd.f32 v11, v1;
	v17 =	vld [tilespmem:s17+$0xAF30]  }
0x1bb: {  	v18 =	vld [tilespmem:s17+$0xAF40]  }
0x1bc: {  	v19 =	vld [tilespmem:s17+$0xAF50];
	v0 =	vadd.f32 v39, v41  }
0x1bd: {  	v20 =	vld [tilespmem:s17+$0xAF60]  }
0x1be: {  	v49 =	vld [tilespmem:s17+$0x17700];
	v4 =	vadd.f32 v40, v9;
	v0 =	vadd.f32 v2, v0  }
0x1bf: {  	v51 =	vld [tilespmem:s17+$0x17710];
	v1 =	vadd.f32 v42, v3;
	v50 =	vadd.f32 v6, v43  }
0x1c0: {  	v52 =	vld [tilespmem:s17+$0x17720];
	[tilespmem:s17+$0x1A970] =	vst v0;
	v2 =	vadd.f32 v45, v44;
	v0 =	vadd.f32 v47, v46  }
0x1c1: {  	v54 =	vld [tilespmem:s17+$0x17730];
	v53 =	vadd.f32 v48, v10;
	v4 =	vadd.f32 v14, v4  }
0x1c2: {  	v56 =	vld [tilespmem:s17+$0x17740];
	v55 =	vadd.f32 v13, v12;
	v1 =	vadd.f32 v15, v1  }
0x1c3: {  	v57 =	vld [tilespmem:s17+$0x17750];
	v3 =	vadd.f32 v16, v50;
	v4 =	vadd.f32 v49, v4  }
0x1c4: {  	v58 =	vld [tilespmem:s17+$0x17760];
	v2 =	vadd.f32 v17, v2;
	v1 =	vadd.f32 v51, v1  }
0x1c5: {  	v0 =	vadd.f32 v18, v0;
	[tilespmem:s17+$0x1A900] =	vst v4;
	v3 =	vadd.f32 v52, v3  }
0x1c6: {  	s12 =	sadd.s32 $0x1, s12;
	v59 =	vadd.f32 v19, v53;
	v60 =	vadd.f32 v54, v2;
	[tilespmem:s17+$0x1A910] =	vst v1  }
0x1c7: {  	p0 =	sne.s32 s12, $0xF;
	v61 =	vadd.f32 v20, v55;
	v0 =	vadd.f32 v56, v0;
	[tilespmem:s17+$0x1A920] =	vst v3  }
.Ltmp3:
0x1c8: {  	s11 =	sadd.s32 s4, s14;
	v62 =	vadd.f32 v57, v59;
	[tilespmem:s17+$0x1A930] =	vst v60;
	(pc) =	sbr.rel @p0 .LBB2_4-.Ltmp3, $4  }
0x1c9: {  	s11 =	sshll.u32 s11, $0x3;
	v63 =	vadd.f32 v58, v61;
	[tilespmem:s17+$0x1A940] =	vst v0  }
0x1ca: {  	s11 =	sand.u32 $0x1FFFFF80, s11;
	[tilespmem:s17+$0x1A950] =	vst v62  }
0x1cb: {  	s11 =	sadd.s32 s2, s11;
	[tilespmem:s17+$0x1A960] =	vst v63  }
0x1cc: {  	[hbm4b:s11+s3] =	stream.linear.scatter [tilespmem:s8], [sflag:$0x4], $0x3200, $0x38;
	[tilespmem:$0x1DB00] =	vst v63  }
0x1cd: {  	_ =	swait.ge [sflag:s9], $0x1A00  }
0x1ce: {  	[sflag:s9] =	ssyncset.done $0x0  }
0x1cf: {  	[sflag:s9] =	ssyncadd.s32 $0xFFFFE600  }
0x1d0: {  	_ =	swait.ge [sflag:s9], $0x1800  }
0x1d1: {  	[sflag:s9] =	ssyncset.done $0x0  }
0x1d2: {  	[sflag:s9] =	ssyncadd.s32 $0xFFFFE800  }
0x1d3: {  	_ =	swait.ge [sflag:s9], $0x1A00  }
0x1d4: {  	[sflag:s9] =	ssyncset.done $0x0  }
0x1d5: {  	[sflag:s9] =	ssyncadd.s32 $0xFFFFE600  }
0x1d6: {  	_ =	swait.ge [sflag:s9], $0x1800  }
0x1d7: {  	[sflag:s9] =	ssyncset.done $0x0  }
0x1d8: {  	[sflag:s9] =	ssyncadd.s32 $0xFFFFE800  }
0x1d9: {  	_ =	swait.ge [sflag:s9], $0x1A00  }
0x1da: {  	[sflag:s9] =	ssyncset.done $0x0  }
0x1db: {  	[sflag:s9] =	ssyncadd.s32 $0xFFFFE600  }
0x1dc: {  	_ =	swait.ge [sflag:s9], $0x1800  }
0x1dd: {  	[sflag:s9] =	ssyncset.done $0x0  }
0x1de: {  	[sflag:s9] =	ssyncadd.s32 $0xFFFFE800  }
0x1df: {  	_ =	swait.ge [sflag:s10], $0x3200  }
0x1e0: {  	[sflag:s10] =	ssyncset.done $0x0  }
0x1e1: {  	s12 =	simm.s32 $0x0;
	[sflag:s10] =	ssyncadd.s32 $0xFFFFCE00  }
0x1e2: {  	v0 =	vld [tilespmem:s12+$0xE170]  }
0x1e3: {  	v1 =	vld [tilespmem:s12+$0x11370]  }
0x1e4: {  	v2 =	vld [tilespmem:s12+$0xE100]  }
0x1e5: {  	v3 =	vld [tilespmem:s12+$0x14570]  }
0x1e6: {  	v4 =	vld [tilespmem:s12+$0x11300]  }
0x1e7: {  	v5 =	vld [tilespmem:s12+$0x17770]  }
0x1e8: {  	v6 =	vld [tilespmem:s12+$0xE110]  }
0x1e9: {  	v7 =	vld [tilespmem:s12+$0xE120]  }
0x1ea: {  	v8 =	vld [tilespmem:s12+$0xE130]  }
0x1eb: {  	v9 =	vld [tilespmem:s12+$0xE140]  }
0x1ec: {  	v10 =	vld [tilespmem:s12+$0xE150]  }
0x1ed: {  	v11 =	vld [tilespmem:s12+$0x11350]  }
0x1ee: {  	v12 =	vld [tilespmem:s12+$0xE160]  }
0x1ef: {  	v13 =	vld [tilespmem:s12+$0x11360]  }
0x1f0: {  	v14 =	vld [tilespmem:s12+$0x14500]  }
0x1f1: {  	v15 =	vld [tilespmem:s12+$0x14510]  }
0x1f2: {  	v16 =	vld [tilespmem:s12+$0x14520];
	v0 =	vadd.f32 v1, v0  }
0x1f3: {  	v17 =	vld [tilespmem:s12+$0x14530]  }
0x1f4: {  	v18 =	vld [tilespmem:s12+$0x14540];
	v0 =	vadd.f32 v3, v0  }
0x1f5: {  	v1 =	vld [tilespmem:s12+$0x11310]  }
0x1f6: {  	v3 =	vld [tilespmem:s12+$0x11320];
	v0 =	vadd.f32 v5, v0  }
0x1f7: {  	v5 =	vld [tilespmem:s12+$0x11330]  }
0x1f8: {  	[tilespmem:s12+$0x1A970] =	vst v0;
	v0 =	vld [tilespmem:s12+$0x11340]  }
0x1f9: {  	v19 =	vld [tilespmem:s12+$0x14550]  }
0x1fa: {  	v20 =	vld [tilespmem:s12+$0x14560];
	v2 =	vadd.f32 v4, v2  }
0x1fb: {  	v21 =	vld [tilespmem:s12+$0x17700];
	v1 =	vadd.f32 v1, v6;
	v3 =	vadd.f32 v3, v7  }
0x1fc: {  	v22 =	vld [tilespmem:s12+$0x17710];
	v5 =	vadd.f32 v5, v8;
	v8 =	vadd.f32 v14, v2  }
0x1fd: {  	v23 =	vld [tilespmem:s12+$0x17720];
	v62 =	vadd.f32 v16, v3;
	v0 =	vadd.f32 v0, v9  }
0x1fe: {  	v7 =	vld [tilespmem:s12+$0x17730];
	v9 =	vadd.f32 v11, v10;
	v10 =	vadd.f32 v13, v12  }
0x1ff: {  	v4 =	vld [tilespmem:s12+$0x17740];
	v11 =	vadd.f32 v15, v1;
	v6 =	vadd.f32 v17, v5  }
0x200: {  	v5 =	vld [tilespmem:s12+$0x17750];
	v63 =	vadd.f32 v21, v8;
	v2 =	vadd.f32 v18, v0  }
0x201: {  	s14 =	simm.s32 $0x80;
	v8 =	vld [tilespmem:s12+$0x17760];
	v3 =	vadd.f32 v19, v9;
	v9 =	vadd.f32 v22, v11  }
0x202: {  	s11 =	simm.s32 $0x400;
	v1 =	vld [tilespmem:s14+$0xE170];
	v0 =	vadd.f32 v20, v10;
	[tilespmem:s12+$0x1A900] =	vst v63;
	v10 =	vadd.f32 v23, v62  }
.LBB2_10:
0x203: {  	p0 =	sne.s32 s11, $0xC600;
	v11 =	vld [tilespmem:s14+$0x11370];
	[tilespmem:s12+$0x1A910] =	vst v9;
	v6 =	vadd.f32 v7, v6  }
0x204: {  	v7 =	vld [tilespmem:s14+$0xE100];
	[tilespmem:s12+$0x1A920] =	vst v10;
	v2 =	vadd.f32 v4, v2  }
0x205: {  	v4 =	vld [tilespmem:s14+$0x14570];
	[tilespmem:s12+$0x1A930] =	vst v6;
	v3 =	vadd.f32 v5, v3  }
0x206: {  	v5 =	vld [tilespmem:s14+$0x11300];
	[tilespmem:s12+$0x1A940] =	vst v2;
	v0 =	vadd.f32 v8, v0  }
0x207: {  	v2 =	vld [tilespmem:s14+$0x17770];
	[tilespmem:s12+$0x1A950] =	vst v3  }
0x208: {  	v3 =	vld [tilespmem:s14+$0xE110];
	v1 =	vadd.f32 v11, v1;
	[tilespmem:s12+$0x1A960] =	vst v0;
	s12 =	smov.u32 s14  }
0x209: {  	v0 =	vld [tilespmem:s12+$0x11310]  }
0x20a: {  	v6 =	vld [tilespmem:s12+$0xE120];
	v1 =	vadd.f32 v4, v1  }
0x20b: {  	v4 =	vadd.f32 v5, v7;
	v5 =	vld [tilespmem:s12+$0x11320]  }
0x20c: {  	v7 =	vld [tilespmem:s12+$0xE130];
	v1 =	vadd.f32 v2, v1  }
0x20d: {  	v2 =	vld [tilespmem:s12+$0x11330]  }
0x20e: {  	v0 =	vadd.f32 v0, v3;
	v3 =	vld [tilespmem:s12+$0xE140];
	[tilespmem:s12+$0x1A970] =	vst v1  }
0x20f: {  	v1 =	vld [tilespmem:s12+$0x11340]  }
0x210: {  	v5 =	vadd.f32 v5, v6;
	v6 =	vld [tilespmem:s12+$0xE150]  }
0x211: {  	v8 =	vld [tilespmem:s12+$0x11350]  }
0x212: {  	v2 =	vadd.f32 v2, v7;
	v7 =	vld [tilespmem:s12+$0xE160]  }
0x213: {  	v9 =	vld [tilespmem:s12+$0x11360]  }
0x214: {  	v10 =	vld [tilespmem:s12+$0x14500];
	v1 =	vadd.f32 v1, v3  }
0x215: {  	v3 =	vld [tilespmem:s12+$0x14510]  }
0x216: {  	v11 =	vld [tilespmem:s12+$0x14520];
	v8 =	vadd.f32 v8, v6  }
0x217: {  	v6 =	vld [tilespmem:s12+$0x14530]  }
0x218: {  	v12 =	vld [tilespmem:s12+$0x14540];
	v9 =	vadd.f32 v9, v7  }
0x219: {  	v10 =	vadd.f32 v10, v4;
	v4 =	vld [tilespmem:s12+$0x14550]  }
0x21a: {  	v13 =	vadd.f32 v3, v0;
	v0 =	vld [tilespmem:s12+$0x14560]  }
0x21b: {  	v14 =	vld [tilespmem:s12+$0x17700];
	v11 =	vadd.f32 v11, v5  }
0x21c: {  	v15 =	vld [tilespmem:s12+$0x17710];
	v6 =	vadd.f32 v6, v2  }
0x21d: {  	v16 =	vld [tilespmem:s12+$0x17720];
	v2 =	vadd.f32 v12, v1  }
.Ltmp4:
0x21e: {  	v7 =	vld [tilespmem:s12+$0x17730];
	v3 =	vadd.f32 v4, v8;
	(pc) =	sbr.rel @p0 .LBB2_10-.Ltmp4, $4  }
0x21f: {  	v4 =	vld [tilespmem:s12+$0x17740];
	v0 =	vadd.f32 v0, v9  }
0x220: {  	v10 =	vadd.f32 v14, v10;
	v5 =	vld [tilespmem:s12+$0x17750]  }
0x221: {  	s14 =	sshra.s32 s11, $0x2;
	v9 =	vadd.f32 v15, v13;
	v8 =	vld [tilespmem:s12+$0x17760]  }
0x222: {  	s11 =	sadd.s32 $0x200, s11;
	v1 =	vld [tilespmem:s14+$0xE170];
	[tilespmem:s12+$0x1A900] =	vst v10;
	v10 =	vadd.f32 v16, v11  }
0x223: {  	v11 =	vld [tilespmem:s14+$0x11370];
	[tilespmem:s12+$0x1A910] =	vst v9;
	v6 =	vadd.f32 v7, v6  }
0x224: {  	v9 =	vld [tilespmem:s14+$0xE100];
	[tilespmem:s12+$0x1A920] =	vst v10;
	v2 =	vadd.f32 v4, v2  }
0x225: {  	v39 =	vld [tilespmem:s14+$0x14570];
	[tilespmem:s12+$0x1A930] =	vst v6;
	v3 =	vadd.f32 v5, v3  }
0x226: {  	v40 =	vld [tilespmem:s14+$0x11300];
	[tilespmem:s12+$0x1A940] =	vst v2;
	v0 =	vadd.f32 v8, v0  }
0x227: {  	v2 =	vld [tilespmem:s14+$0x17770];
	[tilespmem:s12+$0x1A950] =	vst v3  }
0x228: {  	v3 =	vld [tilespmem:s14+$0xE110];
	[tilespmem:s12+$0x1A960] =	vst v0  }
0x229: {  	v42 =	vld [tilespmem:s14+$0x11310]  }
0x22a: {  	v43 =	vld [tilespmem:s14+$0xE120]  }
0x22b: {  	v6 =	vld [tilespmem:s14+$0x11320]  }
0x22c: {  	v44 =	vld [tilespmem:s14+$0xE130]  }
0x22d: {  	v45 =	vld [tilespmem:s14+$0x11330]  }
0x22e: {  	v46 =	vld [tilespmem:s14+$0xE140]  }
0x22f: {  	v47 =	vld [tilespmem:s14+$0x11340]  }
0x230: {  	v10 =	vld [tilespmem:s14+$0xE150]  }
0x231: {  	v48 =	vld [tilespmem:s14+$0x11350]  }
0x232: {  	v12 =	vld [tilespmem:s14+$0xE160]  }
0x233: {  	v13 =	vld [tilespmem:s14+$0x11360]  }
0x234: {  	v14 =	vld [tilespmem:s14+$0x14500]  }
0x235: {  	v15 =	vld [tilespmem:s14+$0x14510]  }
0x236: {  	v16 =	vld [tilespmem:s14+$0x14520]  }
0x237: {  	v41 =	vadd.f32 v11, v1;
	v17 =	vld [tilespmem:s14+$0x14530]  }
0x238: {  	v18 =	vld [tilespmem:s14+$0x14540]  }
0x239: {  	v19 =	vld [tilespmem:s14+$0x14550];
	v0 =	vadd.f32 v39, v41  }
0x23a: {  	v20 =	vld [tilespmem:s14+$0x14560]  }
0x23b: {  	v49 =	vld [tilespmem:s14+$0x17700];
	v4 =	vadd.f32 v40, v9;
	v0 =	vadd.f32 v2, v0  }
0x23c: {  	v51 =	vld [tilespmem:s14+$0x17710];
	v1 =	vadd.f32 v42, v3;
	v50 =	vadd.f32 v6, v43  }
0x23d: {  	v52 =	vld [tilespmem:s14+$0x17720];
	[tilespmem:s14+$0x1A970] =	vst v0;
	v2 =	vadd.f32 v45, v44;
	v0 =	vadd.f32 v47, v46  }
0x23e: {  	v54 =	vld [tilespmem:s14+$0x17730];
	v53 =	vadd.f32 v48, v10;
	v4 =	vadd.f32 v14, v4  }
0x23f: {  	v56 =	vld [tilespmem:s14+$0x17740];
	v55 =	vadd.f32 v13, v12;
	v1 =	vadd.f32 v15, v1  }
0x240: {  	v57 =	vld [tilespmem:s14+$0x17750];
	v3 =	vadd.f32 v16, v50;
	v4 =	vadd.f32 v49, v4  }
0x241: {  	v58 =	vld [tilespmem:s14+$0x17760];
	v2 =	vadd.f32 v17, v2;
	v1 =	vadd.f32 v51, v1  }
0x242: {  	v0 =	vadd.f32 v18, v0;
	[tilespmem:s14+$0x1A900] =	vst v4;
	v3 =	vadd.f32 v52, v3  }
0x243: {  	v59 =	vadd.f32 v19, v53;
	v60 =	vadd.f32 v54, v2;
	[tilespmem:s14+$0x1A910] =	vst v1  }
0x244: {  	v61 =	vadd.f32 v20, v55;
	v0 =	vadd.f32 v56, v0;
	[tilespmem:s14+$0x1A920] =	vst v3  }
0x245: {  	v62 =	vadd.f32 v57, v59;
	[tilespmem:s14+$0x1A930] =	vst v60  }
0x246: {  	v63 =	vadd.f32 v58, v61;
	[tilespmem:s14+$0x1A940] =	vst v0  }
0x247: {  	[tilespmem:s14+$0x1A950] =	vst v62  }
0x248: {  	s11 =	rddreg [dreg:$0x8];
	[tilespmem:s14+$0x1A960] =	vst v63  }
0x249: {  	[hbm4b:s11+s3] =	stream.linear.scatter [tilespmem:s8], [sflag:$0x4], $0x3200, $0x38;
	[tilespmem:$0x1DB00] =	vst v63  }
0x24a: {  	_ =	swait.ge [sflag:s10], $0x3200  }
0x24b: {  	s17 =	rddreg [dreg:$0xa]  }
0x24c: {  	s20 =	rddreg [dreg:$0x9];
	s12 =	sadd.s32 $0x1, s17  }
0x24d: {  	p0 =	sne.s32 s12, s20  }
.Ltmp5:
0x24e: {  	_ = 	snop;
	(pc) =	sbr.rel @p0 .LBB2_1-.Ltmp5, $3  }
0x24f: {  	_ =	sdelay $0x1  }
0x250: {  	[sflag:s10] =	ssyncset.done $0x0  }
0x251: {  	[sflag:s10] =	ssyncadd.s32 $0xFFFFCE00  }
0x252: {  	_ =	sfence.sel $0x180000  }
0x253: {  	[bflag:$0x0] =	sbarrier.arrive $0xFFFF  }
0x254: {  	_ =	strace $0x90000047  }
0x255: {  	s0 =	stileid.u32;
	[bflag:$0x2] =	sbarrier.arrive $0xFFFF  }
0x256: {  	p0 =	sne.s32 s0, $0x0;
	s0 =	rddreg [dreg:$0x2]  }
0x257: {  	s0 =	sadd.s32 @!p0 $0x100000, s0  }
0x258: {  	[sflag:s0] =	ssyncadd.tile.s32 @!p0 $0x1;
	_ =	shalt  }
.Lfunc_end2:
_tile_overlayer_lowered:
.L_overlay_start_2:
0x259: {  	(tag) =	ssettag $0x2  }
0x25a: {  	s0 =	rddreg [dreg:$0x0];
	s2 =	stileid.u32  }
0x25b: {  	s1 =	rddreg [dreg:$0x1];
	p0 =	sne.s32 s2, $0x0  }
0x25c: {  	s3 =	rddreg [dreg:$0x2];
	[bflag:$0x3] =	sbarrier.arrive $0xFFFF;
	s2 =	simm.s32 @!p0 $0x1C05  }
0x25d: {  	[timem:s3], [sflag:s2] =	dma.local @!p0 [hbm:s0], s1  }
0x25e: {  	s0 =	simm.s32 @!p0 $0x5  }
0x25f: {  	_ =	swait.ge @!p0 [sflag:s0], s1  }
0x260: {  	s1 =	ssub.s32 @!p0 $0x0, s1;
	[sflag:s0] =	ssyncset.done @!p0 $0x0  }
0x261: {  	[sflag:s0] =	ssyncadd.s32 @!p0 s1  }
0x262: {  	[bflag:$0x3] =	sbarrier.arrive $0xFFFF  }
0x263: {  	_ =	shalt  }

// kernel: kernel.7.cloned.1.call-start
scs
__scs_entry_jumppad:
0x0: {  	(pc) =	sbr.rel $0x88, $3  }
0x1: {  	(tag) =	ssettag $0x0;
	lr =	simm.s32 $0x1  }
0x2: {  	[smem:$0x3F9A] =	sst lr;
	_ =	strace $0xD0000000  }
0x3: {  	_ = 	snop  }
0x4: {  	_ = 	snop  }
0x5: {  	_ = 	snop  }
0x6: {  	_ = 	snop  }
0x7: {  	_ = 	snop  }
__scs_overlays_trampoline_lowered:
0x8: {  	[smem:$0x3FA9] =	sst s0  }
0x9: {  	[smem:$0x3FAA] =	sst s1  }
0xa: {  	[smem:$0x3FAB] =	sst s2  }
0xb: {  	[smem:$0x3FAC] =	sst s3  }
0xc: {  	[smem:$0x3FAD] =	sst s4  }
0xd: {  	[smem:$0x3FAE] =	sst s5  }
0xe: {  	[smem:$0x3FAF] =	sst s6  }
0xf: {  	[smem:$0x3FB0] =	sst s7  }
0x10: {  	[smem:$0x3FB1] =	sst s8  }
0x11: {  	[smem:$0x3FB2] =	sst s9;
	s0 =	simm.s32 @!p0 $0x0  }
0x12: {  	s1 =	sld [smem:$0x3F98];
	s0 =	simm.s32 @p0 $0x1  }
0x13: {  	[smem:$0x3FB3] =	sst s0;
	s0 =	simm.s32 @!p1 $0x0  }
0x14: {  	s2 =	sld [smem:$0x3F97];
	s0 =	simm.s32 @p1 $0x1  }
0x15: {  	[smem:$0x3FB4] =	sst s0;
	s0 =	simm.s32 @!p2 $0x0  }
0x16: {  	s3 =	sld [smem:$0x3FDB];
	s0 =	simm.s32 @p2 $0x1  }
0x17: {  	s4 =	simm.s32 $0x1BF5;
	[smem:$0x3FB6] =	sst s0  }
0x18: {  	s0 =	sld [smem:$0x3F99];
	_ =	swait.ge [sflag:s4], $0x0  }
0x19: {  	s7 =	sld [smem:$0x3F9A]  }
0x1a: {  	s8 =	sadd.s32 $0xFFFFE003, lr  }
0x1b: {  	s9 =	sadd.s32 $0xFFFFFEF7, lr;
	s5 =	simm.s32 $0xFFFFFFFF;
	p2 =	slt.u32 s8, $0xFFFFF086  }
0x1c: {  	p1 =	slt.u32 s9, $0xF7A;
	s5 =	simm.s32 @!p2 $0x0  }
0x1d: {  	s5 =	simm.s32 @p1 $0x1;
	p0 =	seq.s32 s7, s2  }
0x1e: {  	s7 =	smul.u32 @!p0 $0xF7A, s2;
	p2 =	seq.s32 @!p0 s5, $0x0  }
0x1f: {  	s9 =	smul.u32 $0xF7A, s1;
	s8 =	simm.s32 @!p0 $0x1BF5;
	p2 =	por !p2, p0  }
0x20: {  	[sflag:s8] =	ssyncset.s32 @!p0 $0xFFFFF086;
	s6 =	sadd.s32 @!p0 s3, s7;
	s7 =	simm.s32 @!p0 $0x108  }
0x21: {  	s3 =	sadd.s32 s3, s9;
	s6 =	sadd.s32 @!p0 $0x88, s6;
	s7 =	simm.s32 @p2 $0x1082  }
0x22: {  	[simem:s7], [sflag:s8] =	dma.local @!p0 [hbm:s6], $0xF7A  }
0x23: {  	s9 =	sor.u32 $0xD0000000, s2;
	s6 =	simm.s32 $0x108;
	_ =	swait.ge @!p0 [sflag:s8], $0x0  }
0x24: {  	s3 =	sadd.s32 $0x88, s3;
	s6 =	simm.s32 @!p1 $0x1082;
	[sflag:s4] =	ssyncset.s32 $0xFFFFF086  }
0x25: {  	[simem:s6], [sflag:s4] =	dma.local [hbm:s3], $0xF7A  }
0x26: {  	[smem:$0x3F9A] =	sst s1;
	(tag) =	ssettag s2;
	_ =	strace s9  }
0x27: {  	s1 =	sld [smem:$0x3FAA]  }
0x28: {  	s2 =	sld [smem:$0x3FAB]  }
0x29: {  	s4 =	sld [smem:$0x3FAD]  }
0x2a: {  	p0 =	seq.s32 s5, $0x0;
	s5 =	sld [smem:$0x3FAE]  }
0x2b: {  	s6 =	sld [smem:$0x3FAF]  }
0x2c: {  	s7 =	sld [smem:$0x3FB0]  }
0x2d: {  	s3 =	simm.s32 $0x108;
	s8 =	sld [smem:$0x3FB1]  }
0x2e: {  	s3 =	simm.s32 @!p0 $0x1082;
	s9 =	sld [smem:$0x3FB2]  }
0x2f: {  	lr =	sadd.s32 s0, s3;
	s0 =	sld [smem:$0x3FA9]  }
0x30: {  	s3 =	sld [smem:$0x3FAC]  }
0x31: {  	[smem:$0x3FB5] =	sst s10  }
0x32: {  	s10 =	sld [smem:$0x3FB3];
	_ =	sdelay $0x3  }
0x33: {  	p0 =	seq.s32 s10, $0x1;
	s10 =	sld [smem:$0x3FB5];
	_ =	sdelay $0x3  }
0x34: {  	[smem:$0x3FB5] =	sst s10  }
0x35: {  	s10 =	sld [smem:$0x3FB4];
	_ =	sdelay $0x3  }
0x36: {  	p1 =	seq.s32 s10, $0x1;
	s10 =	sld [smem:$0x3FB5];
	_ =	sdelay $0x3  }
0x37: {  	[smem:$0x3FB5] =	sst s10  }
0x38: {  	s10 =	sld [smem:$0x3FB6]  }
0x39: {  	_ = 	snop;
	(pc) =	sbr.ind lr, $3  }
0x3a: {  	_ = 	snop  }
0x3b: {  	_ = 	snop  }
0x3c: {  	p2 =	seq.s32 s10, $0x1;
	s10 =	sld [smem:$0x3FB5]  }
0x3d: {  	_ =	shalt  }
0x3e: {  	_ =	shalt  }
0x3f: {  	_ =	shalt  }
0x40: {  	_ =	shalt  }
0x41: {  	_ =	shalt  }
0x42: {  	_ =	shalt  }
0x43: {  	_ =	shalt  }
0x44: {  	_ =	shalt  }
0x45: {  	_ =	shalt  }
0x46: {  	_ =	shalt  }
0x47: {  	_ =	shalt  }
0x48: {  	_ =	shalt  }
0x49: {  	_ =	shalt  }
0x4a: {  	_ =	shalt  }
0x4b: {  	_ =	shalt  }
0x4c: {  	_ =	shalt  }
0x4d: {  	_ =	shalt  }
0x4e: {  	_ =	shalt  }
0x4f: {  	_ =	shalt  }
0x50: {  	_ =	shalt  }
0x51: {  	_ =	shalt  }
0x52: {  	_ =	shalt  }
0x53: {  	_ =	shalt  }
0x54: {  	_ =	shalt  }
0x55: {  	_ =	shalt  }
0x56: {  	_ =	shalt  }
0x57: {  	_ =	shalt  }
0x58: {  	_ =	shalt  }
0x59: {  	_ =	shalt  }
0x5a: {  	_ =	shalt  }
0x5b: {  	_ =	shalt  }
0x5c: {  	_ =	shalt  }
0x5d: {  	_ =	shalt  }
0x5e: {  	_ =	shalt  }
0x5f: {  	_ =	shalt  }
0x60: {  	_ =	shalt  }
0x61: {  	_ =	shalt  }
0x62: {  	_ =	shalt  }
0x63: {  	_ =	shalt  }
0x64: {  	_ =	shalt  }
0x65: {  	_ =	shalt  }
0x66: {  	_ =	shalt  }
0x67: {  	_ =	shalt  }
0x68: {  	_ =	shalt  }
0x69: {  	_ =	shalt  }
0x6a: {  	_ =	shalt  }
0x6b: {  	_ =	shalt  }
0x6c: {  	_ =	shalt  }
0x6d: {  	_ =	shalt  }
0x6e: {  	_ =	shalt  }
0x6f: {  	_ =	shalt  }
0x70: {  	_ =	shalt  }
0x71: {  	_ =	shalt  }
0x72: {  	_ =	shalt  }
0x73: {  	_ =	shalt  }
0x74: {  	_ =	shalt  }
0x75: {  	_ =	shalt  }
0x76: {  	_ =	shalt  }
0x77: {  	_ =	shalt  }
0x78: {  	_ =	shalt  }
0x79: {  	_ =	shalt  }
0x7a: {  	_ =	shalt  }
0x7b: {  	_ =	shalt  }
0x7c: {  	_ =	shalt  }
0x7d: {  	_ =	shalt  }
0x7e: {  	_ =	shalt  }
0x7f: {  	_ =	shalt  }
0x80: {  	_ =	shalt  }
0x81: {  	_ =	shalt  }
0x82: {  	_ =	shalt  }
0x83: {  	_ =	shalt  }
0x84: {  	_ =	shalt  }
0x85: {  	_ =	shalt  }
0x86: {  	_ =	shalt  }
0x87: {  	_ =	shalt  }
.Lfunc_end0:
.L_simem_size_0:
called_computation_lowered:
.L_overlay_start_0:
0x88: {  	s2 =	sld [smem:$0x3FD9]  }
0x89: {  	s3 =	sld [smem:$0x3FFE];
	_ =	sdelay $0x1  }
0x8a: {  	s1 =	srdreg.scid  }
0x8b: {  	s0 =	sand.u32 $0x1, s1  }
0x8c: {  	s17 =	sshll.u32 s0, $0xA;
	s2 =	sadd.s32 s3, s2  }
0x8d: {  	s2 =	sadd.s32 s2, s17  }
0x8e: {  	[smem:$0x3FC1] =	sst s2  }
0x8f: {  	_ = 	snop  }
0x90: {  	(tm) =	ssettm $0x1  }
0x91: {  	s18 =	sld [smem:$0x3FFB];
	_ =	sdelay $0x3  }
0x92: {  	_ =	strace s18  }
0x93: {  	s2 =	sld [smem:$0x3FFC];
	_ =	sdelay $0x3  }
0x94: {  	_ =	strace s2  }
0x95: {  	s2 =	sld [smem:$0x3FFD];
	_ =	sdelay $0x3  }
0x96: {  	_ =	strace s2  }
0x97: {  	_ =	strace $0x8FFFFFFF  }
0x98: {  	s19 =	sld [smem:$0x3FDB];
	_ =	sdelay $0x1  }
0x99: {  	s20 =	simm.s32 $_scs_section_size  }
0x9a: {  	s4 =	simm.s32 $_size__tile_overlayer_lowered;
	s5 =	simm.s32 $_tile_overlayer_lowered  }
0x9b: {  	s6 =	simm.s32 $0x1BFF;
	s21 =	sshll.u32 s5, $0x1;
	s3 =	sadd.s32 s20, s19  }
0x9c: {  	s22 =	simm.s32 $0x0;
	s4 =	sshll.u32 s4, $0x1;
	s5 =	sadd.s32 s21, s3  }
0x9d: {  	[timem:s22], [sflag:s6] =	dma.local [hbm:s5], s4  }
0x9e: {  	_ =	swait.ge [sflag:s6], s4  }
0x9f: {  	s4 =	ssub.s32 $0x0, s4;
	[sflag:s6] =	ssyncset.done $0x0  }
0xa0: {  	[sflag:s6] =	ssyncadd.s32 s4;
	_ =	sdelay $0x1  }
0xa1: {  	s23 =	simm.s32 $0x1B8B  }
0xa2: {  	_ =	swait.ge [sflag:s23], $0x1  }
0xa3: {  	[sflag:s23] =	ssyncset.done $0x0  }
0xa4: {  	[sflag:s23] =	ssyncadd.s32 $0xFFFFFFFF  }
0xa5: {  	s4 =	sld [smem:$0x0]  }
0xa6: {  	s5 =	sand.u32 $0xFFFFFFFE, s1  }
0xa7: {  	p0 =	sne.s32 s1, s5  }
0xa8: {  	s5 =	sshll.u32 @p0 s5, $0xE  }
0xa9: {  	s5 =	sadd.s32 @p0 $0x11B8D, s5;
	s6 =	sshll.u32 @p0 s4, $0x11  }
0xaa: {  	s5 =	sor.u32 @p0 s6, s5  }
0xab: {  	[sflag:s5] =	ssyncadd.remote.s32 @p0 $0x1;
	_ =	sdelay $0x1  }
0xac: {  	s5 =	simm.s32 @p0 $0x1B8D  }
0xad: {  	_ =	swait.eq @p0 [sflag:s5], $0x1  }
0xae: {  	[sflag:s5] =	ssyncadd.s32 @p0 $0xFFFFFFFF  }
0xaf: {  	s6 =	sshll.u32 @!p0 s1, $0xE  }
0xb0: {  	s6 =	sor.u32 @!p0 $0x4000, s6;
	s5 =	simm.s32 @!p0 $0x1B8D  }
0xb1: {  	s4 =	sshll.u32 @!p0 s4, $0x11;
	s6 =	sadd.s32 @!p0 $0x11B8D, s6;
	_ =	swait.eq @!p0 [sflag:s5], $0x1  }
0xb2: {  	s4 =	sor.u32 @!p0 s4, s6;
	[sflag:s5] =	ssyncadd.s32 @!p0 $0xFFFFFFFF  }
0xb3: {  	s25 =	simm.s32 $0x1B8E;
	s24 =	sld [smem:$0x3FFE];
	[sflag:s4] =	ssyncadd.remote.s32 @!p0 $0x1  }
0xb4: {  	s26 =	simm.s32 $execute0_lowered;
	[smem:$0x3FD2] =	sst s25  }
0xb5: {  	s5 =	sshll.u32 s26, $0x1;
	_ =	strace $0x80000049;
	[dreg:$0x1] =	wrdreg $0xFFFFFFFF  }
0xb6: {  	s28 =	simm.s32 $_size_execute0_lowered;
	s3 =	sadd.s32 s3, s5;
	[dreg:$0x0] =	wrdreg $0x0  }
0xb7: {  	s5 =	sshll.u32 s28, $0x1;
	[dreg:$0x2] =	wrdreg s3  }
0xb8: {  	[dreg:$0x3] =	wrdreg s5  }
0xb9: {  	[dreg:$0x4] =	wrdreg $0xC0  }
0xba: {  	_ =	task [dreg:s22], $0x5FFFF  }
0xbb: {  	[dreg:$0x1] =	wrdreg $0xFFFFFFFF  }
0xbc: {  	[dreg:$0x0] =	wrdreg $0x60  }
0xbd: {  	[dreg:$0x2] =	wrdreg s24  }
0xbe: {  	[dreg:$0x3] =	wrdreg $0x9  }
0xbf: {  	_ =	task.clear_ibuf [dreg:s22], $0x4FFFF;
	_ =	strace $0x90000049  }
0xc0: {  	s29 =	simm.s32 $0x9;
	_ =	strace $0x8000004B  }
0xc1: {  	_ =	swait.ge [sflag:s29], $0x1  }
0xc2: {  	[sflag:s29] =	ssyncadd.s32 $0xFFFFFFFF  }
0xc3: {  	_ =	strace $0x9000004B  }
0xc4: {  	_ =	sfence  }
0xc5: {  	s30 =	sld [smem:$0x0];
	_ =	sdelay $0x2  }
0xc6: {  	s31 =	sshll.u32 s1, $0xD;
	s1 =	sshrl.u32 s1, $0x2  }
0xc7: {  	s4 =	sand.u32 $0x4000, s31;
	s1 =	sadd.s32 s1, s30  }
0xc8: {  	s0 =	sor.u32 s4, s0;
	s1 =	sshll.u32 s1, $0x11  }
0xc9: {  	s0 =	sor.u32 s1, s0  }
0xca: {  	s0 =	sadd.s32 $0x8F2B, s0  }
0xcb: {  	[sflag:s0] =	ssyncadd.remote.s32 $0x1  }
0xcc: {  	_ =	sfence.sel $0xFFFF  }
0xcd: {  	[dreg:$0x0] =	wrdreg $0xFFFFFFFF;
	(pc) =	sbr.abs _section_cstart, $3  }
0xce: {  	[dreg:$0x1] =	wrdreg $0xFFFFFFFF  }
0xcf: {  	_ =	task.clear_ibuf [dreg:s22], $0x2FFFF;
	_ =	strace $0x9FFFFFFF  }
0xd0: {  	(tm) =	ssettm $0x7FFFFFFF  }
0xd1: {  	_ =	shalt  }
tec
execute0_lowered:
.L_overlay_start_1:
0x0: {  	(tag) =	ssettag $0x1  }
0x1: {  	s0 =	srdreg.scid  }
0x2: {  	s1 =	stileid.u32;
	s7 =	rddreg [dreg:$0x0]  }
0x3: {  	s3 =	simm.s32 $0x0;
	s21 =	simm.s32 $0x68;
	s22 =	simm.s32 $0x4B00  }
0x4: {  	s28 =	simm.s32 $0x9700;
	s29 =	simm.s32 $0xAF00;
	s31 =	simm.s32 $0xC900  }
0x5: {  	s30 =	simm.s32 $0x12D00;
	s16 =	simm.s32 $0x14500;
	s18 =	simm.s32 $0x15F00  }
0x6: {  	s19 =	simm.s32 $0x2;
	s12 =	simm.s32 $0x0;
	s0 =	sand.u32 $0x1, s0  }
0x7: {  	s1 =	sshll.u32 s1, $0x1;
	[smem:$0x7FF] =	sst s3;
	s5 =	sadd.s32 $0x26CC00, s7  }
0x8: {  	s6 =	sadd.s32 $0x330200, s7;
	s8 =	sadd.s32 $0x22A00, s7;
	s1 =	sor.u32 s0, s1  }
0x9: {  	_ =	strace $0x8000004A;
	s0 =	ssub.s32 $0x2, s0;
	s2 =	smul.u32 $0x1900, s1  }
0xa: {  	[dreg:$0x2] =	wrdreg s8;
	s10 =	sshrl.u32 s0, $0x1;
	s11 =	smul.u32 $0x64000, s1  }
0xb: {  	s8 =	sadd.s32 $0x3F3800, s7;
	s1 =	smul.u32 $0xC800, s1;
	s0 =	ssub.s32 s0, s10  }
0xc: {  	s10 =	simm.s32 $0x4;
	s4 =	sshrl.u32 s2, $0x3;
	s24 =	sshrl.u32 s11, $0x3  }
0xd: {  	s1 =	sadd.s32 s8, s1;
	s13 =	sor.u32 $0xC8, s2;
	s0 =	smax.u32 s0, $0x1  }
0xe: {  	s9 =	sadd.s32 s4, s7;
	s4 =	sadd.s32 $0x1A9600, s7;
	[dreg:$0x6] =	wrdreg s1  }
0xf: {  	s7 =	sadd.s32 s8, s24;
	[dreg:$0x8] =	wrdreg s0;
	s23 =	sadd.s32 $0x23200, s9  }
0x10: {  	s24 =	simm.s32 $0x6500;
	s25 =	sadd.s32 $0x1C600, s9;
	[dreg:$0x3] =	wrdreg s23  }
0x11: {  	s0 =	simm.s32 $0xE100;
	s9 =	sadd.s32 $0x16200, s9;
	[dreg:$0x4] =	wrdreg s25  }
0x12: {  	s1 =	simm.s32 $0x11300;
	s26 =	sadd.s32 $0xC1C0, s7;
	[dreg:$0x5] =	wrdreg s9  }
0x13: {  	s7 =	simm.s32 $0x1A900;
	[dreg:$0x7] =	wrdreg s26;
	s23 =	simm.s32 $0x60  }
0x14: {  	s25 =	simm.s32 $0x7D00;
	s26 =	simm.s32 $0xFB00;
	s9 =	simm.s32 $0x3  }
.LBB2_1:
0x15: {  	[dreg:$0x9] =	wrdreg s12  }
0x16: {  	s11 =	rddreg [dreg:$0x2];
	s17 =	simm.s32 $0x17700;
	s20 =	simm.s32 $0x5  }
0x17: {  	[tilespmem:s17], [sflag:$0x5] =	stream.linear.gather [hbm4b:s11+s3], $0x3200, $0x38;
	[tilespmem:$0x1DB00] =	vst v63  }
0x18: {  	_ =	swait.ge [sflag:s20], $0x3200  }
0x19: {  	[sflag:s20] =	ssyncset.done $0x0  }
0x1a: {  	s12 =	rddreg [dreg:$0x3];
	[sflag:s20] =	ssyncadd.s32 $0xFFFFCE00  }
0x1b: {  	[tilespmem:s3], [sflag:$0x1] =	stream.linear.gather [hbm4b:s12+s3], $0x1900, $0x38;
	[tilespmem:$0x1DB00] =	vst v63  }
0x1c: {  	s15 =	simm.s32 $0x1900;
	s14 =	rddreg [dreg:$0x4]  }
0x1d: {  	[tilespmem:s15], [sflag:$0x1] =	stream.linear.gather [hbm4b:s14+s3], $0x1900, $0x38;
	[tilespmem:$0x1DB00] =	vst v63  }
0x1e: {  	s17 =	rddreg [dreg:$0x5];
	s20 =	simm.s32 $0x1;
	s14 =	simm.s32 $0x3200  }
0x1f: {  	[tilespmem:s14], [sflag:$0x1] =	stream.linear.gather [hbm4b:s17+s3], $0x1900, $0x38;
	[tilespmem:$0x1DB00] =	vst v63  }
0x20: {  	_ =	swait.ge [sflag:s20], $0x1900  }
0x21: {  	[sflag:s20] =	ssyncset.done $0x0  }
0x22: {  	[sflag:s20] =	ssyncadd.s32 $0xFFFFE700  }
0x23: {  	_ =	swait.ge [sflag:s20], $0x1900  }
0x24: {  	[sflag:s20] =	ssyncset.done $0x0  }
0x25: {  	[sflag:s20] =	ssyncadd.s32 $0xFFFFE700  }
0x26: {  	_ =	swait.ge [sflag:s20], $0x1900  }
0x27: {  	[sflag:s20] =	ssyncset.done $0x0  }
0x28: {  	[sflag:s20] =	ssyncadd.s32 $0xFFFFE700  }
0x29: {  	[tilespmem:s22], [sflag:$0x2] =	stream.indirect.gather [hbm4b:s4+s21], $0x40, s3, s21, $0xb8;
	[tilespmem:$0x1DB00] =	vst v63  }
0x2a: {  	_ = 	snop  }
0x2b: {  	[tilespmem:s24], [sflag:$0x2] =	stream.indirect.gather [hbm4b:s4+s23], $0x40, s21, s23, $0xb8;
	[tilespmem:$0x1DB00] =	vst v63  }
0x2c: {  	_ = 	snop  }
0x2d: {  	[tilespmem:s25], [sflag:$0x2] =	stream.indirect.gather [hbm4b:s5+s21], $0x40, s15, s21, $0xb8;
	[tilespmem:$0x1DB00] =	vst v63  }
0x2e: {  	s15 =	simm.s32 $0x1968  }
0x2f: {  	[tilespmem:s28], [sflag:$0x2] =	stream.indirect.gather [hbm4b:s5+s23], $0x40, s15, s23, $0xb8;
	[tilespmem:$0x1DB00] =	vst v63  }
0x30: {  	_ = 	snop  }
0x31: {  	[tilespmem:s29], [sflag:$0x2] =	stream.indirect.gather [hbm4b:s6+s21], $0x40, s14, s21, $0xb8;
	[tilespmem:$0x1DB00] =	vst v63  }
0x32: {  	s17 =	simm.s32 $0x3268  }
0x33: {  	[tilespmem:s31], [sflag:$0x2] =	stream.indirect.gather [hbm4b:s6+s23], $0x40, s17, s23, $0xb8;
	[tilespmem:$0x1DB00] =	vst v63  }
0x34: {  	s20 =	simm.s32 $0xC8  }
0x35: {  	[tilespmem:s0], [sflag:$0x3] =	stream.indirect.gather [hbm4b:s4+s21], $0x40, s20, s21, $0xb8;
	[tilespmem:$0x1DB00] =	vst v63  }
0x36: {  	s12 =	simm.s32 $0x130  }
0x37: {  	[tilespmem:s26], [sflag:$0x3] =	stream.indirect.gather [hbm4b:s4+s23], $0x40, s12, s23, $0xb8;
	[tilespmem:$0x1DB00] =	vst v63  }
0x38: {  	s14 =	simm.s32 $0x19C8  }
0x39: {  	[tilespmem:s1], [sflag:$0x3] =	stream.indirect.gather [hbm4b:s5+s21], $0x40, s14, s21, $0xb8;
	[tilespmem:$0x1DB00] =	vst v63  }
0x3a: {  	s15 =	simm.s32 $0x1A30  }
0x3b: {  	[tilespmem:s30], [sflag:$0x3] =	stream.indirect.gather [hbm4b:s5+s23], $0x40, s15, s23, $0xb8;
	[tilespmem:$0x1DB00] =	vst v63  }
0x3c: {  	s17 =	simm.s32 $0x32C8  }
0x3d: {  	[tilespmem:s16], [sflag:$0x3] =	stream.indirect.gather [hbm4b:s6+s21], $0x40, s17, s21, $0xb8;
	[tilespmem:$0x1DB00] =	vst v63  }
0x3e: {  	s20 =	simm.s32 $0x3330  }
0x3f: {  	[tilespmem:s18], [sflag:$0x3] =	stream.indirect.gather [hbm4b:s6+s23], $0x40, s20, s23, $0xb8;
	[tilespmem:$0x1DB00] =	vst v63  }
0x40: {  	_ =	swait.ge [sflag:s19], $0x1A00  }
0x41: {  	[sflag:s19] =	ssyncset.done $0x0  }
0x42: {  	[sflag:s19] =	ssyncadd.s32 $0xFFFFE600  }
0x43: {  	_ =	swait.ge [sflag:s19], $0x1800  }
0x44: {  	[sflag:s19] =	ssyncset.done $0x0  }
0x45: {  	[sflag:s19] =	ssyncadd.s32 $0xFFFFE800  }
0x46: {  	_ =	swait.ge [sflag:s19], $0x1A00  }
0x47: {  	[sflag:s19] =	ssyncset.done $0x0  }
0x48: {  	[sflag:s19] =	ssyncadd.s32 $0xFFFFE600  }
0x49: {  	_ =	swait.ge [sflag:s19], $0x1800  }
0x4a: {  	[sflag:s19] =	ssyncset.done $0x0  }
0x4b: {  	[sflag:s19] =	ssyncadd.s32 $0xFFFFE800  }
0x4c: {  	_ =	swait.ge [sflag:s19], $0x1A00  }
0x4d: {  	[sflag:s19] =	ssyncset.done $0x0  }
0x4e: {  	[sflag:s19] =	ssyncadd.s32 $0xFFFFE600  }
0x4f: {  	_ =	swait.ge [sflag:s19], $0x1800  }
0x50: {  	[sflag:s19] =	ssyncset.done $0x0  }
0x51: {  	s12 =	simm.s32 $0x0;
	[sflag:s19] =	ssyncadd.s32 $0xFFFFE800  }
0x52: {  	v0 =	vld [tilespmem:s12+$0x4B70]  }
0x53: {  	v1 =	vld [tilespmem:s12+$0x7D70]  }
0x54: {  	v2 =	vld [tilespmem:s12+$0x4B00]  }
0x55: {  	v3 =	vld [tilespmem:s12+$0xAF70]  }
0x56: {  	v4 =	vld [tilespmem:s12+$0x7D00]  }
0x57: {  	v5 =	vld [tilespmem:s12+$0x17770]  }
0x58: {  	v6 =	vld [tilespmem:s12+$0x4B10]  }
0x59: {  	v7 =	vld [tilespmem:s12+$0x4B20]  }
0x5a: {  	v8 =	vld [tilespmem:s12+$0x4B30]  }
0x5b: {  	v9 =	vld [tilespmem:s12+$0x4B40]  }
0x5c: {  	v10 =	vld [tilespmem:s12+$0x4B50]  }
0x5d: {  	v11 =	vld [tilespmem:s12+$0x7D50]  }
0x5e: {  	v12 =	vld [tilespmem:s12+$0x4B60]  }
0x5f: {  	v13 =	vld [tilespmem:s12+$0x7D60]  }
0x60: {  	v14 =	vld [tilespmem:s12+$0xAF00]  }
0x61: {  	v15 =	vld [tilespmem:s12+$0xAF10]  }
0x62: {  	v16 =	vld [tilespmem:s12+$0xAF20];
	v0 =	vadd.f32 v1, v0  }
0x63: {  	v17 =	vld [tilespmem:s12+$0xAF30]  }
0x64: {  	v18 =	vld [tilespmem:s12+$0xAF40];
	v0 =	vadd.f32 v3, v0  }
0x65: {  	v1 =	vld [tilespmem:s12+$0x7D10]  }
0x66: {  	v3 =	vld [tilespmem:s12+$0x7D20];
	v0 =	vadd.f32 v5, v0  }
0x67: {  	v5 =	vld [tilespmem:s12+$0x7D30]  }
0x68: {  	[tilespmem:s12+$0x1A970] =	vst v0;
	v0 =	vld [tilespmem:s12+$0x7D40]  }
0x69: {  	v19 =	vld [tilespmem:s12+$0xAF50]  }
0x6a: {  	v20 =	vld [tilespmem:s12+$0xAF60];
	v2 =	vadd.f32 v4, v2  }
0x6b: {  	v21 =	vld [tilespmem:s12+$0x17700];
	v1 =	vadd.f32 v1, v6;
	v3 =	vadd.f32 v3, v7  }
0x6c: {  	v22 =	vld [tilespmem:s12+$0x17710];
	v5 =	vadd.f32 v5, v8;
	v8 =	vadd.f32 v14, v2  }
0x6d: {  	v23 =	vld [tilespmem:s12+$0x17720];
	v62 =	vadd.f32 v16, v3;
	v0 =	vadd.f32 v0, v9  }
0x6e: {  	v7 =	vld [tilespmem:s12+$0x17730];
	v9 =	vadd.f32 v11, v10;
	v10 =	vadd.f32 v13, v12  }
0x6f: {  	v4 =	vld [tilespmem:s12+$0x17740];
	v11 =	vadd.f32 v15, v1;
	v6 =	vadd.f32 v17, v5  }
0x70: {  	v5 =	vld [tilespmem:s12+$0x17750];
	v63 =	vadd.f32 v21, v8;
	v2 =	vadd.f32 v18, v0  }
0x71: {  	s14 =	simm.s32 $0x80;
	v8 =	vld [tilespmem:s12+$0x17760];
	v3 =	vadd.f32 v19, v9;
	v9 =	vadd.f32 v22, v11  }
0x72: {  	s15 =	simm.s32 $0x400;
	v1 =	vld [tilespmem:s14+$0x4B70];
	v0 =	vadd.f32 v20, v10;
	[tilespmem:s12+$0x1A900] =	vst v63;
	v10 =	vadd.f32 v23, v62  }
.LBB2_2:
0x73: {  	p0 =	sne.s32 s15, $0xC600;
	v11 =	vld [tilespmem:s14+$0x7D70];
	[tilespmem:s12+$0x1A910] =	vst v9;
	v6 =	vadd.f32 v7, v6  }
0x74: {  	v7 =	vld [tilespmem:s14+$0x4B00];
	[tilespmem:s12+$0x1A920] =	vst v10;
	v2 =	vadd.f32 v4, v2  }
0x75: {  	v4 =	vld [tilespmem:s14+$0xAF70];
	[tilespmem:s12+$0x1A930] =	vst v6;
	v3 =	vadd.f32 v5, v3  }
0x76: {  	v5 =	vld [tilespmem:s14+$0x7D00];
	[tilespmem:s12+$0x1A940] =	vst v2;
	v0 =	vadd.f32 v8, v0  }
0x77: {  	v2 =	vld [tilespmem:s14+$0x17770];
	[tilespmem:s12+$0x1A950] =	vst v3  }
0x78: {  	v3 =	vld [tilespmem:s14+$0x4B10];
	v1 =	vadd.f32 v11, v1;
	[tilespmem:s12+$0x1A960] =	vst v0;
	s12 =	smov.u32 s14  }
0x79: {  	v0 =	vld [tilespmem:s12+$0x7D10]  }
0x7a: {  	v6 =	vld [tilespmem:s12+$0x4B20];
	v1 =	vadd.f32 v4, v1  }
0x7b: {  	v4 =	vadd.f32 v5, v7;
	v5 =	vld [tilespmem:s12+$0x7D20]  }
0x7c: {  	v7 =	vld [tilespmem:s12+$0x4B30];
	v1 =	vadd.f32 v2, v1  }
0x7d: {  	v2 =	vld [tilespmem:s12+$0x7D30]  }
0x7e: {  	v0 =	vadd.f32 v0, v3;
	v3 =	vld [tilespmem:s12+$0x4B40];
	[tilespmem:s12+$0x1A970] =	vst v1  }
0x7f: {  	v1 =	vld [tilespmem:s12+$0x7D40]  }
0x80: {  	v5 =	vadd.f32 v5, v6;
	v6 =	vld [tilespmem:s12+$0x4B50]  }
0x81: {  	v8 =	vld [tilespmem:s12+$0x7D50]  }
0x82: {  	v2 =	vadd.f32 v2, v7;
	v7 =	vld [tilespmem:s12+$0x4B60]  }
0x83: {  	v9 =	vld [tilespmem:s12+$0x7D60]  }
0x84: {  	v10 =	vld [tilespmem:s12+$0xAF00];
	v1 =	vadd.f32 v1, v3  }
0x85: {  	v3 =	vld [tilespmem:s12+$0xAF10]  }
0x86: {  	v11 =	vld [tilespmem:s12+$0xAF20];
	v8 =	vadd.f32 v8, v6  }
0x87: {  	v6 =	vld [tilespmem:s12+$0xAF30]  }
0x88: {  	v12 =	vld [tilespmem:s12+$0xAF40];
	v9 =	vadd.f32 v9, v7  }
0x89: {  	v10 =	vadd.f32 v10, v4;
	v4 =	vld [tilespmem:s12+$0xAF50]  }
0x8a: {  	v13 =	vadd.f32 v3, v0;
	v0 =	vld [tilespmem:s12+$0xAF60]  }
0x8b: {  	v14 =	vld [tilespmem:s12+$0x17700];
	v11 =	vadd.f32 v11, v5  }
0x8c: {  	v15 =	vld [tilespmem:s12+$0x17710];
	v6 =	vadd.f32 v6, v2  }
0x8d: {  	v16 =	vld [tilespmem:s12+$0x17720];
	v2 =	vadd.f32 v12, v1  }
.Ltmp0:
0x8e: {  	v7 =	vld [tilespmem:s12+$0x17730];
	v3 =	vadd.f32 v4, v8;
	(pc) =	sbr.rel @p0 .LBB2_2-.Ltmp0, $4  }
0x8f: {  	v4 =	vld [tilespmem:s12+$0x17740];
	v0 =	vadd.f32 v0, v9  }
0x90: {  	v10 =	vadd.f32 v14, v10;
	v5 =	vld [tilespmem:s12+$0x17750]  }
0x91: {  	s14 =	sshra.s32 s15, $0x2;
	v9 =	vadd.f32 v15, v13;
	v8 =	vld [tilespmem:s12+$0x17760]  }
0x92: {  	s15 =	sadd.s32 $0x200, s15;
	v1 =	vld [tilespmem:s14+$0x4B70];
	[tilespmem:s12+$0x1A900] =	vst v10;
	v10 =	vadd.f32 v16, v11  }
0x93: {  	v11 =	vld [tilespmem:s14+$0x7D70];
	[tilespmem:s12+$0x1A910] =	vst v9;
	v6 =	vadd.f32 v7, v6  }
0x94: {  	v9 =	vld [tilespmem:s14+$0x4B00];
	[tilespmem:s12+$0x1A920] =	vst v10;
	v2 =	vadd.f32 v4, v2  }
0x95: {  	v39 =	vld [tilespmem:s14+$0xAF70];
	[tilespmem:s12+$0x1A930] =	vst v6;
	v3 =	vadd.f32 v5, v3  }
0x96: {  	v40 =	vld [tilespmem:s14+$0x7D00];
	[tilespmem:s12+$0x1A940] =	vst v2;
	v0 =	vadd.f32 v8, v0  }
0x97: {  	v2 =	vld [tilespmem:s14+$0x17770];
	[tilespmem:s12+$0x1A950] =	vst v3  }
0x98: {  	v3 =	vld [tilespmem:s14+$0x4B10];
	[tilespmem:s12+$0x1A960] =	vst v0  }
0x99: {  	v42 =	vld [tilespmem:s14+$0x7D10]  }
0x9a: {  	v43 =	vld [tilespmem:s14+$0x4B20]  }
0x9b: {  	v6 =	vld [tilespmem:s14+$0x7D20]  }
0x9c: {  	v44 =	vld [tilespmem:s14+$0x4B30]  }
0x9d: {  	v45 =	vld [tilespmem:s14+$0x7D30]  }
0x9e: {  	v46 =	vld [tilespmem:s14+$0x4B40]  }
0x9f: {  	v47 =	vld [tilespmem:s14+$0x7D40]  }
0xa0: {  	v10 =	vld [tilespmem:s14+$0x4B50]  }
0xa1: {  	v48 =	vld [tilespmem:s14+$0x7D50]  }
0xa2: {  	v12 =	vld [tilespmem:s14+$0x4B60]  }
0xa3: {  	v13 =	vld [tilespmem:s14+$0x7D60]  }
0xa4: {  	v14 =	vld [tilespmem:s14+$0xAF00]  }
0xa5: {  	v15 =	vld [tilespmem:s14+$0xAF10]  }
0xa6: {  	v16 =	vld [tilespmem:s14+$0xAF20]  }
0xa7: {  	v41 =	vadd.f32 v11, v1;
	v17 =	vld [tilespmem:s14+$0xAF30]  }
0xa8: {  	v18 =	vld [tilespmem:s14+$0xAF40]  }
0xa9: {  	v19 =	vld [tilespmem:s14+$0xAF50];
	v0 =	vadd.f32 v39, v41  }
0xaa: {  	v20 =	vld [tilespmem:s14+$0xAF60]  }
0xab: {  	v49 =	vld [tilespmem:s14+$0x17700];
	v4 =	vadd.f32 v40, v9;
	v0 =	vadd.f32 v2, v0  }
0xac: {  	v51 =	vld [tilespmem:s14+$0x17710];
	v1 =	vadd.f32 v42, v3;
	v50 =	vadd.f32 v6, v43  }
0xad: {  	v52 =	vld [tilespmem:s14+$0x17720];
	[tilespmem:s14+$0x1A970] =	vst v0;
	v2 =	vadd.f32 v45, v44;
	v0 =	vadd.f32 v47, v46  }
0xae: {  	v54 =	vld [tilespmem:s14+$0x17730];
	v53 =	vadd.f32 v48, v10;
	v4 =	vadd.f32 v14, v4  }
0xaf: {  	v56 =	vld [tilespmem:s14+$0x17740];
	v55 =	vadd.f32 v13, v12;
	v1 =	vadd.f32 v15, v1  }
0xb0: {  	v57 =	vld [tilespmem:s14+$0x17750];
	v3 =	vadd.f32 v16, v50;
	v4 =	vadd.f32 v49, v4  }
0xb1: {  	v58 =	vld [tilespmem:s14+$0x17760];
	v2 =	vadd.f32 v17, v2;
	v1 =	vadd.f32 v51, v1  }
0xb2: {  	v0 =	vadd.f32 v18, v0;
	[tilespmem:s14+$0x1A900] =	vst v4;
	v3 =	vadd.f32 v52, v3  }
0xb3: {  	v59 =	vadd.f32 v19, v53;
	v60 =	vadd.f32 v54, v2;
	[tilespmem:s14+$0x1A910] =	vst v1  }
0xb4: {  	v61 =	vadd.f32 v20, v55;
	v0 =	vadd.f32 v56, v0;
	[tilespmem:s14+$0x1A920] =	vst v3  }
0xb5: {  	v62 =	vadd.f32 v57, v59;
	[tilespmem:s14+$0x1A930] =	vst v60  }
0xb6: {  	v63 =	vadd.f32 v58, v61;
	[tilespmem:s14+$0x1A940] =	vst v0  }
0xb7: {  	[tilespmem:s14+$0x1A950] =	vst v62  }
0xb8: {  	s11 =	rddreg [dreg:$0x6];
	s12 =	simm.s32 $0x0;
	[tilespmem:s14+$0x1A960] =	vst v63  }
0xb9: {  	[hbm4b:s11+s12] =	stream.linear.scatter [tilespmem:s7], [sflag:$0x4], $0x3200, $0x38;
	[tilespmem:$0x1DB00] =	vst v63  }
.LBB2_4:
0xba: {  	s15 =	smul.u32 $0x190, s12;
	_ =	sdelay $0x1  }
0xbb: {  	s14 =	sadd.s32 $0x190, s15  }
0xbc: {  	[tilespmem:s22], [sflag:$0x2] =	stream.indirect.gather [hbm4b:s4+s21], $0x40, s14, s21, $0xb8;
	[tilespmem:$0x1DB00] =	vst v63  }
0xbd: {  	s11 =	sadd.s32 $0x1F8, s15  }
0xbe: {  	[tilespmem:s24], [sflag:$0x2] =	stream.indirect.gather [hbm4b:s4+s23], $0x40, s11, s23, $0xb8;
	[tilespmem:$0x1DB00] =	vst v63  }
0xbf: {  	s17 =	sadd.s32 $0x1A90, s15  }
0xc0: {  	[tilespmem:s25], [sflag:$0x2] =	stream.indirect.gather [hbm4b:s5+s21], $0x40, s17, s21, $0xb8;
	[tilespmem:$0x1DB00] =	vst v63  }
0xc1: {  	s20 =	sadd.s32 $0x1AF8, s15  }
0xc2: {  	[tilespmem:s28], [sflag:$0x2] =	stream.indirect.gather [hbm4b:s5+s23], $0x40, s20, s23, $0xb8;
	[tilespmem:$0x1DB00] =	vst v63  }
0xc3: {  	s17 =	sadd.s32 $0x3390, s15  }
0xc4: {  	[tilespmem:s29], [sflag:$0x2] =	stream.indirect.gather [hbm4b:s6+s21], $0x40, s17, s21, $0xb8;
	[tilespmem:$0x1DB00] =	vst v63  }
0xc5: {  	s20 =	sadd.s32 $0x33F8, s15  }
0xc6: {  	[tilespmem:s31], [sflag:$0x2] =	stream.indirect.gather [hbm4b:s6+s23], $0x40, s20, s23, $0xb8;
	[tilespmem:$0x1DB00] =	vst v63  }
0xc7: {  	_ =	swait.ge [sflag:s9], $0x1A00  }
0xc8: {  	[sflag:s9] =	ssyncset.done $0x0  }
0xc9: {  	[sflag:s9] =	ssyncadd.s32 $0xFFFFE600  }
0xca: {  	_ =	swait.ge [sflag:s9], $0x1800  }
0xcb: {  	[sflag:s9] =	ssyncset.done $0x0  }
0xcc: {  	[sflag:s9] =	ssyncadd.s32 $0xFFFFE800  }
0xcd: {  	_ =	swait.ge [sflag:s9], $0x1A00  }
0xce: {  	[sflag:s9] =	ssyncset.done $0x0  }
0xcf: {  	[sflag:s9] =	ssyncadd.s32 $0xFFFFE600  }
0xd0: {  	_ =	swait.ge [sflag:s9], $0x1800  }
0xd1: {  	[sflag:s9] =	ssyncset.done $0x0  }
0xd2: {  	[sflag:s9] =	ssyncadd.s32 $0xFFFFE800  }
0xd3: {  	_ =	swait.ge [sflag:s9], $0x1A00  }
0xd4: {  	[sflag:s9] =	ssyncset.done $0x0  }
0xd5: {  	[sflag:s9] =	ssyncadd.s32 $0xFFFFE600  }
0xd6: {  	_ =	swait.ge [sflag:s9], $0x1800  }
0xd7: {  	[sflag:s9] =	ssyncset.done $0x0  }
0xd8: {  	[sflag:s9] =	ssyncadd.s32 $0xFFFFE800  }
0xd9: {  	_ =	swait.ge [sflag:s10], $0x3200  }
0xda: {  	[sflag:s10] =	ssyncset.done $0x0  }
0xdb: {  	s17 =	simm.s32 $0x0;
	[sflag:s10] =	ssyncadd.s32 $0xFFFFCE00  }
0xdc: {  	v0 =	vld [tilespmem:s17+$0xE170]  }
0xdd: {  	v1 =	vld [tilespmem:s17+$0x11370]  }
0xde: {  	v2 =	vld [tilespmem:s17+$0xE100]  }
0xdf: {  	v3 =	vld [tilespmem:s17+$0x14570]  }
0xe0: {  	v4 =	vld [tilespmem:s17+$0x11300]  }
0xe1: {  	v5 =	vld [tilespmem:s17+$0x17770]  }
0xe2: {  	v6 =	vld [tilespmem:s17+$0xE110]  }
0xe3: {  	v7 =	vld [tilespmem:s17+$0xE120]  }
0xe4: {  	v8 =	vld [tilespmem:s17+$0xE130]  }
0xe5: {  	v9 =	vld [tilespmem:s17+$0xE140]  }
0xe6: {  	v10 =	vld [tilespmem:s17+$0xE150]  }
0xe7: {  	v11 =	vld [tilespmem:s17+$0x11350]  }
0xe8: {  	v12 =	vld [tilespmem:s17+$0xE160]  }
0xe9: {  	v13 =	vld [tilespmem:s17+$0x11360]  }
0xea: {  	v14 =	vld [tilespmem:s17+$0x14500]  }
0xeb: {  	v15 =	vld [tilespmem:s17+$0x14510]  }
0xec: {  	v16 =	vld [tilespmem:s17+$0x14520];
	v0 =	vadd.f32 v1, v0  }
0xed: {  	v17 =	vld [tilespmem:s17+$0x14530]  }
0xee: {  	v18 =	vld [tilespmem:s17+$0x14540];
	v0 =	vadd.f32 v3, v0  }
0xef: {  	v1 =	vld [tilespmem:s17+$0x11310]  }
0xf0: {  	v3 =	vld [tilespmem:s17+$0x11320];
	v0 =	vadd.f32 v5, v0  }
0xf1: {  	v5 =	vld [tilespmem:s17+$0x11330]  }
0xf2: {  	[tilespmem:s17+$0x1A970] =	vst v0;
	v0 =	vld [tilespmem:s17+$0x11340]  }
0xf3: {  	v19 =	vld [tilespmem:s17+$0x14550]  }
0xf4: {  	v20 =	vld [tilespmem:s17+$0x14560];
	v2 =	vadd.f32 v4, v2  }
0xf5: {  	v21 =	vld [tilespmem:s17+$0x17700];
	v1 =	vadd.f32 v1, v6;
	v3 =	vadd.f32 v3, v7  }
0xf6: {  	v22 =	vld [tilespmem:s17+$0x17710];
	v5 =	vadd.f32 v5, v8;
	v8 =	vadd.f32 v14, v2  }
0xf7: {  	v23 =	vld [tilespmem:s17+$0x17720];
	v62 =	vadd.f32 v16, v3;
	v0 =	vadd.f32 v0, v9  }
0xf8: {  	v7 =	vld [tilespmem:s17+$0x17730];
	v9 =	vadd.f32 v11, v10;
	v10 =	vadd.f32 v13, v12  }
0xf9: {  	v4 =	vld [tilespmem:s17+$0x17740];
	v11 =	vadd.f32 v15, v1;
	v6 =	vadd.f32 v17, v5  }
0xfa: {  	v5 =	vld [tilespmem:s17+$0x17750];
	v63 =	vadd.f32 v21, v8;
	v2 =	vadd.f32 v18, v0  }
0xfb: {  	s20 =	simm.s32 $0x80;
	v8 =	vld [tilespmem:s17+$0x17760];
	v3 =	vadd.f32 v19, v9;
	v9 =	vadd.f32 v22, v11  }
0xfc: {  	s11 =	simm.s32 $0x400;
	v1 =	vld [tilespmem:s20+$0xE170];
	v0 =	vadd.f32 v20, v10;
	[tilespmem:s17+$0x1A900] =	vst v63;
	v10 =	vadd.f32 v23, v62  }
.LBB2_5:
0xfd: {  	p0 =	sne.s32 s11, $0xC600;
	v11 =	vld [tilespmem:s20+$0x11370];
	[tilespmem:s17+$0x1A910] =	vst v9;
	v6 =	vadd.f32 v7, v6  }
0xfe: {  	v7 =	vld [tilespmem:s20+$0xE100];
	[tilespmem:s17+$0x1A920] =	vst v10;
	v2 =	vadd.f32 v4, v2  }
0xff: {  	v4 =	vld [tilespmem:s20+$0x14570];
	[tilespmem:s17+$0x1A930] =	vst v6;
	v3 =	vadd.f32 v5, v3  }
0x100: {  	v5 =	vld [tilespmem:s20+$0x11300];
	[tilespmem:s17+$0x1A940] =	vst v2;
	v0 =	vadd.f32 v8, v0  }
0x101: {  	v2 =	vld [tilespmem:s20+$0x17770];
	[tilespmem:s17+$0x1A950] =	vst v3  }
0x102: {  	v3 =	vld [tilespmem:s20+$0xE110];
	v1 =	vadd.f32 v11, v1;
	[tilespmem:s17+$0x1A960] =	vst v0;
	s17 =	smov.u32 s20  }
0x103: {  	v0 =	vld [tilespmem:s17+$0x11310]  }
0x104: {  	v6 =	vld [tilespmem:s17+$0xE120];
	v1 =	vadd.f32 v4, v1  }
0x105: {  	v4 =	vadd.f32 v5, v7;
	v5 =	vld [tilespmem:s17+$0x11320]  }
0x106: {  	v7 =	vld [tilespmem:s17+$0xE130];
	v1 =	vadd.f32 v2, v1  }
0x107: {  	v2 =	vld [tilespmem:s17+$0x11330]  }
0x108: {  	v0 =	vadd.f32 v0, v3;
	v3 =	vld [tilespmem:s17+$0xE140];
	[tilespmem:s17+$0x1A970] =	vst v1  }
0x109: {  	v1 =	vld [tilespmem:s17+$0x11340]  }
0x10a: {  	v5 =	vadd.f32 v5, v6;
	v6 =	vld [tilespmem:s17+$0xE150]  }
0x10b: {  	v8 =	vld [tilespmem:s17+$0x11350]  }
0x10c: {  	v2 =	vadd.f32 v2, v7;
	v7 =	vld [tilespmem:s17+$0xE160]  }
0x10d: {  	v9 =	vld [tilespmem:s17+$0x11360]  }
0x10e: {  	v10 =	vld [tilespmem:s17+$0x14500];
	v1 =	vadd.f32 v1, v3  }
0x10f: {  	v3 =	vld [tilespmem:s17+$0x14510]  }
0x110: {  	v11 =	vld [tilespmem:s17+$0x14520];
	v8 =	vadd.f32 v8, v6  }
0x111: {  	v6 =	vld [tilespmem:s17+$0x14530]  }
0x112: {  	v12 =	vld [tilespmem:s17+$0x14540];
	v9 =	vadd.f32 v9, v7  }
0x113: {  	v10 =	vadd.f32 v10, v4;
	v4 =	vld [tilespmem:s17+$0x14550]  }
0x114: {  	v13 =	vadd.f32 v3, v0;
	v0 =	vld [tilespmem:s17+$0x14560]  }
0x115: {  	v14 =	vld [tilespmem:s17+$0x17700];
	v11 =	vadd.f32 v11, v5  }
0x116: {  	v15 =	vld [tilespmem:s17+$0x17710];
	v6 =	vadd.f32 v6, v2  }
0x117: {  	v16 =	vld [tilespmem:s17+$0x17720];
	v2 =	vadd.f32 v12, v1  }
.Ltmp1:
0x118: {  	v7 =	vld [tilespmem:s17+$0x17730];
	v3 =	vadd.f32 v4, v8;
	(pc) =	sbr.rel @p0 .LBB2_5-.Ltmp1, $4  }
0x119: {  	v4 =	vld [tilespmem:s17+$0x17740];
	v0 =	vadd.f32 v0, v9  }
0x11a: {  	v10 =	vadd.f32 v14, v10;
	v5 =	vld [tilespmem:s17+$0x17750]  }
0x11b: {  	s20 =	sshra.s32 s11, $0x2;
	v9 =	vadd.f32 v15, v13;
	v8 =	vld [tilespmem:s17+$0x17760]  }
0x11c: {  	s11 =	sadd.s32 $0x200, s11;
	v1 =	vld [tilespmem:s20+$0xE170];
	[tilespmem:s17+$0x1A900] =	vst v10;
	v10 =	vadd.f32 v16, v11  }
0x11d: {  	v11 =	vld [tilespmem:s20+$0x11370];
	[tilespmem:s17+$0x1A910] =	vst v9;
	v6 =	vadd.f32 v7, v6  }
0x11e: {  	v9 =	vld [tilespmem:s20+$0xE100];
	[tilespmem:s17+$0x1A920] =	vst v10;
	v2 =	vadd.f32 v4, v2  }
0x11f: {  	v7 =	vld [tilespmem:s20+$0x14570];
	[tilespmem:s17+$0x1A930] =	vst v6;
	v3 =	vadd.f32 v5, v3  }
0x120: {  	v4 =	vld [tilespmem:s20+$0x11300];
	[tilespmem:s17+$0x1A940] =	vst v2;
	v0 =	vadd.f32 v8, v0  }
0x121: {  	v2 =	vld [tilespmem:s20+$0x17770];
	[tilespmem:s17+$0x1A950] =	vst v3  }
0x122: {  	v3 =	vld [tilespmem:s20+$0xE110];
	[tilespmem:s17+$0x1A960] =	vst v0  }
0x123: {  	v0 =	vadd.f32 v11, v1;
	v1 =	vld [tilespmem:s20+$0x11310]  }
0x124: {  	v5 =	vld [tilespmem:s20+$0xE120]  }
0x125: {  	v6 =	vld [tilespmem:s20+$0x11320]  }
0x126: {  	v8 =	vld [tilespmem:s20+$0xE140]  }
0x127: {  	v10 =	vld [tilespmem:s20+$0xE150]  }
0x128: {  	v11 =	vld [tilespmem:s20+$0x11350]  }
0x129: {  	v12 =	vld [tilespmem:s20+$0xE160]  }
0x12a: {  	v13 =	vld [tilespmem:s20+$0x11360]  }
0x12b: {  	v14 =	vld [tilespmem:s20+$0x14500]  }
0x12c: {  	v15 =	vld [tilespmem:s20+$0x14510]  }
0x12d: {  	v16 =	vld [tilespmem:s20+$0x14520]  }
0x12e: {  	v17 =	vld [tilespmem:s20+$0x14530]  }
0x12f: {  	v18 =	vld [tilespmem:s20+$0x14540];
	v0 =	vadd.f32 v7, v0  }
0x130: {  	v19 =	vld [tilespmem:s20+$0x14550]  }
0x131: {  	v20 =	vld [tilespmem:s20+$0x14560];
	v0 =	vadd.f32 v2, v0  }
0x132: {  	v7 =	vld [tilespmem:s20+$0xE130]  }
0x133: {  	[tilespmem:s20+$0x1A970] =	vst v0;
	v0 =	vld [tilespmem:s20+$0x11340]  }
0x134: {  	v2 =	vld [tilespmem:s20+$0x11330]  }
0x135: {  	v4 =	vadd.f32 v4, v9;
	v9 =	vld [tilespmem:s20+$0x17700];
	v1 =	vadd.f32 v1, v3  }
0x136: {  	v3 =	vadd.f32 v6, v5;
	v5 =	vld [tilespmem:s20+$0x17710]  }
0x137: {  	v6 =	vld [tilespmem:s20+$0x17720];
	v4 =	vadd.f32 v14, v4;
	v1 =	vadd.f32 v15, v1  }
0x138: {  	v3 =	vadd.f32 v16, v3;
	v0 =	vadd.f32 v0, v8;
	v8 =	vld [tilespmem:s20+$0x17730]  }
0x139: {  	v2 =	vadd.f32 v2, v7;
	v7 =	vadd.f32 v11, v10;
	v11 =	vld [tilespmem:s20+$0x17740]  }
0x13a: {  	v4 =	vadd.f32 v9, v4;
	v9 =	vld [tilespmem:s20+$0x17750];
	v10 =	vadd.f32 v13, v12  }
0x13b: {  	v2 =	vadd.f32 v17, v2;
	v1 =	vadd.f32 v5, v1;
	v5 =	vld [tilespmem:s20+$0x17760]  }
0x13c: {  	[tilespmem:s20+$0x1A900] =	vst v4;
	v3 =	vadd.f32 v6, v3;
	v0 =	vadd.f32 v18, v0  }
0x13d: {  	v4 =	vadd.f32 v19, v7;
	[tilespmem:s20+$0x1A910] =	vst v1;
	v1 =	vadd.f32 v8, v2  }
0x13e: {  	[tilespmem:s20+$0x1A920] =	vst v3;
	v0 =	vadd.f32 v11, v0;
	v2 =	vadd.f32 v20, v10  }
0x13f: {  	s11 =	sadd.s32 s15, s13;
	[tilespmem:s20+$0x1A930] =	vst v1;
	v1 =	vadd.f32 v9, v4  }
0x140: {  	s11 =	sshll.u32 s11, $0x3;
	[tilespmem:s20+$0x1A940] =	vst v0;
	v0 =	vadd.f32 v5, v2  }
0x141: {  	s11 =	sand.u32 $0x1FFFFFC0, s11;
	[tilespmem:s20+$0x1A950] =	vst v1  }
0x142: {  	s11 =	sadd.s32 s8, s11;
	[tilespmem:s20+$0x1A960] =	vst v0;
	s20 =	simm.s32 $0x0  }
0x143: {  	[hbm4b:s11+s20] =	stream.linear.scatter [tilespmem:s7], [sflag:$0x4], $0x3200, $0x38;
	[tilespmem:$0x1DB00] =	vst v63  }
0x144: {  	s17 =	sadd.s32 $0x258, s15  }
0x145: {  	[tilespmem:s0], [sflag:$0x3] =	stream.indirect.gather [hbm4b:s4+s21], $0x40, s17, s21, $0xb8;
	[tilespmem:$0x1DB00] =	vst v63  }
0x146: {  	s20 =	sadd.s32 $0x2C0, s15  }
0x147: {  	[tilespmem:s26], [sflag:$0x3] =	stream.indirect.gather [hbm4b:s4+s23], $0x40, s20, s23, $0xb8;
	[tilespmem:$0x1DB00] =	vst v63  }
0x148: {  	s17 =	sadd.s32 $0x1B58, s15  }
0x149: {  	[tilespmem:s1], [sflag:$0x3] =	stream.indirect.gather [hbm4b:s5+s21], $0x40, s17, s21, $0xb8;
	[tilespmem:$0x1DB00] =	vst v63  }
0x14a: {  	s20 =	sadd.s32 $0x1BC0, s15  }
0x14b: {  	[tilespmem:s30], [sflag:$0x3] =	stream.indirect.gather [hbm4b:s5+s23], $0x40, s20, s23, $0xb8;
	[tilespmem:$0x1DB00] =	vst v63  }
0x14c: {  	s17 =	sadd.s32 $0x3458, s15  }
0x14d: {  	[tilespmem:s16], [sflag:$0x3] =	stream.indirect.gather [hbm4b:s6+s21], $0x40, s17, s21, $0xb8;
	[tilespmem:$0x1DB00] =	vst v63  }
0x14e: {  	s20 =	sadd.s32 $0x34C0, s15  }
0x14f: {  	[tilespmem:s18], [sflag:$0x3] =	stream.indirect.gather [hbm4b:s6+s23], $0x40, s20, s23, $0xb8;
	[tilespmem:$0x1DB00] =	vst v63  }
0x150: {  	_ =	swait.ge [sflag:s19], $0x1A00  }
0x151: {  	[sflag:s19] =	ssyncset.done $0x0  }
0x152: {  	[sflag:s19] =	ssyncadd.s32 $0xFFFFE600  }
0x153: {  	_ =	swait.ge [sflag:s19], $0x1800  }
0x154: {  	[sflag:s19] =	ssyncset.done $0x0  }
0x155: {  	[sflag:s19] =	ssyncadd.s32 $0xFFFFE800  }
0x156: {  	_ =	swait.ge [sflag:s19], $0x1A00  }
0x157: {  	[sflag:s19] =	ssyncset.done $0x0  }
0x158: {  	[sflag:s19] =	ssyncadd.s32 $0xFFFFE600  }
0x159: {  	_ =	swait.ge [sflag:s19], $0x1800  }
0x15a: {  	[sflag:s19] =	ssyncset.done $0x0  }
0x15b: {  	[sflag:s19] =	ssyncadd.s32 $0xFFFFE800  }
0x15c: {  	_ =	swait.ge [sflag:s19], $0x1A00  }
0x15d: {  	[sflag:s19] =	ssyncset.done $0x0  }
0x15e: {  	[sflag:s19] =	ssyncadd.s32 $0xFFFFE600  }
0x15f: {  	_ =	swait.ge [sflag:s19], $0x1800  }
0x160: {  	[sflag:s19] =	ssyncset.done $0x0  }
0x161: {  	[sflag:s19] =	ssyncadd.s32 $0xFFFFE800  }
0x162: {  	_ =	swait.ge [sflag:s10], $0x3200  }
0x163: {  	[sflag:s10] =	ssyncset.done $0x0  }
0x164: {  	s15 =	simm.s32 $0x0;
	[sflag:s10] =	ssyncadd.s32 $0xFFFFCE00  }
0x165: {  	v0 =	vld [tilespmem:s15+$0x4B70]  }
0x166: {  	v1 =	vld [tilespmem:s15+$0x7D70]  }
0x167: {  	v2 =	vld [tilespmem:s15+$0x4B00]  }
0x168: {  	v3 =	vld [tilespmem:s15+$0xAF70]  }
0x169: {  	v4 =	vld [tilespmem:s15+$0x7D00]  }
0x16a: {  	v5 =	vld [tilespmem:s15+$0x17770]  }
0x16b: {  	v6 =	vld [tilespmem:s15+$0x4B10]  }
0x16c: {  	v7 =	vld [tilespmem:s15+$0x4B20]  }
0x16d: {  	v8 =	vld [tilespmem:s15+$0x4B30]  }
0x16e: {  	v9 =	vld [tilespmem:s15+$0x4B40]  }
0x16f: {  	v10 =	vld [tilespmem:s15+$0x4B50]  }
0x170: {  	v11 =	vld [tilespmem:s15+$0x7D50]  }
0x171: {  	v53 =	vld [tilespmem:s15+$0x4B60]  }
0x172: {  	v54 =	vld [tilespmem:s15+$0x7D60]  }
0x173: {  	v55 =	vld [tilespmem:s15+$0xAF00]  }
0x174: {  	v56 =	vld [tilespmem:s15+$0xAF10]  }
0x175: {  	v57 =	vld [tilespmem:s15+$0xAF20];
	v0 =	vadd.f32 v1, v0  }
0x176: {  	v58 =	vld [tilespmem:s15+$0xAF30]  }
0x177: {  	v59 =	vld [tilespmem:s15+$0xAF40];
	v0 =	vadd.f32 v3, v0  }
0x178: {  	v1 =	vld [tilespmem:s15+$0x7D10]  }
0x179: {  	v3 =	vld [tilespmem:s15+$0x7D20];
	v0 =	vadd.f32 v5, v0  }
0x17a: {  	v5 =	vld [tilespmem:s15+$0x7D30]  }
0x17b: {  	[tilespmem:s15+$0x1A970] =	vst v0;
	v0 =	vld [tilespmem:s15+$0x7D40]  }
0x17c: {  	v60 =	vld [tilespmem:s15+$0xAF50]  }
0x17d: {  	v61 =	vld [tilespmem:s15+$0xAF60];
	v2 =	vadd.f32 v4, v2  }
0x17e: {  	v21 =	vld [tilespmem:s15+$0x17700];
	v1 =	vadd.f32 v1, v6;
	v3 =	vadd.f32 v3, v7  }
0x17f: {  	v22 =	vld [tilespmem:s15+$0x17710];
	v5 =	vadd.f32 v5, v8;
	v8 =	vadd.f32 v55, v2  }
0x180: {  	v23 =	vld [tilespmem:s15+$0x17720];
	v62 =	vadd.f32 v57, v3;
	v0 =	vadd.f32 v0, v9  }
0x181: {  	v7 =	vld [tilespmem:s15+$0x17730];
	v9 =	vadd.f32 v11, v10;
	v10 =	vadd.f32 v54, v53  }
0x182: {  	v4 =	vld [tilespmem:s15+$0x17740];
	v11 =	vadd.f32 v56, v1;
	v6 =	vadd.f32 v58, v5  }
0x183: {  	v5 =	vld [tilespmem:s15+$0x17750];
	v63 =	vadd.f32 v21, v8;
	v2 =	vadd.f32 v59, v0  }
0x184: {  	s17 =	simm.s32 $0x80;
	v8 =	vld [tilespmem:s15+$0x17760];
	v3 =	vadd.f32 v60, v9;
	v9 =	vadd.f32 v22, v11  }
0x185: {  	s11 =	simm.s32 $0x400;
	v1 =	vld [tilespmem:s17+$0x4B70];
	v0 =	vadd.f32 v61, v10;
	[tilespmem:s15+$0x1A900] =	vst v63;
	v10 =	vadd.f32 v23, v62  }
.LBB2_7:
0x186: {  	p0 =	sne.s32 s11, $0xC600;
	v11 =	vld [tilespmem:s17+$0x7D70];
	[tilespmem:s15+$0x1A910] =	vst v9;
	v6 =	vadd.f32 v7, v6  }
0x187: {  	v7 =	vld [tilespmem:s17+$0x4B00];
	[tilespmem:s15+$0x1A920] =	vst v10;
	v2 =	vadd.f32 v4, v2  }
0x188: {  	v4 =	vld [tilespmem:s17+$0xAF70];
	[tilespmem:s15+$0x1A930] =	vst v6;
	v3 =	vadd.f32 v5, v3  }
0x189: {  	v5 =	vld [tilespmem:s17+$0x7D00];
	[tilespmem:s15+$0x1A940] =	vst v2;
	v0 =	vadd.f32 v8, v0  }
0x18a: {  	v2 =	vld [tilespmem:s17+$0x17770];
	[tilespmem:s15+$0x1A950] =	vst v3  }
0x18b: {  	v3 =	vld [tilespmem:s17+$0x4B10];
	v1 =	vadd.f32 v11, v1;
	[tilespmem:s15+$0x1A960] =	vst v0;
	s15 =	smov.u32 s17  }
0x18c: {  	v0 =	vld [tilespmem:s15+$0x7D10]  }
0x18d: {  	v6 =	vld [tilespmem:s15+$0x4B20];
	v1 =	vadd.f32 v4, v1  }
0x18e: {  	v4 =	vadd.f32 v5, v7;
	v5 =	vld [tilespmem:s15+$0x7D20]  }
0x18f: {  	v7 =	vld [tilespmem:s15+$0x4B30];
	v1 =	vadd.f32 v2, v1  }
0x190: {  	v2 =	vld [tilespmem:s15+$0x7D30]  }
0x191: {  	v0 =	vadd.f32 v0, v3;
	v3 =	vld [tilespmem:s15+$0x4B40];
	[tilespmem:s15+$0x1A970] =	vst v1  }
0x192: {  	v1 =	vld [tilespmem:s15+$0x7D40]  }
0x193: {  	v5 =	vadd.f32 v5, v6;
	v6 =	vld [tilespmem:s15+$0x4B50]  }
0x194: {  	v8 =	vld [tilespmem:s15+$0x7D50]  }
0x195: {  	v2 =	vadd.f32 v2, v7;
	v7 =	vld [tilespmem:s15+$0x4B60]  }
0x196: {  	v9 =	vld [tilespmem:s15+$0x7D60]  }
0x197: {  	v10 =	vld [tilespmem:s15+$0xAF00];
	v1 =	vadd.f32 v1, v3  }
0x198: {  	v3 =	vld [tilespmem:s15+$0xAF10]  }
0x199: {  	v11 =	vld [tilespmem:s15+$0xAF20];
	v8 =	vadd.f32 v8, v6  }
0x19a: {  	v6 =	vld [tilespmem:s15+$0xAF30]  }
0x19b: {  	v12 =	vld [tilespmem:s15+$0xAF40];
	v9 =	vadd.f32 v9, v7  }
0x19c: {  	v10 =	vadd.f32 v10, v4;
	v4 =	vld [tilespmem:s15+$0xAF50]  }
0x19d: {  	v13 =	vadd.f32 v3, v0;
	v0 =	vld [tilespmem:s15+$0xAF60]  }
0x19e: {  	v14 =	vld [tilespmem:s15+$0x17700];
	v11 =	vadd.f32 v11, v5  }
0x19f: {  	v15 =	vld [tilespmem:s15+$0x17710];
	v6 =	vadd.f32 v6, v2  }
0x1a0: {  	v16 =	vld [tilespmem:s15+$0x17720];
	v2 =	vadd.f32 v12, v1  }
.Ltmp2:
0x1a1: {  	v7 =	vld [tilespmem:s15+$0x17730];
	v3 =	vadd.f32 v4, v8;
	(pc) =	sbr.rel @p0 .LBB2_7-.Ltmp2, $4  }
0x1a2: {  	v4 =	vld [tilespmem:s15+$0x17740];
	v0 =	vadd.f32 v0, v9  }
0x1a3: {  	v10 =	vadd.f32 v14, v10;
	v5 =	vld [tilespmem:s15+$0x17750]  }
0x1a4: {  	s17 =	sshra.s32 s11, $0x2;
	v9 =	vadd.f32 v15, v13;
	v8 =	vld [tilespmem:s15+$0x17760]  }
0x1a5: {  	s11 =	sadd.s32 $0x200, s11;
	v1 =	vld [tilespmem:s17+$0x4B70];
	[tilespmem:s15+$0x1A900] =	vst v10;
	v10 =	vadd.f32 v16, v11  }
0x1a6: {  	v11 =	vld [tilespmem:s17+$0x7D70];
	[tilespmem:s15+$0x1A910] =	vst v9;
	v6 =	vadd.f32 v7, v6  }
0x1a7: {  	v9 =	vld [tilespmem:s17+$0x4B00];
	[tilespmem:s15+$0x1A920] =	vst v10;
	v2 =	vadd.f32 v4, v2  }
0x1a8: {  	v39 =	vld [tilespmem:s17+$0xAF70];
	[tilespmem:s15+$0x1A930] =	vst v6;
	v3 =	vadd.f32 v5, v3  }
0x1a9: {  	v40 =	vld [tilespmem:s17+$0x7D00];
	[tilespmem:s15+$0x1A940] =	vst v2;
	v0 =	vadd.f32 v8, v0  }
0x1aa: {  	v2 =	vld [tilespmem:s17+$0x17770];
	[tilespmem:s15+$0x1A950] =	vst v3  }
0x1ab: {  	v3 =	vld [tilespmem:s17+$0x4B10];
	[tilespmem:s15+$0x1A960] =	vst v0  }
0x1ac: {  	v42 =	vld [tilespmem:s17+$0x7D10]  }
0x1ad: {  	v43 =	vld [tilespmem:s17+$0x4B20]  }
0x1ae: {  	v6 =	vld [tilespmem:s17+$0x7D20]  }
0x1af: {  	v44 =	vld [tilespmem:s17+$0x4B30]  }
0x1b0: {  	v45 =	vld [tilespmem:s17+$0x7D30]  }
0x1b1: {  	v46 =	vld [tilespmem:s17+$0x4B40]  }
0x1b2: {  	v47 =	vld [tilespmem:s17+$0x7D40]  }
0x1b3: {  	v10 =	vld [tilespmem:s17+$0x4B50]  }
0x1b4: {  	v48 =	vld [tilespmem:s17+$0x7D50]  }
0x1b5: {  	v12 =	vld [tilespmem:s17+$0x4B60]  }
0x1b6: {  	v13 =	vld [tilespmem:s17+$0x7D60]  }
0x1b7: {  	v14 =	vld [tilespmem:s17+$0xAF00]  }
0x1b8: {  	v15 =	vld [tilespmem:s17+$0xAF10]  }
0x1b9: {  	v16 =	vld [tilespmem:s17+$0xAF20]  }
0x1ba: {  	v41 =	vadd.f32 v11, v1;
	v17 =	vld [tilespmem:s17+$0xAF30]  }
0x1bb: {  	v18 =	vld [tilespmem:s17+$0xAF40]  }
0x1bc: {  	v19 =	vld [tilespmem:s17+$0xAF50];
	v0 =	vadd.f32 v39, v41  }
0x1bd: {  	v20 =	vld [tilespmem:s17+$0xAF60]  }
0x1be: {  	v49 =	vld [tilespmem:s17+$0x17700];
	v4 =	vadd.f32 v40, v9;
	v0 =	vadd.f32 v2, v0  }
0x1bf: {  	v51 =	vld [tilespmem:s17+$0x17710];
	v1 =	vadd.f32 v42, v3;
	v50 =	vadd.f32 v6, v43  }
0x1c0: {  	v52 =	vld [tilespmem:s17+$0x17720];
	[tilespmem:s17+$0x1A970] =	vst v0;
	v2 =	vadd.f32 v45, v44;
	v0 =	vadd.f32 v47, v46  }
0x1c1: {  	v54 =	vld [tilespmem:s17+$0x17730];
	v53 =	vadd.f32 v48, v10;
	v4 =	vadd.f32 v14, v4  }
0x1c2: {  	v56 =	vld [tilespmem:s17+$0x17740];
	v55 =	vadd.f32 v13, v12;
	v1 =	vadd.f32 v15, v1  }
0x1c3: {  	v57 =	vld [tilespmem:s17+$0x17750];
	v3 =	vadd.f32 v16, v50;
	v4 =	vadd.f32 v49, v4  }
0x1c4: {  	v58 =	vld [tilespmem:s17+$0x17760];
	v2 =	vadd.f32 v17, v2;
	v1 =	vadd.f32 v51, v1  }
0x1c5: {  	v0 =	vadd.f32 v18, v0;
	[tilespmem:s17+$0x1A900] =	vst v4;
	v3 =	vadd.f32 v52, v3  }
0x1c6: {  	s12 =	sadd.s32 $0x1, s12;
	v59 =	vadd.f32 v19, v53;
	v60 =	vadd.f32 v54, v2;
	[tilespmem:s17+$0x1A910] =	vst v1  }
0x1c7: {  	p0 =	sne.s32 s12, $0xF;
	v61 =	vadd.f32 v20, v55;
	v0 =	vadd.f32 v56, v0;
	[tilespmem:s17+$0x1A920] =	vst v3  }
.Ltmp3:
0x1c8: {  	s11 =	sadd.s32 s2, s14;
	v62 =	vadd.f32 v57, v59;
	[tilespmem:s17+$0x1A930] =	vst v60;
	(pc) =	sbr.rel @p0 .LBB2_4-.Ltmp3, $4  }
0x1c9: {  	s11 =	sshll.u32 s11, $0x3;
	v63 =	vadd.f32 v58, v61;
	[tilespmem:s17+$0x1A940] =	vst v0  }
0x1ca: {  	s11 =	sand.u32 $0x1FFFFF80, s11;
	[tilespmem:s17+$0x1A950] =	vst v62  }
0x1cb: {  	s11 =	sadd.s32 s8, s11;
	[tilespmem:s17+$0x1A960] =	vst v63  }
0x1cc: {  	[hbm4b:s11+s3] =	stream.linear.scatter [tilespmem:s7], [sflag:$0x4], $0x3200, $0x38;
	[tilespmem:$0x1DB00] =	vst v63  }
0x1cd: {  	_ =	swait.ge [sflag:s9], $0x1A00  }
0x1ce: {  	[sflag:s9] =	ssyncset.done $0x0  }
0x1cf: {  	[sflag:s9] =	ssyncadd.s32 $0xFFFFE600  }
0x1d0: {  	_ =	swait.ge [sflag:s9], $0x1800  }
0x1d1: {  	[sflag:s9] =	ssyncset.done $0x0  }
0x1d2: {  	[sflag:s9] =	ssyncadd.s32 $0xFFFFE800  }
0x1d3: {  	_ =	swait.ge [sflag:s9], $0x1A00  }
0x1d4: {  	[sflag:s9] =	ssyncset.done $0x0  }
0x1d5: {  	[sflag:s9] =	ssyncadd.s32 $0xFFFFE600  }
0x1d6: {  	_ =	swait.ge [sflag:s9], $0x1800  }
0x1d7: {  	[sflag:s9] =	ssyncset.done $0x0  }
0x1d8: {  	[sflag:s9] =	ssyncadd.s32 $0xFFFFE800  }
0x1d9: {  	_ =	swait.ge [sflag:s9], $0x1A00  }
0x1da: {  	[sflag:s9] =	ssyncset.done $0x0  }
0x1db: {  	[sflag:s9] =	ssyncadd.s32 $0xFFFFE600  }
0x1dc: {  	_ =	swait.ge [sflag:s9], $0x1800  }
0x1dd: {  	[sflag:s9] =	ssyncset.done $0x0  }
0x1de: {  	[sflag:s9] =	ssyncadd.s32 $0xFFFFE800  }
0x1df: {  	_ =	swait.ge [sflag:s10], $0x3200  }
0x1e0: {  	[sflag:s10] =	ssyncset.done $0x0  }
0x1e1: {  	s12 =	simm.s32 $0x0;
	[sflag:s10] =	ssyncadd.s32 $0xFFFFCE00  }
0x1e2: {  	v0 =	vld [tilespmem:s12+$0xE170]  }
0x1e3: {  	v1 =	vld [tilespmem:s12+$0x11370]  }
0x1e4: {  	v2 =	vld [tilespmem:s12+$0xE100]  }
0x1e5: {  	v3 =	vld [tilespmem:s12+$0x14570]  }
0x1e6: {  	v4 =	vld [tilespmem:s12+$0x11300]  }
0x1e7: {  	v5 =	vld [tilespmem:s12+$0x17770]  }
0x1e8: {  	v6 =	vld [tilespmem:s12+$0xE110]  }
0x1e9: {  	v7 =	vld [tilespmem:s12+$0xE120]  }
0x1ea: {  	v8 =	vld [tilespmem:s12+$0xE130]  }
0x1eb: {  	v9 =	vld [tilespmem:s12+$0xE140]  }
0x1ec: {  	v10 =	vld [tilespmem:s12+$0xE150]  }
0x1ed: {  	v11 =	vld [tilespmem:s12+$0x11350]  }
0x1ee: {  	v12 =	vld [tilespmem:s12+$0xE160]  }
0x1ef: {  	v13 =	vld [tilespmem:s12+$0x11360]  }
0x1f0: {  	v14 =	vld [tilespmem:s12+$0x14500]  }
0x1f1: {  	v15 =	vld [tilespmem:s12+$0x14510]  }
0x1f2: {  	v16 =	vld [tilespmem:s12+$0x14520];
	v0 =	vadd.f32 v1, v0  }
0x1f3: {  	v17 =	vld [tilespmem:s12+$0x14530]  }
0x1f4: {  	v18 =	vld [tilespmem:s12+$0x14540];
	v0 =	vadd.f32 v3, v0  }
0x1f5: {  	v1 =	vld [tilespmem:s12+$0x11310]  }
0x1f6: {  	v3 =	vld [tilespmem:s12+$0x11320];
	v0 =	vadd.f32 v5, v0  }
0x1f7: {  	v5 =	vld [tilespmem:s12+$0x11330]  }
0x1f8: {  	[tilespmem:s12+$0x1A970] =	vst v0;
	v0 =	vld [tilespmem:s12+$0x11340]  }
0x1f9: {  	v19 =	vld [tilespmem:s12+$0x14550]  }
0x1fa: {  	v20 =	vld [tilespmem:s12+$0x14560];
	v2 =	vadd.f32 v4, v2  }
0x1fb: {  	v21 =	vld [tilespmem:s12+$0x17700];
	v1 =	vadd.f32 v1, v6;
	v3 =	vadd.f32 v3, v7  }
0x1fc: {  	v22 =	vld [tilespmem:s12+$0x17710];
	v5 =	vadd.f32 v5, v8;
	v8 =	vadd.f32 v14, v2  }
0x1fd: {  	v23 =	vld [tilespmem:s12+$0x17720];
	v62 =	vadd.f32 v16, v3;
	v0 =	vadd.f32 v0, v9  }
0x1fe: {  	v7 =	vld [tilespmem:s12+$0x17730];
	v9 =	vadd.f32 v11, v10;
	v10 =	vadd.f32 v13, v12  }
0x1ff: {  	v4 =	vld [tilespmem:s12+$0x17740];
	v11 =	vadd.f32 v15, v1;
	v6 =	vadd.f32 v17, v5  }
0x200: {  	v5 =	vld [tilespmem:s12+$0x17750];
	v63 =	vadd.f32 v21, v8;
	v2 =	vadd.f32 v18, v0  }
0x201: {  	s14 =	simm.s32 $0x80;
	v8 =	vld [tilespmem:s12+$0x17760];
	v3 =	vadd.f32 v19, v9;
	v9 =	vadd.f32 v22, v11  }
0x202: {  	s11 =	simm.s32 $0x400;
	v1 =	vld [tilespmem:s14+$0xE170];
	v0 =	vadd.f32 v20, v10;
	[tilespmem:s12+$0x1A900] =	vst v63;
	v10 =	vadd.f32 v23, v62  }
.LBB2_10:
0x203: {  	p0 =	sne.s32 s11, $0xC600;
	v11 =	vld [tilespmem:s14+$0x11370];
	[tilespmem:s12+$0x1A910] =	vst v9;
	v6 =	vadd.f32 v7, v6  }
0x204: {  	v7 =	vld [tilespmem:s14+$0xE100];
	[tilespmem:s12+$0x1A920] =	vst v10;
	v2 =	vadd.f32 v4, v2  }
0x205: {  	v4 =	vld [tilespmem:s14+$0x14570];
	[tilespmem:s12+$0x1A930] =	vst v6;
	v3 =	vadd.f32 v5, v3  }
0x206: {  	v5 =	vld [tilespmem:s14+$0x11300];
	[tilespmem:s12+$0x1A940] =	vst v2;
	v0 =	vadd.f32 v8, v0  }
0x207: {  	v2 =	vld [tilespmem:s14+$0x17770];
	[tilespmem:s12+$0x1A950] =	vst v3  }
0x208: {  	v3 =	vld [tilespmem:s14+$0xE110];
	v1 =	vadd.f32 v11, v1;
	[tilespmem:s12+$0x1A960] =	vst v0;
	s12 =	smov.u32 s14  }
0x209: {  	v0 =	vld [tilespmem:s12+$0x11310]  }
0x20a: {  	v6 =	vld [tilespmem:s12+$0xE120];
	v1 =	vadd.f32 v4, v1  }
0x20b: {  	v4 =	vadd.f32 v5, v7;
	v5 =	vld [tilespmem:s12+$0x11320]  }
0x20c: {  	v7 =	vld [tilespmem:s12+$0xE130];
	v1 =	vadd.f32 v2, v1  }
0x20d: {  	v2 =	vld [tilespmem:s12+$0x11330]  }
0x20e: {  	v0 =	vadd.f32 v0, v3;
	v3 =	vld [tilespmem:s12+$0xE140];
	[tilespmem:s12+$0x1A970] =	vst v1  }
0x20f: {  	v1 =	vld [tilespmem:s12+$0x11340]  }
0x210: {  	v5 =	vadd.f32 v5, v6;
	v6 =	vld [tilespmem:s12+$0xE150]  }
0x211: {  	v8 =	vld [tilespmem:s12+$0x11350]  }
0x212: {  	v2 =	vadd.f32 v2, v7;
	v7 =	vld [tilespmem:s12+$0xE160]  }
0x213: {  	v9 =	vld [tilespmem:s12+$0x11360]  }
0x214: {  	v10 =	vld [tilespmem:s12+$0x14500];
	v1 =	vadd.f32 v1, v3  }
0x215: {  	v3 =	vld [tilespmem:s12+$0x14510]  }
0x216: {  	v11 =	vld [tilespmem:s12+$0x14520];
	v8 =	vadd.f32 v8, v6  }
0x217: {  	v6 =	vld [tilespmem:s12+$0x14530]  }
0x218: {  	v12 =	vld [tilespmem:s12+$0x14540];
	v9 =	vadd.f32 v9, v7  }
0x219: {  	v10 =	vadd.f32 v10, v4;
	v4 =	vld [tilespmem:s12+$0x14550]  }
0x21a: {  	v13 =	vadd.f32 v3, v0;
	v0 =	vld [tilespmem:s12+$0x14560]  }
0x21b: {  	v14 =	vld [tilespmem:s12+$0x17700];
	v11 =	vadd.f32 v11, v5  }
0x21c: {  	v15 =	vld [tilespmem:s12+$0x17710];
	v6 =	vadd.f32 v6, v2  }
0x21d: {  	v16 =	vld [tilespmem:s12+$0x17720];
	v2 =	vadd.f32 v12, v1  }
.Ltmp4:
0x21e: {  	v7 =	vld [tilespmem:s12+$0x17730];
	v3 =	vadd.f32 v4, v8;
	(pc) =	sbr.rel @p0 .LBB2_10-.Ltmp4, $4  }
0x21f: {  	v4 =	vld [tilespmem:s12+$0x17740];
	v0 =	vadd.f32 v0, v9  }
0x220: {  	v10 =	vadd.f32 v14, v10;
	v5 =	vld [tilespmem:s12+$0x17750]  }
0x221: {  	s14 =	sshra.s32 s11, $0x2;
	v9 =	vadd.f32 v15, v13;
	v8 =	vld [tilespmem:s12+$0x17760]  }
0x222: {  	s11 =	sadd.s32 $0x200, s11;
	v1 =	vld [tilespmem:s14+$0xE170];
	[tilespmem:s12+$0x1A900] =	vst v10;
	v10 =	vadd.f32 v16, v11  }
0x223: {  	v11 =	vld [tilespmem:s14+$0x11370];
	[tilespmem:s12+$0x1A910] =	vst v9;
	v6 =	vadd.f32 v7, v6  }
0x224: {  	v9 =	vld [tilespmem:s14+$0xE100];
	[tilespmem:s12+$0x1A920] =	vst v10;
	v2 =	vadd.f32 v4, v2  }
0x225: {  	v39 =	vld [tilespmem:s14+$0x14570];
	[tilespmem:s12+$0x1A930] =	vst v6;
	v3 =	vadd.f32 v5, v3  }
0x226: {  	v40 =	vld [tilespmem:s14+$0x11300];
	[tilespmem:s12+$0x1A940] =	vst v2;
	v0 =	vadd.f32 v8, v0  }
0x227: {  	v2 =	vld [tilespmem:s14+$0x17770];
	[tilespmem:s12+$0x1A950] =	vst v3  }
0x228: {  	v3 =	vld [tilespmem:s14+$0xE110];
	[tilespmem:s12+$0x1A960] =	vst v0  }
0x229: {  	v42 =	vld [tilespmem:s14+$0x11310]  }
0x22a: {  	v43 =	vld [tilespmem:s14+$0xE120]  }
0x22b: {  	v6 =	vld [tilespmem:s14+$0x11320]  }
0x22c: {  	v44 =	vld [tilespmem:s14+$0xE130]  }
0x22d: {  	v45 =	vld [tilespmem:s14+$0x11330]  }
0x22e: {  	v46 =	vld [tilespmem:s14+$0xE140]  }
0x22f: {  	v47 =	vld [tilespmem:s14+$0x11340]  }
0x230: {  	v10 =	vld [tilespmem:s14+$0xE150]  }
0x231: {  	v48 =	vld [tilespmem:s14+$0x11350]  }
0x232: {  	v12 =	vld [tilespmem:s14+$0xE160]  }
0x233: {  	v13 =	vld [tilespmem:s14+$0x11360]  }
0x234: {  	v14 =	vld [tilespmem:s14+$0x14500]  }
0x235: {  	v15 =	vld [tilespmem:s14+$0x14510]  }
0x236: {  	v16 =	vld [tilespmem:s14+$0x14520]  }
0x237: {  	v41 =	vadd.f32 v11, v1;
	v17 =	vld [tilespmem:s14+$0x14530]  }
0x238: {  	v18 =	vld [tilespmem:s14+$0x14540]  }
0x239: {  	v19 =	vld [tilespmem:s14+$0x14550];
	v0 =	vadd.f32 v39, v41  }
0x23a: {  	v20 =	vld [tilespmem:s14+$0x14560]  }
0x23b: {  	v49 =	vld [tilespmem:s14+$0x17700];
	v4 =	vadd.f32 v40, v9;
	v0 =	vadd.f32 v2, v0  }
0x23c: {  	v51 =	vld [tilespmem:s14+$0x17710];
	v1 =	vadd.f32 v42, v3;
	v50 =	vadd.f32 v6, v43  }
0x23d: {  	v52 =	vld [tilespmem:s14+$0x17720];
	[tilespmem:s14+$0x1A970] =	vst v0;
	v2 =	vadd.f32 v45, v44;
	v0 =	vadd.f32 v47, v46  }
0x23e: {  	v54 =	vld [tilespmem:s14+$0x17730];
	v53 =	vadd.f32 v48, v10;
	v4 =	vadd.f32 v14, v4  }
0x23f: {  	v56 =	vld [tilespmem:s14+$0x17740];
	v55 =	vadd.f32 v13, v12;
	v1 =	vadd.f32 v15, v1  }
0x240: {  	v57 =	vld [tilespmem:s14+$0x17750];
	v3 =	vadd.f32 v16, v50;
	v4 =	vadd.f32 v49, v4  }
0x241: {  	v58 =	vld [tilespmem:s14+$0x17760];
	v2 =	vadd.f32 v17, v2;
	v1 =	vadd.f32 v51, v1  }
0x242: {  	v0 =	vadd.f32 v18, v0;
	[tilespmem:s14+$0x1A900] =	vst v4;
	v3 =	vadd.f32 v52, v3  }
0x243: {  	v59 =	vadd.f32 v19, v53;
	v60 =	vadd.f32 v54, v2;
	[tilespmem:s14+$0x1A910] =	vst v1  }
0x244: {  	v61 =	vadd.f32 v20, v55;
	v0 =	vadd.f32 v56, v0;
	[tilespmem:s14+$0x1A920] =	vst v3  }
0x245: {  	v62 =	vadd.f32 v57, v59;
	[tilespmem:s14+$0x1A930] =	vst v60  }
0x246: {  	v63 =	vadd.f32 v58, v61;
	[tilespmem:s14+$0x1A940] =	vst v0  }
0x247: {  	[tilespmem:s14+$0x1A950] =	vst v62  }
0x248: {  	s11 =	rddreg [dreg:$0x7];
	[tilespmem:s14+$0x1A960] =	vst v63  }
0x249: {  	[hbm4b:s11+s3] =	stream.linear.scatter [tilespmem:s7], [sflag:$0x4], $0x3200, $0x38;
	[tilespmem:$0x1DB00] =	vst v63  }
0x24a: {  	_ =	swait.ge [sflag:s10], $0x3200  }
0x24b: {  	s17 =	rddreg [dreg:$0x9]  }
0x24c: {  	s20 =	rddreg [dreg:$0x8];
	s12 =	sadd.s32 $0x1, s17  }
0x24d: {  	p0 =	sne.s32 s12, s20  }
.Ltmp5:
0x24e: {  	_ = 	snop;
	(pc) =	sbr.rel @p0 .LBB2_1-.Ltmp5, $3  }
0x24f: {  	_ =	sdelay $0x1  }
0x250: {  	[sflag:s10] =	ssyncset.done $0x0  }
0x251: {  	[sflag:s10] =	ssyncadd.s32 $0xFFFFCE00  }
0x252: {  	_ =	sfence.sel $0x180000  }
0x253: {  	[bflag:$0x0] =	sbarrier.arrive $0xFFFF  }
0x254: {  	_ =	strace $0x9000004A  }
0x255: {  	s0 =	stileid.u32;
	[bflag:$0x2] =	sbarrier.arrive $0xFFFF  }
0x256: {  	p0 =	sne.s32 s0, $0x0;
	s0 =	rddreg [dreg:$0x1]  }
0x257: {  	s0 =	sadd.s32 @!p0 $0x100000, s0  }
0x258: {  	[sflag:s0] =	ssyncadd.tile.s32 @!p0 $0x1;
	_ =	shalt  }
.Lfunc_end2:
_tile_overlayer_lowered:
.L_overlay_start_2:
0x259: {  	(tag) =	ssettag $0x2  }
0x25a: {  	s0 =	rddreg [dreg:$0x0];
	s2 =	stileid.u32  }
0x25b: {  	s1 =	rddreg [dreg:$0x1];
	p0 =	sne.s32 s2, $0x0  }
0x25c: {  	s3 =	rddreg [dreg:$0x2];
	[bflag:$0x3] =	sbarrier.arrive $0xFFFF;
	s2 =	simm.s32 @!p0 $0x1C05  }
0x25d: {  	[timem:s3], [sflag:s2] =	dma.local @!p0 [hbm:s0], s1  }
0x25e: {  	s0 =	simm.s32 @!p0 $0x5  }
0x25f: {  	_ =	swait.ge @!p0 [sflag:s0], s1  }
0x260: {  	s1 =	ssub.s32 @!p0 $0x0, s1;
	[sflag:s0] =	ssyncset.done @!p0 $0x0  }
0x261: {  	[sflag:s0] =	ssyncadd.s32 @!p0 s1  }
0x262: {  	[bflag:$0x3] =	sbarrier.arrive $0xFFFF  }
0x263: {  	_ =	shalt  }

</sc_bundles>
